<compile_context>
chip_gen: v7x
topology: tpu7x:2x2x1
jax: 0.10.2.dev20260603
libtpu: 0.0.44.dev20260713+nightly
codegen_flags: <defaults>
</compile_context>

<pallas_src>
import functools

import jax
import jax.numpy as jnp
from jax import lax
from jax.experimental import pallas as pl
from jax.experimental.pallas import tpu as pltpu
from jax.experimental.pallas import tpu_sc as plsc

NC = 2
NS = 16
NW = NC * NS
NVOX = 4913
NZ = 17


def _sc_histogram(voxT, B):
    S = B // NW
    NG = S // 16
    assert B % NW == 0 and S % 16 == 0
    mesh = plsc.VectorSubcoreMesh(core_axis_name="c", subcore_axis_name="s")

    @functools.partial(
        pl.kernel,
        mesh=mesh,
        out_type=jax.ShapeDtypeStruct((B, 256), jnp.float32),
        compiler_params=pltpu.CompilerParams(
            needs_layout_passes=False, use_tc_tiling_on_sc=False),
        scratch_types=[
            pltpu.VMEM((NZ, NZ, 128), jnp.int32),
            pltpu.VMEM((NZ, NZ, 128), jnp.int32),
            pltpu.VMEM((S, 256), jnp.float32),
            pltpu.SemaphoreType.DMA,
            pltpu.SemaphoreType.DMA,
            pltpu.SemaphoreType.DMA,
        ],
    )
    def hist_kernel(vox_hbm, hout_hbm, b0, b1, hist, s0, s1, so):
        wid = lax.axis_index("s") * NC + lax.axis_index("c")
        base = wid * S
        lane = lax.iota(jnp.int32, 16)
        ones = jnp.ones((16,), jnp.float32)
        zeros = jnp.zeros((16,), jnp.float32)
        rows = [g * 16 + lane for g in range(NG)]
        lanes = [g * 16 + lane for g in range(NG)]

        def zbody(i, c):
            for k in range(16):
                hist[i, pl.ds(k * 16, 16)] = zeros
            return c
        lax.fori_loop(0, S, zbody, 0, unroll=4)

        def src(z):
            return vox_hbm.at[z, :, :, pl.ds(base, S)]

        def process(buf):
            def ybody(y, c):
                for x in range(NZ):
                    for g in range(NG):
                        vv = buf[y, x, pl.ds(16 * g, 16)]
                        plsc.addupdate_scatter(hist, [rows[g], vv], ones)
                return c
            lax.fori_loop(0, NZ, ybody, 0)

        pltpu.async_copy(src(0), b0, s0)

        def pair(k, c):
            z0 = 2 * k
            pltpu.async_copy(src(z0 + 1), b1, s1)
            pltpu.make_async_copy(src(z0), b0, s0).wait()
            process(b0)
            pltpu.async_copy(src(z0 + 2), b0, s0)
            pltpu.make_async_copy(src(z0 + 1), b1, s1).wait()
            process(b1)
            return c

        lax.fori_loop(0, (NZ - 1) // 2, pair, 0)
        pltpu.make_async_copy(src(NZ - 1), b0, s0).wait()
        process(b0)

        pltpu.async_copy(hist, hout_hbm.at[pl.ds(base, S)], so)
        pltpu.make_async_copy(hist, hout_hbm.at[pl.ds(base, S)], so).wait()

    return hist_kernel(voxT)


def _tbl_body(e2_ref, w2_ref, out_ref):
    out_ref[...] = jnp.dot(
        e2_ref[...].astype(jnp.float32), w2_ref[...].astype(jnp.float32),
        preferred_element_type=jnp.float32).astype(jnp.bfloat16)


def _make_tbl(embed2, W2):
    return pl.pallas_call(
        _tbl_body,
        grid=(125,),
        in_specs=[
            pl.BlockSpec((256, 16), lambda p: (0, 0)),
            pl.BlockSpec((16, 128), lambda p: (p, 0)),
        ],
        out_specs=pl.BlockSpec((256, 128), lambda p: (p, 0)),
        out_shape=jax.ShapeDtypeStruct((125 * 256, 128), jnp.bfloat16),
    )(embed2, W2)


def _spatial_body(cv_ref, rg_ref, bl_ref, tbl_ref, b2_ref, w3_ref, b3_ref,
                  w4b_ref, b4_ref, out_ref, oh_ref):
    cvv = cv_ref[...]
    iota = lax.broadcasted_iota(jnp.int32, (cvv.shape[0], 256), 1)
    for p in range(125):
        oh_ref[:, 256 * p:256 * (p + 1)] = (
            cvv[:, p:p + 1] == iota).astype(jnp.bfloat16)
    sp = jax.nn.relu(
        jnp.dot(oh_ref[...], tbl_ref[...],
                preferred_element_type=jnp.float32) + b2_ref[...])

    rgv = rg_ref[...]
    logc = jnp.sum(((rgv >= 8) & (rgv <= 10)).astype(jnp.float32),
                   axis=1, keepdims=True) * (1.0 / 125.0)
    orec = jnp.sum(((rgv >= 14) & (rgv <= 19)).astype(jnp.float32),
                   axis=1, keepdims=True) * (1.0 / 125.0)
    blv = bl_ref[...]
    sol = jnp.sum(((blv > 0) & (blv != 255)).astype(jnp.float32),
                  axis=1, keepdims=True) * (1.0 / 8.0)
    w3 = w3_ref[...]
    kf = jax.nn.relu(logc * w3[0:1, :] + orec * w3[1:2, :] + sol * w3[2:3, :]
                     + b3_ref[...])

    w4b = w4b_ref[...]
    out_ref[...] = (jnp.dot(sp, w4b[0:128], preferred_element_type=jnp.float32)
                    + jnp.dot(kf, w4b[128:160],
                              preferred_element_type=jnp.float32)
                    + b4_ref[...])


def _spatial(center, region, below, tbl, b2, W3, b3, W4b, b4):
    B = center.shape[0]
    BT = 256
    rep = lambda i: (0, 0)
    row = lambda i: (i, 0)
    return pl.pallas_call(
        _spatial_body,
        grid=(B // BT,),
        in_specs=[
            pl.BlockSpec((BT, 125), row),
            pl.BlockSpec((BT, 729), row),
            pl.BlockSpec((BT, 8), row),
            pl.BlockSpec((125 * 256, 128), rep),
            pl.BlockSpec((1, 128), rep),
            pl.BlockSpec((3, 32), rep),
            pl.BlockSpec((1, 32), rep),
            pl.BlockSpec((160, 256), rep),
            pl.BlockSpec((1, 256), rep),
        ],
        out_specs=pl.BlockSpec((BT, 256), row),
        out_shape=jax.ShapeDtypeStruct((B, 256), jnp.float32),
        scratch_shapes=[pltpu.VMEM((BT, 125 * 256), jnp.bfloat16)],
    )(center, region, below, tbl, b2, W3, b3, W4b, b4)


def _final_body(h_ref, e1_ref, w1_ref, b1_ref, w4a_ref, part_ref, out_ref):
    mean = jnp.dot(h_ref[...], e1_ref[...],
                   preferred_element_type=jnp.float32) * (1.0 / NVOX)
    hf = jax.nn.relu(jnp.dot(mean, w1_ref[...],
                             preferred_element_type=jnp.float32) + b1_ref[...])
    out_ref[...] = jax.nn.relu(
        jnp.dot(hf, w4a_ref[...], preferred_element_type=jnp.float32)
        + part_ref[...])


def _final(h, e1, W1, b1, W4a, partial):
    B = h.shape[0]
    BT = 256
    rep = lambda i: (0, 0)
    row = lambda i: (i, 0)
    return pl.pallas_call(
        _final_body,
        grid=(B // BT,),
        in_specs=[
            pl.BlockSpec((BT, 256), row),
            pl.BlockSpec((256, 8), rep),
            pl.BlockSpec((8, 64), rep),
            pl.BlockSpec((1, 64), rep),
            pl.BlockSpec((64, 256), rep),
            pl.BlockSpec((BT, 256), row),
        ],
        out_specs=pl.BlockSpec((BT, 256), row),
        out_shape=jax.ShapeDtypeStruct((B, 256), jnp.float32),
    )(h, e1, W1, b1, W4a, partial)


def kernel(voxels, embed1, W1, b1, embed2, W2, b2, W3, b3, W4, b4):
    B = voxels.shape[0]
    voxT = jnp.transpose(voxels, (1, 2, 3, 0))
    center = voxels[:, 6:11, 6:11, 6:11].reshape(B, 125)
    region = voxels[:, 4:13, 4:13, 4:13].reshape(B, 729)
    below = voxels[:, 8, 0:8, 8]

    h = _sc_histogram(voxT, B)
    tbl = _make_tbl(embed2, W2)
    partial = _spatial(center, region, below, tbl, b2.reshape(1, 128),
                       W3, b3.reshape(1, 32), W4[64:224], b4.reshape(1, 256))
    return _final(h, embed1, W1, b1.reshape(1, 64), W4[0:64], partial)

# --- scband reference (transcript-rebuilt; emitter-appended) ---
"""Pipeline reference for scband-ultra-fast-voxel-encoder-78331613544719 (READ-ONLY COPY).

The authoritative reference and input builder live on the scoring server;
editing this copy changes nothing except your own understanding.
"""

import jax, jax.numpy as jnp
import numpy as np


def setup_inputs(seed: int = 0) -> dict:
    key = jax.random.key(seed)
    ks = jax.random.split(key, 8)
    B = 4096
    voxels = jax.random.randint(ks[0], (B, 17, 17, 17), 0, 256, dtype=jnp.int32)
    embed1 = jax.random.normal(ks[1], (256, 8), dtype=jnp.float32) * 0.1
    W1 = jax.random.normal(ks[2], (8, 64), dtype=jnp.float32) * (1.0 / np.sqrt(8))
    b1 = jnp.zeros((64,), dtype=jnp.float32)
    embed2 = jax.random.normal(ks[3], (256, 16), dtype=jnp.float32) * 0.1
    W2 = jax.random.normal(ks[4], (2000, 128), dtype=jnp.float32) * (1.0 / np.sqrt(2000))
    b2 = jnp.zeros((128,), dtype=jnp.float32)
    W3 = jax.random.normal(ks[5], (3, 32), dtype=jnp.float32) * (1.0 / np.sqrt(3))
    b3 = jnp.zeros((32,), dtype=jnp.float32)
    W4 = jax.random.normal(ks[6], (224, 256), dtype=jnp.float32) * (1.0 / np.sqrt(224))
    b4 = jnp.zeros((256,), dtype=jnp.float32)
    return {"voxels": voxels, "embed1": embed1, "W1": W1, "b1": b1,
            "embed2": embed2, "W2": W2, "b2": b2, "W3": W3, "b3": b3,
            "W4": W4, "b4": b4}


def reference(voxels, embed1, W1, b1, embed2, W2, b2, W3, b3, W4, b4):
    B = voxels.shape[0]
    flat_voxels = voxels.reshape(B, -1)
    block_embed = jnp.take(embed1, flat_voxels, axis=0)
    histogram_features = block_embed.mean(axis=1)
    histogram_features = jax.nn.relu(histogram_features @ W1 + b1)
    center_voxels = voxels[:, 6:11, 6:11, 6:11]
    center_embed = jnp.take(embed2, center_voxels, axis=0)
    center_flat = center_embed.reshape(B, -1)
    spatial_features = jax.nn.relu(center_flat @ W2 + b2)
    is_log = (voxels >= 8) & (voxels <= 10)
    is_ore = (voxels >= 14) & (voxels <= 19)
    is_solid = (voxels > 0) & (voxels != 255)
    log_nearby = is_log[:, 4:13, 4:13, 4:13].sum(axis=(1, 2, 3)).astype(jnp.float32) / 125.0
    ore_nearby = is_ore[:, 4:13, 4:13, 4:13].sum(axis=(1, 2, 3)).astype(jnp.float32) / 125.0
    solid_below = is_solid[:, 8, :8, 8].sum(axis=1).astype(jnp.float32) / 8.0
    key_features = jnp.stack([log_nearby, ore_nearby, solid_below], axis=-1)
    key_features = jax.nn.relu(key_features @ W3 + b3)
    combined = jnp.concatenate([histogram_features, spatial_features, key_features], axis=-1)
    output = jax.nn.relu(combined @ W4 + b4)
    return output

if __name__ == "__main__":
    import jax
    _d = setup_inputs()
    print(jax.jit(kernel)(*tuple(_d.values())))

</pallas_src>

<mosaic_0001>
#map = affine_map<(d0, d1) -> (0, 0, 0, 0)>
#map1 = affine_map<(d0, d1) -> (0, 0)>
module attributes {stable_mosaic.version = 14 : i64} {
  func.func @hist_kernel(%arg0: i32, %arg1: i32, %arg2: memref<17x17x17x4096xi32, #tpu.memory_space<hbm>>, %arg3: memref<4096x256xf32, #tpu.memory_space<hbm>>, %arg4: memref<17x17x128xi32, #tpu.memory_space<vmem>>, %arg5: memref<17x17x128xi32, #tpu.memory_space<vmem>>, %arg6: memref<128x256xf32, #tpu.memory_space<vmem>>, %arg7: memref<!tpu.dma_semaphore, #tpu.memory_space<semaphore_mem>>, %arg8: memref<!tpu.dma_semaphore, #tpu.memory_space<semaphore_mem>>, %arg9: memref<!tpu.dma_semaphore, #tpu.memory_space<semaphore_mem>>) attributes {dimension_semantics = [#tpu.dimension_semantics<core_parallel>, #tpu.dimension_semantics<subcore_parallel>], iteration_bounds = array<i64: 2, 16>, scalar_prefetch = 0 : i64, scratch_operands = 6 : i64, tpu.core_type = #tpu.core_type<sc_vector_subcore>, window_params = [{transform_indices = #map}, {transform_indices = #map1}]} {
    %mul3A = arith.constant 2 : i32
    %mul3A_0 = arith.muli %arg1, %mul3A : i32
    %add3A = arith.addi %mul3A_0, %arg0 : i32
    %mul3A_1 = arith.constant 128 : i32
    %mul3A_2 = arith.muli %add3A, %mul3A_1 : i32
    %iota3A = tpu.iota {dimensions = array<i32: 0>} : vector<16xi32>
    %broadcast_in_dim3A = arith.constant 1.000000e+00 : f32
    %broadcast_in_dim3A_3 = vector.broadcast %broadcast_in_dim3A : f32 to vector<16xf32>
    %broadcast_in_dim3A_4 = arith.constant 0.000000e+00 : f32
    %broadcast_in_dim3A_5 = vector.broadcast %broadcast_in_dim3A_4 : f32 to vector<16xf32>
    %add3A_6 = arith.constant 0 : i32
    %add3A_7 = vector.broadcast %add3A_6 : i32 to vector<16xi32>
    %add3A_8 = arith.addi %add3A_7, %iota3A : vector<16xi32>
    %add3A_9 = arith.constant 16 : i32
    %add3A_10 = vector.broadcast %add3A_9 : i32 to vector<16xi32>
    %add3A_11 = arith.addi %add3A_10, %iota3A : vector<16xi32>
    %add3A_12 = arith.constant 32 : i32
    %add3A_13 = vector.broadcast %add3A_12 : i32 to vector<16xi32>
    %add3A_14 = arith.addi %add3A_13, %iota3A : vector<16xi32>
    %add3A_15 = arith.constant 48 : i32
    %add3A_16 = vector.broadcast %add3A_15 : i32 to vector<16xi32>
    %add3A_17 = arith.addi %add3A_16, %iota3A : vector<16xi32>
    %add3A_18 = arith.constant 64 : i32
    %add3A_19 = vector.broadcast %add3A_18 : i32 to vector<16xi32>
    %add3A_20 = arith.addi %add3A_19, %iota3A : vector<16xi32>
    %add3A_21 = arith.constant 80 : i32
    %add3A_22 = vector.broadcast %add3A_21 : i32 to vector<16xi32>
    %add3A_23 = arith.addi %add3A_22, %iota3A : vector<16xi32>
    %add3A_24 = arith.constant 96 : i32
    %add3A_25 = vector.broadcast %add3A_24 : i32 to vector<16xi32>
    %add3A_26 = arith.addi %add3A_25, %iota3A : vector<16xi32>
    %add3A_27 = arith.constant 112 : i32
    %add3A_28 = vector.broadcast %add3A_27 : i32 to vector<16xi32>
    %add3A_29 = arith.addi %add3A_28, %iota3A : vector<16xi32>
    %add3A_30 = arith.constant 0 : i32
    %add3A_31 = vector.broadcast %add3A_30 : i32 to vector<16xi32>
    %add3A_32 = arith.addi %add3A_31, %iota3A : vector<16xi32>
    %add3A_33 = arith.constant 16 : i32
    %add3A_34 = vector.broadcast %add3A_33 : i32 to vector<16xi32>
    %add3A_35 = arith.addi %add3A_34, %iota3A : vector<16xi32>
    %add3A_36 = arith.constant 32 : i32
    %add3A_37 = vector.broadcast %add3A_36 : i32 to vector<16xi32>
    %add3A_38 = arith.addi %add3A_37, %iota3A : vector<16xi32>
    %add3A_39 = arith.constant 48 : i32
    %add3A_40 = vector.broadcast %add3A_39 : i32 to vector<16xi32>
    %add3A_41 = arith.addi %add3A_40, %iota3A : vector<16xi32>
    %add3A_42 = arith.constant 64 : i32
    %add3A_43 = vector.broadcast %add3A_42 : i32 to vector<16xi32>
    %add3A_44 = arith.addi %add3A_43, %iota3A : vector<16xi32>
    %add3A_45 = arith.constant 80 : i32
    %add3A_46 = vector.broadcast %add3A_45 : i32 to vector<16xi32>
    %add3A_47 = arith.addi %add3A_46, %iota3A : vector<16xi32>
    %add3A_48 = arith.constant 96 : i32
    %add3A_49 = vector.broadcast %add3A_48 : i32 to vector<16xi32>
    %add3A_50 = arith.addi %add3A_49, %iota3A : vector<16xi32>
    %add3A_51 = arith.constant 112 : i32
    %add3A_52 = vector.broadcast %add3A_51 : i32 to vector<16xi32>
    %add3A_53 = arith.addi %add3A_52, %iota3A : vector<16xi32>
    %scan3A = arith.constant 0 : i32
    %scan3A_54 = arith.constant 0 : i32
    %scan3A_55 = arith.constant 128 : i32
    %scan3A_56 = arith.addi %scan3A_54, %scan3A_55 : i32
    %scan3A_57 = arith.constant 4 : i32
    scf.for %scan3A_95 = %scan3A_54 to %scan3A_56 step %scan3A_57  : i32 {
      %swap3A = arith.index_cast %scan3A_95 : i32 to index
      %swap3A_96 = arith.constant 0 : index
      %swap3A_97 = tpu.vector_load %arg6[%swap3A, %swap3A_96] {strides = array<i32>} : memref<128x256xf32, #tpu.memory_space<vmem>>, vector<16xf32>,
      tpu.vector_store %arg6[%swap3A, %swap3A_96], %broadcast_in_dim3A_5 {strides = array<i32>} : memref<128x256xf32, #tpu.memory_space<vmem>>, vector<16xf32>,
      %swap3A_98 = arith.index_cast %scan3A_95 : i32 to index
      %swap3A_99 = arith.constant 16 : index
      %swap3A_100 = tpu.vector_load %arg6[%swap3A_98, %swap3A_99] {strides = array<i32>} : memref<128x256xf32, #tpu.memory_space<vmem>>, vector<16xf32>,
      tpu.vector_store %arg6[%swap3A_98, %swap3A_99], %broadcast_in_dim3A_5 {strides = array<i32>} : memref<128x256xf32, #tpu.memory_space<vmem>>, vector<16xf32>,
      %swap3A_101 = arith.index_cast %scan3A_95 : i32 to index
      %swap3A_102 = arith.constant 32 : index
      %swap3A_103 = tpu.vector_load %arg6[%swap3A_101, %swap3A_102] {strides = array<i32>} : memref<128x256xf32, #tpu.memory_space<vmem>>, vector<16xf32>,
      tpu.vector_store %arg6[%swap3A_101, %swap3A_102], %broadcast_in_dim3A_5 {strides = array<i32>} : memref<128x256xf32, #tpu.memory_space<vmem>>, vector<16xf32>,
      %swap3A_104 = arith.index_cast %scan3A_95 : i32 to index
      %swap3A_105 = arith.constant 48 : index
      %swap3A_106 = tpu.vector_load %arg6[%swap3A_104, %swap3A_105] {strides = array<i32>} : memref<128x256xf32, #tpu.memory_space<vmem>>, vector<16xf32>,
      tpu.vector_store %arg6[%swap3A_104, %swap3A_105], %broadcast_in_dim3A_5 {strides = array<i32>} : memref<128x256xf32, #tpu.memory_space<vmem>>, vector<16xf32>,
      %swap3A_107 = arith.index_cast %scan3A_95 : i32 to index
      %swap3A_108 = arith.constant 64 : index
      %swap3A_109 = tpu.vector_load %arg6[%swap3A_107, %swap3A_108] {strides = array<i32>} : memref<128x256xf32, #tpu.memory_space<vmem>>, vector<16xf32>,
      tpu.vector_store %arg6[%swap3A_107, %swap3A_108], %broadcast_in_dim3A_5 {strides = array<i32>} : memref<128x256xf32, #tpu.memory_space<vmem>>, vector<16xf32>,
      %swap3A_110 = arith.index_cast %scan3A_95 : i32 to index
      %swap3A_111 = arith.constant 80 : index
      %swap3A_112 = tpu.vector_load %arg6[%swap3A_110, %swap3A_111] {strides = array<i32>} : memref<128x256xf32, #tpu.memory_space<vmem>>, vector<16xf32>,
      tpu.vector_store %arg6[%swap3A_110, %swap3A_111], %broadcast_in_dim3A_5 {strides = array<i32>} : memref<128x256xf32, #tpu.memory_space<vmem>>, vector<16xf32>,
      %swap3A_113 = arith.index_cast %scan3A_95 : i32 to index
      %swap3A_114 = arith.constant 96 : index
      %swap3A_115 = tpu.vector_load %arg6[%swap3A_113, %swap3A_114] {strides = array<i32>} : memref<128x256xf32, #tpu.memory_space<vmem>>, vector<16xf32>,
      tpu.vector_store %arg6[%swap3A_113, %swap3A_114], %broadcast_in_dim3A_5 {strides = array<i32>} : memref<128x256xf32, #tpu.memory_space<vmem>>, vector<16xf32>,
      %swap3A_116 = arith.index_cast %scan3A_95 : i32 to index
      %swap3A_117 = arith.constant 112 : index
      %swap3A_118 = tpu.vector_load %arg6[%swap3A_116, %swap3A_117] {strides = array<i32>} : memref<128x256xf32, #tpu.memory_space<vmem>>, vector<16xf32>,
      tpu.vector_store %arg6[%swap3A_116, %swap3A_117], %broadcast_in_dim3A_5 {strides = array<i32>} : memref<128x256xf32, #tpu.memory_space<vmem>>, vector<16xf32>,
      %swap3A_119 = arith.index_cast %scan3A_95 : i32 to index
      %swap3A_120 = arith.constant 128 : index
      %swap3A_121 = tpu.vector_load %arg6[%swap3A_119, %swap3A_120] {strides = array<i32>} : memref<128x256xf32, #tpu.memory_space<vmem>>, vector<16xf32>,
      tpu.vector_store %arg6[%swap3A_119, %swap3A_120], %broadcast_in_dim3A_5 {strides = array<i32>} : memref<128x256xf32, #tpu.memory_space<vmem>>, vector<16xf32>,
      %swap3A_122 = arith.index_cast %scan3A_95 : i32 to index
      %swap3A_123 = arith.constant 144 : index
      %swap3A_124 = tpu.vector_load %arg6[%swap3A_122, %swap3A_123] {strides = array<i32>} : memref<128x256xf32, #tpu.memory_space<vmem>>, vector<16xf32>,
      tpu.vector_store %arg6[%swap3A_122, %swap3A_123], %broadcast_in_dim3A_5 {strides = array<i32>} : memref<128x256xf32, #tpu.memory_space<vmem>>, vector<16xf32>,
      %swap3A_125 = arith.index_cast %scan3A_95 : i32 to index
      %swap3A_126 = arith.constant 160 : index
      %swap3A_127 = tpu.vector_load %arg6[%swap3A_125, %swap3A_126] {strides = array<i32>} : memref<128x256xf32, #tpu.memory_space<vmem>>, vector<16xf32>,
      tpu.vector_store %arg6[%swap3A_125, %swap3A_126], %broadcast_in_dim3A_5 {strides = array<i32>} : memref<128x256xf32, #tpu.memory_space<vmem>>, vector<16xf32>,
      %swap3A_128 = arith.index_cast %scan3A_95 : i32 to index
      %swap3A_129 = arith.constant 176 : index
      %swap3A_130 = tpu.vector_load %arg6[%swap3A_128, %swap3A_129] {strides = array<i32>} : memref<128x256xf32, #tpu.memory_space<vmem>>, vector<16xf32>,
      tpu.vector_store %arg6[%swap3A_128, %swap3A_129], %broadcast_in_dim3A_5 {strides = array<i32>} : memref<128x256xf32, #tpu.memory_space<vmem>>, vector<16xf32>,
      %swap3A_131 = arith.index_cast %scan3A_95 : i32 to index
      %swap3A_132 = arith.constant 192 : index
      %swap3A_133 = tpu.vector_load %arg6[%swap3A_131, %swap3A_132] {strides = array<i32>} : memref<128x256xf32, #tpu.memory_space<vmem>>, vector<16xf32>,
      tpu.vector_store %arg6[%swap3A_131, %swap3A_132], %broadcast_in_dim3A_5 {strides = array<i32>} : memref<128x256xf32, #tpu.memory_space<vmem>>, vector<16xf32>,
      %swap3A_134 = arith.index_cast %scan3A_95 : i32 to index
      %swap3A_135 = arith.constant 208 : index
      %swap3A_136 = tpu.vector_load %arg6[%swap3A_134, %swap3A_135] {strides = array<i32>} : memref<128x256xf32, #tpu.memory_space<vmem>>, vector<16xf32>,
      tpu.vector_store %arg6[%swap3A_134, %swap3A_135], %broadcast_in_dim3A_5 {strides = array<i32>} : memref<128x256xf32, #tpu.memory_space<vmem>>, vector<16xf32>,
      %swap3A_137 = arith.index_cast %scan3A_95 : i32 to index
      %swap3A_138 = arith.constant 224 : index
      %swap3A_139 = tpu.vector_load %arg6[%swap3A_137, %swap3A_138] {strides = array<i32>} : memref<128x256xf32, #tpu.memory_space<vmem>>, vector<16xf32>,
      tpu.vector_store %arg6[%swap3A_137, %swap3A_138], %broadcast_in_dim3A_5 {strides = array<i32>} : memref<128x256xf32, #tpu.memory_space<vmem>>, vector<16xf32>,
      %swap3A_140 = arith.index_cast %scan3A_95 : i32 to index
      %swap3A_141 = arith.constant 240 : index
      %swap3A_142 = tpu.vector_load %arg6[%swap3A_140, %swap3A_141] {strides = array<i32>} : memref<128x256xf32, #tpu.memory_space<vmem>>, vector<16xf32>,
      tpu.vector_store %arg6[%swap3A_140, %swap3A_141], %broadcast_in_dim3A_5 {strides = array<i32>} : memref<128x256xf32, #tpu.memory_space<vmem>>, vector<16xf32>,
      %scan3A_143 = arith.constant 1 : i32
      %scan3A_144 = arith.addi %scan3A_95, %scan3A_143 : i32
      %swap3A_145 = arith.index_cast %scan3A_144 : i32 to index
      %swap3A_146 = arith.constant 0 : index
      %swap3A_147 = tpu.vector_load %arg6[%swap3A_145, %swap3A_146] {strides = array<i32>} : memref<128x256xf32, #tpu.memory_space<vmem>>, vector<16xf32>,
      tpu.vector_store %arg6[%swap3A_145, %swap3A_146], %broadcast_in_dim3A_5 {strides = array<i32>} : memref<128x256xf32, #tpu.memory_space<vmem>>, vector<16xf32>,
      %swap3A_148 = arith.index_cast %scan3A_144 : i32 to index
      %swap3A_149 = arith.constant 16 : index
      %swap3A_150 = tpu.vector_load %arg6[%swap3A_148, %swap3A_149] {strides = array<i32>} : memref<128x256xf32, #tpu.memory_space<vmem>>, vector<16xf32>,
      tpu.vector_store %arg6[%swap3A_148, %swap3A_149], %broadcast_in_dim3A_5 {strides = array<i32>} : memref<128x256xf32, #tpu.memory_space<vmem>>, vector<16xf32>,
      %swap3A_151 = arith.index_cast %scan3A_144 : i32 to index
      %swap3A_152 = arith.constant 32 : index
      %swap3A_153 = tpu.vector_load %arg6[%swap3A_151, %swap3A_152] {strides = array<i32>} : memref<128x256xf32, #tpu.memory_space<vmem>>, vector<16xf32>,
      tpu.vector_store %arg6[%swap3A_151, %swap3A_152], %broadcast_in_dim3A_5 {strides = array<i32>} : memref<128x256xf32, #tpu.memory_space<vmem>>, vector<16xf32>,
      %swap3A_154 = arith.index_cast %scan3A_144 : i32 to index
      %swap3A_155 = arith.constant 48 : index
      %swap3A_156 = tpu.vector_load %arg6[%swap3A_154, %swap3A_155] {strides = array<i32>} : memref<128x256xf32, #tpu.memory_space<vmem>>, vector<16xf32>,
      tpu.vector_store %arg6[%swap3A_154, %swap3A_155], %broadcast_in_dim3A_5 {strides = array<i32>} : memref<128x256xf32, #tpu.memory_space<vmem>>, vector<16xf32>,
      %swap3A_157 = arith.index_cast %scan3A_144 : i32 to index
      %swap3A_158 = arith.constant 64 : index
      %swap3A_159 = tpu.vector_load %arg6[%swap3A_157, %swap3A_158] {strides = array<i32>} : memref<128x256xf32, #tpu.memory_space<vmem>>, vector<16xf32>,
      tpu.vector_store %arg6[%swap3A_157, %swap3A_158], %broadcast_in_dim3A_5 {strides = array<i32>} : memref<128x256xf32, #tpu.memory_space<vmem>>, vector<16xf32>,
      %swap3A_160 = arith.index_cast %scan3A_144 : i32 to index
      %swap3A_161 = arith.constant 80 : index
      %swap3A_162 = tpu.vector_load %arg6[%swap3A_160, %swap3A_161] {strides = array<i32>} : memref<128x256xf32, #tpu.memory_space<vmem>>, vector<16xf32>,
      tpu.vector_store %arg6[%swap3A_160, %swap3A_161], %broadcast_in_dim3A_5 {strides = array<i32>} : memref<128x256xf32, #tpu.memory_space<vmem>>, vector<16xf32>,
      %swap3A_163 = arith.index_cast %scan3A_144 : i32 to index
      %swap3A_164 = arith.constant 96 : index
      %swap3A_165 = tpu.vector_load %arg6[%swap3A_163, %swap3A_164] {strides = array<i32>} : memref<128x256xf32, #tpu.memory_space<vmem>>, vector<16xf32>,
      tpu.vector_store %arg6[%swap3A_163, %swap3A_164], %broadcast_in_dim3A_5 {strides = array<i32>} : memref<128x256xf32, #tpu.memory_space<vmem>>, vector<16xf32>,
      %swap3A_166 = arith.index_cast %scan3A_144 : i32 to index
      %swap3A_167 = arith.constant 112 : index
      %swap3A_168 = tpu.vector_load %arg6[%swap3A_166, %swap3A_167] {strides = array<i32>} : memref<128x256xf32, #tpu.memory_space<vmem>>, vector<16xf32>,
      tpu.vector_store %arg6[%swap3A_166, %swap3A_167], %broadcast_in_dim3A_5 {strides = array<i32>} : memref<128x256xf32, #tpu.memory_space<vmem>>, vector<16xf32>,
      %swap3A_169 = arith.index_cast %scan3A_144 : i32 to index
      %swap3A_170 = arith.constant 128 : index
      %swap3A_171 = tpu.vector_load %arg6[%swap3A_169, %swap3A_170] {strides = array<i32>} : memref<128x256xf32, #tpu.memory_space<vmem>>, vector<16xf32>,
      tpu.vector_store %arg6[%swap3A_169, %swap3A_170], %broadcast_in_dim3A_5 {strides = array<i32>} : memref<128x256xf32, #tpu.memory_space<vmem>>, vector<16xf32>,
      %swap3A_172 = arith.index_cast %scan3A_144 : i32 to index
      %swap3A_173 = arith.constant 144 : index
      %swap3A_174 = tpu.vector_load %arg6[%swap3A_172, %swap3A_173] {strides = array<i32>} : memref<128x256xf32, #tpu.memory_space<vmem>>, vector<16xf32>,
      tpu.vector_store %arg6[%swap3A_172, %swap3A_173], %broadcast_in_dim3A_5 {strides = array<i32>} : memref<128x256xf32, #tpu.memory_space<vmem>>, vector<16xf32>,
      %swap3A_175 = arith.index_cast %scan3A_144 : i32 to index
      %swap3A_176 = arith.constant 160 : index
      %swap3A_177 = tpu.vector_load %arg6[%swap3A_175, %swap3A_176] {strides = array<i32>} : memref<128x256xf32, #tpu.memory_space<vmem>>, vector<16xf32>,
      tpu.vector_store %arg6[%swap3A_175, %swap3A_176], %broadcast_in_dim3A_5 {strides = array<i32>} : memref<128x256xf32, #tpu.memory_space<vmem>>, vector<16xf32>,
      %swap3A_178 = arith.index_cast %scan3A_144 : i32 to index
      %swap3A_179 = arith.constant 176 : index
      %swap3A_180 = tpu.vector_load %arg6[%swap3A_178, %swap3A_179] {strides = array<i32>} : memref<128x256xf32, #tpu.memory_space<vmem>>, vector<16xf32>,
      tpu.vector_store %arg6[%swap3A_178, %swap3A_179], %broadcast_in_dim3A_5 {strides = array<i32>} : memref<128x256xf32, #tpu.memory_space<vmem>>, vector<16xf32>,
      %swap3A_181 = arith.index_cast %scan3A_144 : i32 to index
      %swap3A_182 = arith.constant 192 : index
      %swap3A_183 = tpu.vector_load %arg6[%swap3A_181, %swap3A_182] {strides = array<i32>} : memref<128x256xf32, #tpu.memory_space<vmem>>, vector<16xf32>,
      tpu.vector_store %arg6[%swap3A_181, %swap3A_182], %broadcast_in_dim3A_5 {strides = array<i32>} : memref<128x256xf32, #tpu.memory_space<vmem>>, vector<16xf32>,
      %swap3A_184 = arith.index_cast %scan3A_144 : i32 to index
      %swap3A_185 = arith.constant 208 : index
      %swap3A_186 = tpu.vector_load %arg6[%swap3A_184, %swap3A_185] {strides = array<i32>} : memref<128x256xf32, #tpu.memory_space<vmem>>, vector<16xf32>,
      tpu.vector_store %arg6[%swap3A_184, %swap3A_185], %broadcast_in_dim3A_5 {strides = array<i32>} : memref<128x256xf32, #tpu.memory_space<vmem>>, vector<16xf32>,
      %swap3A_187 = arith.index_cast %scan3A_144 : i32 to index
      %swap3A_188 = arith.constant 224 : index
      %swap3A_189 = tpu.vector_load %arg6[%swap3A_187, %swap3A_188] {strides = array<i32>} : memref<128x256xf32, #tpu.memory_space<vmem>>, vector<16xf32>,
      tpu.vector_store %arg6[%swap3A_187, %swap3A_188], %broadcast_in_dim3A_5 {strides = array<i32>} : memref<128x256xf32, #tpu.memory_space<vmem>>, vector<16xf32>,
      %swap3A_190 = arith.index_cast %scan3A_144 : i32 to index
      %swap3A_191 = arith.constant 240 : index
      %swap3A_192 = tpu.vector_load %arg6[%swap3A_190, %swap3A_191] {strides = array<i32>} : memref<128x256xf32, #tpu.memory_space<vmem>>, vector<16xf32>,
      tpu.vector_store %arg6[%swap3A_190, %swap3A_191], %broadcast_in_dim3A_5 {strides = array<i32>} : memref<128x256xf32, #tpu.memory_space<vmem>>, vector<16xf32>,
      %scan3A_193 = arith.constant 2 : i32
      %scan3A_194 = arith.addi %scan3A_95, %scan3A_193 : i32
      %swap3A_195 = arith.index_cast %scan3A_194 : i32 to index
      %swap3A_196 = arith.constant 0 : index
      %swap3A_197 = tpu.vector_load %arg6[%swap3A_195, %swap3A_196] {strides = array<i32>} : memref<128x256xf32, #tpu.memory_space<vmem>>, vector<16xf32>,
      tpu.vector_store %arg6[%swap3A_195, %swap3A_196], %broadcast_in_dim3A_5 {strides = array<i32>} : memref<128x256xf32, #tpu.memory_space<vmem>>, vector<16xf32>,
      %swap3A_198 = arith.index_cast %scan3A_194 : i32 to index
      %swap3A_199 = arith.constant 16 : index
      %swap3A_200 = tpu.vector_load %arg6[%swap3A_198, %swap3A_199] {strides = array<i32>} : memref<128x256xf32, #tpu.memory_space<vmem>>, vector<16xf32>,
      tpu.vector_store %arg6[%swap3A_198, %swap3A_199], %broadcast_in_dim3A_5 {strides = array<i32>} : memref<128x256xf32, #tpu.memory_space<vmem>>, vector<16xf32>,
      %swap3A_201 = arith.index_cast %scan3A_194 : i32 to index
      %swap3A_202 = arith.constant 32 : index
      %swap3A_203 = tpu.vector_load %arg6[%swap3A_201, %swap3A_202] {strides = array<i32>} : memref<128x256xf32, #tpu.memory_space<vmem>>, vector<16xf32>,
      tpu.vector_store %arg6[%swap3A_201, %swap3A_202], %broadcast_in_dim3A_5 {strides = array<i32>} : memref<128x256xf32, #tpu.memory_space<vmem>>, vector<16xf32>,
      %swap3A_204 = arith.index_cast %scan3A_194 : i32 to index
      %swap3A_205 = arith.constant 48 : index
      %swap3A_206 = tpu.vector_load %arg6[%swap3A_204, %swap3A_205] {strides = array<i32>} : memref<128x256xf32, #tpu.memory_space<vmem>>, vector<16xf32>,
      tpu.vector_store %arg6[%swap3A_204, %swap3A_205], %broadcast_in_dim3A_5 {strides = array<i32>} : memref<128x256xf32, #tpu.memory_space<vmem>>, vector<16xf32>,
      %swap3A_207 = arith.index_cast %scan3A_194 : i32 to index
      %swap3A_208 = arith.constant 64 : index
      %swap3A_209 = tpu.vector_load %arg6[%swap3A_207, %swap3A_208] {strides = array<i32>} : memref<128x256xf32, #tpu.memory_space<vmem>>, vector<16xf32>,
      tpu.vector_store %arg6[%swap3A_207, %swap3A_208], %broadcast_in_dim3A_5 {strides = array<i32>} : memref<128x256xf32, #tpu.memory_space<vmem>>, vector<16xf32>,
      %swap3A_210 = arith.index_cast %scan3A_194 : i32 to index
      %swap3A_211 = arith.constant 80 : index
      %swap3A_212 = tpu.vector_load %arg6[%swap3A_210, %swap3A_211] {strides = array<i32>} : memref<128x256xf32, #tpu.memory_space<vmem>>, vector<16xf32>,
      tpu.vector_store %arg6[%swap3A_210, %swap3A_211], %broadcast_in_dim3A_5 {strides = array<i32>} : memref<128x256xf32, #tpu.memory_space<vmem>>, vector<16xf32>,
      %swap3A_213 = arith.index_cast %scan3A_194 : i32 to index
      %swap3A_214 = arith.constant 96 : index
      %swap3A_215 = tpu.vector_load %arg6[%swap3A_213, %swap3A_214] {strides = array<i32>} : memref<128x256xf32, #tpu.memory_space<vmem>>, vector<16xf32>,
      tpu.vector_store %arg6[%swap3A_213, %swap3A_214], %broadcast_in_dim3A_5 {strides = array<i32>} : memref<128x256xf32, #tpu.memory_space<vmem>>, vector<16xf32>,
      %swap3A_216 = arith.index_cast %scan3A_194 : i32 to index
      %swap3A_217 = arith.constant 112 : index
      %swap3A_218 = tpu.vector_load %arg6[%swap3A_216, %swap3A_217] {strides = array<i32>} : memref<128x256xf32, #tpu.memory_space<vmem>>, vector<16xf32>,
      tpu.vector_store %arg6[%swap3A_216, %swap3A_217], %broadcast_in_dim3A_5 {strides = array<i32>} : memref<128x256xf32, #tpu.memory_space<vmem>>, vector<16xf32>,
      %swap3A_219 = arith.index_cast %scan3A_194 : i32 to index
      %swap3A_220 = arith.constant 128 : index
      %swap3A_221 = tpu.vector_load %arg6[%swap3A_219, %swap3A_220] {strides = array<i32>} : memref<128x256xf32, #tpu.memory_space<vmem>>, vector<16xf32>,
      tpu.vector_store %arg6[%swap3A_219, %swap3A_220], %broadcast_in_dim3A_5 {strides = array<i32>} : memref<128x256xf32, #tpu.memory_space<vmem>>, vector<16xf32>,
      %swap3A_222 = arith.index_cast %scan3A_194 : i32 to index
      %swap3A_223 = arith.constant 144 : index
      %swap3A_224 = tpu.vector_load %arg6[%swap3A_222, %swap3A_223] {strides = array<i32>} : memref<128x256xf32, #tpu.memory_space<vmem>>, vector<16xf32>,
      tpu.vector_store %arg6[%swap3A_222, %swap3A_223], %broadcast_in_dim3A_5 {strides = array<i32>} : memref<128x256xf32, #tpu.memory_space<vmem>>, vector<16xf32>,
      %swap3A_225 = arith.index_cast %scan3A_194 : i32 to index
      %swap3A_226 = arith.constant 160 : index
      %swap3A_227 = tpu.vector_load %arg6[%swap3A_225, %swap3A_226] {strides = array<i32>} : memref<128x256xf32, #tpu.memory_space<vmem>>, vector<16xf32>,
      tpu.vector_store %arg6[%swap3A_225, %swap3A_226], %broadcast_in_dim3A_5 {strides = array<i32>} : memref<128x256xf32, #tpu.memory_space<vmem>>, vector<16xf32>,
      %swap3A_228 = arith.index_cast %scan3A_194 : i32 to index
      %swap3A_229 = arith.constant 176 : index
      %swap3A_230 = tpu.vector_load %arg6[%swap3A_228, %swap3A_229] {strides = array<i32>} : memref<128x256xf32, #tpu.memory_space<vmem>>, vector<16xf32>,
      tpu.vector_store %arg6[%swap3A_228, %swap3A_229], %broadcast_in_dim3A_5 {strides = array<i32>} : memref<128x256xf32, #tpu.memory_space<vmem>>, vector<16xf32>,
      %swap3A_231 = arith.index_cast %scan3A_194 : i32 to index
      %swap3A_232 = arith.constant 192 : index
      %swap3A_233 = tpu.vector_load %arg6[%swap3A_231, %swap3A_232] {strides = array<i32>} : memref<128x256xf32, #tpu.memory_space<vmem>>, vector<16xf32>,
      tpu.vector_store %arg6[%swap3A_231, %swap3A_232], %broadcast_in_dim3A_5 {strides = array<i32>} : memref<128x256xf32, #tpu.memory_space<vmem>>, vector<16xf32>,
      %swap3A_234 = arith.index_cast %scan3A_194 : i32 to index
      %swap3A_235 = arith.constant 208 : index
      %swap3A_236 = tpu.vector_load %arg6[%swap3A_234, %swap3A_235] {strides = array<i32>} : memref<128x256xf32, #tpu.memory_space<vmem>>, vector<16xf32>,
      tpu.vector_store %arg6[%swap3A_234, %swap3A_235], %broadcast_in_dim3A_5 {strides = array<i32>} : memref<128x256xf32, #tpu.memory_space<vmem>>, vector<16xf32>,
      %swap3A_237 = arith.index_cast %scan3A_194 : i32 to index
      %swap3A_238 = arith.constant 224 : index
      %swap3A_239 = tpu.vector_load %arg6[%swap3A_237, %swap3A_238] {strides = array<i32>} : memref<128x256xf32, #tpu.memory_space<vmem>>, vector<16xf32>,
      tpu.vector_store %arg6[%swap3A_237, %swap3A_238], %broadcast_in_dim3A_5 {strides = array<i32>} : memref<128x256xf32, #tpu.memory_space<vmem>>, vector<16xf32>,
      %swap3A_240 = arith.index_cast %scan3A_194 : i32 to index
      %swap3A_241 = arith.constant 240 : index
      %swap3A_242 = tpu.vector_load %arg6[%swap3A_240, %swap3A_241] {strides = array<i32>} : memref<128x256xf32, #tpu.memory_space<vmem>>, vector<16xf32>,
      tpu.vector_store %arg6[%swap3A_240, %swap3A_241], %broadcast_in_dim3A_5 {strides = array<i32>} : memref<128x256xf32, #tpu.memory_space<vmem>>, vector<16xf32>,
      %scan3A_243 = arith.constant 3 : i32
      %scan3A_244 = arith.addi %scan3A_95, %scan3A_243 : i32
      %swap3A_245 = arith.index_cast %scan3A_244 : i32 to index
      %swap3A_246 = arith.constant 0 : index
      %swap3A_247 = tpu.vector_load %arg6[%swap3A_245, %swap3A_246] {strides = array<i32>} : memref<128x256xf32, #tpu.memory_space<vmem>>, vector<16xf32>,
      tpu.vector_store %arg6[%swap3A_245, %swap3A_246], %broadcast_in_dim3A_5 {strides = array<i32>} : memref<128x256xf32, #tpu.memory_space<vmem>>, vector<16xf32>,
      %swap3A_248 = arith.index_cast %scan3A_244 : i32 to index
      %swap3A_249 = arith.constant 16 : index
      %swap3A_250 = tpu.vector_load %arg6[%swap3A_248, %swap3A_249] {strides = array<i32>} : memref<128x256xf32, #tpu.memory_space<vmem>>, vector<16xf32>,
      tpu.vector_store %arg6[%swap3A_248, %swap3A_249], %broadcast_in_dim3A_5 {strides = array<i32>} : memref<128x256xf32, #tpu.memory_space<vmem>>, vector<16xf32>,
      %swap3A_251 = arith.index_cast %scan3A_244 : i32 to index
      %swap3A_252 = arith.constant 32 : index
      %swap3A_253 = tpu.vector_load %arg6[%swap3A_251, %swap3A_252] {strides = array<i32>} : memref<128x256xf32, #tpu.memory_space<vmem>>, vector<16xf32>,
      tpu.vector_store %arg6[%swap3A_251, %swap3A_252], %broadcast_in_dim3A_5 {strides = array<i32>} : memref<128x256xf32, #tpu.memory_space<vmem>>, vector<16xf32>,
      %swap3A_254 = arith.index_cast %scan3A_244 : i32 to index
      %swap3A_255 = arith.constant 48 : index
      %swap3A_256 = tpu.vector_load %arg6[%swap3A_254, %swap3A_255] {strides = array<i32>} : memref<128x256xf32, #tpu.memory_space<vmem>>, vector<16xf32>,
      tpu.vector_store %arg6[%swap3A_254, %swap3A_255], %broadcast_in_dim3A_5 {strides = array<i32>} : memref<128x256xf32, #tpu.memory_space<vmem>>, vector<16xf32>,
      %swap3A_257 = arith.index_cast %scan3A_244 : i32 to index
      %swap3A_258 = arith.constant 64 : index
      %swap3A_259 = tpu.vector_load %arg6[%swap3A_257, %swap3A_258] {strides = array<i32>} : memref<128x256xf32, #tpu.memory_space<vmem>>, vector<16xf32>,
      tpu.vector_store %arg6[%swap3A_257, %swap3A_258], %broadcast_in_dim3A_5 {strides = array<i32>} : memref<128x256xf32, #tpu.memory_space<vmem>>, vector<16xf32>,
      %swap3A_260 = arith.index_cast %scan3A_244 : i32 to index
      %swap3A_261 = arith.constant 80 : index
      %swap3A_262 = tpu.vector_load %arg6[%swap3A_260, %swap3A_261] {strides = array<i32>} : memref<128x256xf32, #tpu.memory_space<vmem>>, vector<16xf32>,
      tpu.vector_store %arg6[%swap3A_260, %swap3A_261], %broadcast_in_dim3A_5 {strides = array<i32>} : memref<128x256xf32, #tpu.memory_space<vmem>>, vector<16xf32>,
      %swap3A_263 = arith.index_cast %scan3A_244 : i32 to index
      %swap3A_264 = arith.constant 96 : index
      %swap3A_265 = tpu.vector_load %arg6[%swap3A_263, %swap3A_264] {strides = array<i32>} : memref<128x256xf32, #tpu.memory_space<vmem>>, vector<16xf32>,
      tpu.vector_store %arg6[%swap3A_263, %swap3A_264], %broadcast_in_dim3A_5 {strides = array<i32>} : memref<128x256xf32, #tpu.memory_space<vmem>>, vector<16xf32>,
      %swap3A_266 = arith.index_cast %scan3A_244 : i32 to index
      %swap3A_267 = arith.constant 112 : index
      %swap3A_268 = tpu.vector_load %arg6[%swap3A_266, %swap3A_267] {strides = array<i32>} : memref<128x256xf32, #tpu.memory_space<vmem>>, vector<16xf32>,
      tpu.vector_store %arg6[%swap3A_266, %swap3A_267], %broadcast_in_dim3A_5 {strides = array<i32>} : memref<128x256xf32, #tpu.memory_space<vmem>>, vector<16xf32>,
      %swap3A_269 = arith.index_cast %scan3A_244 : i32 to index
      %swap3A_270 = arith.constant 128 : index
      %swap3A_271 = tpu.vector_load %arg6[%swap3A_269, %swap3A_270] {strides = array<i32>} : memref<128x256xf32, #tpu.memory_space<vmem>>, vector<16xf32>,
      tpu.vector_store %arg6[%swap3A_269, %swap3A_270], %broadcast_in_dim3A_5 {strides = array<i32>} : memref<128x256xf32, #tpu.memory_space<vmem>>, vector<16xf32>,
      %swap3A_272 = arith.index_cast %scan3A_244 : i32 to index
      %swap3A_273 = arith.constant 144 : index
      %swap3A_274 = tpu.vector_load %arg6[%swap3A_272, %swap3A_273] {strides = array<i32>} : memref<128x256xf32, #tpu.memory_space<vmem>>, vector<16xf32>,
      tpu.vector_store %arg6[%swap3A_272, %swap3A_273], %broadcast_in_dim3A_5 {strides = array<i32>} : memref<128x256xf32, #tpu.memory_space<vmem>>, vector<16xf32>,
      %swap3A_275 = arith.index_cast %scan3A_244 : i32 to index
      %swap3A_276 = arith.constant 160 : index
      %swap3A_277 = tpu.vector_load %arg6[%swap3A_275, %swap3A_276] {strides = array<i32>} : memref<128x256xf32, #tpu.memory_space<vmem>>, vector<16xf32>,
      tpu.vector_store %arg6[%swap3A_275, %swap3A_276], %broadcast_in_dim3A_5 {strides = array<i32>} : memref<128x256xf32, #tpu.memory_space<vmem>>, vector<16xf32>,
      %swap3A_278 = arith.index_cast %scan3A_244 : i32 to index
      %swap3A_279 = arith.constant 176 : index
      %swap3A_280 = tpu.vector_load %arg6[%swap3A_278, %swap3A_279] {strides = array<i32>} : memref<128x256xf32, #tpu.memory_space<vmem>>, vector<16xf32>,
      tpu.vector_store %arg6[%swap3A_278, %swap3A_279], %broadcast_in_dim3A_5 {strides = array<i32>} : memref<128x256xf32, #tpu.memory_space<vmem>>, vector<16xf32>,
      %swap3A_281 = arith.index_cast %scan3A_244 : i32 to index
      %swap3A_282 = arith.constant 192 : index
      %swap3A_283 = tpu.vector_load %arg6[%swap3A_281, %swap3A_282] {strides = array<i32>} : memref<128x256xf32, #tpu.memory_space<vmem>>, vector<16xf32>,
      tpu.vector_store %arg6[%swap3A_281, %swap3A_282], %broadcast_in_dim3A_5 {strides = array<i32>} : memref<128x256xf32, #tpu.memory_space<vmem>>, vector<16xf32>,
      %swap3A_284 = arith.index_cast %scan3A_244 : i32 to index
      %swap3A_285 = arith.constant 208 : index
      %swap3A_286 = tpu.vector_load %arg6[%swap3A_284, %swap3A_285] {strides = array<i32>} : memref<128x256xf32, #tpu.memory_space<vmem>>, vector<16xf32>,
      tpu.vector_store %arg6[%swap3A_284, %swap3A_285], %broadcast_in_dim3A_5 {strides = array<i32>} : memref<128x256xf32, #tpu.memory_space<vmem>>, vector<16xf32>,
      %swap3A_287 = arith.index_cast %scan3A_244 : i32 to index
      %swap3A_288 = arith.constant 224 : index
      %swap3A_289 = tpu.vector_load %arg6[%swap3A_287, %swap3A_288] {strides = array<i32>} : memref<128x256xf32, #tpu.memory_space<vmem>>, vector<16xf32>,
      tpu.vector_store %arg6[%swap3A_287, %swap3A_288], %broadcast_in_dim3A_5 {strides = array<i32>} : memref<128x256xf32, #tpu.memory_space<vmem>>, vector<16xf32>,
      %swap3A_290 = arith.index_cast %scan3A_244 : i32 to index
      %swap3A_291 = arith.constant 240 : index
      %swap3A_292 = tpu.vector_load %arg6[%swap3A_290, %swap3A_291] {strides = array<i32>} : memref<128x256xf32, #tpu.memory_space<vmem>>, vector<16xf32>,
      tpu.vector_store %arg6[%swap3A_290, %swap3A_291], %broadcast_in_dim3A_5 {strides = array<i32>} : memref<128x256xf32, #tpu.memory_space<vmem>>, vector<16xf32>,
    }
    %scan3A_58 = arith.constant 128 : i32
    %dma_start3A = arith.constant 0 : i32
    %dma_start3A_59 = arith.constant 0 : i32
    %dma_start3A_60 = arith.constant 0 : i32
    %dma_start3A_61 = tpu.memref_slice %arg2[%dma_start3A, %dma_start3A_59, %dma_start3A_60, %mul3A_2] : memref<17x17x17x4096xi32, #tpu.memory_space<hbm>> -> memref<1x17x17x128xi32, #tpu.memory_space<hbm>>
    %dma_start3A_62 = tpu.memref_squeeze %dma_start3A_61 : memref<1x17x17x128xi32, #tpu.memory_space<hbm>> -> memref<17x17x128xi32, #tpu.memory_space<hbm>>
    %dma_start3A_63 = arith.constant 0 : i32
    %dma_start3A_64 = arith.constant 0 : i32
    %dma_start3A_65 = tpu.memref_slice %arg2[%dma_start3A, %dma_start3A_63, %dma_start3A_64, %mul3A_2] : memref<17x17x17x4096xi32, #tpu.memory_space<hbm>> -> memref<1x17x17x128xi32, #tpu.memory_space<hbm>>
    %dma_start3A_66 = tpu.memref_squeeze %dma_start3A_65 : memref<1x17x17x128xi32, #tpu.memory_space<hbm>> -> memref<17x17x128xi32, #tpu.memory_space<hbm>>
    tpu.enqueue_dma source(%dma_start3A_66 : memref<17x17x128xi32, #tpu.memory_space<hbm>>) target(%arg4 : memref<17x17x128xi32, #tpu.memory_space<vmem>>) target_semaphore(%arg7 : memref<!tpu.dma_semaphore, #tpu.memory_space<semaphore_mem>>)
    %scan3A_67 = arith.constant 0 : i32
    %scan3A_68 = arith.constant 0 : i32
    %scan3A_69 = arith.constant 8 : i32
    %scan3A_70 = arith.addi %scan3A_68, %scan3A_69 : i32
    %scan3A_71 = arith.constant 1 : i32
    scf.for %scan3A_95 = %scan3A_68 to %scan3A_70 step %scan3A_71  : i32 {
      %mul3A_96 = arith.constant 2 : i32
      %mul3A_97 = arith.muli %mul3A_96, %scan3A_95 : i32
      %add3A_98 = arith.constant 1 : i32
      %add3A_99 = arith.addi %mul3A_97, %add3A_98 : i32
      %dma_start3A_100 = arith.constant 0 : i32
      %dma_start3A_101 = arith.constant 0 : i32
      %dma_start3A_102 = tpu.memref_slice %arg2[%add3A_99, %dma_start3A_100, %dma_start3A_101, %mul3A_2] : memref<17x17x17x4096xi32, #tpu.memory_space<hbm>> -> memref<1x17x17x128xi32, #tpu.memory_space<hbm>>
      %dma_start3A_103 = tpu.memref_squeeze %dma_start3A_102 : memref<1x17x17x128xi32, #tpu.memory_space<hbm>> -> memref<17x17x128xi32, #tpu.memory_space<hbm>>
      %dma_start3A_104 = arith.constant 0 : i32
      %dma_start3A_105 = arith.constant 0 : i32
      %dma_start3A_106 = tpu.memref_slice %arg2[%add3A_99, %dma_start3A_104, %dma_start3A_105, %mul3A_2] : memref<17x17x17x4096xi32, #tpu.memory_space<hbm>> -> memref<1x17x17x128xi32, #tpu.memory_space<hbm>>
      %dma_start3A_107 = tpu.memref_squeeze %dma_start3A_106 : memref<1x17x17x128xi32, #tpu.memory_space<hbm>> -> memref<17x17x128xi32, #tpu.memory_space<hbm>>
      tpu.enqueue_dma source(%dma_start3A_107 : memref<17x17x128xi32, #tpu.memory_space<hbm>>) target(%arg5 : memref<17x17x128xi32, #tpu.memory_space<vmem>>) target_semaphore(%arg8 : memref<!tpu.dma_semaphore, #tpu.memory_space<semaphore_mem>>)
      %dma_wait3A_108 = arith.constant 0 : i32
      %dma_wait3A_109 = arith.constant 0 : i32
      %dma_wait3A_110 = tpu.memref_slice %arg2[%mul3A_97, %dma_wait3A_108, %dma_wait3A_109, %mul3A_2] : memref<17x17x17x4096xi32, #tpu.memory_space<hbm>> -> memref<1x17x17x128xi32, #tpu.memory_space<hbm>>
      %dma_wait3A_111 = tpu.memref_squeeze %dma_wait3A_110 : memref<1x17x17x128xi32, #tpu.memory_space<hbm>> -> memref<17x17x128xi32, #tpu.memory_space<hbm>>
      %dma_wait3A_112 = arith.constant 0 : i32
      %dma_wait3A_113 = arith.constant 0 : i32
      %dma_wait3A_114 = tpu.memref_slice %arg2[%mul3A_97, %dma_wait3A_112, %dma_wait3A_113, %mul3A_2] : memref<17x17x17x4096xi32, #tpu.memory_space<hbm>> -> memref<1x17x17x128xi32, #tpu.memory_space<hbm>>
      %dma_wait3A_115 = tpu.memref_squeeze %dma_wait3A_114 : memref<1x17x17x128xi32, #tpu.memory_space<hbm>> -> memref<17x17x128xi32, #tpu.memory_space<hbm>>
      tpu.wait_dma2 semaphore(%arg7 : memref<!tpu.dma_semaphore, #tpu.memory_space<semaphore_mem>>) src(%dma_wait3A_115 : memref<17x17x128xi32, #tpu.memory_space<hbm>>) dst(%arg4 : memref<17x17x128xi32, #tpu.memory_space<vmem>>)
      %scan3A_116 = arith.constant 0 : i32
      %scan3A_117 = arith.constant 0 : i32
      %scan3A_118 = arith.constant 17 : i32
      %scan3A_119 = arith.addi %scan3A_117, %scan3A_118 : i32
      %scan3A_120 = arith.constant 1 : i32
      scf.for %scan3A_148 = %scan3A_117 to %scan3A_119 step %scan3A_120  : i32 {
        %get3A = arith.constant 0 : i32
        %get3A_149 = arith.index_cast %scan3A_148 : i32 to index
        %get3A_150 = arith.index_cast %get3A : i32 to index
        %get3A_151 = arith.constant 0 : index
        %get3A_152 = tpu.vector_load %arg4[%get3A_149, %get3A_150, %get3A_151] {strides = array<i32>} : memref<17x17x128xi32, #tpu.memory_space<vmem>>, vector<16xi32>,
        tpu.vector_store_idx %arg6[%add3A_8, %get3A_152], %broadcast_in_dim3A_3 {add = true} : memref<128x256xf32, #tpu.memory_space<vmem>>[vector<16xi32>, vector<16xi32>], vector<16xf32>,
        %get3A_153 = arith.constant 0 : i32
        %get3A_154 = arith.index_cast %scan3A_148 : i32 to index
        %get3A_155 = arith.index_cast %get3A_153 : i32 to index
        %get3A_156 = arith.constant 16 : index
        %get3A_157 = tpu.vector_load %arg4[%get3A_154, %get3A_155, %get3A_156] {strides = array<i32>} : memref<17x17x128xi32, #tpu.memory_space<vmem>>, vector<16xi32>,
        tpu.vector_store_idx %arg6[%add3A_11, %get3A_157], %broadcast_in_dim3A_3 {add = true} : memref<128x256xf32, #tpu.memory_space<vmem>>[vector<16xi32>, vector<16xi32>], vector<16xf32>,
        %get3A_158 = arith.constant 0 : i32
        %get3A_159 = arith.index_cast %scan3A_148 : i32 to index
        %get3A_160 = arith.index_cast %get3A_158 : i32 to index
        %get3A_161 = arith.constant 32 : index
        %get3A_162 = tpu.vector_load %arg4[%get3A_159, %get3A_160, %get3A_161] {strides = array<i32>} : memref<17x17x128xi32, #tpu.memory_space<vmem>>, vector<16xi32>,
        tpu.vector_store_idx %arg6[%add3A_14, %get3A_162], %broadcast_in_dim3A_3 {add = true} : memref<128x256xf32, #tpu.memory_space<vmem>>[vector<16xi32>, vector<16xi32>], vector<16xf32>,
        %get3A_163 = arith.constant 0 : i32
        %get3A_164 = arith.index_cast %scan3A_148 : i32 to index
        %get3A_165 = arith.index_cast %get3A_163 : i32 to index
        %get3A_166 = arith.constant 48 : index
        %get3A_167 = tpu.vector_load %arg4[%get3A_164, %get3A_165, %get3A_166] {strides = array<i32>} : memref<17x17x128xi32, #tpu.memory_space<vmem>>, vector<16xi32>,
        tpu.vector_store_idx %arg6[%add3A_17, %get3A_167], %broadcast_in_dim3A_3 {add = true} : memref<128x256xf32, #tpu.memory_space<vmem>>[vector<16xi32>, vector<16xi32>], vector<16xf32>,
        %get3A_168 = arith.constant 0 : i32
        %get3A_169 = arith.index_cast %scan3A_148 : i32 to index
        %get3A_170 = arith.index_cast %get3A_168 : i32 to index
        %get3A_171 = arith.constant 64 : index
        %get3A_172 = tpu.vector_load %arg4[%get3A_169, %get3A_170, %get3A_171] {strides = array<i32>} : memref<17x17x128xi32, #tpu.memory_space<vmem>>, vector<16xi32>,
        tpu.vector_store_idx %arg6[%add3A_20, %get3A_172], %broadcast_in_dim3A_3 {add = true} : memref<128x256xf32, #tpu.memory_space<vmem>>[vector<16xi32>, vector<16xi32>], vector<16xf32>,
        %get3A_173 = arith.constant 0 : i32
        %get3A_174 = arith.index_cast %scan3A_148 : i32 to index
        %get3A_175 = arith.index_cast %get3A_173 : i32 to index
        %get3A_176 = arith.constant 80 : index
        %get3A_177 = tpu.vector_load %arg4[%get3A_174, %get3A_175, %get3A_176] {strides = array<i32>} : memref<17x17x128xi32, #tpu.memory_space<vmem>>, vector<16xi32>,
        tpu.vector_store_idx %arg6[%add3A_23, %get3A_177], %broadcast_in_dim3A_3 {add = true} : memref<128x256xf32, #tpu.memory_space<vmem>>[vector<16xi32>, vector<16xi32>], vector<16xf32>,
        %get3A_178 = arith.constant 0 : i32
        %get3A_179 = arith.index_cast %scan3A_148 : i32 to index
        %get3A_180 = arith.index_cast %get3A_178 : i32 to index
        %get3A_181 = arith.constant 96 : index
        %get3A_182 = tpu.vector_load %arg4[%get3A_179, %get3A_180, %get3A_181] {strides = array<i32>} : memref<17x17x128xi32, #tpu.memory_space<vmem>>, vector<16xi32>,
        tpu.vector_store_idx %arg6[%add3A_26, %get3A_182], %broadcast_in_dim3A_3 {add = true} : memref<128x256xf32, #tpu.memory_space<vmem>>[vector<16xi32>, vector<16xi32>], vector<16xf32>,
        %get3A_183 = arith.constant 0 : i32
        %get3A_184 = arith.index_cast %scan3A_148 : i32 to index
        %get3A_185 = arith.index_cast %get3A_183 : i32 to index
        %get3A_186 = arith.constant 112 : index
        %get3A_187 = tpu.vector_load %arg4[%get3A_184, %get3A_185, %get3A_186] {strides = array<i32>} : memref<17x17x128xi32, #tpu.memory_space<vmem>>, vector<16xi32>,
        tpu.vector_store_idx %arg6[%add3A_29, %get3A_187], %broadcast_in_dim3A_3 {add = true} : memref<128x256xf32, #tpu.memory_space<vmem>>[vector<16xi32>, vector<16xi32>], vector<16xf32>,
        %get3A_188 = arith.constant 1 : i32
        %get3A_189 = arith.index_cast %scan3A_148 : i32 to index
        %get3A_190 = arith.index_cast %get3A_188 : i32 to index
        %get3A_191 = arith.constant 0 : index
        %get3A_192 = tpu.vector_load %arg4[%get3A_189, %get3A_190, %get3A_191] {strides = array<i32>} : memref<17x17x128xi32, #tpu.memory_space<vmem>>, vector<16xi32>,
        tpu.vector_store_idx %arg6[%add3A_8, %get3A_192], %broadcast_in_dim3A_3 {add = true} : memref<128x256xf32, #tpu.memory_space<vmem>>[vector<16xi32>, vector<16xi32>], vector<16xf32>,
        %get3A_193 = arith.constant 1 : i32
        %get3A_194 = arith.index_cast %scan3A_148 : i32 to index
        %get3A_195 = arith.index_cast %get3A_193 : i32 to index
        %get3A_196 = arith.constant 16 : index
        %get3A_197 = tpu.vector_load %arg4[%get3A_194, %get3A_195, %get3A_196] {strides = array<i32>} : memref<17x17x128xi32, #tpu.memory_space<vmem>>, vector<16xi32>,
        tpu.vector_store_idx %arg6[%add3A_11, %get3A_197], %broadcast_in_dim3A_3 {add = true} : memref<128x256xf32, #tpu.memory_space<vmem>>[vector<16xi32>, vector<16xi32>], vector<16xf32>,
        %get3A_198 = arith.constant 1 : i32
        %get3A_199 = arith.index_cast %scan3A_148 : i32 to index
        %get3A_200 = arith.index_cast %get3A_198 : i32 to index
        %get3A_201 = arith.constant 32 : index
        %get3A_202 = tpu.vector_load %arg4[%get3A_199, %get3A_200, %get3A_201] {strides = array<i32>} : memref<17x17x128xi32, #tpu.memory_space<vmem>>, vector<16xi32>,
        tpu.vector_store_idx %arg6[%add3A_14, %get3A_202], %broadcast_in_dim3A_3 {add = true} : memref<128x256xf32, #tpu.memory_space<vmem>>[vector<16xi32>, vector<16xi32>], vector<16xf32>,
        %get3A_203 = arith.constant 1 : i32
        %get3A_204 = arith.index_cast %scan3A_148 : i32 to index
        %get3A_205 = arith.index_cast %get3A_203 : i32 to index
        %get3A_206 = arith.constant 48 : index
        %get3A_207 = tpu.vector_load %arg4[%get3A_204, %get3A_205, %get3A_206] {strides = array<i32>} : memref<17x17x128xi32, #tpu.memory_space<vmem>>, vector<16xi32>,
        tpu.vector_store_idx %arg6[%add3A_17, %get3A_207], %broadcast_in_dim3A_3 {add = true} : memref<128x256xf32, #tpu.memory_space<vmem>>[vector<16xi32>, vector<16xi32>], vector<16xf32>,
        %get3A_208 = arith.constant 1 : i32
        %get3A_209 = arith.index_cast %scan3A_148 : i32 to index
        %get3A_210 = arith.index_cast %get3A_208 : i32 to index
        %get3A_211 = arith.constant 64 : index
        %get3A_212 = tpu.vector_load %arg4[%get3A_209, %get3A_210, %get3A_211] {strides = array<i32>} : memref<17x17x128xi32, #tpu.memory_space<vmem>>, vector<16xi32>,
        tpu.vector_store_idx %arg6[%add3A_20, %get3A_212], %broadcast_in_dim3A_3 {add = true} : memref<128x256xf32, #tpu.memory_space<vmem>>[vector<16xi32>, vector<16xi32>], vector<16xf32>,
        %get3A_213 = arith.constant 1 : i32
        %get3A_214 = arith.index_cast %scan3A_148 : i32 to index
        %get3A_215 = arith.index_cast %get3A_213 : i32 to index
        %get3A_216 = arith.constant 80 : index
        %get3A_217 = tpu.vector_load %arg4[%get3A_214, %get3A_215, %get3A_216] {strides = array<i32>} : memref<17x17x128xi32, #tpu.memory_space<vmem>>, vector<16xi32>,
        tpu.vector_store_idx %arg6[%add3A_23, %get3A_217], %broadcast_in_dim3A_3 {add = true} : memref<128x256xf32, #tpu.memory_space<vmem>>[vector<16xi32>, vector<16xi32>], vector<16xf32>,
        %get3A_218 = arith.constant 1 : i32
        %get3A_219 = arith.index_cast %scan3A_148 : i32 to index
        %get3A_220 = arith.index_cast %get3A_218 : i32 to index
        %get3A_221 = arith.constant 96 : index
        %get3A_222 = tpu.vector_load %arg4[%get3A_219, %get3A_220, %get3A_221] {strides = array<i32>} : memref<17x17x128xi32, #tpu.memory_space<vmem>>, vector<16xi32>,
        tpu.vector_store_idx %arg6[%add3A_26, %get3A_222], %broadcast_in_dim3A_3 {add = true} : memref<128x256xf32, #tpu.memory_space<vmem>>[vector<16xi32>, vector<16xi32>], vector<16xf32>,
        %get3A_223 = arith.constant 1 : i32
        %get3A_224 = arith.index_cast %scan3A_148 : i32 to index
        %get3A_225 = arith.index_cast %get3A_223 : i32 to index
        %get3A_226 = arith.constant 112 : index
        %get3A_227 = tpu.vector_load %arg4[%get3A_224, %get3A_225, %get3A_226] {strides = array<i32>} : memref<17x17x128xi32, #tpu.memory_space<vmem>>, vector<16xi32>,
        tpu.vector_store_idx %arg6[%add3A_29, %get3A_227], %broadcast_in_dim3A_3 {add = true} : memref<128x256xf32, #tpu.memory_space<vmem>>[vector<16xi32>, vector<16xi32>], vector<16xf32>,
        %get3A_228 = arith.constant 2 : i32
        %get3A_229 = arith.index_cast %scan3A_148 : i32 to index
        %get3A_230 = arith.index_cast %get3A_228 : i32 to index
        %get3A_231 = arith.constant 0 : index
        %get3A_232 = tpu.vector_load %arg4[%get3A_229, %get3A_230, %get3A_231] {strides = array<i32>} : memref<17x17x128xi32, #tpu.memory_space<vmem>>, vector<16xi32>,
        tpu.vector_store_idx %arg6[%add3A_8, %get3A_232], %broadcast_in_dim3A_3 {add = true} : memref<128x256xf32, #tpu.memory_space<vmem>>[vector<16xi32>, vector<16xi32>], vector<16xf32>,
        %get3A_233 = arith.constant 2 : i32
        %get3A_234 = arith.index_cast %scan3A_148 : i32 to index
        %get3A_235 = arith.index_cast %get3A_233 : i32 to index
        %get3A_236 = arith.constant 16 : index
        %get3A_237 = tpu.vector_load %arg4[%get3A_234, %get3A_235, %get3A_236] {strides = array<i32>} : memref<17x17x128xi32, #tpu.memory_space<vmem>>, vector<16xi32>,
        tpu.vector_store_idx %arg6[%add3A_11, %get3A_237], %broadcast_in_dim3A_3 {add = true} : memref<128x256xf32, #tpu.memory_space<vmem>>[vector<16xi32>, vector<16xi32>], vector<16xf32>,
        %get3A_238 = arith.constant 2 : i32
        %get3A_239 = arith.index_cast %scan3A_148 : i32 to index
        %get3A_240 = arith.index_cast %get3A_238 : i32 to index
        %get3A_241 = arith.constant 32 : index
        %get3A_242 = tpu.vector_load %arg4[%get3A_239, %get3A_240, %get3A_241] {strides = array<i32>} : memref<17x17x128xi32, #tpu.memory_space<vmem>>, vector<16xi32>,
        tpu.vector_store_idx %arg6[%add3A_14, %get3A_242], %broadcast_in_dim3A_3 {add = true} : memref<128x256xf32, #tpu.memory_space<vmem>>[vector<16xi32>, vector<16xi32>], vector<16xf32>,
        %get3A_243 = arith.constant 2 : i32
        %get3A_244 = arith.index_cast %scan3A_148 : i32 to index
        %get3A_245 = arith.index_cast %get3A_243 : i32 to index
        %get3A_246 = arith.constant 48 : index
        %get3A_247 = tpu.vector_load %arg4[%get3A_244, %get3A_245, %get3A_246] {strides = array<i32>} : memref<17x17x128xi32, #tpu.memory_space<vmem>>, vector<16xi32>,
        tpu.vector_store_idx %arg6[%add3A_17, %get3A_247], %broadcast_in_dim3A_3 {add = true} : memref<128x256xf32, #tpu.memory_space<vmem>>[vector<16xi32>, vector<16xi32>], vector<16xf32>,
        %get3A_248 = arith.constant 2 : i32
        %get3A_249 = arith.index_cast %scan3A_148 : i32 to index
        %get3A_250 = arith.index_cast %get3A_248 : i32 to index
        %get3A_251 = arith.constant 64 : index
        %get3A_252 = tpu.vector_load %arg4[%get3A_249, %get3A_250, %get3A_251] {strides = array<i32>} : memref<17x17x128xi32, #tpu.memory_space<vmem>>, vector<16xi32>,
        tpu.vector_store_idx %arg6[%add3A_20, %get3A_252], %broadcast_in_dim3A_3 {add = true} : memref<128x256xf32, #tpu.memory_space<vmem>>[vector<16xi32>, vector<16xi32>], vector<16xf32>,
        %get3A_253 = arith.constant 2 : i32
        %get3A_254 = arith.index_cast %scan3A_148 : i32 to index
        %get3A_255 = arith.index_cast %get3A_253 : i32 to index
        %get3A_256 = arith.constant 80 : index
        %get3A_257 = tpu.vector_load %arg4[%get3A_254, %get3A_255, %get3A_256] {strides = array<i32>} : memref<17x17x128xi32, #tpu.memory_space<vmem>>, vector<16xi32>,
        tpu.vector_store_idx %arg6[%add3A_23, %get3A_257], %broadcast_in_dim3A_3 {add = true} : memref<128x256xf32, #tpu.memory_space<vmem>>[vector<16xi32>, vector<16xi32>], vector<16xf32>,
        %get3A_258 = arith.constant 2 : i32
        %get3A_259 = arith.index_cast %scan3A_148 : i32 to index
        %get3A_260 = arith.index_cast %get3A_258 : i32 to index
        %get3A_261 = arith.constant 96 : index
        %get3A_262 = tpu.vector_load %arg4[%get3A_259, %get3A_260, %get3A_261] {strides = array<i32>} : memref<17x17x128xi32, #tpu.memory_space<vmem>>, vector<16xi32>,
        tpu.vector_store_idx %arg6[%add3A_26, %get3A_262], %broadcast_in_dim3A_3 {add = true} : memref<128x256xf32, #tpu.memory_space<vmem>>[vector<16xi32>, vector<16xi32>], vector<16xf32>,
        %get3A_263 = arith.constant 2 : i32
        %get3A_264 = arith.index_cast %scan3A_148 : i32 to index
        %get3A_265 = arith.index_cast %get3A_263 : i32 to index
        %get3A_266 = arith.constant 112 : index
        %get3A_267 = tpu.vector_load %arg4[%get3A_264, %get3A_265, %get3A_266] {strides = array<i32>} : memref<17x17x128xi32, #tpu.memory_space<vmem>>, vector<16xi32>,
        tpu.vector_store_idx %arg6[%add3A_29, %get3A_267], %broadcast_in_dim3A_3 {add = true} : memref<128x256xf32, #tpu.memory_space<vmem>>[vector<16xi32>, vector<16xi32>], vector<16xf32>,
        %get3A_268 = arith.constant 3 : i32
        %get3A_269 = arith.index_cast %scan3A_148 : i32 to index
        %get3A_270 = arith.index_cast %get3A_268 : i32 to index
        %get3A_271 = arith.constant 0 : index
        %get3A_272 = tpu.vector_load %arg4[%get3A_269, %get3A_270, %get3A_271] {strides = array<i32>} : memref<17x17x128xi32, #tpu.memory_space<vmem>>, vector<16xi32>,
        tpu.vector_store_idx %arg6[%add3A_8, %get3A_272], %broadcast_in_dim3A_3 {add = true} : memref<128x256xf32, #tpu.memory_space<vmem>>[vector<16xi32>, vector<16xi32>], vector<16xf32>,
        %get3A_273 = arith.constant 3 : i32
        %get3A_274 = arith.index_cast %scan3A_148 : i32 to index
        %get3A_275 = arith.index_cast %get3A_273 : i32 to index
        %get3A_276 = arith.constant 16 : index
        %get3A_277 = tpu.vector_load %arg4[%get3A_274, %get3A_275, %get3A_276] {strides = array<i32>} : memref<17x17x128xi32, #tpu.memory_space<vmem>>, vector<16xi32>,
        tpu.vector_store_idx %arg6[%add3A_11, %get3A_277], %broadcast_in_dim3A_3 {add = true} : memref<128x256xf32, #tpu.memory_space<vmem>>[vector<16xi32>, vector<16xi32>], vector<16xf32>,
        %get3A_278 = arith.constant 3 : i32
        %get3A_279 = arith.index_cast %scan3A_148 : i32 to index
        %get3A_280 = arith.index_cast %get3A_278 : i32 to index
        %get3A_281 = arith.constant 32 : index
        %get3A_282 = tpu.vector_load %arg4[%get3A_279, %get3A_280, %get3A_281] {strides = array<i32>} : memref<17x17x128xi32, #tpu.memory_space<vmem>>, vector<16xi32>,
        tpu.vector_store_idx %arg6[%add3A_14, %get3A_282], %broadcast_in_dim3A_3 {add = true} : memref<128x256xf32, #tpu.memory_space<vmem>>[vector<16xi32>, vector<16xi32>], vector<16xf32>,
        %get3A_283 = arith.constant 3 : i32
        %get3A_284 = arith.index_cast %scan3A_148 : i32 to index
        %get3A_285 = arith.index_cast %get3A_283 : i32 to index
        %get3A_286 = arith.constant 48 : index
        %get3A_287 = tpu.vector_load %arg4[%get3A_284, %get3A_285, %get3A_286] {strides = array<i32>} : memref<17x17x128xi32, #tpu.memory_space<vmem>>, vector<16xi32>,
        tpu.vector_store_idx %arg6[%add3A_17, %get3A_287], %broadcast_in_dim3A_3 {add = true} : memref<128x256xf32, #tpu.memory_space<vmem>>[vector<16xi32>, vector<16xi32>], vector<16xf32>,
        %get3A_288 = arith.constant 3 : i32
        %get3A_289 = arith.index_cast %scan3A_148 : i32 to index
        %get3A_290 = arith.index_cast %get3A_288 : i32 to index
        %get3A_291 = arith.constant 64 : index
        %get3A_292 = tpu.vector_load %arg4[%get3A_289, %get3A_290, %get3A_291] {strides = array<i32>} : memref<17x17x128xi32, #tpu.memory_space<vmem>>, vector<16xi32>,
        tpu.vector_store_idx %arg6[%add3A_20, %get3A_292], %broadcast_in_dim3A_3 {add = true} : memref<128x256xf32, #tpu.memory_space<vmem>>[vector<16xi32>, vector<16xi32>], vector<16xf32>,
        %get3A_293 = arith.constant 3 : i32
        %get3A_294 = arith.index_cast %scan3A_148 : i32 to index
        %get3A_295 = arith.index_cast %get3A_293 : i32 to index
        %get3A_296 = arith.constant 80 : index
        %get3A_297 = tpu.vector_load %arg4[%get3A_294, %get3A_295, %get3A_296] {strides = array<i32>} : memref<17x17x128xi32, #tpu.memory_space<vmem>>, vector<16xi32>,
        tpu.vector_store_idx %arg6[%add3A_23, %get3A_297], %broadcast_in_dim3A_3 {add = true} : memref<128x256xf32, #tpu.memory_space<vmem>>[vector<16xi32>, vector<16xi32>], vector<16xf32>,
        %get3A_298 = arith.constant 3 : i32
        %get3A_299 = arith.index_cast %scan3A_148 : i32 to index
        %get3A_300 = arith.index_cast %get3A_298 : i32 to index
        %get3A_301 = arith.constant 96 : index
        %get3A_302 = tpu.vector_load %arg4[%get3A_299, %get3A_300, %get3A_301] {strides = array<i32>} : memref<17x17x128xi32, #tpu.memory_space<vmem>>, vector<16xi32>,
        tpu.vector_store_idx %arg6[%add3A_26, %get3A_302], %broadcast_in_dim3A_3 {add = true} : memref<128x256xf32, #tpu.memory_space<vmem>>[vector<16xi32>, vector<16xi32>], vector<16xf32>,
        %get3A_303 = arith.constant 3 : i32
        %get3A_304 = arith.index_cast %scan3A_148 : i32 to index
        %get3A_305 = arith.index_cast %get3A_303 : i32 to index
        %get3A_306 = arith.constant 112 : index
        %get3A_307 = tpu.vector_load %arg4[%get3A_304, %get3A_305, %get3A_306] {strides = array<i32>} : memref<17x17x128xi32, #tpu.memory_space<vmem>>, vector<16xi32>,
        tpu.vector_store_idx %arg6[%add3A_29, %get3A_307], %broadcast_in_dim3A_3 {add = true} : memref<128x256xf32, #tpu.memory_space<vmem>>[vector<16xi32>, vector<16xi32>], vector<16xf32>,
        %get3A_308 = arith.constant 4 : i32
        %get3A_309 = arith.index_cast %scan3A_148 : i32 to index
        %get3A_310 = arith.index_cast %get3A_308 : i32 to index
        %get3A_311 = arith.constant 0 : index
        %get3A_312 = tpu.vector_load %arg4[%get3A_309, %get3A_310, %get3A_311] {strides = array<i32>} : memref<17x17x128xi32, #tpu.memory_space<vmem>>, vector<16xi32>,
        tpu.vector_store_idx %arg6[%add3A_8, %get3A_312], %broadcast_in_dim3A_3 {add = true} : memref<128x256xf32, #tpu.memory_space<vmem>>[vector<16xi32>, vector<16xi32>], vector<16xf32>,
        %get3A_313 = arith.constant 4 : i32
        %get3A_314 = arith.index_cast %scan3A_148 : i32 to index
        %get3A_315 = arith.index_cast %get3A_313 : i32 to index
        %get3A_316 = arith.constant 16 : index
        %get3A_317 = tpu.vector_load %arg4[%get3A_314, %get3A_315, %get3A_316] {strides = array<i32>} : memref<17x17x128xi32, #tpu.memory_space<vmem>>, vector<16xi32>,
        tpu.vector_store_idx %arg6[%add3A_11, %get3A_317], %broadcast_in_dim3A_3 {add = true} : memref<128x256xf32, #tpu.memory_space<vmem>>[vector<16xi32>, vector<16xi32>], vector<16xf32>,
        %get3A_318 = arith.constant 4 : i32
        %get3A_319 = arith.index_cast %scan3A_148 : i32 to index
        %get3A_320 = arith.index_cast %get3A_318 : i32 to index
        %get3A_321 = arith.constant 32 : index
        %get3A_322 = tpu.vector_load %arg4[%get3A_319, %get3A_320, %get3A_321] {strides = array<i32>} : memref<17x17x128xi32, #tpu.memory_space<vmem>>, vector<16xi32>,
        tpu.vector_store_idx %arg6[%add3A_14, %get3A_322], %broadcast_in_dim3A_3 {add = true} : memref<128x256xf32, #tpu.memory_space<vmem>>[vector<16xi32>, vector<16xi32>], vector<16xf32>,
        %get3A_323 = arith.constant 4 : i32
        %get3A_324 = arith.index_cast %scan3A_148 : i32 to index
        %get3A_325 = arith.index_cast %get3A_323 : i32 to index
        %get3A_326 = arith.constant 48 : index
        %get3A_327 = tpu.vector_load %arg4[%get3A_324, %get3A_325, %get3A_326] {strides = array<i32>} : memref<17x17x128xi32, #tpu.memory_space<vmem>>, vector<16xi32>,
        tpu.vector_store_idx %arg6[%add3A_17, %get3A_327], %broadcast_in_dim3A_3 {add = true} : memref<128x256xf32, #tpu.memory_space<vmem>>[vector<16xi32>, vector<16xi32>], vector<16xf32>,
        %get3A_328 = arith.constant 4 : i32
        %get3A_329 = arith.index_cast %scan3A_148 : i32 to index
        %get3A_330 = arith.index_cast %get3A_328 : i32 to index
        %get3A_331 = arith.constant 64 : index
        %get3A_332 = tpu.vector_load %arg4[%get3A_329, %get3A_330, %get3A_331] {strides = array<i32>} : memref<17x17x128xi32, #tpu.memory_space<vmem>>, vector<16xi32>,
        tpu.vector_store_idx %arg6[%add3A_20, %get3A_332], %broadcast_in_dim3A_3 {add = true} : memref<128x256xf32, #tpu.memory_space<vmem>>[vector<16xi32>, vector<16xi32>], vector<16xf32>,
        %get3A_333 = arith.constant 4 : i32
        %get3A_334 = arith.index_cast %scan3A_148 : i32 to index
        %get3A_335 = arith.index_cast %get3A_333 : i32 to index
        %get3A_336 = arith.constant 80 : index
        %get3A_337 = tpu.vector_load %arg4[%get3A_334, %get3A_335, %get3A_336] {strides = array<i32>} : memref<17x17x128xi32, #tpu.memory_space<vmem>>, vector<16xi32>,
        tpu.vector_store_idx %arg6[%add3A_23, %get3A_337], %broadcast_in_dim3A_3 {add = true} : memref<128x256xf32, #tpu.memory_space<vmem>>[vector<16xi32>, vector<16xi32>], vector<16xf32>,
        %get3A_338 = arith.constant 4 : i32
        %get3A_339 = arith.index_cast %scan3A_148 : i32 to index
        %get3A_340 = arith.index_cast %get3A_338 : i32 to index
        %get3A_341 = arith.constant 96 : index
        %get3A_342 = tpu.vector_load %arg4[%get3A_339, %get3A_340, %get3A_341] {strides = array<i32>} : memref<17x17x128xi32, #tpu.memory_space<vmem>>, vector<16xi32>,
        tpu.vector_store_idx %arg6[%add3A_26, %get3A_342], %broadcast_in_dim3A_3 {add = true} : memref<128x256xf32, #tpu.memory_space<vmem>>[vector<16xi32>, vector<16xi32>], vector<16xf32>,
        %get3A_343 = arith.constant 4 : i32
        %get3A_344 = arith.index_cast %scan3A_148 : i32 to index
        %get3A_345 = arith.index_cast %get3A_343 : i32 to index
        %get3A_346 = arith.constant 112 : index
        %get3A_347 = tpu.vector_load %arg4[%get3A_344, %get3A_345, %get3A_346] {strides = array<i32>} : memref<17x17x128xi32, #tpu.memory_space<vmem>>, vector<16xi32>,
        tpu.vector_store_idx %arg6[%add3A_29, %get3A_347], %broadcast_in_dim3A_3 {add = true} : memref<128x256xf32, #tpu.memory_space<vmem>>[vector<16xi32>, vector<16xi32>], vector<16xf32>,
        %get3A_348 = arith.constant 5 : i32
        %get3A_349 = arith.index_cast %scan3A_148 : i32 to index
        %get3A_350 = arith.index_cast %get3A_348 : i32 to index
        %get3A_351 = arith.constant 0 : index
        %get3A_352 = tpu.vector_load %arg4[%get3A_349, %get3A_350, %get3A_351] {strides = array<i32>} : memref<17x17x128xi32, #tpu.memory_space<vmem>>, vector<16xi32>,
        tpu.vector_store_idx %arg6[%add3A_8, %get3A_352], %broadcast_in_dim3A_3 {add = true} : memref<128x256xf32, #tpu.memory_space<vmem>>[vector<16xi32>, vector<16xi32>], vector<16xf32>,
        %get3A_353 = arith.constant 5 : i32
        %get3A_354 = arith.index_cast %scan3A_148 : i32 to index
        %get3A_355 = arith.index_cast %get3A_353 : i32 to index
        %get3A_356 = arith.constant 16 : index
        %get3A_357 = tpu.vector_load %arg4[%get3A_354, %get3A_355, %get3A_356] {strides = array<i32>} : memref<17x17x128xi32, #tpu.memory_space<vmem>>, vector<16xi32>,
        tpu.vector_store_idx %arg6[%add3A_11, %get3A_357], %broadcast_in_dim3A_3 {add = true} : memref<128x256xf32, #tpu.memory_space<vmem>>[vector<16xi32>, vector<16xi32>], vector<16xf32>,
        %get3A_358 = arith.constant 5 : i32
        %get3A_359 = arith.index_cast %scan3A_148 : i32 to index
        %get3A_360 = arith.index_cast %get3A_358 : i32 to index
        %get3A_361 = arith.constant 32 : index
        %get3A_362 = tpu.vector_load %arg4[%get3A_359, %get3A_360, %get3A_361] {strides = array<i32>} : memref<17x17x128xi32, #tpu.memory_space<vmem>>, vector<16xi32>,
        tpu.vector_store_idx %arg6[%add3A_14, %get3A_362], %broadcast_in_dim3A_3 {add = true} : memref<128x256xf32, #tpu.memory_space<vmem>>[vector<16xi32>, vector<16xi32>], vector<16xf32>,
        %get3A_363 = arith.constant 5 : i32
        %get3A_364 = arith.index_cast %scan3A_148 : i32 to index
        %get3A_365 = arith.index_cast %get3A_363 : i32 to index
        %get3A_366 = arith.constant 48 : index
        %get3A_367 = tpu.vector_load %arg4[%get3A_364, %get3A_365, %get3A_366] {strides = array<i32>} : memref<17x17x128xi32, #tpu.memory_space<vmem>>, vector<16xi32>,
        tpu.vector_store_idx %arg6[%add3A_17, %get3A_367], %broadcast_in_dim3A_3 {add = true} : memref<128x256xf32, #tpu.memory_space<vmem>>[vector<16xi32>, vector<16xi32>], vector<16xf32>,
        %get3A_368 = arith.constant 5 : i32
        %get3A_369 = arith.index_cast %scan3A_148 : i32 to index
        %get3A_370 = arith.index_cast %get3A_368 : i32 to index
        %get3A_371 = arith.constant 64 : index
        %get3A_372 = tpu.vector_load %arg4[%get3A_369, %get3A_370, %get3A_371] {strides = array<i32>} : memref<17x17x128xi32, #tpu.memory_space<vmem>>, vector<16xi32>,
        tpu.vector_store_idx %arg6[%add3A_20, %get3A_372], %broadcast_in_dim3A_3 {add = true} : memref<128x256xf32, #tpu.memory_space<vmem>>[vector<16xi32>, vector<16xi32>], vector<16xf32>,
        %get3A_373 = arith.constant 5 : i32
        %get3A_374 = arith.index_cast %scan3A_148 : i32 to index
        %get3A_375 = arith.index_cast %get3A_373 : i32 to index
        %get3A_376 = arith.constant 80 : index
        %get3A_377 = tpu.vector_load %arg4[%get3A_374, %get3A_375, %get3A_376] {strides = array<i32>} : memref<17x17x128xi32, #tpu.memory_space<vmem>>, vector<16xi32>,
        tpu.vector_store_idx %arg6[%add3A_23, %get3A_377], %broadcast_in_dim3A_3 {add = true} : memref<128x256xf32, #tpu.memory_space<vmem>>[vector<16xi32>, vector<16xi32>], vector<16xf32>,
        %get3A_378 = arith.constant 5 : i32
        %get3A_379 = arith.index_cast %scan3A_148 : i32 to index
        %get3A_380 = arith.index_cast %get3A_378 : i32 to index
        %get3A_381 = arith.constant 96 : index
        %get3A_382 = tpu.vector_load %arg4[%get3A_379, %get3A_380, %get3A_381] {strides = array<i32>} : memref<17x17x128xi32, #tpu.memory_space<vmem>>, vector<16xi32>,
        tpu.vector_store_idx %arg6[%add3A_26, %get3A_382], %broadcast_in_dim3A_3 {add = true} : memref<128x256xf32, #tpu.memory_space<vmem>>[vector<16xi32>, vector<16xi32>], vector<16xf32>,
        %get3A_383 = arith.constant 5 : i32
        %get3A_384 = arith.index_cast %scan3A_148 : i32 to index
        %get3A_385 = arith.index_cast %get3A_383 : i32 to index
        %get3A_386 = arith.constant 112 : index
        %get3A_387 = tpu.vector_load %arg4[%get3A_384, %get3A_385, %get3A_386] {strides = array<i32>} : memref<17x17x128xi32, #tpu.memory_space<vmem>>, vector<16xi32>,
        tpu.vector_store_idx %arg6[%add3A_29, %get3A_387], %broadcast_in_dim3A_3 {add = true} : memref<128x256xf32, #tpu.memory_space<vmem>>[vector<16xi32>, vector<16xi32>], vector<16xf32>,
        %get3A_388 = arith.constant 6 : i32
        %get3A_389 = arith.index_cast %scan3A_148 : i32 to index
        %get3A_390 = arith.index_cast %get3A_388 : i32 to index
        %get3A_391 = arith.constant 0 : index
        %get3A_392 = tpu.vector_load %arg4[%get3A_389, %get3A_390, %get3A_391] {strides = array<i32>} : memref<17x17x128xi32, #tpu.memory_space<vmem>>, vector<16xi32>,
        tpu.vector_store_idx %arg6[%add3A_8, %get3A_392], %broadcast_in_dim3A_3 {add = true} : memref<128x256xf32, #tpu.memory_space<vmem>>[vector<16xi32>, vector<16xi32>], vector<16xf32>,
        %get3A_393 = arith.constant 6 : i32
        %get3A_394 = arith.index_cast %scan3A_148 : i32 to index
        %get3A_395 = arith.index_cast %get3A_393 : i32 to index
        %get3A_396 = arith.constant 16 : index
        %get3A_397 = tpu.vector_load %arg4[%get3A_394, %get3A_395, %get3A_396] {strides = array<i32>} : memref<17x17x128xi32, #tpu.memory_space<vmem>>, vector<16xi32>,
        tpu.vector_store_idx %arg6[%add3A_11, %get3A_397], %broadcast_in_dim3A_3 {add = true} : memref<128x256xf32, #tpu.memory_space<vmem>>[vector<16xi32>, vector<16xi32>], vector<16xf32>,
        %get3A_398 = arith.constant 6 : i32
        %get3A_399 = arith.index_cast %scan3A_148 : i32 to index
        %get3A_400 = arith.index_cast %get3A_398 : i32 to index
        %get3A_401 = arith.constant 32 : index
        %get3A_402 = tpu.vector_load %arg4[%get3A_399, %get3A_400, %get3A_401] {strides = array<i32>} : memref<17x17x128xi32, #tpu.memory_space<vmem>>, vector<16xi32>,
        tpu.vector_store_idx %arg6[%add3A_14, %get3A_402], %broadcast_in_dim3A_3 {add = true} : memref<128x256xf32, #tpu.memory_space<vmem>>[vector<16xi32>, vector<16xi32>], vector<16xf32>,
        %get3A_403 = arith.constant 6 : i32
        %get3A_404 = arith.index_cast %scan3A_148 : i32 to index
        %get3A_405 = arith.index_cast %get3A_403 : i32 to index
        %get3A_406 = arith.constant 48 : index
        %get3A_407 = tpu.vector_load %arg4[%get3A_404, %get3A_405, %get3A_406] {strides = array<i32>} : memref<17x17x128xi32, #tpu.memory_space<vmem>>, vector<16xi32>,
        tpu.vector_store_idx %arg6[%add3A_17, %get3A_407], %broadcast_in_dim3A_3 {add = true} : memref<128x256xf32, #tpu.memory_space<vmem>>[vector<16xi32>, vector<16xi32>], vector<16xf32>,
        %get3A_408 = arith.constant 6 : i32
        %get3A_409 = arith.index_cast %scan3A_148 : i32 to index
        %get3A_410 = arith.index_cast %get3A_408 : i32 to index
        %get3A_411 = arith.constant 64 : index
        %get3A_412 = tpu.vector_load %arg4[%get3A_409, %get3A_410, %get3A_411] {strides = array<i32>} : memref<17x17x128xi32, #tpu.memory_space<vmem>>, vector<16xi32>,
        tpu.vector_store_idx %arg6[%add3A_20, %get3A_412], %broadcast_in_dim3A_3 {add = true} : memref<128x256xf32, #tpu.memory_space<vmem>>[vector<16xi32>, vector<16xi32>], vector<16xf32>,
        %get3A_413 = arith.constant 6 : i32
        %get3A_414 = arith.index_cast %scan3A_148 : i32 to index
        %get3A_415 = arith.index_cast %get3A_413 : i32 to index
        %get3A_416 = arith.constant 80 : index
        %get3A_417 = tpu.vector_load %arg4[%get3A_414, %get3A_415, %get3A_416] {strides = array<i32>} : memref<17x17x128xi32, #tpu.memory_space<vmem>>, vector<16xi32>,
        tpu.vector_store_idx %arg6[%add3A_23, %get3A_417], %broadcast_in_dim3A_3 {add = true} : memref<128x256xf32, #tpu.memory_space<vmem>>[vector<16xi32>, vector<16xi32>], vector<16xf32>,
        %get3A_418 = arith.constant 6 : i32
        %get3A_419 = arith.index_cast %scan3A_148 : i32 to index
        %get3A_420 = arith.index_cast %get3A_418 : i32 to index
        %get3A_421 = arith.constant 96 : index
        %get3A_422 = tpu.vector_load %arg4[%get3A_419, %get3A_420, %get3A_421] {strides = array<i32>} : memref<17x17x128xi32, #tpu.memory_space<vmem>>, vector<16xi32>,
        tpu.vector_store_idx %arg6[%add3A_26, %get3A_422], %broadcast_in_dim3A_3 {add = true} : memref<128x256xf32, #tpu.memory_space<vmem>>[vector<16xi32>, vector<16xi32>], vector<16xf32>,
        %get3A_423 = arith.constant 6 : i32
        %get3A_424 = arith.index_cast %scan3A_148 : i32 to index
        %get3A_425 = arith.index_cast %get3A_423 : i32 to index
        %get3A_426 = arith.constant 112 : index
        %get3A_427 = tpu.vector_load %arg4[%get3A_424, %get3A_425, %get3A_426] {strides = array<i32>} : memref<17x17x128xi32, #tpu.memory_space<vmem>>, vector<16xi32>,
        tpu.vector_store_idx %arg6[%add3A_29, %get3A_427], %broadcast_in_dim3A_3 {add = true} : memref<128x256xf32, #tpu.memory_space<vmem>>[vector<16xi32>, vector<16xi32>], vector<16xf32>,
        %get3A_428 = arith.constant 7 : i32
        %get3A_429 = arith.index_cast %scan3A_148 : i32 to index
        %get3A_430 = arith.index_cast %get3A_428 : i32 to index
        %get3A_431 = arith.constant 0 : index
        %get3A_432 = tpu.vector_load %arg4[%get3A_429, %get3A_430, %get3A_431] {strides = array<i32>} : memref<17x17x128xi32, #tpu.memory_space<vmem>>, vector<16xi32>,
        tpu.vector_store_idx %arg6[%add3A_8, %get3A_432], %broadcast_in_dim3A_3 {add = true} : memref<128x256xf32, #tpu.memory_space<vmem>>[vector<16xi32>, vector<16xi32>], vector<16xf32>,
        %get3A_433 = arith.constant 7 : i32
        %get3A_434 = arith.index_cast %scan3A_148 : i32 to index
        %get3A_435 = arith.index_cast %get3A_433 : i32 to index
        %get3A_436 = arith.constant 16 : index
        %get3A_437 = tpu.vector_load %arg4[%get3A_434, %get3A_435, %get3A_436] {strides = array<i32>} : memref<17x17x128xi32, #tpu.memory_space<vmem>>, vector<16xi32>,
        tpu.vector_store_idx %arg6[%add3A_11, %get3A_437], %broadcast_in_dim3A_3 {add = true} : memref<128x256xf32, #tpu.memory_space<vmem>>[vector<16xi32>, vector<16xi32>], vector<16xf32>,
        %get3A_438 = arith.constant 7 : i32
        %get3A_439 = arith.index_cast %scan3A_148 : i32 to index
        %get3A_440 = arith.index_cast %get3A_438 : i32 to index
        %get3A_441 = arith.constant 32 : index
        %get3A_442 = tpu.vector_load %arg4[%get3A_439, %get3A_440, %get3A_441] {strides = array<i32>} : memref<17x17x128xi32, #tpu.memory_space<vmem>>, vector<16xi32>,
        tpu.vector_store_idx %arg6[%add3A_14, %get3A_442], %broadcast_in_dim3A_3 {add = true} : memref<128x256xf32, #tpu.memory_space<vmem>>[vector<16xi32>, vector<16xi32>], vector<16xf32>,
        %get3A_443 = arith.constant 7 : i32
        %get3A_444 = arith.index_cast %scan3A_148 : i32 to index
        %get3A_445 = arith.index_cast %get3A_443 : i32 to index
        %get3A_446 = arith.constant 48 : index
        %get3A_447 = tpu.vector_load %arg4[%get3A_444, %get3A_445, %get3A_446] {strides = array<i32>} : memref<17x17x128xi32, #tpu.memory_space<vmem>>, vector<16xi32>,
        tpu.vector_store_idx %arg6[%add3A_17, %get3A_447], %broadcast_in_dim3A_3 {add = true} : memref<128x256xf32, #tpu.memory_space<vmem>>[vector<16xi32>, vector<16xi32>], vector<16xf32>,
        %get3A_448 = arith.constant 7 : i32
        %get3A_449 = arith.index_cast %scan3A_148 : i32 to index
        %get3A_450 = arith.index_cast %get3A_448 : i32 to index
        %get3A_451 = arith.constant 64 : index
        %get3A_452 = tpu.vector_load %arg4[%get3A_449, %get3A_450, %get3A_451] {strides = array<i32>} : memref<17x17x128xi32, #tpu.memory_space<vmem>>, vector<16xi32>,
        tpu.vector_store_idx %arg6[%add3A_20, %get3A_452], %broadcast_in_dim3A_3 {add = true} : memref<128x256xf32, #tpu.memory_space<vmem>>[vector<16xi32>, vector<16xi32>], vector<16xf32>,
        %get3A_453 = arith.constant 7 : i32
        %get3A_454 = arith.index_cast %scan3A_148 : i32 to index
        %get3A_455 = arith.index_cast %get3A_453 : i32 to index
        %get3A_456 = arith.constant 80 : index
        %get3A_457 = tpu.vector_load %arg4[%get3A_454, %get3A_455, %get3A_456] {strides = array<i32>} : memref<17x17x128xi32, #tpu.memory_space<vmem>>, vector<16xi32>,
        tpu.vector_store_idx %arg6[%add3A_23, %get3A_457], %broadcast_in_dim3A_3 {add = true} : memref<128x256xf32, #tpu.memory_space<vmem>>[vector<16xi32>, vector<16xi32>], vector<16xf32>,
        %get3A_458 = arith.constant 7 : i32
        %get3A_459 = arith.index_cast %scan3A_148 : i32 to index
        %get3A_460 = arith.index_cast %get3A_458 : i32 to index
        %get3A_461 = arith.constant 96 : index
        %get3A_462 = tpu.vector_load %arg4[%get3A_459, %get3A_460, %get3A_461] {strides = array<i32>} : memref<17x17x128xi32, #tpu.memory_space<vmem>>, vector<16xi32>,
        tpu.vector_store_idx %arg6[%add3A_26, %get3A_462], %broadcast_in_dim3A_3 {add = true} : memref<128x256xf32, #tpu.memory_space<vmem>>[vector<16xi32>, vector<16xi32>], vector<16xf32>,
        %get3A_463 = arith.constant 7 : i32
        %get3A_464 = arith.index_cast %scan3A_148 : i32 to index
        %get3A_465 = arith.index_cast %get3A_463 : i32 to index
        %get3A_466 = arith.constant 112 : index
        %get3A_467 = tpu.vector_load %arg4[%get3A_464, %get3A_465, %get3A_466] {strides = array<i32>} : memref<17x17x128xi32, #tpu.memory_space<vmem>>, vector<16xi32>,
        tpu.vector_store_idx %arg6[%add3A_29, %get3A_467], %broadcast_in_dim3A_3 {add = true} : memref<128x256xf32, #tpu.memory_space<vmem>>[vector<16xi32>, vector<16xi32>], vector<16xf32>,
        %get3A_468 = arith.constant 8 : i32
        %get3A_469 = arith.index_cast %scan3A_148 : i32 to index
        %get3A_470 = arith.index_cast %get3A_468 : i32 to index
        %get3A_471 = arith.constant 0 : index
        %get3A_472 = tpu.vector_load %arg4[%get3A_469, %get3A_470, %get3A_471] {strides = array<i32>} : memref<17x17x128xi32, #tpu.memory_space<vmem>>, vector<16xi32>,
        tpu.vector_store_idx %arg6[%add3A_8, %get3A_472], %broadcast_in_dim3A_3 {add = true} : memref<128x256xf32, #tpu.memory_space<vmem>>[vector<16xi32>, vector<16xi32>], vector<16xf32>,
        %get3A_473 = arith.constant 8 : i32
        %get3A_474 = arith.index_cast %scan3A_148 : i32 to index
        %get3A_475 = arith.index_cast %get3A_473 : i32 to index
        %get3A_476 = arith.constant 16 : index
        %get3A_477 = tpu.vector_load %arg4[%get3A_474, %get3A_475, %get3A_476] {strides = array<i32>} : memref<17x17x128xi32, #tpu.memory_space<vmem>>, vector<16xi32>,
        tpu.vector_store_idx %arg6[%add3A_11, %get3A_477], %broadcast_in_dim3A_3 {add = true} : memref<128x256xf32, #tpu.memory_space<vmem>>[vector<16xi32>, vector<16xi32>], vector<16xf32>,
        %get3A_478 = arith.constant 8 : i32
        %get3A_479 = arith.index_cast %scan3A_148 : i32 to index
        %get3A_480 = arith.index_cast %get3A_478 : i32 to index
        %get3A_481 = arith.constant 32 : index
        %get3A_482 = tpu.vector_load %arg4[%get3A_479, %get3A_480, %get3A_481] {strides = array<i32>} : memref<17x17x128xi32, #tpu.memory_space<vmem>>, vector<16xi32>,
        tpu.vector_store_idx %arg6[%add3A_14, %get3A_482], %broadcast_in_dim3A_3 {add = true} : memref<128x256xf32, #tpu.memory_space<vmem>>[vector<16xi32>, vector<16xi32>], vector<16xf32>,
        %get3A_483 = arith.constant 8 : i32
        %get3A_484 = arith.index_cast %scan3A_148 : i32 to index
        %get3A_485 = arith.index_cast %get3A_483 : i32 to index
        %get3A_486 = arith.constant 48 : index
        %get3A_487 = tpu.vector_load %arg4[%get3A_484, %get3A_485, %get3A_486] {strides = array<i32>} : memref<17x17x128xi32, #tpu.memory_space<vmem>>, vector<16xi32>,
        tpu.vector_store_idx %arg6[%add3A_17, %get3A_487], %broadcast_in_dim3A_3 {add = true} : memref<128x256xf32, #tpu.memory_space<vmem>>[vector<16xi32>, vector<16xi32>], vector<16xf32>,
        %get3A_488 = arith.constant 8 : i32
        %get3A_489 = arith.index_cast %scan3A_148 : i32 to index
        %get3A_490 = arith.index_cast %get3A_488 : i32 to index
        %get3A_491 = arith.constant 64 : index
        %get3A_492 = tpu.vector_load %arg4[%get3A_489, %get3A_490, %get3A_491] {strides = array<i32>} : memref<17x17x128xi32, #tpu.memory_space<vmem>>, vector<16xi32>,
        tpu.vector_store_idx %arg6[%add3A_20, %get3A_492], %broadcast_in_dim3A_3 {add = true} : memref<128x256xf32, #tpu.memory_space<vmem>>[vector<16xi32>, vector<16xi32>], vector<16xf32>,
        %get3A_493 = arith.constant 8 : i32
        %get3A_494 = arith.index_cast %scan3A_148 : i32 to index
        %get3A_495 = arith.index_cast %get3A_493 : i32 to index
        %get3A_496 = arith.constant 80 : index
        %get3A_497 = tpu.vector_load %arg4[%get3A_494, %get3A_495, %get3A_496] {strides = array<i32>} : memref<17x17x128xi32, #tpu.memory_space<vmem>>, vector<16xi32>,
        tpu.vector_store_idx %arg6[%add3A_23, %get3A_497], %broadcast_in_dim3A_3 {add = true} : memref<128x256xf32, #tpu.memory_space<vmem>>[vector<16xi32>, vector<16xi32>], vector<16xf32>,
        %get3A_498 = arith.constant 8 : i32
        %get3A_499 = arith.index_cast %scan3A_148 : i32 to index
        %get3A_500 = arith.index_cast %get3A_498 : i32 to index
        %get3A_501 = arith.constant 96 : index
        %get3A_502 = tpu.vector_load %arg4[%get3A_499, %get3A_500, %get3A_501] {strides = array<i32>} : memref<17x17x128xi32, #tpu.memory_space<vmem>>, vector<16xi32>,
        tpu.vector_store_idx %arg6[%add3A_26, %get3A_502], %broadcast_in_dim3A_3 {add = true} : memref<128x256xf32, #tpu.memory_space<vmem>>[vector<16xi32>, vector<16xi32>], vector<16xf32>,
        %get3A_503 = arith.constant 8 : i32
        %get3A_504 = arith.index_cast %scan3A_148 : i32 to index
        %get3A_505 = arith.index_cast %get3A_503 : i32 to index
        %get3A_506 = arith.constant 112 : index
        %get3A_507 = tpu.vector_load %arg4[%get3A_504, %get3A_505, %get3A_506] {strides = array<i32>} : memref<17x17x128xi32, #tpu.memory_space<vmem>>, vector<16xi32>,
        tpu.vector_store_idx %arg6[%add3A_29, %get3A_507], %broadcast_in_dim3A_3 {add = true} : memref<128x256xf32, #tpu.memory_space<vmem>>[vector<16xi32>, vector<16xi32>], vector<16xf32>,
        %get3A_508 = arith.constant 9 : i32
        %get3A_509 = arith.index_cast %scan3A_148 : i32 to index
        %get3A_510 = arith.index_cast %get3A_508 : i32 to index
        %get3A_511 = arith.constant 0 : index
        %get3A_512 = tpu.vector_load %arg4[%get3A_509, %get3A_510, %get3A_511] {strides = array<i32>} : memref<17x17x128xi32, #tpu.memory_space<vmem>>, vector<16xi32>,
        tpu.vector_store_idx %arg6[%add3A_8, %get3A_512], %broadcast_in_dim3A_3 {add = true} : memref<128x256xf32, #tpu.memory_space<vmem>>[vector<16xi32>, vector<16xi32>], vector<16xf32>,
        %get3A_513 = arith.constant 9 : i32
        %get3A_514 = arith.index_cast %scan3A_148 : i32 to index
        %get3A_515 = arith.index_cast %get3A_513 : i32 to index
        %get3A_516 = arith.constant 16 : index
        %get3A_517 = tpu.vector_load %arg4[%get3A_514, %get3A_515, %get3A_516] {strides = array<i32>} : memref<17x17x128xi32, #tpu.memory_space<vmem>>, vector<16xi32>,
        tpu.vector_store_idx %arg6[%add3A_11, %get3A_517], %broadcast_in_dim3A_3 {add = true} : memref<128x256xf32, #tpu.memory_space<vmem>>[vector<16xi32>, vector<16xi32>], vector<16xf32>,
        %get3A_518 = arith.constant 9 : i32
        %get3A_519 = arith.index_cast %scan3A_148 : i32 to index
        %get3A_520 = arith.index_cast %get3A_518 : i32 to index
        %get3A_521 = arith.constant 32 : index
        %get3A_522 = tpu.vector_load %arg4[%get3A_519, %get3A_520, %get3A_521] {strides = array<i32>} : memref<17x17x128xi32, #tpu.memory_space<vmem>>, vector<16xi32>,
        tpu.vector_store_idx %arg6[%add3A_14, %get3A_522], %broadcast_in_dim3A_3 {add = true} : memref<128x256xf32, #tpu.memory_space<vmem>>[vector<16xi32>, vector<16xi32>], vector<16xf32>,
        %get3A_523 = arith.constant 9 : i32
        %get3A_524 = arith.index_cast %scan3A_148 : i32 to index
        %get3A_525 = arith.index_cast %get3A_523 : i32 to index
        %get3A_526 = arith.constant 48 : index
        %get3A_527 = tpu.vector_load %arg4[%get3A_524, %get3A_525, %get3A_526] {strides = array<i32>} : memref<17x17x128xi32, #tpu.memory_space<vmem>>, vector<16xi32>,
        tpu.vector_store_idx %arg6[%add3A_17, %get3A_527], %broadcast_in_dim3A_3 {add = true} : memref<128x256xf32, #tpu.memory_space<vmem>>[vector<16xi32>, vector<16xi32>], vector<16xf32>,
        %get3A_528 = arith.constant 9 : i32
        %get3A_529 = arith.index_cast %scan3A_148 : i32 to index
        %get3A_530 = arith.index_cast %get3A_528 : i32 to index
        %get3A_531 = arith.constant 64 : index
        %get3A_532 = tpu.vector_load %arg4[%get3A_529, %get3A_530, %get3A_531] {strides = array<i32>} : memref<17x17x128xi32, #tpu.memory_space<vmem>>, vector<16xi32>,
        tpu.vector_store_idx %arg6[%add3A_20, %get3A_532], %broadcast_in_dim3A_3 {add = true} : memref<128x256xf32, #tpu.memory_space<vmem>>[vector<16xi32>, vector<16xi32>], vector<16xf32>,
        %get3A_533 = arith.constant 9 : i32
        %get3A_534 = arith.index_cast %scan3A_148 : i32 to index
        %get3A_535 = arith.index_cast %get3A_533 : i32 to index
        %get3A_536 = arith.constant 80 : index
        %get3A_537 = tpu.vector_load %arg4[%get3A_534, %get3A_535, %get3A_536] {strides = array<i32>} : memref<17x17x128xi32, #tpu.memory_space<vmem>>, vector<16xi32>,
        tpu.vector_store_idx %arg6[%add3A_23, %get3A_537], %broadcast_in_dim3A_3 {add = true} : memref<128x256xf32, #tpu.memory_space<vmem>>[vector<16xi32>, vector<16xi32>], vector<16xf32>,
        %get3A_538 = arith.constant 9 : i32
        %get3A_539 = arith.index_cast %scan3A_148 : i32 to index
        %get3A_540 = arith.index_cast %get3A_538 : i32 to index
        %get3A_541 = arith.constant 96 : index
        %get3A_542 = tpu.vector_load %arg4[%get3A_539, %get3A_540, %get3A_541] {strides = array<i32>} : memref<17x17x128xi32, #tpu.memory_space<vmem>>, vector<16xi32>,
        tpu.vector_store_idx %arg6[%add3A_26, %get3A_542], %broadcast_in_dim3A_3 {add = true} : memref<128x256xf32, #tpu.memory_space<vmem>>[vector<16xi32>, vector<16xi32>], vector<16xf32>,
        %get3A_543 = arith.constant 9 : i32
        %get3A_544 = arith.index_cast %scan3A_148 : i32 to index
        %get3A_545 = arith.index_cast %get3A_543 : i32 to index
        %get3A_546 = arith.constant 112 : index
        %get3A_547 = tpu.vector_load %arg4[%get3A_544, %get3A_545, %get3A_546] {strides = array<i32>} : memref<17x17x128xi32, #tpu.memory_space<vmem>>, vector<16xi32>,
        tpu.vector_store_idx %arg6[%add3A_29, %get3A_547], %broadcast_in_dim3A_3 {add = true} : memref<128x256xf32, #tpu.memory_space<vmem>>[vector<16xi32>, vector<16xi32>], vector<16xf32>,
        %get3A_548 = arith.constant 10 : i32
        %get3A_549 = arith.index_cast %scan3A_148 : i32 to index
        %get3A_550 = arith.index_cast %get3A_548 : i32 to index
        %get3A_551 = arith.constant 0 : index
        %get3A_552 = tpu.vector_load %arg4[%get3A_549, %get3A_550, %get3A_551] {strides = array<i32>} : memref<17x17x128xi32, #tpu.memory_space<vmem>>, vector<16xi32>,
        tpu.vector_store_idx %arg6[%add3A_8, %get3A_552], %broadcast_in_dim3A_3 {add = true} : memref<128x256xf32, #tpu.memory_space<vmem>>[vector<16xi32>, vector<16xi32>], vector<16xf32>,
        %get3A_553 = arith.constant 10 : i32
        %get3A_554 = arith.index_cast %scan3A_148 : i32 to index
        %get3A_555 = arith.index_cast %get3A_553 : i32 to index
        %get3A_556 = arith.constant 16 : index
        %get3A_557 = tpu.vector_load %arg4[%get3A_554, %get3A_555, %get3A_556] {strides = array<i32>} : memref<17x17x128xi32, #tpu.memory_space<vmem>>, vector<16xi32>,
        tpu.vector_store_idx %arg6[%add3A_11, %get3A_557], %broadcast_in_dim3A_3 {add = true} : memref<128x256xf32, #tpu.memory_space<vmem>>[vector<16xi32>, vector<16xi32>], vector<16xf32>,
        %get3A_558 = arith.constant 10 : i32
        %get3A_559 = arith.index_cast %scan3A_148 : i32 to index
        %get3A_560 = arith.index_cast %get3A_558 : i32 to index
        %get3A_561 = arith.constant 32 : index
        %get3A_562 = tpu.vector_load %arg4[%get3A_559, %get3A_560, %get3A_561] {strides = array<i32>} : memref<17x17x128xi32, #tpu.memory_space<vmem>>, vector<16xi32>,
        tpu.vector_store_idx %arg6[%add3A_14, %get3A_562], %broadcast_in_dim3A_3 {add = true} : memref<128x256xf32, #tpu.memory_space<vmem>>[vector<16xi32>, vector<16xi32>], vector<16xf32>,
        %get3A_563 = arith.constant 10 : i32
        %get3A_564 = arith.index_cast %scan3A_148 : i32 to index
        %get3A_565 = arith.index_cast %get3A_563 : i32 to index
        %get3A_566 = arith.constant 48 : index
        %get3A_567 = tpu.vector_load %arg4[%get3A_564, %get3A_565, %get3A_566] {strides = array<i32>} : memref<17x17x128xi32, #tpu.memory_space<vmem>>, vector<16xi32>,
        tpu.vector_store_idx %arg6[%add3A_17, %get3A_567], %broadcast_in_dim3A_3 {add = true} : memref<128x256xf32, #tpu.memory_space<vmem>>[vector<16xi32>, vector<16xi32>], vector<16xf32>,
        %get3A_568 = arith.constant 10 : i32
        %get3A_569 = arith.index_cast %scan3A_148 : i32 to index
        %get3A_570 = arith.index_cast %get3A_568 : i32 to index
        %get3A_571 = arith.constant 64 : index
        %get3A_572 = tpu.vector_load %arg4[%get3A_569, %get3A_570, %get3A_571] {strides = array<i32>} : memref<17x17x128xi32, #tpu.memory_space<vmem>>, vector<16xi32>,
        tpu.vector_store_idx %arg6[%add3A_20, %get3A_572], %broadcast_in_dim3A_3 {add = true} : memref<128x256xf32, #tpu.memory_space<vmem>>[vector<16xi32>, vector<16xi32>], vector<16xf32>,
        %get3A_573 = arith.constant 10 : i32
        %get3A_574 = arith.index_cast %scan3A_148 : i32 to index
        %get3A_575 = arith.index_cast %get3A_573 : i32 to index
        %get3A_576 = arith.constant 80 : index
        %get3A_577 = tpu.vector_load %arg4[%get3A_574, %get3A_575, %get3A_576] {strides = array<i32>} : memref<17x17x128xi32, #tpu.memory_space<vmem>>, vector<16xi32>,
        tpu.vector_store_idx %arg6[%add3A_23, %get3A_577], %broadcast_in_dim3A_3 {add = true} : memref<128x256xf32, #tpu.memory_space<vmem>>[vector<16xi32>, vector<16xi32>], vector<16xf32>,
        %get3A_578 = arith.constant 10 : i32
        %get3A_579 = arith.index_cast %scan3A_148 : i32 to index
        %get3A_580 = arith.index_cast %get3A_578 : i32 to index
        %get3A_581 = arith.constant 96 : index
        %get3A_582 = tpu.vector_load %arg4[%get3A_579, %get3A_580, %get3A_581] {strides = array<i32>} : memref<17x17x128xi32, #tpu.memory_space<vmem>>, vector<16xi32>,
        tpu.vector_store_idx %arg6[%add3A_26, %get3A_582], %broadcast_in_dim3A_3 {add = true} : memref<128x256xf32, #tpu.memory_space<vmem>>[vector<16xi32>, vector<16xi32>], vector<16xf32>,
        %get3A_583 = arith.constant 10 : i32
        %get3A_584 = arith.index_cast %scan3A_148 : i32 to index
        %get3A_585 = arith.index_cast %get3A_583 : i32 to index
        %get3A_586 = arith.constant 112 : index
        %get3A_587 = tpu.vector_load %arg4[%get3A_584, %get3A_585, %get3A_586] {strides = array<i32>} : memref<17x17x128xi32, #tpu.memory_space<vmem>>, vector<16xi32>,
        tpu.vector_store_idx %arg6[%add3A_29, %get3A_587], %broadcast_in_dim3A_3 {add = true} : memref<128x256xf32, #tpu.memory_space<vmem>>[vector<16xi32>, vector<16xi32>], vector<16xf32>,
        %get3A_588 = arith.constant 11 : i32
        %get3A_589 = arith.index_cast %scan3A_148 : i32 to index
        %get3A_590 = arith.index_cast %get3A_588 : i32 to index
        %get3A_591 = arith.constant 0 : index
        %get3A_592 = tpu.vector_load %arg4[%get3A_589, %get3A_590, %get3A_591] {strides = array<i32>} : memref<17x17x128xi32, #tpu.memory_space<vmem>>, vector<16xi32>,
        tpu.vector_store_idx %arg6[%add3A_8, %get3A_592], %broadcast_in_dim3A_3 {add = true} : memref<128x256xf32, #tpu.memory_space<vmem>>[vector<16xi32>, vector<16xi32>], vector<16xf32>,
        %get3A_593 = arith.constant 11 : i32
        %get3A_594 = arith.index_cast %scan3A_148 : i32 to index
        %get3A_595 = arith.index_cast %get3A_593 : i32 to index
        %get3A_596 = arith.constant 16 : index
        %get3A_597 = tpu.vector_load %arg4[%get3A_594, %get3A_595, %get3A_596] {strides = array<i32>} : memref<17x17x128xi32, #tpu.memory_space<vmem>>, vector<16xi32>,
        tpu.vector_store_idx %arg6[%add3A_11, %get3A_597], %broadcast_in_dim3A_3 {add = true} : memref<128x256xf32, #tpu.memory_space<vmem>>[vector<16xi32>, vector<16xi32>], vector<16xf32>,
        %get3A_598 = arith.constant 11 : i32
        %get3A_599 = arith.index_cast %scan3A_148 : i32 to index
        %get3A_600 = arith.index_cast %get3A_598 : i32 to index
        %get3A_601 = arith.constant 32 : index
        %get3A_602 = tpu.vector_load %arg4[%get3A_599, %get3A_600, %get3A_601] {strides = array<i32>} : memref<17x17x128xi32, #tpu.memory_space<vmem>>, vector<16xi32>,
        tpu.vector_store_idx %arg6[%add3A_14, %get3A_602], %broadcast_in_dim3A_3 {add = true} : memref<128x256xf32, #tpu.memory_space<vmem>>[vector<16xi32>, vector<16xi32>], vector<16xf32>,
        %get3A_603 = arith.constant 11 : i32
        %get3A_604 = arith.index_cast %scan3A_148 : i32 to index
        %get3A_605 = arith.index_cast %get3A_603 : i32 to index
        %get3A_606 = arith.constant 48 : index
        %get3A_607 = tpu.vector_load %arg4[%get3A_604, %get3A_605, %get3A_606] {strides = array<i32>} : memref<17x17x128xi32, #tpu.memory_space<vmem>>, vector<16xi32>,
        tpu.vector_store_idx %arg6[%add3A_17, %get3A_607], %broadcast_in_dim3A_3 {add = true} : memref<128x256xf32, #tpu.memory_space<vmem>>[vector<16xi32>, vector<16xi32>], vector<16xf32>,
        %get3A_608 = arith.constant 11 : i32
        %get3A_609 = arith.index_cast %scan3A_148 : i32 to index
        %get3A_610 = arith.index_cast %get3A_608 : i32 to index
        %get3A_611 = arith.constant 64 : index
        %get3A_612 = tpu.vector_load %arg4[%get3A_609, %get3A_610, %get3A_611] {strides = array<i32>} : memref<17x17x128xi32, #tpu.memory_space<vmem>>, vector<16xi32>,
        tpu.vector_store_idx %arg6[%add3A_20, %get3A_612], %broadcast_in_dim3A_3 {add = true} : memref<128x256xf32, #tpu.memory_space<vmem>>[vector<16xi32>, vector<16xi32>], vector<16xf32>,
        %get3A_613 = arith.constant 11 : i32
        %get3A_614 = arith.index_cast %scan3A_148 : i32 to index
        %get3A_615 = arith.index_cast %get3A_613 : i32 to index
        %get3A_616 = arith.constant 80 : index
        %get3A_617 = tpu.vector_load %arg4[%get3A_614, %get3A_615, %get3A_616] {strides = array<i32>} : memref<17x17x128xi32, #tpu.memory_space<vmem>>, vector<16xi32>,
        tpu.vector_store_idx %arg6[%add3A_23, %get3A_617], %broadcast_in_dim3A_3 {add = true} : memref<128x256xf32, #tpu.memory_space<vmem>>[vector<16xi32>, vector<16xi32>], vector<16xf32>,
        %get3A_618 = arith.constant 11 : i32
        %get3A_619 = arith.index_cast %scan3A_148 : i32 to index
        %get3A_620 = arith.index_cast %get3A_618 : i32 to index
        %get3A_621 = arith.constant 96 : index
        %get3A_622 = tpu.vector_load %arg4[%get3A_619, %get3A_620, %get3A_621] {strides = array<i32>} : memref<17x17x128xi32, #tpu.memory_space<vmem>>, vector<16xi32>,
        tpu.vector_store_idx %arg6[%add3A_26, %get3A_622], %broadcast_in_dim3A_3 {add = true} : memref<128x256xf32, #tpu.memory_space<vmem>>[vector<16xi32>, vector<16xi32>], vector<16xf32>,
        %get3A_623 = arith.constant 11 : i32
        %get3A_624 = arith.index_cast %scan3A_148 : i32 to index
        %get3A_625 = arith.index_cast %get3A_623 : i32 to index
        %get3A_626 = arith.constant 112 : index
        %get3A_627 = tpu.vector_load %arg4[%get3A_624, %get3A_625, %get3A_626] {strides = array<i32>} : memref<17x17x128xi32, #tpu.memory_space<vmem>>, vector<16xi32>,
        tpu.vector_store_idx %arg6[%add3A_29, %get3A_627], %broadcast_in_dim3A_3 {add = true} : memref<128x256xf32, #tpu.memory_space<vmem>>[vector<16xi32>, vector<16xi32>], vector<16xf32>,
        %get3A_628 = arith.constant 12 : i32
        %get3A_629 = arith.index_cast %scan3A_148 : i32 to index
        %get3A_630 = arith.index_cast %get3A_628 : i32 to index
        %get3A_631 = arith.constant 0 : index
        %get3A_632 = tpu.vector_load %arg4[%get3A_629, %get3A_630, %get3A_631] {strides = array<i32>} : memref<17x17x128xi32, #tpu.memory_space<vmem>>, vector<16xi32>,
        tpu.vector_store_idx %arg6[%add3A_8, %get3A_632], %broadcast_in_dim3A_3 {add = true} : memref<128x256xf32, #tpu.memory_space<vmem>>[vector<16xi32>, vector<16xi32>], vector<16xf32>,
        %get3A_633 = arith.constant 12 : i32
        %get3A_634 = arith.index_cast %scan3A_148 : i32 to index
        %get3A_635 = arith.index_cast %get3A_633 : i32 to index
        %get3A_636 = arith.constant 16 : index
        %get3A_637 = tpu.vector_load %arg4[%get3A_634, %get3A_635, %get3A_636] {strides = array<i32>} : memref<17x17x128xi32, #tpu.memory_space<vmem>>, vector<16xi32>,
        tpu.vector_store_idx %arg6[%add3A_11, %get3A_637], %broadcast_in_dim3A_3 {add = true} : memref<128x256xf32, #tpu.memory_space<vmem>>[vector<16xi32>, vector<16xi32>], vector<16xf32>,
        %get3A_638 = arith.constant 12 : i32
        %get3A_639 = arith.index_cast %scan3A_148 : i32 to index
        %get3A_640 = arith.index_cast %get3A_638 : i32 to index
        %get3A_641 = arith.constant 32 : index
        %get3A_642 = tpu.vector_load %arg4[%get3A_639, %get3A_640, %get3A_641] {strides = array<i32>} : memref<17x17x128xi32, #tpu.memory_space<vmem>>, vector<16xi32>,
        tpu.vector_store_idx %arg6[%add3A_14, %get3A_642], %broadcast_in_dim3A_3 {add = true} : memref<128x256xf32, #tpu.memory_space<vmem>>[vector<16xi32>, vector<16xi32>], vector<16xf32>,
        %get3A_643 = arith.constant 12 : i32
        %get3A_644 = arith.index_cast %scan3A_148 : i32 to index
        %get3A_645 = arith.index_cast %get3A_643 : i32 to index
        %get3A_646 = arith.constant 48 : index
        %get3A_647 = tpu.vector_load %arg4[%get3A_644, %get3A_645, %get3A_646] {strides = array<i32>} : memref<17x17x128xi32, #tpu.memory_space<vmem>>, vector<16xi32>,
        tpu.vector_store_idx %arg6[%add3A_17, %get3A_647], %broadcast_in_dim3A_3 {add = true} : memref<128x256xf32, #tpu.memory_space<vmem>>[vector<16xi32>, vector<16xi32>], vector<16xf32>,
        %get3A_648 = arith.constant 12 : i32
        %get3A_649 = arith.index_cast %scan3A_148 : i32 to index
        %get3A_650 = arith.index_cast %get3A_648 : i32 to index
        %get3A_651 = arith.constant 64 : index
        %get3A_652 = tpu.vector_load %arg4[%get3A_649, %get3A_650, %get3A_651] {strides = array<i32>} : memref<17x17x128xi32, #tpu.memory_space<vmem>>, vector<16xi32>,
        tpu.vector_store_idx %arg6[%add3A_20, %get3A_652], %broadcast_in_dim3A_3 {add = true} : memref<128x256xf32, #tpu.memory_space<vmem>>[vector<16xi32>, vector<16xi32>], vector<16xf32>,
        %get3A_653 = arith.constant 12 : i32
        %get3A_654 = arith.index_cast %scan3A_148 : i32 to index
        %get3A_655 = arith.index_cast %get3A_653 : i32 to index
        %get3A_656 = arith.constant 80 : index
        %get3A_657 = tpu.vector_load %arg4[%get3A_654, %get3A_655, %get3A_656] {strides = array<i32>} : memref<17x17x128xi32, #tpu.memory_space<vmem>>, vector<16xi32>,
        tpu.vector_store_idx %arg6[%add3A_23, %get3A_657], %broadcast_in_dim3A_3 {add = true} : memref<128x256xf32, #tpu.memory_space<vmem>>[vector<16xi32>, vector<16xi32>], vector<16xf32>,
        %get3A_658 = arith.constant 12 : i32
        %get3A_659 = arith.index_cast %scan3A_148 : i32 to index
        %get3A_660 = arith.index_cast %get3A_658 : i32 to index
        %get3A_661 = arith.constant 96 : index
        %get3A_662 = tpu.vector_load %arg4[%get3A_659, %get3A_660, %get3A_661] {strides = array<i32>} : memref<17x17x128xi32, #tpu.memory_space<vmem>>, vector<16xi32>,
        tpu.vector_store_idx %arg6[%add3A_26, %get3A_662], %broadcast_in_dim3A_3 {add = true} : memref<128x256xf32, #tpu.memory_space<vmem>>[vector<16xi32>, vector<16xi32>], vector<16xf32>,
        %get3A_663 = arith.constant 12 : i32
        %get3A_664 = arith.index_cast %scan3A_148 : i32 to index
        %get3A_665 = arith.index_cast %get3A_663 : i32 to index
        %get3A_666 = arith.constant 112 : index
        %get3A_667 = tpu.vector_load %arg4[%get3A_664, %get3A_665, %get3A_666] {strides = array<i32>} : memref<17x17x128xi32, #tpu.memory_space<vmem>>, vector<16xi32>,
        tpu.vector_store_idx %arg6[%add3A_29, %get3A_667], %broadcast_in_dim3A_3 {add = true} : memref<128x256xf32, #tpu.memory_space<vmem>>[vector<16xi32>, vector<16xi32>], vector<16xf32>,
        %get3A_668 = arith.constant 13 : i32
        %get3A_669 = arith.index_cast %scan3A_148 : i32 to index
        %get3A_670 = arith.index_cast %get3A_668 : i32 to index
        %get3A_671 = arith.constant 0 : index
        %get3A_672 = tpu.vector_load %arg4[%get3A_669, %get3A_670, %get3A_671] {strides = array<i32>} : memref<17x17x128xi32, #tpu.memory_space<vmem>>, vector<16xi32>,
        tpu.vector_store_idx %arg6[%add3A_8, %get3A_672], %broadcast_in_dim3A_3 {add = true} : memref<128x256xf32, #tpu.memory_space<vmem>>[vector<16xi32>, vector<16xi32>], vector<16xf32>,
        %get3A_673 = arith.constant 13 : i32
        %get3A_674 = arith.index_cast %scan3A_148 : i32 to index
        %get3A_675 = arith.index_cast %get3A_673 : i32 to index
        %get3A_676 = arith.constant 16 : index
        %get3A_677 = tpu.vector_load %arg4[%get3A_674, %get3A_675, %get3A_676] {strides = array<i32>} : memref<17x17x128xi32, #tpu.memory_space<vmem>>, vector<16xi32>,
        tpu.vector_store_idx %arg6[%add3A_11, %get3A_677], %broadcast_in_dim3A_3 {add = true} : memref<128x256xf32, #tpu.memory_space<vmem>>[vector<16xi32>, vector<16xi32>], vector<16xf32>,
        %get3A_678 = arith.constant 13 : i32
        %get3A_679 = arith.index_cast %scan3A_148 : i32 to index
        %get3A_680 = arith.index_cast %get3A_678 : i32 to index
        %get3A_681 = arith.constant 32 : index
        %get3A_682 = tpu.vector_load %arg4[%get3A_679, %get3A_680, %get3A_681] {strides = array<i32>} : memref<17x17x128xi32, #tpu.memory_space<vmem>>, vector<16xi32>,
        tpu.vector_store_idx %arg6[%add3A_14, %get3A_682], %broadcast_in_dim3A_3 {add = true} : memref<128x256xf32, #tpu.memory_space<vmem>>[vector<16xi32>, vector<16xi32>], vector<16xf32>,
        %get3A_683 = arith.constant 13 : i32
        %get3A_684 = arith.index_cast %scan3A_148 : i32 to index
        %get3A_685 = arith.index_cast %get3A_683 : i32 to index
        %get3A_686 = arith.constant 48 : index
        %get3A_687 = tpu.vector_load %arg4[%get3A_684, %get3A_685, %get3A_686] {strides = array<i32>} : memref<17x17x128xi32, #tpu.memory_space<vmem>>, vector<16xi32>,
        tpu.vector_store_idx %arg6[%add3A_17, %get3A_687], %broadcast_in_dim3A_3 {add = true} : memref<128x256xf32, #tpu.memory_space<vmem>>[vector<16xi32>, vector<16xi32>], vector<16xf32>,
        %get3A_688 = arith.constant 13 : i32
        %get3A_689 = arith.index_cast %scan3A_148 : i32 to index
        %get3A_690 = arith.index_cast %get3A_688 : i32 to index
        %get3A_691 = arith.constant 64 : index
        %get3A_692 = tpu.vector_load %arg4[%get3A_689, %get3A_690, %get3A_691] {strides = array<i32>} : memref<17x17x128xi32, #tpu.memory_space<vmem>>, vector<16xi32>,
        tpu.vector_store_idx %arg6[%add3A_20, %get3A_692], %broadcast_in_dim3A_3 {add = true} : memref<128x256xf32, #tpu.memory_space<vmem>>[vector<16xi32>, vector<16xi32>], vector<16xf32>,
        %get3A_693 = arith.constant 13 : i32
        %get3A_694 = arith.index_cast %scan3A_148 : i32 to index
        %get3A_695 = arith.index_cast %get3A_693 : i32 to index
        %get3A_696 = arith.constant 80 : index
        %get3A_697 = tpu.vector_load %arg4[%get3A_694, %get3A_695, %get3A_696] {strides = array<i32>} : memref<17x17x128xi32, #tpu.memory_space<vmem>>, vector<16xi32>,
        tpu.vector_store_idx %arg6[%add3A_23, %get3A_697], %broadcast_in_dim3A_3 {add = true} : memref<128x256xf32, #tpu.memory_space<vmem>>[vector<16xi32>, vector<16xi32>], vector<16xf32>,
        %get3A_698 = arith.constant 13 : i32
        %get3A_699 = arith.index_cast %scan3A_148 : i32 to index
        %get3A_700 = arith.index_cast %get3A_698 : i32 to index
        %get3A_701 = arith.constant 96 : index
        %get3A_702 = tpu.vector_load %arg4[%get3A_699, %get3A_700, %get3A_701] {strides = array<i32>} : memref<17x17x128xi32, #tpu.memory_space<vmem>>, vector<16xi32>,
        tpu.vector_store_idx %arg6[%add3A_26, %get3A_702], %broadcast_in_dim3A_3 {add = true} : memref<128x256xf32, #tpu.memory_space<vmem>>[vector<16xi32>, vector<16xi32>], vector<16xf32>,
        %get3A_703 = arith.constant 13 : i32
        %get3A_704 = arith.index_cast %scan3A_148 : i32 to index
        %get3A_705 = arith.index_cast %get3A_703 : i32 to index
        %get3A_706 = arith.constant 112 : index
        %get3A_707 = tpu.vector_load %arg4[%get3A_704, %get3A_705, %get3A_706] {strides = array<i32>} : memref<17x17x128xi32, #tpu.memory_space<vmem>>, vector<16xi32>,
        tpu.vector_store_idx %arg6[%add3A_29, %get3A_707], %broadcast_in_dim3A_3 {add = true} : memref<128x256xf32, #tpu.memory_space<vmem>>[vector<16xi32>, vector<16xi32>], vector<16xf32>,
        %get3A_708 = arith.constant 14 : i32
        %get3A_709 = arith.index_cast %scan3A_148 : i32 to index
        %get3A_710 = arith.index_cast %get3A_708 : i32 to index
        %get3A_711 = arith.constant 0 : index
        %get3A_712 = tpu.vector_load %arg4[%get3A_709, %get3A_710, %get3A_711] {strides = array<i32>} : memref<17x17x128xi32, #tpu.memory_space<vmem>>, vector<16xi32>,
        tpu.vector_store_idx %arg6[%add3A_8, %get3A_712], %broadcast_in_dim3A_3 {add = true} : memref<128x256xf32, #tpu.memory_space<vmem>>[vector<16xi32>, vector<16xi32>], vector<16xf32>,
        %get3A_713 = arith.constant 14 : i32
        %get3A_714 = arith.index_cast %scan3A_148 : i32 to index
        %get3A_715 = arith.index_cast %get3A_713 : i32 to index
        %get3A_716 = arith.constant 16 : index
        %get3A_717 = tpu.vector_load %arg4[%get3A_714, %get3A_715, %get3A_716] {strides = array<i32>} : memref<17x17x128xi32, #tpu.memory_space<vmem>>, vector<16xi32>,
        tpu.vector_store_idx %arg6[%add3A_11, %get3A_717], %broadcast_in_dim3A_3 {add = true} : memref<128x256xf32, #tpu.memory_space<vmem>>[vector<16xi32>, vector<16xi32>], vector<16xf32>,
        %get3A_718 = arith.constant 14 : i32
        %get3A_719 = arith.index_cast %scan3A_148 : i32 to index
        %get3A_720 = arith.index_cast %get3A_718 : i32 to index
        %get3A_721 = arith.constant 32 : index
        %get3A_722 = tpu.vector_load %arg4[%get3A_719, %get3A_720, %get3A_721] {strides = array<i32>} : memref<17x17x128xi32, #tpu.memory_space<vmem>>, vector<16xi32>,
        tpu.vector_store_idx %arg6[%add3A_14, %get3A_722], %broadcast_in_dim3A_3 {add = true} : memref<128x256xf32, #tpu.memory_space<vmem>>[vector<16xi32>, vector<16xi32>], vector<16xf32>,
        %get3A_723 = arith.constant 14 : i32
        %get3A_724 = arith.index_cast %scan3A_148 : i32 to index
        %get3A_725 = arith.index_cast %get3A_723 : i32 to index
        %get3A_726 = arith.constant 48 : index
        %get3A_727 = tpu.vector_load %arg4[%get3A_724, %get3A_725, %get3A_726] {strides = array<i32>} : memref<17x17x128xi32, #tpu.memory_space<vmem>>, vector<16xi32>,
        tpu.vector_store_idx %arg6[%add3A_17, %get3A_727], %broadcast_in_dim3A_3 {add = true} : memref<128x256xf32, #tpu.memory_space<vmem>>[vector<16xi32>, vector<16xi32>], vector<16xf32>,
        %get3A_728 = arith.constant 14 : i32
        %get3A_729 = arith.index_cast %scan3A_148 : i32 to index
        %get3A_730 = arith.index_cast %get3A_728 : i32 to index
        %get3A_731 = arith.constant 64 : index
        %get3A_732 = tpu.vector_load %arg4[%get3A_729, %get3A_730, %get3A_731] {strides = array<i32>} : memref<17x17x128xi32, #tpu.memory_space<vmem>>, vector<16xi32>,
        tpu.vector_store_idx %arg6[%add3A_20, %get3A_732], %broadcast_in_dim3A_3 {add = true} : memref<128x256xf32, #tpu.memory_space<vmem>>[vector<16xi32>, vector<16xi32>], vector<16xf32>,
        %get3A_733 = arith.constant 14 : i32
        %get3A_734 = arith.index_cast %scan3A_148 : i32 to index
        %get3A_735 = arith.index_cast %get3A_733 : i32 to index
        %get3A_736 = arith.constant 80 : index
        %get3A_737 = tpu.vector_load %arg4[%get3A_734, %get3A_735, %get3A_736] {strides = array<i32>} : memref<17x17x128xi32, #tpu.memory_space<vmem>>, vector<16xi32>,
        tpu.vector_store_idx %arg6[%add3A_23, %get3A_737], %broadcast_in_dim3A_3 {add = true} : memref<128x256xf32, #tpu.memory_space<vmem>>[vector<16xi32>, vector<16xi32>], vector<16xf32>,
        %get3A_738 = arith.constant 14 : i32
        %get3A_739 = arith.index_cast %scan3A_148 : i32 to index
        %get3A_740 = arith.index_cast %get3A_738 : i32 to index
        %get3A_741 = arith.constant 96 : index
        %get3A_742 = tpu.vector_load %arg4[%get3A_739, %get3A_740, %get3A_741] {strides = array<i32>} : memref<17x17x128xi32, #tpu.memory_space<vmem>>, vector<16xi32>,
        tpu.vector_store_idx %arg6[%add3A_26, %get3A_742], %broadcast_in_dim3A_3 {add = true} : memref<128x256xf32, #tpu.memory_space<vmem>>[vector<16xi32>, vector<16xi32>], vector<16xf32>,
        %get3A_743 = arith.constant 14 : i32
        %get3A_744 = arith.index_cast %scan3A_148 : i32 to index
        %get3A_745 = arith.index_cast %get3A_743 : i32 to index
        %get3A_746 = arith.constant 112 : index
        %get3A_747 = tpu.vector_load %arg4[%get3A_744, %get3A_745, %get3A_746] {strides = array<i32>} : memref<17x17x128xi32, #tpu.memory_space<vmem>>, vector<16xi32>,
        tpu.vector_store_idx %arg6[%add3A_29, %get3A_747], %broadcast_in_dim3A_3 {add = true} : memref<128x256xf32, #tpu.memory_space<vmem>>[vector<16xi32>, vector<16xi32>], vector<16xf32>,
        %get3A_748 = arith.constant 15 : i32
        %get3A_749 = arith.index_cast %scan3A_148 : i32 to index
        %get3A_750 = arith.index_cast %get3A_748 : i32 to index
        %get3A_751 = arith.constant 0 : index
        %get3A_752 = tpu.vector_load %arg4[%get3A_749, %get3A_750, %get3A_751] {strides = array<i32>} : memref<17x17x128xi32, #tpu.memory_space<vmem>>, vector<16xi32>,
        tpu.vector_store_idx %arg6[%add3A_8, %get3A_752], %broadcast_in_dim3A_3 {add = true} : memref<128x256xf32, #tpu.memory_space<vmem>>[vector<16xi32>, vector<16xi32>], vector<16xf32>,
        %get3A_753 = arith.constant 15 : i32
        %get3A_754 = arith.index_cast %scan3A_148 : i32 to index
        %get3A_755 = arith.index_cast %get3A_753 : i32 to index
        %get3A_756 = arith.constant 16 : index
        %get3A_757 = tpu.vector_load %arg4[%get3A_754, %get3A_755, %get3A_756] {strides = array<i32>} : memref<17x17x128xi32, #tpu.memory_space<vmem>>, vector<16xi32>,
        tpu.vector_store_idx %arg6[%add3A_11, %get3A_757], %broadcast_in_dim3A_3 {add = true} : memref<128x256xf32, #tpu.memory_space<vmem>>[vector<16xi32>, vector<16xi32>], vector<16xf32>,
        %get3A_758 = arith.constant 15 : i32
        %get3A_759 = arith.index_cast %scan3A_148 : i32 to index
        %get3A_760 = arith.index_cast %get3A_758 : i32 to index
        %get3A_761 = arith.constant 32 : index
        %get3A_762 = tpu.vector_load %arg4[%get3A_759, %get3A_760, %get3A_761] {strides = array<i32>} : memref<17x17x128xi32, #tpu.memory_space<vmem>>, vector<16xi32>,
        tpu.vector_store_idx %arg6[%add3A_14, %get3A_762], %broadcast_in_dim3A_3 {add = true} : memref<128x256xf32, #tpu.memory_space<vmem>>[vector<16xi32>, vector<16xi32>], vector<16xf32>,
        %get3A_763 = arith.constant 15 : i32
        %get3A_764 = arith.index_cast %scan3A_148 : i32 to index
        %get3A_765 = arith.index_cast %get3A_763 : i32 to index
        %get3A_766 = arith.constant 48 : index
        %get3A_767 = tpu.vector_load %arg4[%get3A_764, %get3A_765, %get3A_766] {strides = array<i32>} : memref<17x17x128xi32, #tpu.memory_space<vmem>>, vector<16xi32>,
        tpu.vector_store_idx %arg6[%add3A_17, %get3A_767], %broadcast_in_dim3A_3 {add = true} : memref<128x256xf32, #tpu.memory_space<vmem>>[vector<16xi32>, vector<16xi32>], vector<16xf32>,
        %get3A_768 = arith.constant 15 : i32
        %get3A_769 = arith.index_cast %scan3A_148 : i32 to index
        %get3A_770 = arith.index_cast %get3A_768 : i32 to index
        %get3A_771 = arith.constant 64 : index
        %get3A_772 = tpu.vector_load %arg4[%get3A_769, %get3A_770, %get3A_771] {strides = array<i32>} : memref<17x17x128xi32, #tpu.memory_space<vmem>>, vector<16xi32>,
        tpu.vector_store_idx %arg6[%add3A_20, %get3A_772], %broadcast_in_dim3A_3 {add = true} : memref<128x256xf32, #tpu.memory_space<vmem>>[vector<16xi32>, vector<16xi32>], vector<16xf32>,
        %get3A_773 = arith.constant 15 : i32
        %get3A_774 = arith.index_cast %scan3A_148 : i32 to index
        %get3A_775 = arith.index_cast %get3A_773 : i32 to index
        %get3A_776 = arith.constant 80 : index
        %get3A_777 = tpu.vector_load %arg4[%get3A_774, %get3A_775, %get3A_776] {strides = array<i32>} : memref<17x17x128xi32, #tpu.memory_space<vmem>>, vector<16xi32>,
        tpu.vector_store_idx %arg6[%add3A_23, %get3A_777], %broadcast_in_dim3A_3 {add = true} : memref<128x256xf32, #tpu.memory_space<vmem>>[vector<16xi32>, vector<16xi32>], vector<16xf32>,
        %get3A_778 = arith.constant 15 : i32
        %get3A_779 = arith.index_cast %scan3A_148 : i32 to index
        %get3A_780 = arith.index_cast %get3A_778 : i32 to index
        %get3A_781 = arith.constant 96 : index
        %get3A_782 = tpu.vector_load %arg4[%get3A_779, %get3A_780, %get3A_781] {strides = array<i32>} : memref<17x17x128xi32, #tpu.memory_space<vmem>>, vector<16xi32>,
        tpu.vector_store_idx %arg6[%add3A_26, %get3A_782], %broadcast_in_dim3A_3 {add = true} : memref<128x256xf32, #tpu.memory_space<vmem>>[vector<16xi32>, vector<16xi32>], vector<16xf32>,
        %get3A_783 = arith.constant 15 : i32
        %get3A_784 = arith.index_cast %scan3A_148 : i32 to index
        %get3A_785 = arith.index_cast %get3A_783 : i32 to index
        %get3A_786 = arith.constant 112 : index
        %get3A_787 = tpu.vector_load %arg4[%get3A_784, %get3A_785, %get3A_786] {strides = array<i32>} : memref<17x17x128xi32, #tpu.memory_space<vmem>>, vector<16xi32>,
        tpu.vector_store_idx %arg6[%add3A_29, %get3A_787], %broadcast_in_dim3A_3 {add = true} : memref<128x256xf32, #tpu.memory_space<vmem>>[vector<16xi32>, vector<16xi32>], vector<16xf32>,
        %get3A_788 = arith.constant 16 : i32
        %get3A_789 = arith.index_cast %scan3A_148 : i32 to index
        %get3A_790 = arith.index_cast %get3A_788 : i32 to index
        %get3A_791 = arith.constant 0 : index
        %get3A_792 = tpu.vector_load %arg4[%get3A_789, %get3A_790, %get3A_791] {strides = array<i32>} : memref<17x17x128xi32, #tpu.memory_space<vmem>>, vector<16xi32>,
        tpu.vector_store_idx %arg6[%add3A_8, %get3A_792], %broadcast_in_dim3A_3 {add = true} : memref<128x256xf32, #tpu.memory_space<vmem>>[vector<16xi32>, vector<16xi32>], vector<16xf32>,
        %get3A_793 = arith.constant 16 : i32
        %get3A_794 = arith.index_cast %scan3A_148 : i32 to index
        %get3A_795 = arith.index_cast %get3A_793 : i32 to index
        %get3A_796 = arith.constant 16 : index
        %get3A_797 = tpu.vector_load %arg4[%get3A_794, %get3A_795, %get3A_796] {strides = array<i32>} : memref<17x17x128xi32, #tpu.memory_space<vmem>>, vector<16xi32>,
        tpu.vector_store_idx %arg6[%add3A_11, %get3A_797], %broadcast_in_dim3A_3 {add = true} : memref<128x256xf32, #tpu.memory_space<vmem>>[vector<16xi32>, vector<16xi32>], vector<16xf32>,
        %get3A_798 = arith.constant 16 : i32
        %get3A_799 = arith.index_cast %scan3A_148 : i32 to index
        %get3A_800 = arith.index_cast %get3A_798 : i32 to index
        %get3A_801 = arith.constant 32 : index
        %get3A_802 = tpu.vector_load %arg4[%get3A_799, %get3A_800, %get3A_801] {strides = array<i32>} : memref<17x17x128xi32, #tpu.memory_space<vmem>>, vector<16xi32>,
        tpu.vector_store_idx %arg6[%add3A_14, %get3A_802], %broadcast_in_dim3A_3 {add = true} : memref<128x256xf32, #tpu.memory_space<vmem>>[vector<16xi32>, vector<16xi32>], vector<16xf32>,
        %get3A_803 = arith.constant 16 : i32
        %get3A_804 = arith.index_cast %scan3A_148 : i32 to index
        %get3A_805 = arith.index_cast %get3A_803 : i32 to index
        %get3A_806 = arith.constant 48 : index
        %get3A_807 = tpu.vector_load %arg4[%get3A_804, %get3A_805, %get3A_806] {strides = array<i32>} : memref<17x17x128xi32, #tpu.memory_space<vmem>>, vector<16xi32>,
        tpu.vector_store_idx %arg6[%add3A_17, %get3A_807], %broadcast_in_dim3A_3 {add = true} : memref<128x256xf32, #tpu.memory_space<vmem>>[vector<16xi32>, vector<16xi32>], vector<16xf32>,
        %get3A_808 = arith.constant 16 : i32
        %get3A_809 = arith.index_cast %scan3A_148 : i32 to index
        %get3A_810 = arith.index_cast %get3A_808 : i32 to index
        %get3A_811 = arith.constant 64 : index
        %get3A_812 = tpu.vector_load %arg4[%get3A_809, %get3A_810, %get3A_811] {strides = array<i32>} : memref<17x17x128xi32, #tpu.memory_space<vmem>>, vector<16xi32>,
        tpu.vector_store_idx %arg6[%add3A_20, %get3A_812], %broadcast_in_dim3A_3 {add = true} : memref<128x256xf32, #tpu.memory_space<vmem>>[vector<16xi32>, vector<16xi32>], vector<16xf32>,
        %get3A_813 = arith.constant 16 : i32
        %get3A_814 = arith.index_cast %scan3A_148 : i32 to index
        %get3A_815 = arith.index_cast %get3A_813 : i32 to index
        %get3A_816 = arith.constant 80 : index
        %get3A_817 = tpu.vector_load %arg4[%get3A_814, %get3A_815, %get3A_816] {strides = array<i32>} : memref<17x17x128xi32, #tpu.memory_space<vmem>>, vector<16xi32>,
        tpu.vector_store_idx %arg6[%add3A_23, %get3A_817], %broadcast_in_dim3A_3 {add = true} : memref<128x256xf32, #tpu.memory_space<vmem>>[vector<16xi32>, vector<16xi32>], vector<16xf32>,
        %get3A_818 = arith.constant 16 : i32
        %get3A_819 = arith.index_cast %scan3A_148 : i32 to index
        %get3A_820 = arith.index_cast %get3A_818 : i32 to index
        %get3A_821 = arith.constant 96 : index
        %get3A_822 = tpu.vector_load %arg4[%get3A_819, %get3A_820, %get3A_821] {strides = array<i32>} : memref<17x17x128xi32, #tpu.memory_space<vmem>>, vector<16xi32>,
        tpu.vector_store_idx %arg6[%add3A_26, %get3A_822], %broadcast_in_dim3A_3 {add = true} : memref<128x256xf32, #tpu.memory_space<vmem>>[vector<16xi32>, vector<16xi32>], vector<16xf32>,
        %get3A_823 = arith.constant 16 : i32
        %get3A_824 = arith.index_cast %scan3A_148 : i32 to index
        %get3A_825 = arith.index_cast %get3A_823 : i32 to index
        %get3A_826 = arith.constant 112 : index
        %get3A_827 = tpu.vector_load %arg4[%get3A_824, %get3A_825, %get3A_826] {strides = array<i32>} : memref<17x17x128xi32, #tpu.memory_space<vmem>>, vector<16xi32>,
        tpu.vector_store_idx %arg6[%add3A_29, %get3A_827], %broadcast_in_dim3A_3 {add = true} : memref<128x256xf32, #tpu.memory_space<vmem>>[vector<16xi32>, vector<16xi32>], vector<16xf32>,
      }
      %scan3A_121 = arith.constant 17 : i32
      %add3A_122 = arith.constant 2 : i32
      %add3A_123 = arith.addi %mul3A_97, %add3A_122 : i32
      %dma_start3A_124 = arith.constant 0 : i32
      %dma_start3A_125 = arith.constant 0 : i32
      %dma_start3A_126 = tpu.memref_slice %arg2[%add3A_123, %dma_start3A_124, %dma_start3A_125, %mul3A_2] : memref<17x17x17x4096xi32, #tpu.memory_space<hbm>> -> memref<1x17x17x128xi32, #tpu.memory_space<hbm>>
      %dma_start3A_127 = tpu.memref_squeeze %dma_start3A_126 : memref<1x17x17x128xi32, #tpu.memory_space<hbm>> -> memref<17x17x128xi32, #tpu.memory_space<hbm>>
      %dma_start3A_128 = arith.constant 0 : i32
      %dma_start3A_129 = arith.constant 0 : i32
      %dma_start3A_130 = tpu.memref_slice %arg2[%add3A_123, %dma_start3A_128, %dma_start3A_129, %mul3A_2] : memref<17x17x17x4096xi32, #tpu.memory_space<hbm>> -> memref<1x17x17x128xi32, #tpu.memory_space<hbm>>
      %dma_start3A_131 = tpu.memref_squeeze %dma_start3A_130 : memref<1x17x17x128xi32, #tpu.memory_space<hbm>> -> memref<17x17x128xi32, #tpu.memory_space<hbm>>
      tpu.enqueue_dma source(%dma_start3A_131 : memref<17x17x128xi32, #tpu.memory_space<hbm>>) target(%arg4 : memref<17x17x128xi32, #tpu.memory_space<vmem>>) target_semaphore(%arg7 : memref<!tpu.dma_semaphore, #tpu.memory_space<semaphore_mem>>)
      %add3A_132 = arith.constant 1 : i32
      %add3A_133 = arith.addi %mul3A_97, %add3A_132 : i32
      %dma_wait3A_134 = arith.constant 0 : i32
      %dma_wait3A_135 = arith.constant 0 : i32
      %dma_wait3A_136 = tpu.memref_slice %arg2[%add3A_133, %dma_wait3A_134, %dma_wait3A_135, %mul3A_2] : memref<17x17x17x4096xi32, #tpu.memory_space<hbm>> -> memref<1x17x17x128xi32, #tpu.memory_space<hbm>>
      %dma_wait3A_137 = tpu.memref_squeeze %dma_wait3A_136 : memref<1x17x17x128xi32, #tpu.memory_space<hbm>> -> memref<17x17x128xi32, #tpu.memory_space<hbm>>
      %dma_wait3A_138 = arith.constant 0 : i32
      %dma_wait3A_139 = arith.constant 0 : i32
      %dma_wait3A_140 = tpu.memref_slice %arg2[%add3A_133, %dma_wait3A_138, %dma_wait3A_139, %mul3A_2] : memref<17x17x17x4096xi32, #tpu.memory_space<hbm>> -> memref<1x17x17x128xi32, #tpu.memory_space<hbm>>
      %dma_wait3A_141 = tpu.memref_squeeze %dma_wait3A_140 : memref<1x17x17x128xi32, #tpu.memory_space<hbm>> -> memref<17x17x128xi32, #tpu.memory_space<hbm>>
      tpu.wait_dma2 semaphore(%arg8 : memref<!tpu.dma_semaphore, #tpu.memory_space<semaphore_mem>>) src(%dma_wait3A_141 : memref<17x17x128xi32, #tpu.memory_space<hbm>>) dst(%arg5 : memref<17x17x128xi32, #tpu.memory_space<vmem>>)
      %scan3A_142 = arith.constant 0 : i32
      %scan3A_143 = arith.constant 0 : i32
      %scan3A_144 = arith.constant 17 : i32
      %scan3A_145 = arith.addi %scan3A_143, %scan3A_144 : i32
      %scan3A_146 = arith.constant 1 : i32
      scf.for %scan3A_148 = %scan3A_143 to %scan3A_145 step %scan3A_146  : i32 {
        %get3A = arith.constant 0 : i32
        %get3A_149 = arith.index_cast %scan3A_148 : i32 to index
        %get3A_150 = arith.index_cast %get3A : i32 to index
        %get3A_151 = arith.constant 0 : index
        %get3A_152 = tpu.vector_load %arg5[%get3A_149, %get3A_150, %get3A_151] {strides = array<i32>} : memref<17x17x128xi32, #tpu.memory_space<vmem>>, vector<16xi32>,
        tpu.vector_store_idx %arg6[%add3A_8, %get3A_152], %broadcast_in_dim3A_3 {add = true} : memref<128x256xf32, #tpu.memory_space<vmem>>[vector<16xi32>, vector<16xi32>], vector<16xf32>,
        %get3A_153 = arith.constant 0 : i32
        %get3A_154 = arith.index_cast %scan3A_148 : i32 to index
        %get3A_155 = arith.index_cast %get3A_153 : i32 to index
        %get3A_156 = arith.constant 16 : index
        %get3A_157 = tpu.vector_load %arg5[%get3A_154, %get3A_155, %get3A_156] {strides = array<i32>} : memref<17x17x128xi32, #tpu.memory_space<vmem>>, vector<16xi32>,
        tpu.vector_store_idx %arg6[%add3A_11, %get3A_157], %broadcast_in_dim3A_3 {add = true} : memref<128x256xf32, #tpu.memory_space<vmem>>[vector<16xi32>, vector<16xi32>], vector<16xf32>,
        %get3A_158 = arith.constant 0 : i32
        %get3A_159 = arith.index_cast %scan3A_148 : i32 to index
        %get3A_160 = arith.index_cast %get3A_158 : i32 to index
        %get3A_161 = arith.constant 32 : index
        %get3A_162 = tpu.vector_load %arg5[%get3A_159, %get3A_160, %get3A_161] {strides = array<i32>} : memref<17x17x128xi32, #tpu.memory_space<vmem>>, vector<16xi32>,
        tpu.vector_store_idx %arg6[%add3A_14, %get3A_162], %broadcast_in_dim3A_3 {add = true} : memref<128x256xf32, #tpu.memory_space<vmem>>[vector<16xi32>, vector<16xi32>], vector<16xf32>,
        %get3A_163 = arith.constant 0 : i32
        %get3A_164 = arith.index_cast %scan3A_148 : i32 to index
        %get3A_165 = arith.index_cast %get3A_163 : i32 to index
        %get3A_166 = arith.constant 48 : index
        %get3A_167 = tpu.vector_load %arg5[%get3A_164, %get3A_165, %get3A_166] {strides = array<i32>} : memref<17x17x128xi32, #tpu.memory_space<vmem>>, vector<16xi32>,
        tpu.vector_store_idx %arg6[%add3A_17, %get3A_167], %broadcast_in_dim3A_3 {add = true} : memref<128x256xf32, #tpu.memory_space<vmem>>[vector<16xi32>, vector<16xi32>], vector<16xf32>,
        %get3A_168 = arith.constant 0 : i32
        %get3A_169 = arith.index_cast %scan3A_148 : i32 to index
        %get3A_170 = arith.index_cast %get3A_168 : i32 to index
        %get3A_171 = arith.constant 64 : index
        %get3A_172 = tpu.vector_load %arg5[%get3A_169, %get3A_170, %get3A_171] {strides = array<i32>} : memref<17x17x128xi32, #tpu.memory_space<vmem>>, vector<16xi32>,
        tpu.vector_store_idx %arg6[%add3A_20, %get3A_172], %broadcast_in_dim3A_3 {add = true} : memref<128x256xf32, #tpu.memory_space<vmem>>[vector<16xi32>, vector<16xi32>], vector<16xf32>,
        %get3A_173 = arith.constant 0 : i32
        %get3A_174 = arith.index_cast %scan3A_148 : i32 to index
        %get3A_175 = arith.index_cast %get3A_173 : i32 to index
        %get3A_176 = arith.constant 80 : index
        %get3A_177 = tpu.vector_load %arg5[%get3A_174, %get3A_175, %get3A_176] {strides = array<i32>} : memref<17x17x128xi32, #tpu.memory_space<vmem>>, vector<16xi32>,
        tpu.vector_store_idx %arg6[%add3A_23, %get3A_177], %broadcast_in_dim3A_3 {add = true} : memref<128x256xf32, #tpu.memory_space<vmem>>[vector<16xi32>, vector<16xi32>], vector<16xf32>,
        %get3A_178 = arith.constant 0 : i32
        %get3A_179 = arith.index_cast %scan3A_148 : i32 to index
        %get3A_180 = arith.index_cast %get3A_178 : i32 to index
        %get3A_181 = arith.constant 96 : index
        %get3A_182 = tpu.vector_load %arg5[%get3A_179, %get3A_180, %get3A_181] {strides = array<i32>} : memref<17x17x128xi32, #tpu.memory_space<vmem>>, vector<16xi32>,
        tpu.vector_store_idx %arg6[%add3A_26, %get3A_182], %broadcast_in_dim3A_3 {add = true} : memref<128x256xf32, #tpu.memory_space<vmem>>[vector<16xi32>, vector<16xi32>], vector<16xf32>,
        %get3A_183 = arith.constant 0 : i32
        %get3A_184 = arith.index_cast %scan3A_148 : i32 to index
        %get3A_185 = arith.index_cast %get3A_183 : i32 to index
        %get3A_186 = arith.constant 112 : index
        %get3A_187 = tpu.vector_load %arg5[%get3A_184, %get3A_185, %get3A_186] {strides = array<i32>} : memref<17x17x128xi32, #tpu.memory_space<vmem>>, vector<16xi32>,
        tpu.vector_store_idx %arg6[%add3A_29, %get3A_187], %broadcast_in_dim3A_3 {add = true} : memref<128x256xf32, #tpu.memory_space<vmem>>[vector<16xi32>, vector<16xi32>], vector<16xf32>,
        %get3A_188 = arith.constant 1 : i32
        %get3A_189 = arith.index_cast %scan3A_148 : i32 to index
        %get3A_190 = arith.index_cast %get3A_188 : i32 to index
        %get3A_191 = arith.constant 0 : index
        %get3A_192 = tpu.vector_load %arg5[%get3A_189, %get3A_190, %get3A_191] {strides = array<i32>} : memref<17x17x128xi32, #tpu.memory_space<vmem>>, vector<16xi32>,
        tpu.vector_store_idx %arg6[%add3A_8, %get3A_192], %broadcast_in_dim3A_3 {add = true} : memref<128x256xf32, #tpu.memory_space<vmem>>[vector<16xi32>, vector<16xi32>], vector<16xf32>,
        %get3A_193 = arith.constant 1 : i32
        %get3A_194 = arith.index_cast %scan3A_148 : i32 to index
        %get3A_195 = arith.index_cast %get3A_193 : i32 to index
        %get3A_196 = arith.constant 16 : index
        %get3A_197 = tpu.vector_load %arg5[%get3A_194, %get3A_195, %get3A_196] {strides = array<i32>} : memref<17x17x128xi32, #tpu.memory_space<vmem>>, vector<16xi32>,
        tpu.vector_store_idx %arg6[%add3A_11, %get3A_197], %broadcast_in_dim3A_3 {add = true} : memref<128x256xf32, #tpu.memory_space<vmem>>[vector<16xi32>, vector<16xi32>], vector<16xf32>,
        %get3A_198 = arith.constant 1 : i32
        %get3A_199 = arith.index_cast %scan3A_148 : i32 to index
        %get3A_200 = arith.index_cast %get3A_198 : i32 to index
        %get3A_201 = arith.constant 32 : index
        %get3A_202 = tpu.vector_load %arg5[%get3A_199, %get3A_200, %get3A_201] {strides = array<i32>} : memref<17x17x128xi32, #tpu.memory_space<vmem>>, vector<16xi32>,
        tpu.vector_store_idx %arg6[%add3A_14, %get3A_202], %broadcast_in_dim3A_3 {add = true} : memref<128x256xf32, #tpu.memory_space<vmem>>[vector<16xi32>, vector<16xi32>], vector<16xf32>,
        %get3A_203 = arith.constant 1 : i32
        %get3A_204 = arith.index_cast %scan3A_148 : i32 to index
        %get3A_205 = arith.index_cast %get3A_203 : i32 to index
        %get3A_206 = arith.constant 48 : index
        %get3A_207 = tpu.vector_load %arg5[%get3A_204, %get3A_205, %get3A_206] {strides = array<i32>} : memref<17x17x128xi32, #tpu.memory_space<vmem>>, vector<16xi32>,
        tpu.vector_store_idx %arg6[%add3A_17, %get3A_207], %broadcast_in_dim3A_3 {add = true} : memref<128x256xf32, #tpu.memory_space<vmem>>[vector<16xi32>, vector<16xi32>], vector<16xf32>,
        %get3A_208 = arith.constant 1 : i32
        %get3A_209 = arith.index_cast %scan3A_148 : i32 to index
        %get3A_210 = arith.index_cast %get3A_208 : i32 to index
        %get3A_211 = arith.constant 64 : index
        %get3A_212 = tpu.vector_load %arg5[%get3A_209, %get3A_210, %get3A_211] {strides = array<i32>} : memref<17x17x128xi32, #tpu.memory_space<vmem>>, vector<16xi32>,
        tpu.vector_store_idx %arg6[%add3A_20, %get3A_212], %broadcast_in_dim3A_3 {add = true} : memref<128x256xf32, #tpu.memory_space<vmem>>[vector<16xi32>, vector<16xi32>], vector<16xf32>,
        %get3A_213 = arith.constant 1 : i32
        %get3A_214 = arith.index_cast %scan3A_148 : i32 to index
        %get3A_215 = arith.index_cast %get3A_213 : i32 to index
        %get3A_216 = arith.constant 80 : index
        %get3A_217 = tpu.vector_load %arg5[%get3A_214, %get3A_215, %get3A_216] {strides = array<i32>} : memref<17x17x128xi32, #tpu.memory_space<vmem>>, vector<16xi32>,
        tpu.vector_store_idx %arg6[%add3A_23, %get3A_217], %broadcast_in_dim3A_3 {add = true} : memref<128x256xf32, #tpu.memory_space<vmem>>[vector<16xi32>, vector<16xi32>], vector<16xf32>,
        %get3A_218 = arith.constant 1 : i32
        %get3A_219 = arith.index_cast %scan3A_148 : i32 to index
        %get3A_220 = arith.index_cast %get3A_218 : i32 to index
        %get3A_221 = arith.constant 96 : index
        %get3A_222 = tpu.vector_load %arg5[%get3A_219, %get3A_220, %get3A_221] {strides = array<i32>} : memref<17x17x128xi32, #tpu.memory_space<vmem>>, vector<16xi32>,
        tpu.vector_store_idx %arg6[%add3A_26, %get3A_222], %broadcast_in_dim3A_3 {add = true} : memref<128x256xf32, #tpu.memory_space<vmem>>[vector<16xi32>, vector<16xi32>], vector<16xf32>,
        %get3A_223 = arith.constant 1 : i32
        %get3A_224 = arith.index_cast %scan3A_148 : i32 to index
        %get3A_225 = arith.index_cast %get3A_223 : i32 to index
        %get3A_226 = arith.constant 112 : index
        %get3A_227 = tpu.vector_load %arg5[%get3A_224, %get3A_225, %get3A_226] {strides = array<i32>} : memref<17x17x128xi32, #tpu.memory_space<vmem>>, vector<16xi32>,
        tpu.vector_store_idx %arg6[%add3A_29, %get3A_227], %broadcast_in_dim3A_3 {add = true} : memref<128x256xf32, #tpu.memory_space<vmem>>[vector<16xi32>, vector<16xi32>], vector<16xf32>,
        %get3A_228 = arith.constant 2 : i32
        %get3A_229 = arith.index_cast %scan3A_148 : i32 to index
        %get3A_230 = arith.index_cast %get3A_228 : i32 to index
        %get3A_231 = arith.constant 0 : index
        %get3A_232 = tpu.vector_load %arg5[%get3A_229, %get3A_230, %get3A_231] {strides = array<i32>} : memref<17x17x128xi32, #tpu.memory_space<vmem>>, vector<16xi32>,
        tpu.vector_store_idx %arg6[%add3A_8, %get3A_232], %broadcast_in_dim3A_3 {add = true} : memref<128x256xf32, #tpu.memory_space<vmem>>[vector<16xi32>, vector<16xi32>], vector<16xf32>,
        %get3A_233 = arith.constant 2 : i32
        %get3A_234 = arith.index_cast %scan3A_148 : i32 to index
        %get3A_235 = arith.index_cast %get3A_233 : i32 to index
        %get3A_236 = arith.constant 16 : index
        %get3A_237 = tpu.vector_load %arg5[%get3A_234, %get3A_235, %get3A_236] {strides = array<i32>} : memref<17x17x128xi32, #tpu.memory_space<vmem>>, vector<16xi32>,
        tpu.vector_store_idx %arg6[%add3A_11, %get3A_237], %broadcast_in_dim3A_3 {add = true} : memref<128x256xf32, #tpu.memory_space<vmem>>[vector<16xi32>, vector<16xi32>], vector<16xf32>,
        %get3A_238 = arith.constant 2 : i32
        %get3A_239 = arith.index_cast %scan3A_148 : i32 to index
        %get3A_240 = arith.index_cast %get3A_238 : i32 to index
        %get3A_241 = arith.constant 32 : index
        %get3A_242 = tpu.vector_load %arg5[%get3A_239, %get3A_240, %get3A_241] {strides = array<i32>} : memref<17x17x128xi32, #tpu.memory_space<vmem>>, vector<16xi32>,
        tpu.vector_store_idx %arg6[%add3A_14, %get3A_242], %broadcast_in_dim3A_3 {add = true} : memref<128x256xf32, #tpu.memory_space<vmem>>[vector<16xi32>, vector<16xi32>], vector<16xf32>,
        %get3A_243 = arith.constant 2 : i32
        %get3A_244 = arith.index_cast %scan3A_148 : i32 to index
        %get3A_245 = arith.index_cast %get3A_243 : i32 to index
        %get3A_246 = arith.constant 48 : index
        %get3A_247 = tpu.vector_load %arg5[%get3A_244, %get3A_245, %get3A_246] {strides = array<i32>} : memref<17x17x128xi32, #tpu.memory_space<vmem>>, vector<16xi32>,
        tpu.vector_store_idx %arg6[%add3A_17, %get3A_247], %broadcast_in_dim3A_3 {add = true} : memref<128x256xf32, #tpu.memory_space<vmem>>[vector<16xi32>, vector<16xi32>], vector<16xf32>,
        %get3A_248 = arith.constant 2 : i32
        %get3A_249 = arith.index_cast %scan3A_148 : i32 to index
        %get3A_250 = arith.index_cast %get3A_248 : i32 to index
        %get3A_251 = arith.constant 64 : index
        %get3A_252 = tpu.vector_load %arg5[%get3A_249, %get3A_250, %get3A_251] {strides = array<i32>} : memref<17x17x128xi32, #tpu.memory_space<vmem>>, vector<16xi32>,
        tpu.vector_store_idx %arg6[%add3A_20, %get3A_252], %broadcast_in_dim3A_3 {add = true} : memref<128x256xf32, #tpu.memory_space<vmem>>[vector<16xi32>, vector<16xi32>], vector<16xf32>,
        %get3A_253 = arith.constant 2 : i32
        %get3A_254 = arith.index_cast %scan3A_148 : i32 to index
        %get3A_255 = arith.index_cast %get3A_253 : i32 to index
        %get3A_256 = arith.constant 80 : index
        %get3A_257 = tpu.vector_load %arg5[%get3A_254, %get3A_255, %get3A_256] {strides = array<i32>} : memref<17x17x128xi32, #tpu.memory_space<vmem>>, vector<16xi32>,
        tpu.vector_store_idx %arg6[%add3A_23, %get3A_257], %broadcast_in_dim3A_3 {add = true} : memref<128x256xf32, #tpu.memory_space<vmem>>[vector<16xi32>, vector<16xi32>], vector<16xf32>,
        %get3A_258 = arith.constant 2 : i32
        %get3A_259 = arith.index_cast %scan3A_148 : i32 to index
        %get3A_260 = arith.index_cast %get3A_258 : i32 to index
        %get3A_261 = arith.constant 96 : index
        %get3A_262 = tpu.vector_load %arg5[%get3A_259, %get3A_260, %get3A_261] {strides = array<i32>} : memref<17x17x128xi32, #tpu.memory_space<vmem>>, vector<16xi32>,
        tpu.vector_store_idx %arg6[%add3A_26, %get3A_262], %broadcast_in_dim3A_3 {add = true} : memref<128x256xf32, #tpu.memory_space<vmem>>[vector<16xi32>, vector<16xi32>], vector<16xf32>,
        %get3A_263 = arith.constant 2 : i32
        %get3A_264 = arith.index_cast %scan3A_148 : i32 to index
        %get3A_265 = arith.index_cast %get3A_263 : i32 to index
        %get3A_266 = arith.constant 112 : index
        %get3A_267 = tpu.vector_load %arg5[%get3A_264, %get3A_265, %get3A_266] {strides = array<i32>} : memref<17x17x128xi32, #tpu.memory_space<vmem>>, vector<16xi32>,
        tpu.vector_store_idx %arg6[%add3A_29, %get3A_267], %broadcast_in_dim3A_3 {add = true} : memref<128x256xf32, #tpu.memory_space<vmem>>[vector<16xi32>, vector<16xi32>], vector<16xf32>,
        %get3A_268 = arith.constant 3 : i32
        %get3A_269 = arith.index_cast %scan3A_148 : i32 to index
        %get3A_270 = arith.index_cast %get3A_268 : i32 to index
        %get3A_271 = arith.constant 0 : index
        %get3A_272 = tpu.vector_load %arg5[%get3A_269, %get3A_270, %get3A_271] {strides = array<i32>} : memref<17x17x128xi32, #tpu.memory_space<vmem>>, vector<16xi32>,
        tpu.vector_store_idx %arg6[%add3A_8, %get3A_272], %broadcast_in_dim3A_3 {add = true} : memref<128x256xf32, #tpu.memory_space<vmem>>[vector<16xi32>, vector<16xi32>], vector<16xf32>,
        %get3A_273 = arith.constant 3 : i32
        %get3A_274 = arith.index_cast %scan3A_148 : i32 to index
        %get3A_275 = arith.index_cast %get3A_273 : i32 to index
        %get3A_276 = arith.constant 16 : index
        %get3A_277 = tpu.vector_load %arg5[%get3A_274, %get3A_275, %get3A_276] {strides = array<i32>} : memref<17x17x128xi32, #tpu.memory_space<vmem>>, vector<16xi32>,
        tpu.vector_store_idx %arg6[%add3A_11, %get3A_277], %broadcast_in_dim3A_3 {add = true} : memref<128x256xf32, #tpu.memory_space<vmem>>[vector<16xi32>, vector<16xi32>], vector<16xf32>,
        %get3A_278 = arith.constant 3 : i32
        %get3A_279 = arith.index_cast %scan3A_148 : i32 to index
        %get3A_280 = arith.index_cast %get3A_278 : i32 to index
        %get3A_281 = arith.constant 32 : index
        %get3A_282 = tpu.vector_load %arg5[%get3A_279, %get3A_280, %get3A_281] {strides = array<i32>} : memref<17x17x128xi32, #tpu.memory_space<vmem>>, vector<16xi32>,
        tpu.vector_store_idx %arg6[%add3A_14, %get3A_282], %broadcast_in_dim3A_3 {add = true} : memref<128x256xf32, #tpu.memory_space<vmem>>[vector<16xi32>, vector<16xi32>], vector<16xf32>,
        %get3A_283 = arith.constant 3 : i32
        %get3A_284 = arith.index_cast %scan3A_148 : i32 to index
        %get3A_285 = arith.index_cast %get3A_283 : i32 to index
        %get3A_286 = arith.constant 48 : index
        %get3A_287 = tpu.vector_load %arg5[%get3A_284, %get3A_285, %get3A_286] {strides = array<i32>} : memref<17x17x128xi32, #tpu.memory_space<vmem>>, vector<16xi32>,
        tpu.vector_store_idx %arg6[%add3A_17, %get3A_287], %broadcast_in_dim3A_3 {add = true} : memref<128x256xf32, #tpu.memory_space<vmem>>[vector<16xi32>, vector<16xi32>], vector<16xf32>,
        %get3A_288 = arith.constant 3 : i32
        %get3A_289 = arith.index_cast %scan3A_148 : i32 to index
        %get3A_290 = arith.index_cast %get3A_288 : i32 to index
        %get3A_291 = arith.constant 64 : index
        %get3A_292 = tpu.vector_load %arg5[%get3A_289, %get3A_290, %get3A_291] {strides = array<i32>} : memref<17x17x128xi32, #tpu.memory_space<vmem>>, vector<16xi32>,
        tpu.vector_store_idx %arg6[%add3A_20, %get3A_292], %broadcast_in_dim3A_3 {add = true} : memref<128x256xf32, #tpu.memory_space<vmem>>[vector<16xi32>, vector<16xi32>], vector<16xf32>,
        %get3A_293 = arith.constant 3 : i32
        %get3A_294 = arith.index_cast %scan3A_148 : i32 to index
        %get3A_295 = arith.index_cast %get3A_293 : i32 to index
        %get3A_296 = arith.constant 80 : index
        %get3A_297 = tpu.vector_load %arg5[%get3A_294, %get3A_295, %get3A_296] {strides = array<i32>} : memref<17x17x128xi32, #tpu.memory_space<vmem>>, vector<16xi32>,
        tpu.vector_store_idx %arg6[%add3A_23, %get3A_297], %broadcast_in_dim3A_3 {add = true} : memref<128x256xf32, #tpu.memory_space<vmem>>[vector<16xi32>, vector<16xi32>], vector<16xf32>,
        %get3A_298 = arith.constant 3 : i32
        %get3A_299 = arith.index_cast %scan3A_148 : i32 to index
        %get3A_300 = arith.index_cast %get3A_298 : i32 to index
        %get3A_301 = arith.constant 96 : index
        %get3A_302 = tpu.vector_load %arg5[%get3A_299, %get3A_300, %get3A_301] {strides = array<i32>} : memref<17x17x128xi32, #tpu.memory_space<vmem>>, vector<16xi32>,
        tpu.vector_store_idx %arg6[%add3A_26, %get3A_302], %broadcast_in_dim3A_3 {add = true} : memref<128x256xf32, #tpu.memory_space<vmem>>[vector<16xi32>, vector<16xi32>], vector<16xf32>,
        %get3A_303 = arith.constant 3 : i32
        %get3A_304 = arith.index_cast %scan3A_148 : i32 to index
        %get3A_305 = arith.index_cast %get3A_303 : i32 to index
        %get3A_306 = arith.constant 112 : index
        %get3A_307 = tpu.vector_load %arg5[%get3A_304, %get3A_305, %get3A_306] {strides = array<i32>} : memref<17x17x128xi32, #tpu.memory_space<vmem>>, vector<16xi32>,
        tpu.vector_store_idx %arg6[%add3A_29, %get3A_307], %broadcast_in_dim3A_3 {add = true} : memref<128x256xf32, #tpu.memory_space<vmem>>[vector<16xi32>, vector<16xi32>], vector<16xf32>,
        %get3A_308 = arith.constant 4 : i32
        %get3A_309 = arith.index_cast %scan3A_148 : i32 to index
        %get3A_310 = arith.index_cast %get3A_308 : i32 to index
        %get3A_311 = arith.constant 0 : index
        %get3A_312 = tpu.vector_load %arg5[%get3A_309, %get3A_310, %get3A_311] {strides = array<i32>} : memref<17x17x128xi32, #tpu.memory_space<vmem>>, vector<16xi32>,
        tpu.vector_store_idx %arg6[%add3A_8, %get3A_312], %broadcast_in_dim3A_3 {add = true} : memref<128x256xf32, #tpu.memory_space<vmem>>[vector<16xi32>, vector<16xi32>], vector<16xf32>,
        %get3A_313 = arith.constant 4 : i32
        %get3A_314 = arith.index_cast %scan3A_148 : i32 to index
        %get3A_315 = arith.index_cast %get3A_313 : i32 to index
        %get3A_316 = arith.constant 16 : index
        %get3A_317 = tpu.vector_load %arg5[%get3A_314, %get3A_315, %get3A_316] {strides = array<i32>} : memref<17x17x128xi32, #tpu.memory_space<vmem>>, vector<16xi32>,
        tpu.vector_store_idx %arg6[%add3A_11, %get3A_317], %broadcast_in_dim3A_3 {add = true} : memref<128x256xf32, #tpu.memory_space<vmem>>[vector<16xi32>, vector<16xi32>], vector<16xf32>,
        %get3A_318 = arith.constant 4 : i32
        %get3A_319 = arith.index_cast %scan3A_148 : i32 to index
        %get3A_320 = arith.index_cast %get3A_318 : i32 to index
        %get3A_321 = arith.constant 32 : index
        %get3A_322 = tpu.vector_load %arg5[%get3A_319, %get3A_320, %get3A_321] {strides = array<i32>} : memref<17x17x128xi32, #tpu.memory_space<vmem>>, vector<16xi32>,
        tpu.vector_store_idx %arg6[%add3A_14, %get3A_322], %broadcast_in_dim3A_3 {add = true} : memref<128x256xf32, #tpu.memory_space<vmem>>[vector<16xi32>, vector<16xi32>], vector<16xf32>,
        %get3A_323 = arith.constant 4 : i32
        %get3A_324 = arith.index_cast %scan3A_148 : i32 to index
        %get3A_325 = arith.index_cast %get3A_323 : i32 to index
        %get3A_326 = arith.constant 48 : index
        %get3A_327 = tpu.vector_load %arg5[%get3A_324, %get3A_325, %get3A_326] {strides = array<i32>} : memref<17x17x128xi32, #tpu.memory_space<vmem>>, vector<16xi32>,
        tpu.vector_store_idx %arg6[%add3A_17, %get3A_327], %broadcast_in_dim3A_3 {add = true} : memref<128x256xf32, #tpu.memory_space<vmem>>[vector<16xi32>, vector<16xi32>], vector<16xf32>,
        %get3A_328 = arith.constant 4 : i32
        %get3A_329 = arith.index_cast %scan3A_148 : i32 to index
        %get3A_330 = arith.index_cast %get3A_328 : i32 to index
        %get3A_331 = arith.constant 64 : index
        %get3A_332 = tpu.vector_load %arg5[%get3A_329, %get3A_330, %get3A_331] {strides = array<i32>} : memref<17x17x128xi32, #tpu.memory_space<vmem>>, vector<16xi32>,
        tpu.vector_store_idx %arg6[%add3A_20, %get3A_332], %broadcast_in_dim3A_3 {add = true} : memref<128x256xf32, #tpu.memory_space<vmem>>[vector<16xi32>, vector<16xi32>], vector<16xf32>,
        %get3A_333 = arith.constant 4 : i32
        %get3A_334 = arith.index_cast %scan3A_148 : i32 to index
        %get3A_335 = arith.index_cast %get3A_333 : i32 to index
        %get3A_336 = arith.constant 80 : index
        %get3A_337 = tpu.vector_load %arg5[%get3A_334, %get3A_335, %get3A_336] {strides = array<i32>} : memref<17x17x128xi32, #tpu.memory_space<vmem>>, vector<16xi32>,
        tpu.vector_store_idx %arg6[%add3A_23, %get3A_337], %broadcast_in_dim3A_3 {add = true} : memref<128x256xf32, #tpu.memory_space<vmem>>[vector<16xi32>, vector<16xi32>], vector<16xf32>,
        %get3A_338 = arith.constant 4 : i32
        %get3A_339 = arith.index_cast %scan3A_148 : i32 to index
        %get3A_340 = arith.index_cast %get3A_338 : i32 to index
        %get3A_341 = arith.constant 96 : index
        %get3A_342 = tpu.vector_load %arg5[%get3A_339, %get3A_340, %get3A_341] {strides = array<i32>} : memref<17x17x128xi32, #tpu.memory_space<vmem>>, vector<16xi32>,
        tpu.vector_store_idx %arg6[%add3A_26, %get3A_342], %broadcast_in_dim3A_3 {add = true} : memref<128x256xf32, #tpu.memory_space<vmem>>[vector<16xi32>, vector<16xi32>], vector<16xf32>,
        %get3A_343 = arith.constant 4 : i32
        %get3A_344 = arith.index_cast %scan3A_148 : i32 to index
        %get3A_345 = arith.index_cast %get3A_343 : i32 to index
        %get3A_346 = arith.constant 112 : index
        %get3A_347 = tpu.vector_load %arg5[%get3A_344, %get3A_345, %get3A_346] {strides = array<i32>} : memref<17x17x128xi32, #tpu.memory_space<vmem>>, vector<16xi32>,
        tpu.vector_store_idx %arg6[%add3A_29, %get3A_347], %broadcast_in_dim3A_3 {add = true} : memref<128x256xf32, #tpu.memory_space<vmem>>[vector<16xi32>, vector<16xi32>], vector<16xf32>,
        %get3A_348 = arith.constant 5 : i32
        %get3A_349 = arith.index_cast %scan3A_148 : i32 to index
        %get3A_350 = arith.index_cast %get3A_348 : i32 to index
        %get3A_351 = arith.constant 0 : index
        %get3A_352 = tpu.vector_load %arg5[%get3A_349, %get3A_350, %get3A_351] {strides = array<i32>} : memref<17x17x128xi32, #tpu.memory_space<vmem>>, vector<16xi32>,
        tpu.vector_store_idx %arg6[%add3A_8, %get3A_352], %broadcast_in_dim3A_3 {add = true} : memref<128x256xf32, #tpu.memory_space<vmem>>[vector<16xi32>, vector<16xi32>], vector<16xf32>,
        %get3A_353 = arith.constant 5 : i32
        %get3A_354 = arith.index_cast %scan3A_148 : i32 to index
        %get3A_355 = arith.index_cast %get3A_353 : i32 to index
        %get3A_356 = arith.constant 16 : index
        %get3A_357 = tpu.vector_load %arg5[%get3A_354, %get3A_355, %get3A_356] {strides = array<i32>} : memref<17x17x128xi32, #tpu.memory_space<vmem>>, vector<16xi32>,
        tpu.vector_store_idx %arg6[%add3A_11, %get3A_357], %broadcast_in_dim3A_3 {add = true} : memref<128x256xf32, #tpu.memory_space<vmem>>[vector<16xi32>, vector<16xi32>], vector<16xf32>,
        %get3A_358 = arith.constant 5 : i32
        %get3A_359 = arith.index_cast %scan3A_148 : i32 to index
        %get3A_360 = arith.index_cast %get3A_358 : i32 to index
        %get3A_361 = arith.constant 32 : index
        %get3A_362 = tpu.vector_load %arg5[%get3A_359, %get3A_360, %get3A_361] {strides = array<i32>} : memref<17x17x128xi32, #tpu.memory_space<vmem>>, vector<16xi32>,
        tpu.vector_store_idx %arg6[%add3A_14, %get3A_362], %broadcast_in_dim3A_3 {add = true} : memref<128x256xf32, #tpu.memory_space<vmem>>[vector<16xi32>, vector<16xi32>], vector<16xf32>,
        %get3A_363 = arith.constant 5 : i32
        %get3A_364 = arith.index_cast %scan3A_148 : i32 to index
        %get3A_365 = arith.index_cast %get3A_363 : i32 to index
        %get3A_366 = arith.constant 48 : index
        %get3A_367 = tpu.vector_load %arg5[%get3A_364, %get3A_365, %get3A_366] {strides = array<i32>} : memref<17x17x128xi32, #tpu.memory_space<vmem>>, vector<16xi32>,
        tpu.vector_store_idx %arg6[%add3A_17, %get3A_367], %broadcast_in_dim3A_3 {add = true} : memref<128x256xf32, #tpu.memory_space<vmem>>[vector<16xi32>, vector<16xi32>], vector<16xf32>,
        %get3A_368 = arith.constant 5 : i32
        %get3A_369 = arith.index_cast %scan3A_148 : i32 to index
        %get3A_370 = arith.index_cast %get3A_368 : i32 to index
        %get3A_371 = arith.constant 64 : index
        %get3A_372 = tpu.vector_load %arg5[%get3A_369, %get3A_370, %get3A_371] {strides = array<i32>} : memref<17x17x128xi32, #tpu.memory_space<vmem>>, vector<16xi32>,
        tpu.vector_store_idx %arg6[%add3A_20, %get3A_372], %broadcast_in_dim3A_3 {add = true} : memref<128x256xf32, #tpu.memory_space<vmem>>[vector<16xi32>, vector<16xi32>], vector<16xf32>,
        %get3A_373 = arith.constant 5 : i32
        %get3A_374 = arith.index_cast %scan3A_148 : i32 to index
        %get3A_375 = arith.index_cast %get3A_373 : i32 to index
        %get3A_376 = arith.constant 80 : index
        %get3A_377 = tpu.vector_load %arg5[%get3A_374, %get3A_375, %get3A_376] {strides = array<i32>} : memref<17x17x128xi32, #tpu.memory_space<vmem>>, vector<16xi32>,
        tpu.vector_store_idx %arg6[%add3A_23, %get3A_377], %broadcast_in_dim3A_3 {add = true} : memref<128x256xf32, #tpu.memory_space<vmem>>[vector<16xi32>, vector<16xi32>], vector<16xf32>,
        %get3A_378 = arith.constant 5 : i32
        %get3A_379 = arith.index_cast %scan3A_148 : i32 to index
        %get3A_380 = arith.index_cast %get3A_378 : i32 to index
        %get3A_381 = arith.constant 96 : index
        %get3A_382 = tpu.vector_load %arg5[%get3A_379, %get3A_380, %get3A_381] {strides = array<i32>} : memref<17x17x128xi32, #tpu.memory_space<vmem>>, vector<16xi32>,
        tpu.vector_store_idx %arg6[%add3A_26, %get3A_382], %broadcast_in_dim3A_3 {add = true} : memref<128x256xf32, #tpu.memory_space<vmem>>[vector<16xi32>, vector<16xi32>], vector<16xf32>,
        %get3A_383 = arith.constant 5 : i32
        %get3A_384 = arith.index_cast %scan3A_148 : i32 to index
        %get3A_385 = arith.index_cast %get3A_383 : i32 to index
        %get3A_386 = arith.constant 112 : index
        %get3A_387 = tpu.vector_load %arg5[%get3A_384, %get3A_385, %get3A_386] {strides = array<i32>} : memref<17x17x128xi32, #tpu.memory_space<vmem>>, vector<16xi32>,
        tpu.vector_store_idx %arg6[%add3A_29, %get3A_387], %broadcast_in_dim3A_3 {add = true} : memref<128x256xf32, #tpu.memory_space<vmem>>[vector<16xi32>, vector<16xi32>], vector<16xf32>,
        %get3A_388 = arith.constant 6 : i32
        %get3A_389 = arith.index_cast %scan3A_148 : i32 to index
        %get3A_390 = arith.index_cast %get3A_388 : i32 to index
        %get3A_391 = arith.constant 0 : index
        %get3A_392 = tpu.vector_load %arg5[%get3A_389, %get3A_390, %get3A_391] {strides = array<i32>} : memref<17x17x128xi32, #tpu.memory_space<vmem>>, vector<16xi32>,
        tpu.vector_store_idx %arg6[%add3A_8, %get3A_392], %broadcast_in_dim3A_3 {add = true} : memref<128x256xf32, #tpu.memory_space<vmem>>[vector<16xi32>, vector<16xi32>], vector<16xf32>,
        %get3A_393 = arith.constant 6 : i32
        %get3A_394 = arith.index_cast %scan3A_148 : i32 to index
        %get3A_395 = arith.index_cast %get3A_393 : i32 to index
        %get3A_396 = arith.constant 16 : index
        %get3A_397 = tpu.vector_load %arg5[%get3A_394, %get3A_395, %get3A_396] {strides = array<i32>} : memref<17x17x128xi32, #tpu.memory_space<vmem>>, vector<16xi32>,
        tpu.vector_store_idx %arg6[%add3A_11, %get3A_397], %broadcast_in_dim3A_3 {add = true} : memref<128x256xf32, #tpu.memory_space<vmem>>[vector<16xi32>, vector<16xi32>], vector<16xf32>,
        %get3A_398 = arith.constant 6 : i32
        %get3A_399 = arith.index_cast %scan3A_148 : i32 to index
        %get3A_400 = arith.index_cast %get3A_398 : i32 to index
        %get3A_401 = arith.constant 32 : index
        %get3A_402 = tpu.vector_load %arg5[%get3A_399, %get3A_400, %get3A_401] {strides = array<i32>} : memref<17x17x128xi32, #tpu.memory_space<vmem>>, vector<16xi32>,
        tpu.vector_store_idx %arg6[%add3A_14, %get3A_402], %broadcast_in_dim3A_3 {add = true} : memref<128x256xf32, #tpu.memory_space<vmem>>[vector<16xi32>, vector<16xi32>], vector<16xf32>,
        %get3A_403 = arith.constant 6 : i32
        %get3A_404 = arith.index_cast %scan3A_148 : i32 to index
        %get3A_405 = arith.index_cast %get3A_403 : i32 to index
        %get3A_406 = arith.constant 48 : index
        %get3A_407 = tpu.vector_load %arg5[%get3A_404, %get3A_405, %get3A_406] {strides = array<i32>} : memref<17x17x128xi32, #tpu.memory_space<vmem>>, vector<16xi32>,
        tpu.vector_store_idx %arg6[%add3A_17, %get3A_407], %broadcast_in_dim3A_3 {add = true} : memref<128x256xf32, #tpu.memory_space<vmem>>[vector<16xi32>, vector<16xi32>], vector<16xf32>,
        %get3A_408 = arith.constant 6 : i32
        %get3A_409 = arith.index_cast %scan3A_148 : i32 to index
        %get3A_410 = arith.index_cast %get3A_408 : i32 to index
        %get3A_411 = arith.constant 64 : index
        %get3A_412 = tpu.vector_load %arg5[%get3A_409, %get3A_410, %get3A_411] {strides = array<i32>} : memref<17x17x128xi32, #tpu.memory_space<vmem>>, vector<16xi32>,
        tpu.vector_store_idx %arg6[%add3A_20, %get3A_412], %broadcast_in_dim3A_3 {add = true} : memref<128x256xf32, #tpu.memory_space<vmem>>[vector<16xi32>, vector<16xi32>], vector<16xf32>,
        %get3A_413 = arith.constant 6 : i32
        %get3A_414 = arith.index_cast %scan3A_148 : i32 to index
        %get3A_415 = arith.index_cast %get3A_413 : i32 to index
        %get3A_416 = arith.constant 80 : index
        %get3A_417 = tpu.vector_load %arg5[%get3A_414, %get3A_415, %get3A_416] {strides = array<i32>} : memref<17x17x128xi32, #tpu.memory_space<vmem>>, vector<16xi32>,
        tpu.vector_store_idx %arg6[%add3A_23, %get3A_417], %broadcast_in_dim3A_3 {add = true} : memref<128x256xf32, #tpu.memory_space<vmem>>[vector<16xi32>, vector<16xi32>], vector<16xf32>,
        %get3A_418 = arith.constant 6 : i32
        %get3A_419 = arith.index_cast %scan3A_148 : i32 to index
        %get3A_420 = arith.index_cast %get3A_418 : i32 to index
        %get3A_421 = arith.constant 96 : index
        %get3A_422 = tpu.vector_load %arg5[%get3A_419, %get3A_420, %get3A_421] {strides = array<i32>} : memref<17x17x128xi32, #tpu.memory_space<vmem>>, vector<16xi32>,
        tpu.vector_store_idx %arg6[%add3A_26, %get3A_422], %broadcast_in_dim3A_3 {add = true} : memref<128x256xf32, #tpu.memory_space<vmem>>[vector<16xi32>, vector<16xi32>], vector<16xf32>,
        %get3A_423 = arith.constant 6 : i32
        %get3A_424 = arith.index_cast %scan3A_148 : i32 to index
        %get3A_425 = arith.index_cast %get3A_423 : i32 to index
        %get3A_426 = arith.constant 112 : index
        %get3A_427 = tpu.vector_load %arg5[%get3A_424, %get3A_425, %get3A_426] {strides = array<i32>} : memref<17x17x128xi32, #tpu.memory_space<vmem>>, vector<16xi32>,
        tpu.vector_store_idx %arg6[%add3A_29, %get3A_427], %broadcast_in_dim3A_3 {add = true} : memref<128x256xf32, #tpu.memory_space<vmem>>[vector<16xi32>, vector<16xi32>], vector<16xf32>,
        %get3A_428 = arith.constant 7 : i32
        %get3A_429 = arith.index_cast %scan3A_148 : i32 to index
        %get3A_430 = arith.index_cast %get3A_428 : i32 to index
        %get3A_431 = arith.constant 0 : index
        %get3A_432 = tpu.vector_load %arg5[%get3A_429, %get3A_430, %get3A_431] {strides = array<i32>} : memref<17x17x128xi32, #tpu.memory_space<vmem>>, vector<16xi32>,
        tpu.vector_store_idx %arg6[%add3A_8, %get3A_432], %broadcast_in_dim3A_3 {add = true} : memref<128x256xf32, #tpu.memory_space<vmem>>[vector<16xi32>, vector<16xi32>], vector<16xf32>,
        %get3A_433 = arith.constant 7 : i32
        %get3A_434 = arith.index_cast %scan3A_148 : i32 to index
        %get3A_435 = arith.index_cast %get3A_433 : i32 to index
        %get3A_436 = arith.constant 16 : index
        %get3A_437 = tpu.vector_load %arg5[%get3A_434, %get3A_435, %get3A_436] {strides = array<i32>} : memref<17x17x128xi32, #tpu.memory_space<vmem>>, vector<16xi32>,
        tpu.vector_store_idx %arg6[%add3A_11, %get3A_437], %broadcast_in_dim3A_3 {add = true} : memref<128x256xf32, #tpu.memory_space<vmem>>[vector<16xi32>, vector<16xi32>], vector<16xf32>,
        %get3A_438 = arith.constant 7 : i32
        %get3A_439 = arith.index_cast %scan3A_148 : i32 to index
        %get3A_440 = arith.index_cast %get3A_438 : i32 to index
        %get3A_441 = arith.constant 32 : index
        %get3A_442 = tpu.vector_load %arg5[%get3A_439, %get3A_440, %get3A_441] {strides = array<i32>} : memref<17x17x128xi32, #tpu.memory_space<vmem>>, vector<16xi32>,
        tpu.vector_store_idx %arg6[%add3A_14, %get3A_442], %broadcast_in_dim3A_3 {add = true} : memref<128x256xf32, #tpu.memory_space<vmem>>[vector<16xi32>, vector<16xi32>], vector<16xf32>,
        %get3A_443 = arith.constant 7 : i32
        %get3A_444 = arith.index_cast %scan3A_148 : i32 to index
        %get3A_445 = arith.index_cast %get3A_443 : i32 to index
        %get3A_446 = arith.constant 48 : index
        %get3A_447 = tpu.vector_load %arg5[%get3A_444, %get3A_445, %get3A_446] {strides = array<i32>} : memref<17x17x128xi32, #tpu.memory_space<vmem>>, vector<16xi32>,
        tpu.vector_store_idx %arg6[%add3A_17, %get3A_447], %broadcast_in_dim3A_3 {add = true} : memref<128x256xf32, #tpu.memory_space<vmem>>[vector<16xi32>, vector<16xi32>], vector<16xf32>,
        %get3A_448 = arith.constant 7 : i32
        %get3A_449 = arith.index_cast %scan3A_148 : i32 to index
        %get3A_450 = arith.index_cast %get3A_448 : i32 to index
        %get3A_451 = arith.constant 64 : index
        %get3A_452 = tpu.vector_load %arg5[%get3A_449, %get3A_450, %get3A_451] {strides = array<i32>} : memref<17x17x128xi32, #tpu.memory_space<vmem>>, vector<16xi32>,
        tpu.vector_store_idx %arg6[%add3A_20, %get3A_452], %broadcast_in_dim3A_3 {add = true} : memref<128x256xf32, #tpu.memory_space<vmem>>[vector<16xi32>, vector<16xi32>], vector<16xf32>,
        %get3A_453 = arith.constant 7 : i32
        %get3A_454 = arith.index_cast %scan3A_148 : i32 to index
        %get3A_455 = arith.index_cast %get3A_453 : i32 to index
        %get3A_456 = arith.constant 80 : index
        %get3A_457 = tpu.vector_load %arg5[%get3A_454, %get3A_455, %get3A_456] {strides = array<i32>} : memref<17x17x128xi32, #tpu.memory_space<vmem>>, vector<16xi32>,
        tpu.vector_store_idx %arg6[%add3A_23, %get3A_457], %broadcast_in_dim3A_3 {add = true} : memref<128x256xf32, #tpu.memory_space<vmem>>[vector<16xi32>, vector<16xi32>], vector<16xf32>,
        %get3A_458 = arith.constant 7 : i32
        %get3A_459 = arith.index_cast %scan3A_148 : i32 to index
        %get3A_460 = arith.index_cast %get3A_458 : i32 to index
        %get3A_461 = arith.constant 96 : index
        %get3A_462 = tpu.vector_load %arg5[%get3A_459, %get3A_460, %get3A_461] {strides = array<i32>} : memref<17x17x128xi32, #tpu.memory_space<vmem>>, vector<16xi32>,
        tpu.vector_store_idx %arg6[%add3A_26, %get3A_462], %broadcast_in_dim3A_3 {add = true} : memref<128x256xf32, #tpu.memory_space<vmem>>[vector<16xi32>, vector<16xi32>], vector<16xf32>,
        %get3A_463 = arith.constant 7 : i32
        %get3A_464 = arith.index_cast %scan3A_148 : i32 to index
        %get3A_465 = arith.index_cast %get3A_463 : i32 to index
        %get3A_466 = arith.constant 112 : index
        %get3A_467 = tpu.vector_load %arg5[%get3A_464, %get3A_465, %get3A_466] {strides = array<i32>} : memref<17x17x128xi32, #tpu.memory_space<vmem>>, vector<16xi32>,
        tpu.vector_store_idx %arg6[%add3A_29, %get3A_467], %broadcast_in_dim3A_3 {add = true} : memref<128x256xf32, #tpu.memory_space<vmem>>[vector<16xi32>, vector<16xi32>], vector<16xf32>,
        %get3A_468 = arith.constant 8 : i32
        %get3A_469 = arith.index_cast %scan3A_148 : i32 to index
        %get3A_470 = arith.index_cast %get3A_468 : i32 to index
        %get3A_471 = arith.constant 0 : index
        %get3A_472 = tpu.vector_load %arg5[%get3A_469, %get3A_470, %get3A_471] {strides = array<i32>} : memref<17x17x128xi32, #tpu.memory_space<vmem>>, vector<16xi32>,
        tpu.vector_store_idx %arg6[%add3A_8, %get3A_472], %broadcast_in_dim3A_3 {add = true} : memref<128x256xf32, #tpu.memory_space<vmem>>[vector<16xi32>, vector<16xi32>], vector<16xf32>,
        %get3A_473 = arith.constant 8 : i32
        %get3A_474 = arith.index_cast %scan3A_148 : i32 to index
        %get3A_475 = arith.index_cast %get3A_473 : i32 to index
        %get3A_476 = arith.constant 16 : index
        %get3A_477 = tpu.vector_load %arg5[%get3A_474, %get3A_475, %get3A_476] {strides = array<i32>} : memref<17x17x128xi32, #tpu.memory_space<vmem>>, vector<16xi32>,
        tpu.vector_store_idx %arg6[%add3A_11, %get3A_477], %broadcast_in_dim3A_3 {add = true} : memref<128x256xf32, #tpu.memory_space<vmem>>[vector<16xi32>, vector<16xi32>], vector<16xf32>,
        %get3A_478 = arith.constant 8 : i32
        %get3A_479 = arith.index_cast %scan3A_148 : i32 to index
        %get3A_480 = arith.index_cast %get3A_478 : i32 to index
        %get3A_481 = arith.constant 32 : index
        %get3A_482 = tpu.vector_load %arg5[%get3A_479, %get3A_480, %get3A_481] {strides = array<i32>} : memref<17x17x128xi32, #tpu.memory_space<vmem>>, vector<16xi32>,
        tpu.vector_store_idx %arg6[%add3A_14, %get3A_482], %broadcast_in_dim3A_3 {add = true} : memref<128x256xf32, #tpu.memory_space<vmem>>[vector<16xi32>, vector<16xi32>], vector<16xf32>,
        %get3A_483 = arith.constant 8 : i32
        %get3A_484 = arith.index_cast %scan3A_148 : i32 to index
        %get3A_485 = arith.index_cast %get3A_483 : i32 to index
        %get3A_486 = arith.constant 48 : index
        %get3A_487 = tpu.vector_load %arg5[%get3A_484, %get3A_485, %get3A_486] {strides = array<i32>} : memref<17x17x128xi32, #tpu.memory_space<vmem>>, vector<16xi32>,
        tpu.vector_store_idx %arg6[%add3A_17, %get3A_487], %broadcast_in_dim3A_3 {add = true} : memref<128x256xf32, #tpu.memory_space<vmem>>[vector<16xi32>, vector<16xi32>], vector<16xf32>,
        %get3A_488 = arith.constant 8 : i32
        %get3A_489 = arith.index_cast %scan3A_148 : i32 to index
        %get3A_490 = arith.index_cast %get3A_488 : i32 to index
        %get3A_491 = arith.constant 64 : index
        %get3A_492 = tpu.vector_load %arg5[%get3A_489, %get3A_490, %get3A_491] {strides = array<i32>} : memref<17x17x128xi32, #tpu.memory_space<vmem>>, vector<16xi32>,
        tpu.vector_store_idx %arg6[%add3A_20, %get3A_492], %broadcast_in_dim3A_3 {add = true} : memref<128x256xf32, #tpu.memory_space<vmem>>[vector<16xi32>, vector<16xi32>], vector<16xf32>,
        %get3A_493 = arith.constant 8 : i32
        %get3A_494 = arith.index_cast %scan3A_148 : i32 to index
        %get3A_495 = arith.index_cast %get3A_493 : i32 to index
        %get3A_496 = arith.constant 80 : index
        %get3A_497 = tpu.vector_load %arg5[%get3A_494, %get3A_495, %get3A_496] {strides = array<i32>} : memref<17x17x128xi32, #tpu.memory_space<vmem>>, vector<16xi32>,
        tpu.vector_store_idx %arg6[%add3A_23, %get3A_497], %broadcast_in_dim3A_3 {add = true} : memref<128x256xf32, #tpu.memory_space<vmem>>[vector<16xi32>, vector<16xi32>], vector<16xf32>,
        %get3A_498 = arith.constant 8 : i32
        %get3A_499 = arith.index_cast %scan3A_148 : i32 to index
        %get3A_500 = arith.index_cast %get3A_498 : i32 to index
        %get3A_501 = arith.constant 96 : index
        %get3A_502 = tpu.vector_load %arg5[%get3A_499, %get3A_500, %get3A_501] {strides = array<i32>} : memref<17x17x128xi32, #tpu.memory_space<vmem>>, vector<16xi32>,
        tpu.vector_store_idx %arg6[%add3A_26, %get3A_502], %broadcast_in_dim3A_3 {add = true} : memref<128x256xf32, #tpu.memory_space<vmem>>[vector<16xi32>, vector<16xi32>], vector<16xf32>,
        %get3A_503 = arith.constant 8 : i32
        %get3A_504 = arith.index_cast %scan3A_148 : i32 to index
        %get3A_505 = arith.index_cast %get3A_503 : i32 to index
        %get3A_506 = arith.constant 112 : index
        %get3A_507 = tpu.vector_load %arg5[%get3A_504, %get3A_505, %get3A_506] {strides = array<i32>} : memref<17x17x128xi32, #tpu.memory_space<vmem>>, vector<16xi32>,
        tpu.vector_store_idx %arg6[%add3A_29, %get3A_507], %broadcast_in_dim3A_3 {add = true} : memref<128x256xf32, #tpu.memory_space<vmem>>[vector<16xi32>, vector<16xi32>], vector<16xf32>,
        %get3A_508 = arith.constant 9 : i32
        %get3A_509 = arith.index_cast %scan3A_148 : i32 to index
        %get3A_510 = arith.index_cast %get3A_508 : i32 to index
        %get3A_511 = arith.constant 0 : index
        %get3A_512 = tpu.vector_load %arg5[%get3A_509, %get3A_510, %get3A_511] {strides = array<i32>} : memref<17x17x128xi32, #tpu.memory_space<vmem>>, vector<16xi32>,
        tpu.vector_store_idx %arg6[%add3A_8, %get3A_512], %broadcast_in_dim3A_3 {add = true} : memref<128x256xf32, #tpu.memory_space<vmem>>[vector<16xi32>, vector<16xi32>], vector<16xf32>,
        %get3A_513 = arith.constant 9 : i32
        %get3A_514 = arith.index_cast %scan3A_148 : i32 to index
        %get3A_515 = arith.index_cast %get3A_513 : i32 to index
        %get3A_516 = arith.constant 16 : index
        %get3A_517 = tpu.vector_load %arg5[%get3A_514, %get3A_515, %get3A_516] {strides = array<i32>} : memref<17x17x128xi32, #tpu.memory_space<vmem>>, vector<16xi32>,
        tpu.vector_store_idx %arg6[%add3A_11, %get3A_517], %broadcast_in_dim3A_3 {add = true} : memref<128x256xf32, #tpu.memory_space<vmem>>[vector<16xi32>, vector<16xi32>], vector<16xf32>,
        %get3A_518 = arith.constant 9 : i32
        %get3A_519 = arith.index_cast %scan3A_148 : i32 to index
        %get3A_520 = arith.index_cast %get3A_518 : i32 to index
        %get3A_521 = arith.constant 32 : index
        %get3A_522 = tpu.vector_load %arg5[%get3A_519, %get3A_520, %get3A_521] {strides = array<i32>} : memref<17x17x128xi32, #tpu.memory_space<vmem>>, vector<16xi32>,
        tpu.vector_store_idx %arg6[%add3A_14, %get3A_522], %broadcast_in_dim3A_3 {add = true} : memref<128x256xf32, #tpu.memory_space<vmem>>[vector<16xi32>, vector<16xi32>], vector<16xf32>,
        %get3A_523 = arith.constant 9 : i32
        %get3A_524 = arith.index_cast %scan3A_148 : i32 to index
        %get3A_525 = arith.index_cast %get3A_523 : i32 to index
        %get3A_526 = arith.constant 48 : index
        %get3A_527 = tpu.vector_load %arg5[%get3A_524, %get3A_525, %get3A_526] {strides = array<i32>} : memref<17x17x128xi32, #tpu.memory_space<vmem>>, vector<16xi32>,
        tpu.vector_store_idx %arg6[%add3A_17, %get3A_527], %broadcast_in_dim3A_3 {add = true} : memref<128x256xf32, #tpu.memory_space<vmem>>[vector<16xi32>, vector<16xi32>], vector<16xf32>,
        %get3A_528 = arith.constant 9 : i32
        %get3A_529 = arith.index_cast %scan3A_148 : i32 to index
        %get3A_530 = arith.index_cast %get3A_528 : i32 to index
        %get3A_531 = arith.constant 64 : index
        %get3A_532 = tpu.vector_load %arg5[%get3A_529, %get3A_530, %get3A_531] {strides = array<i32>} : memref<17x17x128xi32, #tpu.memory_space<vmem>>, vector<16xi32>,
        tpu.vector_store_idx %arg6[%add3A_20, %get3A_532], %broadcast_in_dim3A_3 {add = true} : memref<128x256xf32, #tpu.memory_space<vmem>>[vector<16xi32>, vector<16xi32>], vector<16xf32>,
        %get3A_533 = arith.constant 9 : i32
        %get3A_534 = arith.index_cast %scan3A_148 : i32 to index
        %get3A_535 = arith.index_cast %get3A_533 : i32 to index
        %get3A_536 = arith.constant 80 : index
        %get3A_537 = tpu.vector_load %arg5[%get3A_534, %get3A_535, %get3A_536] {strides = array<i32>} : memref<17x17x128xi32, #tpu.memory_space<vmem>>, vector<16xi32>,
        tpu.vector_store_idx %arg6[%add3A_23, %get3A_537], %broadcast_in_dim3A_3 {add = true} : memref<128x256xf32, #tpu.memory_space<vmem>>[vector<16xi32>, vector<16xi32>], vector<16xf32>,
        %get3A_538 = arith.constant 9 : i32
        %get3A_539 = arith.index_cast %scan3A_148 : i32 to index
        %get3A_540 = arith.index_cast %get3A_538 : i32 to index
        %get3A_541 = arith.constant 96 : index
        %get3A_542 = tpu.vector_load %arg5[%get3A_539, %get3A_540, %get3A_541] {strides = array<i32>} : memref<17x17x128xi32, #tpu.memory_space<vmem>>, vector<16xi32>,
        tpu.vector_store_idx %arg6[%add3A_26, %get3A_542], %broadcast_in_dim3A_3 {add = true} : memref<128x256xf32, #tpu.memory_space<vmem>>[vector<16xi32>, vector<16xi32>], vector<16xf32>,
        %get3A_543 = arith.constant 9 : i32
        %get3A_544 = arith.index_cast %scan3A_148 : i32 to index
        %get3A_545 = arith.index_cast %get3A_543 : i32 to index
        %get3A_546 = arith.constant 112 : index
        %get3A_547 = tpu.vector_load %arg5[%get3A_544, %get3A_545, %get3A_546] {strides = array<i32>} : memref<17x17x128xi32, #tpu.memory_space<vmem>>, vector<16xi32>,
        tpu.vector_store_idx %arg6[%add3A_29, %get3A_547], %broadcast_in_dim3A_3 {add = true} : memref<128x256xf32, #tpu.memory_space<vmem>>[vector<16xi32>, vector<16xi32>], vector<16xf32>,
        %get3A_548 = arith.constant 10 : i32
        %get3A_549 = arith.index_cast %scan3A_148 : i32 to index
        %get3A_550 = arith.index_cast %get3A_548 : i32 to index
        %get3A_551 = arith.constant 0 : index
        %get3A_552 = tpu.vector_load %arg5[%get3A_549, %get3A_550, %get3A_551] {strides = array<i32>} : memref<17x17x128xi32, #tpu.memory_space<vmem>>, vector<16xi32>,
        tpu.vector_store_idx %arg6[%add3A_8, %get3A_552], %broadcast_in_dim3A_3 {add = true} : memref<128x256xf32, #tpu.memory_space<vmem>>[vector<16xi32>, vector<16xi32>], vector<16xf32>,
        %get3A_553 = arith.constant 10 : i32
        %get3A_554 = arith.index_cast %scan3A_148 : i32 to index
        %get3A_555 = arith.index_cast %get3A_553 : i32 to index
        %get3A_556 = arith.constant 16 : index
        %get3A_557 = tpu.vector_load %arg5[%get3A_554, %get3A_555, %get3A_556] {strides = array<i32>} : memref<17x17x128xi32, #tpu.memory_space<vmem>>, vector<16xi32>,
        tpu.vector_store_idx %arg6[%add3A_11, %get3A_557], %broadcast_in_dim3A_3 {add = true} : memref<128x256xf32, #tpu.memory_space<vmem>>[vector<16xi32>, vector<16xi32>], vector<16xf32>,
        %get3A_558 = arith.constant 10 : i32
        %get3A_559 = arith.index_cast %scan3A_148 : i32 to index
        %get3A_560 = arith.index_cast %get3A_558 : i32 to index
        %get3A_561 = arith.constant 32 : index
        %get3A_562 = tpu.vector_load %arg5[%get3A_559, %get3A_560, %get3A_561] {strides = array<i32>} : memref<17x17x128xi32, #tpu.memory_space<vmem>>, vector<16xi32>,
        tpu.vector_store_idx %arg6[%add3A_14, %get3A_562], %broadcast_in_dim3A_3 {add = true} : memref<128x256xf32, #tpu.memory_space<vmem>>[vector<16xi32>, vector<16xi32>], vector<16xf32>,
        %get3A_563 = arith.constant 10 : i32
        %get3A_564 = arith.index_cast %scan3A_148 : i32 to index
        %get3A_565 = arith.index_cast %get3A_563 : i32 to index
        %get3A_566 = arith.constant 48 : index
        %get3A_567 = tpu.vector_load %arg5[%get3A_564, %get3A_565, %get3A_566] {strides = array<i32>} : memref<17x17x128xi32, #tpu.memory_space<vmem>>, vector<16xi32>,
        tpu.vector_store_idx %arg6[%add3A_17, %get3A_567], %broadcast_in_dim3A_3 {add = true} : memref<128x256xf32, #tpu.memory_space<vmem>>[vector<16xi32>, vector<16xi32>], vector<16xf32>,
        %get3A_568 = arith.constant 10 : i32
        %get3A_569 = arith.index_cast %scan3A_148 : i32 to index
        %get3A_570 = arith.index_cast %get3A_568 : i32 to index
        %get3A_571 = arith.constant 64 : index
        %get3A_572 = tpu.vector_load %arg5[%get3A_569, %get3A_570, %get3A_571] {strides = array<i32>} : memref<17x17x128xi32, #tpu.memory_space<vmem>>, vector<16xi32>,
        tpu.vector_store_idx %arg6[%add3A_20, %get3A_572], %broadcast_in_dim3A_3 {add = true} : memref<128x256xf32, #tpu.memory_space<vmem>>[vector<16xi32>, vector<16xi32>], vector<16xf32>,
        %get3A_573 = arith.constant 10 : i32
        %get3A_574 = arith.index_cast %scan3A_148 : i32 to index
        %get3A_575 = arith.index_cast %get3A_573 : i32 to index
        %get3A_576 = arith.constant 80 : index
        %get3A_577 = tpu.vector_load %arg5[%get3A_574, %get3A_575, %get3A_576] {strides = array<i32>} : memref<17x17x128xi32, #tpu.memory_space<vmem>>, vector<16xi32>,
        tpu.vector_store_idx %arg6[%add3A_23, %get3A_577], %broadcast_in_dim3A_3 {add = true} : memref<128x256xf32, #tpu.memory_space<vmem>>[vector<16xi32>, vector<16xi32>], vector<16xf32>,
        %get3A_578 = arith.constant 10 : i32
        %get3A_579 = arith.index_cast %scan3A_148 : i32 to index
        %get3A_580 = arith.index_cast %get3A_578 : i32 to index
        %get3A_581 = arith.constant 96 : index
        %get3A_582 = tpu.vector_load %arg5[%get3A_579, %get3A_580, %get3A_581] {strides = array<i32>} : memref<17x17x128xi32, #tpu.memory_space<vmem>>, vector<16xi32>,
        tpu.vector_store_idx %arg6[%add3A_26, %get3A_582], %broadcast_in_dim3A_3 {add = true} : memref<128x256xf32, #tpu.memory_space<vmem>>[vector<16xi32>, vector<16xi32>], vector<16xf32>,
        %get3A_583 = arith.constant 10 : i32
        %get3A_584 = arith.index_cast %scan3A_148 : i32 to index
        %get3A_585 = arith.index_cast %get3A_583 : i32 to index
        %get3A_586 = arith.constant 112 : index
        %get3A_587 = tpu.vector_load %arg5[%get3A_584, %get3A_585, %get3A_586] {strides = array<i32>} : memref<17x17x128xi32, #tpu.memory_space<vmem>>, vector<16xi32>,
        tpu.vector_store_idx %arg6[%add3A_29, %get3A_587], %broadcast_in_dim3A_3 {add = true} : memref<128x256xf32, #tpu.memory_space<vmem>>[vector<16xi32>, vector<16xi32>], vector<16xf32>,
        %get3A_588 = arith.constant 11 : i32
        %get3A_589 = arith.index_cast %scan3A_148 : i32 to index
        %get3A_590 = arith.index_cast %get3A_588 : i32 to index
        %get3A_591 = arith.constant 0 : index
        %get3A_592 = tpu.vector_load %arg5[%get3A_589, %get3A_590, %get3A_591] {strides = array<i32>} : memref<17x17x128xi32, #tpu.memory_space<vmem>>, vector<16xi32>,
        tpu.vector_store_idx %arg6[%add3A_8, %get3A_592], %broadcast_in_dim3A_3 {add = true} : memref<128x256xf32, #tpu.memory_space<vmem>>[vector<16xi32>, vector<16xi32>], vector<16xf32>,
        %get3A_593 = arith.constant 11 : i32
        %get3A_594 = arith.index_cast %scan3A_148 : i32 to index
        %get3A_595 = arith.index_cast %get3A_593 : i32 to index
        %get3A_596 = arith.constant 16 : index
        %get3A_597 = tpu.vector_load %arg5[%get3A_594, %get3A_595, %get3A_596] {strides = array<i32>} : memref<17x17x128xi32, #tpu.memory_space<vmem>>, vector<16xi32>,
        tpu.vector_store_idx %arg6[%add3A_11, %get3A_597], %broadcast_in_dim3A_3 {add = true} : memref<128x256xf32, #tpu.memory_space<vmem>>[vector<16xi32>, vector<16xi32>], vector<16xf32>,
        %get3A_598 = arith.constant 11 : i32
        %get3A_599 = arith.index_cast %scan3A_148 : i32 to index
        %get3A_600 = arith.index_cast %get3A_598 : i32 to index
        %get3A_601 = arith.constant 32 : index
        %get3A_602 = tpu.vector_load %arg5[%get3A_599, %get3A_600, %get3A_601] {strides = array<i32>} : memref<17x17x128xi32, #tpu.memory_space<vmem>>, vector<16xi32>,
        tpu.vector_store_idx %arg6[%add3A_14, %get3A_602], %broadcast_in_dim3A_3 {add = true} : memref<128x256xf32, #tpu.memory_space<vmem>>[vector<16xi32>, vector<16xi32>], vector<16xf32>,
        %get3A_603 = arith.constant 11 : i32
        %get3A_604 = arith.index_cast %scan3A_148 : i32 to index
        %get3A_605 = arith.index_cast %get3A_603 : i32 to index
        %get3A_606 = arith.constant 48 : index
        %get3A_607 = tpu.vector_load %arg5[%get3A_604, %get3A_605, %get3A_606] {strides = array<i32>} : memref<17x17x128xi32, #tpu.memory_space<vmem>>, vector<16xi32>,
        tpu.vector_store_idx %arg6[%add3A_17, %get3A_607], %broadcast_in_dim3A_3 {add = true} : memref<128x256xf32, #tpu.memory_space<vmem>>[vector<16xi32>, vector<16xi32>], vector<16xf32>,
        %get3A_608 = arith.constant 11 : i32
        %get3A_609 = arith.index_cast %scan3A_148 : i32 to index
        %get3A_610 = arith.index_cast %get3A_608 : i32 to index
        %get3A_611 = arith.constant 64 : index
        %get3A_612 = tpu.vector_load %arg5[%get3A_609, %get3A_610, %get3A_611] {strides = array<i32>} : memref<17x17x128xi32, #tpu.memory_space<vmem>>, vector<16xi32>,
        tpu.vector_store_idx %arg6[%add3A_20, %get3A_612], %broadcast_in_dim3A_3 {add = true} : memref<128x256xf32, #tpu.memory_space<vmem>>[vector<16xi32>, vector<16xi32>], vector<16xf32>,
        %get3A_613 = arith.constant 11 : i32
        %get3A_614 = arith.index_cast %scan3A_148 : i32 to index
        %get3A_615 = arith.index_cast %get3A_613 : i32 to index
        %get3A_616 = arith.constant 80 : index
        %get3A_617 = tpu.vector_load %arg5[%get3A_614, %get3A_615, %get3A_616] {strides = array<i32>} : memref<17x17x128xi32, #tpu.memory_space<vmem>>, vector<16xi32>,
        tpu.vector_store_idx %arg6[%add3A_23, %get3A_617], %broadcast_in_dim3A_3 {add = true} : memref<128x256xf32, #tpu.memory_space<vmem>>[vector<16xi32>, vector<16xi32>], vector<16xf32>,
        %get3A_618 = arith.constant 11 : i32
        %get3A_619 = arith.index_cast %scan3A_148 : i32 to index
        %get3A_620 = arith.index_cast %get3A_618 : i32 to index
        %get3A_621 = arith.constant 96 : index
        %get3A_622 = tpu.vector_load %arg5[%get3A_619, %get3A_620, %get3A_621] {strides = array<i32>} : memref<17x17x128xi32, #tpu.memory_space<vmem>>, vector<16xi32>,
        tpu.vector_store_idx %arg6[%add3A_26, %get3A_622], %broadcast_in_dim3A_3 {add = true} : memref<128x256xf32, #tpu.memory_space<vmem>>[vector<16xi32>, vector<16xi32>], vector<16xf32>,
        %get3A_623 = arith.constant 11 : i32
        %get3A_624 = arith.index_cast %scan3A_148 : i32 to index
        %get3A_625 = arith.index_cast %get3A_623 : i32 to index
        %get3A_626 = arith.constant 112 : index
        %get3A_627 = tpu.vector_load %arg5[%get3A_624, %get3A_625, %get3A_626] {strides = array<i32>} : memref<17x17x128xi32, #tpu.memory_space<vmem>>, vector<16xi32>,
        tpu.vector_store_idx %arg6[%add3A_29, %get3A_627], %broadcast_in_dim3A_3 {add = true} : memref<128x256xf32, #tpu.memory_space<vmem>>[vector<16xi32>, vector<16xi32>], vector<16xf32>,
        %get3A_628 = arith.constant 12 : i32
        %get3A_629 = arith.index_cast %scan3A_148 : i32 to index
        %get3A_630 = arith.index_cast %get3A_628 : i32 to index
        %get3A_631 = arith.constant 0 : index
        %get3A_632 = tpu.vector_load %arg5[%get3A_629, %get3A_630, %get3A_631] {strides = array<i32>} : memref<17x17x128xi32, #tpu.memory_space<vmem>>, vector<16xi32>,
        tpu.vector_store_idx %arg6[%add3A_8, %get3A_632], %broadcast_in_dim3A_3 {add = true} : memref<128x256xf32, #tpu.memory_space<vmem>>[vector<16xi32>, vector<16xi32>], vector<16xf32>,
        %get3A_633 = arith.constant 12 : i32
        %get3A_634 = arith.index_cast %scan3A_148 : i32 to index
        %get3A_635 = arith.index_cast %get3A_633 : i32 to index
        %get3A_636 = arith.constant 16 : index
        %get3A_637 = tpu.vector_load %arg5[%get3A_634, %get3A_635, %get3A_636] {strides = array<i32>} : memref<17x17x128xi32, #tpu.memory_space<vmem>>, vector<16xi32>,
        tpu.vector_store_idx %arg6[%add3A_11, %get3A_637], %broadcast_in_dim3A_3 {add = true} : memref<128x256xf32, #tpu.memory_space<vmem>>[vector<16xi32>, vector<16xi32>], vector<16xf32>,
        %get3A_638 = arith.constant 12 : i32
        %get3A_639 = arith.index_cast %scan3A_148 : i32 to index
        %get3A_640 = arith.index_cast %get3A_638 : i32 to index
        %get3A_641 = arith.constant 32 : index
        %get3A_642 = tpu.vector_load %arg5[%get3A_639, %get3A_640, %get3A_641] {strides = array<i32>} : memref<17x17x128xi32, #tpu.memory_space<vmem>>, vector<16xi32>,
        tpu.vector_store_idx %arg6[%add3A_14, %get3A_642], %broadcast_in_dim3A_3 {add = true} : memref<128x256xf32, #tpu.memory_space<vmem>>[vector<16xi32>, vector<16xi32>], vector<16xf32>,
        %get3A_643 = arith.constant 12 : i32
        %get3A_644 = arith.index_cast %scan3A_148 : i32 to index
        %get3A_645 = arith.index_cast %get3A_643 : i32 to index
        %get3A_646 = arith.constant 48 : index
        %get3A_647 = tpu.vector_load %arg5[%get3A_644, %get3A_645, %get3A_646] {strides = array<i32>} : memref<17x17x128xi32, #tpu.memory_space<vmem>>, vector<16xi32>,
        tpu.vector_store_idx %arg6[%add3A_17, %get3A_647], %broadcast_in_dim3A_3 {add = true} : memref<128x256xf32, #tpu.memory_space<vmem>>[vector<16xi32>, vector<16xi32>], vector<16xf32>,
        %get3A_648 = arith.constant 12 : i32
        %get3A_649 = arith.index_cast %scan3A_148 : i32 to index
        %get3A_650 = arith.index_cast %get3A_648 : i32 to index
        %get3A_651 = arith.constant 64 : index
        %get3A_652 = tpu.vector_load %arg5[%get3A_649, %get3A_650, %get3A_651] {strides = array<i32>} : memref<17x17x128xi32, #tpu.memory_space<vmem>>, vector<16xi32>,
        tpu.vector_store_idx %arg6[%add3A_20, %get3A_652], %broadcast_in_dim3A_3 {add = true} : memref<128x256xf32, #tpu.memory_space<vmem>>[vector<16xi32>, vector<16xi32>], vector<16xf32>,
        %get3A_653 = arith.constant 12 : i32
        %get3A_654 = arith.index_cast %scan3A_148 : i32 to index
        %get3A_655 = arith.index_cast %get3A_653 : i32 to index
        %get3A_656 = arith.constant 80 : index
        %get3A_657 = tpu.vector_load %arg5[%get3A_654, %get3A_655, %get3A_656] {strides = array<i32>} : memref<17x17x128xi32, #tpu.memory_space<vmem>>, vector<16xi32>,
        tpu.vector_store_idx %arg6[%add3A_23, %get3A_657], %broadcast_in_dim3A_3 {add = true} : memref<128x256xf32, #tpu.memory_space<vmem>>[vector<16xi32>, vector<16xi32>], vector<16xf32>,
        %get3A_658 = arith.constant 12 : i32
        %get3A_659 = arith.index_cast %scan3A_148 : i32 to index
        %get3A_660 = arith.index_cast %get3A_658 : i32 to index
        %get3A_661 = arith.constant 96 : index
        %get3A_662 = tpu.vector_load %arg5[%get3A_659, %get3A_660, %get3A_661] {strides = array<i32>} : memref<17x17x128xi32, #tpu.memory_space<vmem>>, vector<16xi32>,
        tpu.vector_store_idx %arg6[%add3A_26, %get3A_662], %broadcast_in_dim3A_3 {add = true} : memref<128x256xf32, #tpu.memory_space<vmem>>[vector<16xi32>, vector<16xi32>], vector<16xf32>,
        %get3A_663 = arith.constant 12 : i32
        %get3A_664 = arith.index_cast %scan3A_148 : i32 to index
        %get3A_665 = arith.index_cast %get3A_663 : i32 to index
        %get3A_666 = arith.constant 112 : index
        %get3A_667 = tpu.vector_load %arg5[%get3A_664, %get3A_665, %get3A_666] {strides = array<i32>} : memref<17x17x128xi32, #tpu.memory_space<vmem>>, vector<16xi32>,
        tpu.vector_store_idx %arg6[%add3A_29, %get3A_667], %broadcast_in_dim3A_3 {add = true} : memref<128x256xf32, #tpu.memory_space<vmem>>[vector<16xi32>, vector<16xi32>], vector<16xf32>,
        %get3A_668 = arith.constant 13 : i32
        %get3A_669 = arith.index_cast %scan3A_148 : i32 to index
        %get3A_670 = arith.index_cast %get3A_668 : i32 to index
        %get3A_671 = arith.constant 0 : index
        %get3A_672 = tpu.vector_load %arg5[%get3A_669, %get3A_670, %get3A_671] {strides = array<i32>} : memref<17x17x128xi32, #tpu.memory_space<vmem>>, vector<16xi32>,
        tpu.vector_store_idx %arg6[%add3A_8, %get3A_672], %broadcast_in_dim3A_3 {add = true} : memref<128x256xf32, #tpu.memory_space<vmem>>[vector<16xi32>, vector<16xi32>], vector<16xf32>,
        %get3A_673 = arith.constant 13 : i32
        %get3A_674 = arith.index_cast %scan3A_148 : i32 to index
        %get3A_675 = arith.index_cast %get3A_673 : i32 to index
        %get3A_676 = arith.constant 16 : index
        %get3A_677 = tpu.vector_load %arg5[%get3A_674, %get3A_675, %get3A_676] {strides = array<i32>} : memref<17x17x128xi32, #tpu.memory_space<vmem>>, vector<16xi32>,
        tpu.vector_store_idx %arg6[%add3A_11, %get3A_677], %broadcast_in_dim3A_3 {add = true} : memref<128x256xf32, #tpu.memory_space<vmem>>[vector<16xi32>, vector<16xi32>], vector<16xf32>,
        %get3A_678 = arith.constant 13 : i32
        %get3A_679 = arith.index_cast %scan3A_148 : i32 to index
        %get3A_680 = arith.index_cast %get3A_678 : i32 to index
        %get3A_681 = arith.constant 32 : index
        %get3A_682 = tpu.vector_load %arg5[%get3A_679, %get3A_680, %get3A_681] {strides = array<i32>} : memref<17x17x128xi32, #tpu.memory_space<vmem>>, vector<16xi32>,
        tpu.vector_store_idx %arg6[%add3A_14, %get3A_682], %broadcast_in_dim3A_3 {add = true} : memref<128x256xf32, #tpu.memory_space<vmem>>[vector<16xi32>, vector<16xi32>], vector<16xf32>,
        %get3A_683 = arith.constant 13 : i32
        %get3A_684 = arith.index_cast %scan3A_148 : i32 to index
        %get3A_685 = arith.index_cast %get3A_683 : i32 to index
        %get3A_686 = arith.constant 48 : index
        %get3A_687 = tpu.vector_load %arg5[%get3A_684, %get3A_685, %get3A_686] {strides = array<i32>} : memref<17x17x128xi32, #tpu.memory_space<vmem>>, vector<16xi32>,
        tpu.vector_store_idx %arg6[%add3A_17, %get3A_687], %broadcast_in_dim3A_3 {add = true} : memref<128x256xf32, #tpu.memory_space<vmem>>[vector<16xi32>, vector<16xi32>], vector<16xf32>,
        %get3A_688 = arith.constant 13 : i32
        %get3A_689 = arith.index_cast %scan3A_148 : i32 to index
        %get3A_690 = arith.index_cast %get3A_688 : i32 to index
        %get3A_691 = arith.constant 64 : index
        %get3A_692 = tpu.vector_load %arg5[%get3A_689, %get3A_690, %get3A_691] {strides = array<i32>} : memref<17x17x128xi32, #tpu.memory_space<vmem>>, vector<16xi32>,
        tpu.vector_store_idx %arg6[%add3A_20, %get3A_692], %broadcast_in_dim3A_3 {add = true} : memref<128x256xf32, #tpu.memory_space<vmem>>[vector<16xi32>, vector<16xi32>], vector<16xf32>,
        %get3A_693 = arith.constant 13 : i32
        %get3A_694 = arith.index_cast %scan3A_148 : i32 to index
        %get3A_695 = arith.index_cast %get3A_693 : i32 to index
        %get3A_696 = arith.constant 80 : index
        %get3A_697 = tpu.vector_load %arg5[%get3A_694, %get3A_695, %get3A_696] {strides = array<i32>} : memref<17x17x128xi32, #tpu.memory_space<vmem>>, vector<16xi32>,
        tpu.vector_store_idx %arg6[%add3A_23, %get3A_697], %broadcast_in_dim3A_3 {add = true} : memref<128x256xf32, #tpu.memory_space<vmem>>[vector<16xi32>, vector<16xi32>], vector<16xf32>,
        %get3A_698 = arith.constant 13 : i32
        %get3A_699 = arith.index_cast %scan3A_148 : i32 to index
        %get3A_700 = arith.index_cast %get3A_698 : i32 to index
        %get3A_701 = arith.constant 96 : index
        %get3A_702 = tpu.vector_load %arg5[%get3A_699, %get3A_700, %get3A_701] {strides = array<i32>} : memref<17x17x128xi32, #tpu.memory_space<vmem>>, vector<16xi32>,
        tpu.vector_store_idx %arg6[%add3A_26, %get3A_702], %broadcast_in_dim3A_3 {add = true} : memref<128x256xf32, #tpu.memory_space<vmem>>[vector<16xi32>, vector<16xi32>], vector<16xf32>,
        %get3A_703 = arith.constant 13 : i32
        %get3A_704 = arith.index_cast %scan3A_148 : i32 to index
        %get3A_705 = arith.index_cast %get3A_703 : i32 to index
        %get3A_706 = arith.constant 112 : index
        %get3A_707 = tpu.vector_load %arg5[%get3A_704, %get3A_705, %get3A_706] {strides = array<i32>} : memref<17x17x128xi32, #tpu.memory_space<vmem>>, vector<16xi32>,
        tpu.vector_store_idx %arg6[%add3A_29, %get3A_707], %broadcast_in_dim3A_3 {add = true} : memref<128x256xf32, #tpu.memory_space<vmem>>[vector<16xi32>, vector<16xi32>], vector<16xf32>,
        %get3A_708 = arith.constant 14 : i32
        %get3A_709 = arith.index_cast %scan3A_148 : i32 to index
        %get3A_710 = arith.index_cast %get3A_708 : i32 to index
        %get3A_711 = arith.constant 0 : index
        %get3A_712 = tpu.vector_load %arg5[%get3A_709, %get3A_710, %get3A_711] {strides = array<i32>} : memref<17x17x128xi32, #tpu.memory_space<vmem>>, vector<16xi32>,
        tpu.vector_store_idx %arg6[%add3A_8, %get3A_712], %broadcast_in_dim3A_3 {add = true} : memref<128x256xf32, #tpu.memory_space<vmem>>[vector<16xi32>, vector<16xi32>], vector<16xf32>,
        %get3A_713 = arith.constant 14 : i32
        %get3A_714 = arith.index_cast %scan3A_148 : i32 to index
        %get3A_715 = arith.index_cast %get3A_713 : i32 to index
        %get3A_716 = arith.constant 16 : index
        %get3A_717 = tpu.vector_load %arg5[%get3A_714, %get3A_715, %get3A_716] {strides = array<i32>} : memref<17x17x128xi32, #tpu.memory_space<vmem>>, vector<16xi32>,
        tpu.vector_store_idx %arg6[%add3A_11, %get3A_717], %broadcast_in_dim3A_3 {add = true} : memref<128x256xf32, #tpu.memory_space<vmem>>[vector<16xi32>, vector<16xi32>], vector<16xf32>,
        %get3A_718 = arith.constant 14 : i32
        %get3A_719 = arith.index_cast %scan3A_148 : i32 to index
        %get3A_720 = arith.index_cast %get3A_718 : i32 to index
        %get3A_721 = arith.constant 32 : index
        %get3A_722 = tpu.vector_load %arg5[%get3A_719, %get3A_720, %get3A_721] {strides = array<i32>} : memref<17x17x128xi32, #tpu.memory_space<vmem>>, vector<16xi32>,
        tpu.vector_store_idx %arg6[%add3A_14, %get3A_722], %broadcast_in_dim3A_3 {add = true} : memref<128x256xf32, #tpu.memory_space<vmem>>[vector<16xi32>, vector<16xi32>], vector<16xf32>,
        %get3A_723 = arith.constant 14 : i32
        %get3A_724 = arith.index_cast %scan3A_148 : i32 to index
        %get3A_725 = arith.index_cast %get3A_723 : i32 to index
        %get3A_726 = arith.constant 48 : index
        %get3A_727 = tpu.vector_load %arg5[%get3A_724, %get3A_725, %get3A_726] {strides = array<i32>} : memref<17x17x128xi32, #tpu.memory_space<vmem>>, vector<16xi32>,
        tpu.vector_store_idx %arg6[%add3A_17, %get3A_727], %broadcast_in_dim3A_3 {add = true} : memref<128x256xf32, #tpu.memory_space<vmem>>[vector<16xi32>, vector<16xi32>], vector<16xf32>,
        %get3A_728 = arith.constant 14 : i32
        %get3A_729 = arith.index_cast %scan3A_148 : i32 to index
        %get3A_730 = arith.index_cast %get3A_728 : i32 to index
        %get3A_731 = arith.constant 64 : index
        %get3A_732 = tpu.vector_load %arg5[%get3A_729, %get3A_730, %get3A_731] {strides = array<i32>} : memref<17x17x128xi32, #tpu.memory_space<vmem>>, vector<16xi32>,
        tpu.vector_store_idx %arg6[%add3A_20, %get3A_732], %broadcast_in_dim3A_3 {add = true} : memref<128x256xf32, #tpu.memory_space<vmem>>[vector<16xi32>, vector<16xi32>], vector<16xf32>,
        %get3A_733 = arith.constant 14 : i32
        %get3A_734 = arith.index_cast %scan3A_148 : i32 to index
        %get3A_735 = arith.index_cast %get3A_733 : i32 to index
        %get3A_736 = arith.constant 80 : index
        %get3A_737 = tpu.vector_load %arg5[%get3A_734, %get3A_735, %get3A_736] {strides = array<i32>} : memref<17x17x128xi32, #tpu.memory_space<vmem>>, vector<16xi32>,
        tpu.vector_store_idx %arg6[%add3A_23, %get3A_737], %broadcast_in_dim3A_3 {add = true} : memref<128x256xf32, #tpu.memory_space<vmem>>[vector<16xi32>, vector<16xi32>], vector<16xf32>,
        %get3A_738 = arith.constant 14 : i32
        %get3A_739 = arith.index_cast %scan3A_148 : i32 to index
        %get3A_740 = arith.index_cast %get3A_738 : i32 to index
        %get3A_741 = arith.constant 96 : index
        %get3A_742 = tpu.vector_load %arg5[%get3A_739, %get3A_740, %get3A_741] {strides = array<i32>} : memref<17x17x128xi32, #tpu.memory_space<vmem>>, vector<16xi32>,
        tpu.vector_store_idx %arg6[%add3A_26, %get3A_742], %broadcast_in_dim3A_3 {add = true} : memref<128x256xf32, #tpu.memory_space<vmem>>[vector<16xi32>, vector<16xi32>], vector<16xf32>,
        %get3A_743 = arith.constant 14 : i32
        %get3A_744 = arith.index_cast %scan3A_148 : i32 to index
        %get3A_745 = arith.index_cast %get3A_743 : i32 to index
        %get3A_746 = arith.constant 112 : index
        %get3A_747 = tpu.vector_load %arg5[%get3A_744, %get3A_745, %get3A_746] {strides = array<i32>} : memref<17x17x128xi32, #tpu.memory_space<vmem>>, vector<16xi32>,
        tpu.vector_store_idx %arg6[%add3A_29, %get3A_747], %broadcast_in_dim3A_3 {add = true} : memref<128x256xf32, #tpu.memory_space<vmem>>[vector<16xi32>, vector<16xi32>], vector<16xf32>,
        %get3A_748 = arith.constant 15 : i32
        %get3A_749 = arith.index_cast %scan3A_148 : i32 to index
        %get3A_750 = arith.index_cast %get3A_748 : i32 to index
        %get3A_751 = arith.constant 0 : index
        %get3A_752 = tpu.vector_load %arg5[%get3A_749, %get3A_750, %get3A_751] {strides = array<i32>} : memref<17x17x128xi32, #tpu.memory_space<vmem>>, vector<16xi32>,
        tpu.vector_store_idx %arg6[%add3A_8, %get3A_752], %broadcast_in_dim3A_3 {add = true} : memref<128x256xf32, #tpu.memory_space<vmem>>[vector<16xi32>, vector<16xi32>], vector<16xf32>,
        %get3A_753 = arith.constant 15 : i32
        %get3A_754 = arith.index_cast %scan3A_148 : i32 to index
        %get3A_755 = arith.index_cast %get3A_753 : i32 to index
        %get3A_756 = arith.constant 16 : index
        %get3A_757 = tpu.vector_load %arg5[%get3A_754, %get3A_755, %get3A_756] {strides = array<i32>} : memref<17x17x128xi32, #tpu.memory_space<vmem>>, vector<16xi32>,
        tpu.vector_store_idx %arg6[%add3A_11, %get3A_757], %broadcast_in_dim3A_3 {add = true} : memref<128x256xf32, #tpu.memory_space<vmem>>[vector<16xi32>, vector<16xi32>], vector<16xf32>,
        %get3A_758 = arith.constant 15 : i32
        %get3A_759 = arith.index_cast %scan3A_148 : i32 to index
        %get3A_760 = arith.index_cast %get3A_758 : i32 to index
        %get3A_761 = arith.constant 32 : index
        %get3A_762 = tpu.vector_load %arg5[%get3A_759, %get3A_760, %get3A_761] {strides = array<i32>} : memref<17x17x128xi32, #tpu.memory_space<vmem>>, vector<16xi32>,
        tpu.vector_store_idx %arg6[%add3A_14, %get3A_762], %broadcast_in_dim3A_3 {add = true} : memref<128x256xf32, #tpu.memory_space<vmem>>[vector<16xi32>, vector<16xi32>], vector<16xf32>,
        %get3A_763 = arith.constant 15 : i32
        %get3A_764 = arith.index_cast %scan3A_148 : i32 to index
        %get3A_765 = arith.index_cast %get3A_763 : i32 to index
        %get3A_766 = arith.constant 48 : index
        %get3A_767 = tpu.vector_load %arg5[%get3A_764, %get3A_765, %get3A_766] {strides = array<i32>} : memref<17x17x128xi32, #tpu.memory_space<vmem>>, vector<16xi32>,
        tpu.vector_store_idx %arg6[%add3A_17, %get3A_767], %broadcast_in_dim3A_3 {add = true} : memref<128x256xf32, #tpu.memory_space<vmem>>[vector<16xi32>, vector<16xi32>], vector<16xf32>,
        %get3A_768 = arith.constant 15 : i32
        %get3A_769 = arith.index_cast %scan3A_148 : i32 to index
        %get3A_770 = arith.index_cast %get3A_768 : i32 to index
        %get3A_771 = arith.constant 64 : index
        %get3A_772 = tpu.vector_load %arg5[%get3A_769, %get3A_770, %get3A_771] {strides = array<i32>} : memref<17x17x128xi32, #tpu.memory_space<vmem>>, vector<16xi32>,
        tpu.vector_store_idx %arg6[%add3A_20, %get3A_772], %broadcast_in_dim3A_3 {add = true} : memref<128x256xf32, #tpu.memory_space<vmem>>[vector<16xi32>, vector<16xi32>], vector<16xf32>,
        %get3A_773 = arith.constant 15 : i32
        %get3A_774 = arith.index_cast %scan3A_148 : i32 to index
        %get3A_775 = arith.index_cast %get3A_773 : i32 to index
        %get3A_776 = arith.constant 80 : index
        %get3A_777 = tpu.vector_load %arg5[%get3A_774, %get3A_775, %get3A_776] {strides = array<i32>} : memref<17x17x128xi32, #tpu.memory_space<vmem>>, vector<16xi32>,
        tpu.vector_store_idx %arg6[%add3A_23, %get3A_777], %broadcast_in_dim3A_3 {add = true} : memref<128x256xf32, #tpu.memory_space<vmem>>[vector<16xi32>, vector<16xi32>], vector<16xf32>,
        %get3A_778 = arith.constant 15 : i32
        %get3A_779 = arith.index_cast %scan3A_148 : i32 to index
        %get3A_780 = arith.index_cast %get3A_778 : i32 to index
        %get3A_781 = arith.constant 96 : index
        %get3A_782 = tpu.vector_load %arg5[%get3A_779, %get3A_780, %get3A_781] {strides = array<i32>} : memref<17x17x128xi32, #tpu.memory_space<vmem>>, vector<16xi32>,
        tpu.vector_store_idx %arg6[%add3A_26, %get3A_782], %broadcast_in_dim3A_3 {add = true} : memref<128x256xf32, #tpu.memory_space<vmem>>[vector<16xi32>, vector<16xi32>], vector<16xf32>,
        %get3A_783 = arith.constant 15 : i32
        %get3A_784 = arith.index_cast %scan3A_148 : i32 to index
        %get3A_785 = arith.index_cast %get3A_783 : i32 to index
        %get3A_786 = arith.constant 112 : index
        %get3A_787 = tpu.vector_load %arg5[%get3A_784, %get3A_785, %get3A_786] {strides = array<i32>} : memref<17x17x128xi32, #tpu.memory_space<vmem>>, vector<16xi32>,
        tpu.vector_store_idx %arg6[%add3A_29, %get3A_787], %broadcast_in_dim3A_3 {add = true} : memref<128x256xf32, #tpu.memory_space<vmem>>[vector<16xi32>, vector<16xi32>], vector<16xf32>,
        %get3A_788 = arith.constant 16 : i32
        %get3A_789 = arith.index_cast %scan3A_148 : i32 to index
        %get3A_790 = arith.index_cast %get3A_788 : i32 to index
        %get3A_791 = arith.constant 0 : index
        %get3A_792 = tpu.vector_load %arg5[%get3A_789, %get3A_790, %get3A_791] {strides = array<i32>} : memref<17x17x128xi32, #tpu.memory_space<vmem>>, vector<16xi32>,
        tpu.vector_store_idx %arg6[%add3A_8, %get3A_792], %broadcast_in_dim3A_3 {add = true} : memref<128x256xf32, #tpu.memory_space<vmem>>[vector<16xi32>, vector<16xi32>], vector<16xf32>,
        %get3A_793 = arith.constant 16 : i32
        %get3A_794 = arith.index_cast %scan3A_148 : i32 to index
        %get3A_795 = arith.index_cast %get3A_793 : i32 to index
        %get3A_796 = arith.constant 16 : index
        %get3A_797 = tpu.vector_load %arg5[%get3A_794, %get3A_795, %get3A_796] {strides = array<i32>} : memref<17x17x128xi32, #tpu.memory_space<vmem>>, vector<16xi32>,
        tpu.vector_store_idx %arg6[%add3A_11, %get3A_797], %broadcast_in_dim3A_3 {add = true} : memref<128x256xf32, #tpu.memory_space<vmem>>[vector<16xi32>, vector<16xi32>], vector<16xf32>,
        %get3A_798 = arith.constant 16 : i32
        %get3A_799 = arith.index_cast %scan3A_148 : i32 to index
        %get3A_800 = arith.index_cast %get3A_798 : i32 to index
        %get3A_801 = arith.constant 32 : index
        %get3A_802 = tpu.vector_load %arg5[%get3A_799, %get3A_800, %get3A_801] {strides = array<i32>} : memref<17x17x128xi32, #tpu.memory_space<vmem>>, vector<16xi32>,
        tpu.vector_store_idx %arg6[%add3A_14, %get3A_802], %broadcast_in_dim3A_3 {add = true} : memref<128x256xf32, #tpu.memory_space<vmem>>[vector<16xi32>, vector<16xi32>], vector<16xf32>,
        %get3A_803 = arith.constant 16 : i32
        %get3A_804 = arith.index_cast %scan3A_148 : i32 to index
        %get3A_805 = arith.index_cast %get3A_803 : i32 to index
        %get3A_806 = arith.constant 48 : index
        %get3A_807 = tpu.vector_load %arg5[%get3A_804, %get3A_805, %get3A_806] {strides = array<i32>} : memref<17x17x128xi32, #tpu.memory_space<vmem>>, vector<16xi32>,
        tpu.vector_store_idx %arg6[%add3A_17, %get3A_807], %broadcast_in_dim3A_3 {add = true} : memref<128x256xf32, #tpu.memory_space<vmem>>[vector<16xi32>, vector<16xi32>], vector<16xf32>,
        %get3A_808 = arith.constant 16 : i32
        %get3A_809 = arith.index_cast %scan3A_148 : i32 to index
        %get3A_810 = arith.index_cast %get3A_808 : i32 to index
        %get3A_811 = arith.constant 64 : index
        %get3A_812 = tpu.vector_load %arg5[%get3A_809, %get3A_810, %get3A_811] {strides = array<i32>} : memref<17x17x128xi32, #tpu.memory_space<vmem>>, vector<16xi32>,
        tpu.vector_store_idx %arg6[%add3A_20, %get3A_812], %broadcast_in_dim3A_3 {add = true} : memref<128x256xf32, #tpu.memory_space<vmem>>[vector<16xi32>, vector<16xi32>], vector<16xf32>,
        %get3A_813 = arith.constant 16 : i32
        %get3A_814 = arith.index_cast %scan3A_148 : i32 to index
        %get3A_815 = arith.index_cast %get3A_813 : i32 to index
        %get3A_816 = arith.constant 80 : index
        %get3A_817 = tpu.vector_load %arg5[%get3A_814, %get3A_815, %get3A_816] {strides = array<i32>} : memref<17x17x128xi32, #tpu.memory_space<vmem>>, vector<16xi32>,
        tpu.vector_store_idx %arg6[%add3A_23, %get3A_817], %broadcast_in_dim3A_3 {add = true} : memref<128x256xf32, #tpu.memory_space<vmem>>[vector<16xi32>, vector<16xi32>], vector<16xf32>,
        %get3A_818 = arith.constant 16 : i32
        %get3A_819 = arith.index_cast %scan3A_148 : i32 to index
        %get3A_820 = arith.index_cast %get3A_818 : i32 to index
        %get3A_821 = arith.constant 96 : index
        %get3A_822 = tpu.vector_load %arg5[%get3A_819, %get3A_820, %get3A_821] {strides = array<i32>} : memref<17x17x128xi32, #tpu.memory_space<vmem>>, vector<16xi32>,
        tpu.vector_store_idx %arg6[%add3A_26, %get3A_822], %broadcast_in_dim3A_3 {add = true} : memref<128x256xf32, #tpu.memory_space<vmem>>[vector<16xi32>, vector<16xi32>], vector<16xf32>,
        %get3A_823 = arith.constant 16 : i32
        %get3A_824 = arith.index_cast %scan3A_148 : i32 to index
        %get3A_825 = arith.index_cast %get3A_823 : i32 to index
        %get3A_826 = arith.constant 112 : index
        %get3A_827 = tpu.vector_load %arg5[%get3A_824, %get3A_825, %get3A_826] {strides = array<i32>} : memref<17x17x128xi32, #tpu.memory_space<vmem>>, vector<16xi32>,
        tpu.vector_store_idx %arg6[%add3A_29, %get3A_827], %broadcast_in_dim3A_3 {add = true} : memref<128x256xf32, #tpu.memory_space<vmem>>[vector<16xi32>, vector<16xi32>], vector<16xf32>,
      }
      %scan3A_147 = arith.constant 17 : i32
    }
    %scan3A_72 = arith.constant 8 : i32
    %dma_wait3A = arith.constant 16 : i32
    %dma_wait3A_73 = arith.constant 0 : i32
    %dma_wait3A_74 = arith.constant 0 : i32
    %dma_wait3A_75 = tpu.memref_slice %arg2[%dma_wait3A, %dma_wait3A_73, %dma_wait3A_74, %mul3A_2] : memref<17x17x17x4096xi32, #tpu.memory_space<hbm>> -> memref<1x17x17x128xi32, #tpu.memory_space<hbm>>
    %dma_wait3A_76 = tpu.memref_squeeze %dma_wait3A_75 : memref<1x17x17x128xi32, #tpu.memory_space<hbm>> -> memref<17x17x128xi32, #tpu.memory_space<hbm>>
    %dma_wait3A_77 = arith.constant 0 : i32
    %dma_wait3A_78 = arith.constant 0 : i32
    %dma_wait3A_79 = tpu.memref_slice %arg2[%dma_wait3A, %dma_wait3A_77, %dma_wait3A_78, %mul3A_2] : memref<17x17x17x4096xi32, #tpu.memory_space<hbm>> -> memref<1x17x17x128xi32, #tpu.memory_space<hbm>>
    %dma_wait3A_80 = tpu.memref_squeeze %dma_wait3A_79 : memref<1x17x17x128xi32, #tpu.memory_space<hbm>> -> memref<17x17x128xi32, #tpu.memory_space<hbm>>
    tpu.wait_dma2 semaphore(%arg7 : memref<!tpu.dma_semaphore, #tpu.memory_space<semaphore_mem>>) src(%dma_wait3A_80 : memref<17x17x128xi32, #tpu.memory_space<hbm>>) dst(%arg4 : memref<17x17x128xi32, #tpu.memory_space<vmem>>)
    %scan3A_81 = arith.constant 0 : i32
    %scan3A_82 = arith.constant 0 : i32
    %scan3A_83 = arith.constant 17 : i32
    %scan3A_84 = arith.addi %scan3A_82, %scan3A_83 : i32
    %scan3A_85 = arith.constant 1 : i32
    scf.for %scan3A_95 = %scan3A_82 to %scan3A_84 step %scan3A_85  : i32 {
      %get3A = arith.constant 0 : i32
      %get3A_96 = arith.index_cast %scan3A_95 : i32 to index
      %get3A_97 = arith.index_cast %get3A : i32 to index
      %get3A_98 = arith.constant 0 : index
      %get3A_99 = tpu.vector_load %arg4[%get3A_96, %get3A_97, %get3A_98] {strides = array<i32>} : memref<17x17x128xi32, #tpu.memory_space<vmem>>, vector<16xi32>,
      tpu.vector_store_idx %arg6[%add3A_8, %get3A_99], %broadcast_in_dim3A_3 {add = true} : memref<128x256xf32, #tpu.memory_space<vmem>>[vector<16xi32>, vector<16xi32>], vector<16xf32>,
      %get3A_100 = arith.constant 0 : i32
      %get3A_101 = arith.index_cast %scan3A_95 : i32 to index
      %get3A_102 = arith.index_cast %get3A_100 : i32 to index
      %get3A_103 = arith.constant 16 : index
      %get3A_104 = tpu.vector_load %arg4[%get3A_101, %get3A_102, %get3A_103] {strides = array<i32>} : memref<17x17x128xi32, #tpu.memory_space<vmem>>, vector<16xi32>,
      tpu.vector_store_idx %arg6[%add3A_11, %get3A_104], %broadcast_in_dim3A_3 {add = true} : memref<128x256xf32, #tpu.memory_space<vmem>>[vector<16xi32>, vector<16xi32>], vector<16xf32>,
      %get3A_105 = arith.constant 0 : i32
      %get3A_106 = arith.index_cast %scan3A_95 : i32 to index
      %get3A_107 = arith.index_cast %get3A_105 : i32 to index
      %get3A_108 = arith.constant 32 : index
      %get3A_109 = tpu.vector_load %arg4[%get3A_106, %get3A_107, %get3A_108] {strides = array<i32>} : memref<17x17x128xi32, #tpu.memory_space<vmem>>, vector<16xi32>,
      tpu.vector_store_idx %arg6[%add3A_14, %get3A_109], %broadcast_in_dim3A_3 {add = true} : memref<128x256xf32, #tpu.memory_space<vmem>>[vector<16xi32>, vector<16xi32>], vector<16xf32>,
      %get3A_110 = arith.constant 0 : i32
      %get3A_111 = arith.index_cast %scan3A_95 : i32 to index
      %get3A_112 = arith.index_cast %get3A_110 : i32 to index
      %get3A_113 = arith.constant 48 : index
      %get3A_114 = tpu.vector_load %arg4[%get3A_111, %get3A_112, %get3A_113] {strides = array<i32>} : memref<17x17x128xi32, #tpu.memory_space<vmem>>, vector<16xi32>,
      tpu.vector_store_idx %arg6[%add3A_17, %get3A_114], %broadcast_in_dim3A_3 {add = true} : memref<128x256xf32, #tpu.memory_space<vmem>>[vector<16xi32>, vector<16xi32>], vector<16xf32>,
      %get3A_115 = arith.constant 0 : i32
      %get3A_116 = arith.index_cast %scan3A_95 : i32 to index
      %get3A_117 = arith.index_cast %get3A_115 : i32 to index
      %get3A_118 = arith.constant 64 : index
      %get3A_119 = tpu.vector_load %arg4[%get3A_116, %get3A_117, %get3A_118] {strides = array<i32>} : memref<17x17x128xi32, #tpu.memory_space<vmem>>, vector<16xi32>,
      tpu.vector_store_idx %arg6[%add3A_20, %get3A_119], %broadcast_in_dim3A_3 {add = true} : memref<128x256xf32, #tpu.memory_space<vmem>>[vector<16xi32>, vector<16xi32>], vector<16xf32>,
      %get3A_120 = arith.constant 0 : i32
      %get3A_121 = arith.index_cast %scan3A_95 : i32 to index
      %get3A_122 = arith.index_cast %get3A_120 : i32 to index
      %get3A_123 = arith.constant 80 : index
      %get3A_124 = tpu.vector_load %arg4[%get3A_121, %get3A_122, %get3A_123] {strides = array<i32>} : memref<17x17x128xi32, #tpu.memory_space<vmem>>, vector<16xi32>,
      tpu.vector_store_idx %arg6[%add3A_23, %get3A_124], %broadcast_in_dim3A_3 {add = true} : memref<128x256xf32, #tpu.memory_space<vmem>>[vector<16xi32>, vector<16xi32>], vector<16xf32>,
      %get3A_125 = arith.constant 0 : i32
      %get3A_126 = arith.index_cast %scan3A_95 : i32 to index
      %get3A_127 = arith.index_cast %get3A_125 : i32 to index
      %get3A_128 = arith.constant 96 : index
      %get3A_129 = tpu.vector_load %arg4[%get3A_126, %get3A_127, %get3A_128] {strides = array<i32>} : memref<17x17x128xi32, #tpu.memory_space<vmem>>, vector<16xi32>,
      tpu.vector_store_idx %arg6[%add3A_26, %get3A_129], %broadcast_in_dim3A_3 {add = true} : memref<128x256xf32, #tpu.memory_space<vmem>>[vector<16xi32>, vector<16xi32>], vector<16xf32>,
      %get3A_130 = arith.constant 0 : i32
      %get3A_131 = arith.index_cast %scan3A_95 : i32 to index
      %get3A_132 = arith.index_cast %get3A_130 : i32 to index
      %get3A_133 = arith.constant 112 : index
      %get3A_134 = tpu.vector_load %arg4[%get3A_131, %get3A_132, %get3A_133] {strides = array<i32>} : memref<17x17x128xi32, #tpu.memory_space<vmem>>, vector<16xi32>,
      tpu.vector_store_idx %arg6[%add3A_29, %get3A_134], %broadcast_in_dim3A_3 {add = true} : memref<128x256xf32, #tpu.memory_space<vmem>>[vector<16xi32>, vector<16xi32>], vector<16xf32>,
      %get3A_135 = arith.constant 1 : i32
      %get3A_136 = arith.index_cast %scan3A_95 : i32 to index
      %get3A_137 = arith.index_cast %get3A_135 : i32 to index
      %get3A_138 = arith.constant 0 : index
      %get3A_139 = tpu.vector_load %arg4[%get3A_136, %get3A_137, %get3A_138] {strides = array<i32>} : memref<17x17x128xi32, #tpu.memory_space<vmem>>, vector<16xi32>,
      tpu.vector_store_idx %arg6[%add3A_8, %get3A_139], %broadcast_in_dim3A_3 {add = true} : memref<128x256xf32, #tpu.memory_space<vmem>>[vector<16xi32>, vector<16xi32>], vector<16xf32>,
      %get3A_140 = arith.constant 1 : i32
      %get3A_141 = arith.index_cast %scan3A_95 : i32 to index
      %get3A_142 = arith.index_cast %get3A_140 : i32 to index
      %get3A_143 = arith.constant 16 : index
      %get3A_144 = tpu.vector_load %arg4[%get3A_141, %get3A_142, %get3A_143] {strides = array<i32>} : memref<17x17x128xi32, #tpu.memory_space<vmem>>, vector<16xi32>,
      tpu.vector_store_idx %arg6[%add3A_11, %get3A_144], %broadcast_in_dim3A_3 {add = true} : memref<128x256xf32, #tpu.memory_space<vmem>>[vector<16xi32>, vector<16xi32>], vector<16xf32>,
      %get3A_145 = arith.constant 1 : i32
      %get3A_146 = arith.index_cast %scan3A_95 : i32 to index
      %get3A_147 = arith.index_cast %get3A_145 : i32 to index
      %get3A_148 = arith.constant 32 : index
      %get3A_149 = tpu.vector_load %arg4[%get3A_146, %get3A_147, %get3A_148] {strides = array<i32>} : memref<17x17x128xi32, #tpu.memory_space<vmem>>, vector<16xi32>,
      tpu.vector_store_idx %arg6[%add3A_14, %get3A_149], %broadcast_in_dim3A_3 {add = true} : memref<128x256xf32, #tpu.memory_space<vmem>>[vector<16xi32>, vector<16xi32>], vector<16xf32>,
      %get3A_150 = arith.constant 1 : i32
      %get3A_151 = arith.index_cast %scan3A_95 : i32 to index
      %get3A_152 = arith.index_cast %get3A_150 : i32 to index
      %get3A_153 = arith.constant 48 : index
      %get3A_154 = tpu.vector_load %arg4[%get3A_151, %get3A_152, %get3A_153] {strides = array<i32>} : memref<17x17x128xi32, #tpu.memory_space<vmem>>, vector<16xi32>,
      tpu.vector_store_idx %arg6[%add3A_17, %get3A_154], %broadcast_in_dim3A_3 {add = true} : memref<128x256xf32, #tpu.memory_space<vmem>>[vector<16xi32>, vector<16xi32>], vector<16xf32>,
      %get3A_155 = arith.constant 1 : i32
      %get3A_156 = arith.index_cast %scan3A_95 : i32 to index
      %get3A_157 = arith.index_cast %get3A_155 : i32 to index
      %get3A_158 = arith.constant 64 : index
      %get3A_159 = tpu.vector_load %arg4[%get3A_156, %get3A_157, %get3A_158] {strides = array<i32>} : memref<17x17x128xi32, #tpu.memory_space<vmem>>, vector<16xi32>,
      tpu.vector_store_idx %arg6[%add3A_20, %get3A_159], %broadcast_in_dim3A_3 {add = true} : memref<128x256xf32, #tpu.memory_space<vmem>>[vector<16xi32>, vector<16xi32>], vector<16xf32>,
      %get3A_160 = arith.constant 1 : i32
      %get3A_161 = arith.index_cast %scan3A_95 : i32 to index
      %get3A_162 = arith.index_cast %get3A_160 : i32 to index
      %get3A_163 = arith.constant 80 : index
      %get3A_164 = tpu.vector_load %arg4[%get3A_161, %get3A_162, %get3A_163] {strides = array<i32>} : memref<17x17x128xi32, #tpu.memory_space<vmem>>, vector<16xi32>,
      tpu.vector_store_idx %arg6[%add3A_23, %get3A_164], %broadcast_in_dim3A_3 {add = true} : memref<128x256xf32, #tpu.memory_space<vmem>>[vector<16xi32>, vector<16xi32>], vector<16xf32>,
      %get3A_165 = arith.constant 1 : i32
      %get3A_166 = arith.index_cast %scan3A_95 : i32 to index
      %get3A_167 = arith.index_cast %get3A_165 : i32 to index
      %get3A_168 = arith.constant 96 : index
      %get3A_169 = tpu.vector_load %arg4[%get3A_166, %get3A_167, %get3A_168] {strides = array<i32>} : memref<17x17x128xi32, #tpu.memory_space<vmem>>, vector<16xi32>,
      tpu.vector_store_idx %arg6[%add3A_26, %get3A_169], %broadcast_in_dim3A_3 {add = true} : memref<128x256xf32, #tpu.memory_space<vmem>>[vector<16xi32>, vector<16xi32>], vector<16xf32>,
      %get3A_170 = arith.constant 1 : i32
      %get3A_171 = arith.index_cast %scan3A_95 : i32 to index
      %get3A_172 = arith.index_cast %get3A_170 : i32 to index
      %get3A_173 = arith.constant 112 : index
      %get3A_174 = tpu.vector_load %arg4[%get3A_171, %get3A_172, %get3A_173] {strides = array<i32>} : memref<17x17x128xi32, #tpu.memory_space<vmem>>, vector<16xi32>,
      tpu.vector_store_idx %arg6[%add3A_29, %get3A_174], %broadcast_in_dim3A_3 {add = true} : memref<128x256xf32, #tpu.memory_space<vmem>>[vector<16xi32>, vector<16xi32>], vector<16xf32>,
      %get3A_175 = arith.constant 2 : i32
      %get3A_176 = arith.index_cast %scan3A_95 : i32 to index
      %get3A_177 = arith.index_cast %get3A_175 : i32 to index
      %get3A_178 = arith.constant 0 : index
      %get3A_179 = tpu.vector_load %arg4[%get3A_176, %get3A_177, %get3A_178] {strides = array<i32>} : memref<17x17x128xi32, #tpu.memory_space<vmem>>, vector<16xi32>,
      tpu.vector_store_idx %arg6[%add3A_8, %get3A_179], %broadcast_in_dim3A_3 {add = true} : memref<128x256xf32, #tpu.memory_space<vmem>>[vector<16xi32>, vector<16xi32>], vector<16xf32>,
      %get3A_180 = arith.constant 2 : i32
      %get3A_181 = arith.index_cast %scan3A_95 : i32 to index
      %get3A_182 = arith.index_cast %get3A_180 : i32 to index
      %get3A_183 = arith.constant 16 : index
      %get3A_184 = tpu.vector_load %arg4[%get3A_181, %get3A_182, %get3A_183] {strides = array<i32>} : memref<17x17x128xi32, #tpu.memory_space<vmem>>, vector<16xi32>,
      tpu.vector_store_idx %arg6[%add3A_11, %get3A_184], %broadcast_in_dim3A_3 {add = true} : memref<128x256xf32, #tpu.memory_space<vmem>>[vector<16xi32>, vector<16xi32>], vector<16xf32>,
      %get3A_185 = arith.constant 2 : i32
      %get3A_186 = arith.index_cast %scan3A_95 : i32 to index
      %get3A_187 = arith.index_cast %get3A_185 : i32 to index
      %get3A_188 = arith.constant 32 : index
      %get3A_189 = tpu.vector_load %arg4[%get3A_186, %get3A_187, %get3A_188] {strides = array<i32>} : memref<17x17x128xi32, #tpu.memory_space<vmem>>, vector<16xi32>,
      tpu.vector_store_idx %arg6[%add3A_14, %get3A_189], %broadcast_in_dim3A_3 {add = true} : memref<128x256xf32, #tpu.memory_space<vmem>>[vector<16xi32>, vector<16xi32>], vector<16xf32>,
      %get3A_190 = arith.constant 2 : i32
      %get3A_191 = arith.index_cast %scan3A_95 : i32 to index
      %get3A_192 = arith.index_cast %get3A_190 : i32 to index
      %get3A_193 = arith.constant 48 : index
      %get3A_194 = tpu.vector_load %arg4[%get3A_191, %get3A_192, %get3A_193] {strides = array<i32>} : memref<17x17x128xi32, #tpu.memory_space<vmem>>, vector<16xi32>,
      tpu.vector_store_idx %arg6[%add3A_17, %get3A_194], %broadcast_in_dim3A_3 {add = true} : memref<128x256xf32, #tpu.memory_space<vmem>>[vector<16xi32>, vector<16xi32>], vector<16xf32>,
      %get3A_195 = arith.constant 2 : i32
      %get3A_196 = arith.index_cast %scan3A_95 : i32 to index
      %get3A_197 = arith.index_cast %get3A_195 : i32 to index
      %get3A_198 = arith.constant 64 : index
      %get3A_199 = tpu.vector_load %arg4[%get3A_196, %get3A_197, %get3A_198] {strides = array<i32>} : memref<17x17x128xi32, #tpu.memory_space<vmem>>, vector<16xi32>,
      tpu.vector_store_idx %arg6[%add3A_20, %get3A_199], %broadcast_in_dim3A_3 {add = true} : memref<128x256xf32, #tpu.memory_space<vmem>>[vector<16xi32>, vector<16xi32>], vector<16xf32>,
      %get3A_200 = arith.constant 2 : i32
      %get3A_201 = arith.index_cast %scan3A_95 : i32 to index
      %get3A_202 = arith.index_cast %get3A_200 : i32 to index
      %get3A_203 = arith.constant 80 : index
      %get3A_204 = tpu.vector_load %arg4[%get3A_201, %get3A_202, %get3A_203] {strides = array<i32>} : memref<17x17x128xi32, #tpu.memory_space<vmem>>, vector<16xi32>,
      tpu.vector_store_idx %arg6[%add3A_23, %get3A_204], %broadcast_in_dim3A_3 {add = true} : memref<128x256xf32, #tpu.memory_space<vmem>>[vector<16xi32>, vector<16xi32>], vector<16xf32>,
      %get3A_205 = arith.constant 2 : i32
      %get3A_206 = arith.index_cast %scan3A_95 : i32 to index
      %get3A_207 = arith.index_cast %get3A_205 : i32 to index
      %get3A_208 = arith.constant 96 : index
      %get3A_209 = tpu.vector_load %arg4[%get3A_206, %get3A_207, %get3A_208] {strides = array<i32>} : memref<17x17x128xi32, #tpu.memory_space<vmem>>, vector<16xi32>,
      tpu.vector_store_idx %arg6[%add3A_26, %get3A_209], %broadcast_in_dim3A_3 {add = true} : memref<128x256xf32, #tpu.memory_space<vmem>>[vector<16xi32>, vector<16xi32>], vector<16xf32>,
      %get3A_210 = arith.constant 2 : i32
      %get3A_211 = arith.index_cast %scan3A_95 : i32 to index
      %get3A_212 = arith.index_cast %get3A_210 : i32 to index
      %get3A_213 = arith.constant 112 : index
      %get3A_214 = tpu.vector_load %arg4[%get3A_211, %get3A_212, %get3A_213] {strides = array<i32>} : memref<17x17x128xi32, #tpu.memory_space<vmem>>, vector<16xi32>,
      tpu.vector_store_idx %arg6[%add3A_29, %get3A_214], %broadcast_in_dim3A_3 {add = true} : memref<128x256xf32, #tpu.memory_space<vmem>>[vector<16xi32>, vector<16xi32>], vector<16xf32>,
      %get3A_215 = arith.constant 3 : i32
      %get3A_216 = arith.index_cast %scan3A_95 : i32 to index
      %get3A_217 = arith.index_cast %get3A_215 : i32 to index
      %get3A_218 = arith.constant 0 : index
      %get3A_219 = tpu.vector_load %arg4[%get3A_216, %get3A_217, %get3A_218] {strides = array<i32>} : memref<17x17x128xi32, #tpu.memory_space<vmem>>, vector<16xi32>,
      tpu.vector_store_idx %arg6[%add3A_8, %get3A_219], %broadcast_in_dim3A_3 {add = true} : memref<128x256xf32, #tpu.memory_space<vmem>>[vector<16xi32>, vector<16xi32>], vector<16xf32>,
      %get3A_220 = arith.constant 3 : i32
      %get3A_221 = arith.index_cast %scan3A_95 : i32 to index
      %get3A_222 = arith.index_cast %get3A_220 : i32 to index
      %get3A_223 = arith.constant 16 : index
      %get3A_224 = tpu.vector_load %arg4[%get3A_221, %get3A_222, %get3A_223] {strides = array<i32>} : memref<17x17x128xi32, #tpu.memory_space<vmem>>, vector<16xi32>,
      tpu.vector_store_idx %arg6[%add3A_11, %get3A_224], %broadcast_in_dim3A_3 {add = true} : memref<128x256xf32, #tpu.memory_space<vmem>>[vector<16xi32>, vector<16xi32>], vector<16xf32>,
      %get3A_225 = arith.constant 3 : i32
      %get3A_226 = arith.index_cast %scan3A_95 : i32 to index
      %get3A_227 = arith.index_cast %get3A_225 : i32 to index
      %get3A_228 = arith.constant 32 : index
      %get3A_229 = tpu.vector_load %arg4[%get3A_226, %get3A_227, %get3A_228] {strides = array<i32>} : memref<17x17x128xi32, #tpu.memory_space<vmem>>, vector<16xi32>,
      tpu.vector_store_idx %arg6[%add3A_14, %get3A_229], %broadcast_in_dim3A_3 {add = true} : memref<128x256xf32, #tpu.memory_space<vmem>>[vector<16xi32>, vector<16xi32>], vector<16xf32>,
      %get3A_230 = arith.constant 3 : i32
      %get3A_231 = arith.index_cast %scan3A_95 : i32 to index
      %get3A_232 = arith.index_cast %get3A_230 : i32 to index
      %get3A_233 = arith.constant 48 : index
      %get3A_234 = tpu.vector_load %arg4[%get3A_231, %get3A_232, %get3A_233] {strides = array<i32>} : memref<17x17x128xi32, #tpu.memory_space<vmem>>, vector<16xi32>,
      tpu.vector_store_idx %arg6[%add3A_17, %get3A_234], %broadcast_in_dim3A_3 {add = true} : memref<128x256xf32, #tpu.memory_space<vmem>>[vector<16xi32>, vector<16xi32>], vector<16xf32>,
      %get3A_235 = arith.constant 3 : i32
      %get3A_236 = arith.index_cast %scan3A_95 : i32 to index
      %get3A_237 = arith.index_cast %get3A_235 : i32 to index
      %get3A_238 = arith.constant 64 : index
      %get3A_239 = tpu.vector_load %arg4[%get3A_236, %get3A_237, %get3A_238] {strides = array<i32>} : memref<17x17x128xi32, #tpu.memory_space<vmem>>, vector<16xi32>,
      tpu.vector_store_idx %arg6[%add3A_20, %get3A_239], %broadcast_in_dim3A_3 {add = true} : memref<128x256xf32, #tpu.memory_space<vmem>>[vector<16xi32>, vector<16xi32>], vector<16xf32>,
      %get3A_240 = arith.constant 3 : i32
      %get3A_241 = arith.index_cast %scan3A_95 : i32 to index
      %get3A_242 = arith.index_cast %get3A_240 : i32 to index
      %get3A_243 = arith.constant 80 : index
      %get3A_244 = tpu.vector_load %arg4[%get3A_241, %get3A_242, %get3A_243] {strides = array<i32>} : memref<17x17x128xi32, #tpu.memory_space<vmem>>, vector<16xi32>,
      tpu.vector_store_idx %arg6[%add3A_23, %get3A_244], %broadcast_in_dim3A_3 {add = true} : memref<128x256xf32, #tpu.memory_space<vmem>>[vector<16xi32>, vector<16xi32>], vector<16xf32>,
      %get3A_245 = arith.constant 3 : i32
      %get3A_246 = arith.index_cast %scan3A_95 : i32 to index
      %get3A_247 = arith.index_cast %get3A_245 : i32 to index
      %get3A_248 = arith.constant 96 : index
      %get3A_249 = tpu.vector_load %arg4[%get3A_246, %get3A_247, %get3A_248] {strides = array<i32>} : memref<17x17x128xi32, #tpu.memory_space<vmem>>, vector<16xi32>,
      tpu.vector_store_idx %arg6[%add3A_26, %get3A_249], %broadcast_in_dim3A_3 {add = true} : memref<128x256xf32, #tpu.memory_space<vmem>>[vector<16xi32>, vector<16xi32>], vector<16xf32>,
      %get3A_250 = arith.constant 3 : i32
      %get3A_251 = arith.index_cast %scan3A_95 : i32 to index
      %get3A_252 = arith.index_cast %get3A_250 : i32 to index
      %get3A_253 = arith.constant 112 : index
      %get3A_254 = tpu.vector_load %arg4[%get3A_251, %get3A_252, %get3A_253] {strides = array<i32>} : memref<17x17x128xi32, #tpu.memory_space<vmem>>, vector<16xi32>,
      tpu.vector_store_idx %arg6[%add3A_29, %get3A_254], %broadcast_in_dim3A_3 {add = true} : memref<128x256xf32, #tpu.memory_space<vmem>>[vector<16xi32>, vector<16xi32>], vector<16xf32>,
      %get3A_255 = arith.constant 4 : i32
      %get3A_256 = arith.index_cast %scan3A_95 : i32 to index
      %get3A_257 = arith.index_cast %get3A_255 : i32 to index
      %get3A_258 = arith.constant 0 : index
      %get3A_259 = tpu.vector_load %arg4[%get3A_256, %get3A_257, %get3A_258] {strides = array<i32>} : memref<17x17x128xi32, #tpu.memory_space<vmem>>, vector<16xi32>,
      tpu.vector_store_idx %arg6[%add3A_8, %get3A_259], %broadcast_in_dim3A_3 {add = true} : memref<128x256xf32, #tpu.memory_space<vmem>>[vector<16xi32>, vector<16xi32>], vector<16xf32>,
      %get3A_260 = arith.constant 4 : i32
      %get3A_261 = arith.index_cast %scan3A_95 : i32 to index
      %get3A_262 = arith.index_cast %get3A_260 : i32 to index
      %get3A_263 = arith.constant 16 : index
      %get3A_264 = tpu.vector_load %arg4[%get3A_261, %get3A_262, %get3A_263] {strides = array<i32>} : memref<17x17x128xi32, #tpu.memory_space<vmem>>, vector<16xi32>,
      tpu.vector_store_idx %arg6[%add3A_11, %get3A_264], %broadcast_in_dim3A_3 {add = true} : memref<128x256xf32, #tpu.memory_space<vmem>>[vector<16xi32>, vector<16xi32>], vector<16xf32>,
      %get3A_265 = arith.constant 4 : i32
      %get3A_266 = arith.index_cast %scan3A_95 : i32 to index
      %get3A_267 = arith.index_cast %get3A_265 : i32 to index
      %get3A_268 = arith.constant 32 : index
      %get3A_269 = tpu.vector_load %arg4[%get3A_266, %get3A_267, %get3A_268] {strides = array<i32>} : memref<17x17x128xi32, #tpu.memory_space<vmem>>, vector<16xi32>,
      tpu.vector_store_idx %arg6[%add3A_14, %get3A_269], %broadcast_in_dim3A_3 {add = true} : memref<128x256xf32, #tpu.memory_space<vmem>>[vector<16xi32>, vector<16xi32>], vector<16xf32>,
      %get3A_270 = arith.constant 4 : i32
      %get3A_271 = arith.index_cast %scan3A_95 : i32 to index
      %get3A_272 = arith.index_cast %get3A_270 : i32 to index
      %get3A_273 = arith.constant 48 : index
      %get3A_274 = tpu.vector_load %arg4[%get3A_271, %get3A_272, %get3A_273] {strides = array<i32>} : memref<17x17x128xi32, #tpu.memory_space<vmem>>, vector<16xi32>,
      tpu.vector_store_idx %arg6[%add3A_17, %get3A_274], %broadcast_in_dim3A_3 {add = true} : memref<128x256xf32, #tpu.memory_space<vmem>>[vector<16xi32>, vector<16xi32>], vector<16xf32>,
      %get3A_275 = arith.constant 4 : i32
      %get3A_276 = arith.index_cast %scan3A_95 : i32 to index
      %get3A_277 = arith.index_cast %get3A_275 : i32 to index
      %get3A_278 = arith.constant 64 : index
      %get3A_279 = tpu.vector_load %arg4[%get3A_276, %get3A_277, %get3A_278] {strides = array<i32>} : memref<17x17x128xi32, #tpu.memory_space<vmem>>, vector<16xi32>,
      tpu.vector_store_idx %arg6[%add3A_20, %get3A_279], %broadcast_in_dim3A_3 {add = true} : memref<128x256xf32, #tpu.memory_space<vmem>>[vector<16xi32>, vector<16xi32>], vector<16xf32>,
      %get3A_280 = arith.constant 4 : i32
      %get3A_281 = arith.index_cast %scan3A_95 : i32 to index
      %get3A_282 = arith.index_cast %get3A_280 : i32 to index
      %get3A_283 = arith.constant 80 : index
      %get3A_284 = tpu.vector_load %arg4[%get3A_281, %get3A_282, %get3A_283] {strides = array<i32>} : memref<17x17x128xi32, #tpu.memory_space<vmem>>, vector<16xi32>,
      tpu.vector_store_idx %arg6[%add3A_23, %get3A_284], %broadcast_in_dim3A_3 {add = true} : memref<128x256xf32, #tpu.memory_space<vmem>>[vector<16xi32>, vector<16xi32>], vector<16xf32>,
      %get3A_285 = arith.constant 4 : i32
      %get3A_286 = arith.index_cast %scan3A_95 : i32 to index
      %get3A_287 = arith.index_cast %get3A_285 : i32 to index
      %get3A_288 = arith.constant 96 : index
      %get3A_289 = tpu.vector_load %arg4[%get3A_286, %get3A_287, %get3A_288] {strides = array<i32>} : memref<17x17x128xi32, #tpu.memory_space<vmem>>, vector<16xi32>,
      tpu.vector_store_idx %arg6[%add3A_26, %get3A_289], %broadcast_in_dim3A_3 {add = true} : memref<128x256xf32, #tpu.memory_space<vmem>>[vector<16xi32>, vector<16xi32>], vector<16xf32>,
      %get3A_290 = arith.constant 4 : i32
      %get3A_291 = arith.index_cast %scan3A_95 : i32 to index
      %get3A_292 = arith.index_cast %get3A_290 : i32 to index
      %get3A_293 = arith.constant 112 : index
      %get3A_294 = tpu.vector_load %arg4[%get3A_291, %get3A_292, %get3A_293] {strides = array<i32>} : memref<17x17x128xi32, #tpu.memory_space<vmem>>, vector<16xi32>,
      tpu.vector_store_idx %arg6[%add3A_29, %get3A_294], %broadcast_in_dim3A_3 {add = true} : memref<128x256xf32, #tpu.memory_space<vmem>>[vector<16xi32>, vector<16xi32>], vector<16xf32>,
      %get3A_295 = arith.constant 5 : i32
      %get3A_296 = arith.index_cast %scan3A_95 : i32 to index
      %get3A_297 = arith.index_cast %get3A_295 : i32 to index
      %get3A_298 = arith.constant 0 : index
      %get3A_299 = tpu.vector_load %arg4[%get3A_296, %get3A_297, %get3A_298] {strides = array<i32>} : memref<17x17x128xi32, #tpu.memory_space<vmem>>, vector<16xi32>,
      tpu.vector_store_idx %arg6[%add3A_8, %get3A_299], %broadcast_in_dim3A_3 {add = true} : memref<128x256xf32, #tpu.memory_space<vmem>>[vector<16xi32>, vector<16xi32>], vector<16xf32>,
      %get3A_300 = arith.constant 5 : i32
      %get3A_301 = arith.index_cast %scan3A_95 : i32 to index
      %get3A_302 = arith.index_cast %get3A_300 : i32 to index
      %get3A_303 = arith.constant 16 : index
      %get3A_304 = tpu.vector_load %arg4[%get3A_301, %get3A_302, %get3A_303] {strides = array<i32>} : memref<17x17x128xi32, #tpu.memory_space<vmem>>, vector<16xi32>,
      tpu.vector_store_idx %arg6[%add3A_11, %get3A_304], %broadcast_in_dim3A_3 {add = true} : memref<128x256xf32, #tpu.memory_space<vmem>>[vector<16xi32>, vector<16xi32>], vector<16xf32>,
      %get3A_305 = arith.constant 5 : i32
      %get3A_306 = arith.index_cast %scan3A_95 : i32 to index
      %get3A_307 = arith.index_cast %get3A_305 : i32 to index
      %get3A_308 = arith.constant 32 : index
      %get3A_309 = tpu.vector_load %arg4[%get3A_306, %get3A_307, %get3A_308] {strides = array<i32>} : memref<17x17x128xi32, #tpu.memory_space<vmem>>, vector<16xi32>,
      tpu.vector_store_idx %arg6[%add3A_14, %get3A_309], %broadcast_in_dim3A_3 {add = true} : memref<128x256xf32, #tpu.memory_space<vmem>>[vector<16xi32>, vector<16xi32>], vector<16xf32>,
      %get3A_310 = arith.constant 5 : i32
      %get3A_311 = arith.index_cast %scan3A_95 : i32 to index
      %get3A_312 = arith.index_cast %get3A_310 : i32 to index
      %get3A_313 = arith.constant 48 : index
      %get3A_314 = tpu.vector_load %arg4[%get3A_311, %get3A_312, %get3A_313] {strides = array<i32>} : memref<17x17x128xi32, #tpu.memory_space<vmem>>, vector<16xi32>,
      tpu.vector_store_idx %arg6[%add3A_17, %get3A_314], %broadcast_in_dim3A_3 {add = true} : memref<128x256xf32, #tpu.memory_space<vmem>>[vector<16xi32>, vector<16xi32>], vector<16xf32>,
      %get3A_315 = arith.constant 5 : i32
      %get3A_316 = arith.index_cast %scan3A_95 : i32 to index
      %get3A_317 = arith.index_cast %get3A_315 : i32 to index
      %get3A_318 = arith.constant 64 : index
      %get3A_319 = tpu.vector_load %arg4[%get3A_316, %get3A_317, %get3A_318] {strides = array<i32>} : memref<17x17x128xi32, #tpu.memory_space<vmem>>, vector<16xi32>,
      tpu.vector_store_idx %arg6[%add3A_20, %get3A_319], %broadcast_in_dim3A_3 {add = true} : memref<128x256xf32, #tpu.memory_space<vmem>>[vector<16xi32>, vector<16xi32>], vector<16xf32>,
      %get3A_320 = arith.constant 5 : i32
      %get3A_321 = arith.index_cast %scan3A_95 : i32 to index
      %get3A_322 = arith.index_cast %get3A_320 : i32 to index
      %get3A_323 = arith.constant 80 : index
      %get3A_324 = tpu.vector_load %arg4[%get3A_321, %get3A_322, %get3A_323] {strides = array<i32>} : memref<17x17x128xi32, #tpu.memory_space<vmem>>, vector<16xi32>,
      tpu.vector_store_idx %arg6[%add3A_23, %get3A_324], %broadcast_in_dim3A_3 {add = true} : memref<128x256xf32, #tpu.memory_space<vmem>>[vector<16xi32>, vector<16xi32>], vector<16xf32>,
      %get3A_325 = arith.constant 5 : i32
      %get3A_326 = arith.index_cast %scan3A_95 : i32 to index
      %get3A_327 = arith.index_cast %get3A_325 : i32 to index
      %get3A_328 = arith.constant 96 : index
      %get3A_329 = tpu.vector_load %arg4[%get3A_326, %get3A_327, %get3A_328] {strides = array<i32>} : memref<17x17x128xi32, #tpu.memory_space<vmem>>, vector<16xi32>,
      tpu.vector_store_idx %arg6[%add3A_26, %get3A_329], %broadcast_in_dim3A_3 {add = true} : memref<128x256xf32, #tpu.memory_space<vmem>>[vector<16xi32>, vector<16xi32>], vector<16xf32>,
      %get3A_330 = arith.constant 5 : i32
      %get3A_331 = arith.index_cast %scan3A_95 : i32 to index
      %get3A_332 = arith.index_cast %get3A_330 : i32 to index
      %get3A_333 = arith.constant 112 : index
      %get3A_334 = tpu.vector_load %arg4[%get3A_331, %get3A_332, %get3A_333] {strides = array<i32>} : memref<17x17x128xi32, #tpu.memory_space<vmem>>, vector<16xi32>,
      tpu.vector_store_idx %arg6[%add3A_29, %get3A_334], %broadcast_in_dim3A_3 {add = true} : memref<128x256xf32, #tpu.memory_space<vmem>>[vector<16xi32>, vector<16xi32>], vector<16xf32>,
      %get3A_335 = arith.constant 6 : i32
      %get3A_336 = arith.index_cast %scan3A_95 : i32 to index
      %get3A_337 = arith.index_cast %get3A_335 : i32 to index
      %get3A_338 = arith.constant 0 : index
      %get3A_339 = tpu.vector_load %arg4[%get3A_336, %get3A_337, %get3A_338] {strides = array<i32>} : memref<17x17x128xi32, #tpu.memory_space<vmem>>, vector<16xi32>,
      tpu.vector_store_idx %arg6[%add3A_8, %get3A_339], %broadcast_in_dim3A_3 {add = true} : memref<128x256xf32, #tpu.memory_space<vmem>>[vector<16xi32>, vector<16xi32>], vector<16xf32>,
      %get3A_340 = arith.constant 6 : i32
      %get3A_341 = arith.index_cast %scan3A_95 : i32 to index
      %get3A_342 = arith.index_cast %get3A_340 : i32 to index
      %get3A_343 = arith.constant 16 : index
      %get3A_344 = tpu.vector_load %arg4[%get3A_341, %get3A_342, %get3A_343] {strides = array<i32>} : memref<17x17x128xi32, #tpu.memory_space<vmem>>, vector<16xi32>,
      tpu.vector_store_idx %arg6[%add3A_11, %get3A_344], %broadcast_in_dim3A_3 {add = true} : memref<128x256xf32, #tpu.memory_space<vmem>>[vector<16xi32>, vector<16xi32>], vector<16xf32>,
      %get3A_345 = arith.constant 6 : i32
      %get3A_346 = arith.index_cast %scan3A_95 : i32 to index
      %get3A_347 = arith.index_cast %get3A_345 : i32 to index
      %get3A_348 = arith.constant 32 : index
      %get3A_349 = tpu.vector_load %arg4[%get3A_346, %get3A_347, %get3A_348] {strides = array<i32>} : memref<17x17x128xi32, #tpu.memory_space<vmem>>, vector<16xi32>,
      tpu.vector_store_idx %arg6[%add3A_14, %get3A_349], %broadcast_in_dim3A_3 {add = true} : memref<128x256xf32, #tpu.memory_space<vmem>>[vector<16xi32>, vector<16xi32>], vector<16xf32>,
      %get3A_350 = arith.constant 6 : i32
      %get3A_351 = arith.index_cast %scan3A_95 : i32 to index
      %get3A_352 = arith.index_cast %get3A_350 : i32 to index
      %get3A_353 = arith.constant 48 : index
      %get3A_354 = tpu.vector_load %arg4[%get3A_351, %get3A_352, %get3A_353] {strides = array<i32>} : memref<17x17x128xi32, #tpu.memory_space<vmem>>, vector<16xi32>,
      tpu.vector_store_idx %arg6[%add3A_17, %get3A_354], %broadcast_in_dim3A_3 {add = true} : memref<128x256xf32, #tpu.memory_space<vmem>>[vector<16xi32>, vector<16xi32>], vector<16xf32>,
      %get3A_355 = arith.constant 6 : i32
      %get3A_356 = arith.index_cast %scan3A_95 : i32 to index
      %get3A_357 = arith.index_cast %get3A_355 : i32 to index
      %get3A_358 = arith.constant 64 : index
      %get3A_359 = tpu.vector_load %arg4[%get3A_356, %get3A_357, %get3A_358] {strides = array<i32>} : memref<17x17x128xi32, #tpu.memory_space<vmem>>, vector<16xi32>,
      tpu.vector_store_idx %arg6[%add3A_20, %get3A_359], %broadcast_in_dim3A_3 {add = true} : memref<128x256xf32, #tpu.memory_space<vmem>>[vector<16xi32>, vector<16xi32>], vector<16xf32>,
      %get3A_360 = arith.constant 6 : i32
      %get3A_361 = arith.index_cast %scan3A_95 : i32 to index
      %get3A_362 = arith.index_cast %get3A_360 : i32 to index
      %get3A_363 = arith.constant 80 : index
      %get3A_364 = tpu.vector_load %arg4[%get3A_361, %get3A_362, %get3A_363] {strides = array<i32>} : memref<17x17x128xi32, #tpu.memory_space<vmem>>, vector<16xi32>,
      tpu.vector_store_idx %arg6[%add3A_23, %get3A_364], %broadcast_in_dim3A_3 {add = true} : memref<128x256xf32, #tpu.memory_space<vmem>>[vector<16xi32>, vector<16xi32>], vector<16xf32>,
      %get3A_365 = arith.constant 6 : i32
      %get3A_366 = arith.index_cast %scan3A_95 : i32 to index
      %get3A_367 = arith.index_cast %get3A_365 : i32 to index
      %get3A_368 = arith.constant 96 : index
      %get3A_369 = tpu.vector_load %arg4[%get3A_366, %get3A_367, %get3A_368] {strides = array<i32>} : memref<17x17x128xi32, #tpu.memory_space<vmem>>, vector<16xi32>,
      tpu.vector_store_idx %arg6[%add3A_26, %get3A_369], %broadcast_in_dim3A_3 {add = true} : memref<128x256xf32, #tpu.memory_space<vmem>>[vector<16xi32>, vector<16xi32>], vector<16xf32>,
      %get3A_370 = arith.constant 6 : i32
      %get3A_371 = arith.index_cast %scan3A_95 : i32 to index
      %get3A_372 = arith.index_cast %get3A_370 : i32 to index
      %get3A_373 = arith.constant 112 : index
      %get3A_374 = tpu.vector_load %arg4[%get3A_371, %get3A_372, %get3A_373] {strides = array<i32>} : memref<17x17x128xi32, #tpu.memory_space<vmem>>, vector<16xi32>,
      tpu.vector_store_idx %arg6[%add3A_29, %get3A_374], %broadcast_in_dim3A_3 {add = true} : memref<128x256xf32, #tpu.memory_space<vmem>>[vector<16xi32>, vector<16xi32>], vector<16xf32>,
      %get3A_375 = arith.constant 7 : i32
      %get3A_376 = arith.index_cast %scan3A_95 : i32 to index
      %get3A_377 = arith.index_cast %get3A_375 : i32 to index
      %get3A_378 = arith.constant 0 : index
      %get3A_379 = tpu.vector_load %arg4[%get3A_376, %get3A_377, %get3A_378] {strides = array<i32>} : memref<17x17x128xi32, #tpu.memory_space<vmem>>, vector<16xi32>,
      tpu.vector_store_idx %arg6[%add3A_8, %get3A_379], %broadcast_in_dim3A_3 {add = true} : memref<128x256xf32, #tpu.memory_space<vmem>>[vector<16xi32>, vector<16xi32>], vector<16xf32>,
      %get3A_380 = arith.constant 7 : i32
      %get3A_381 = arith.index_cast %scan3A_95 : i32 to index
      %get3A_382 = arith.index_cast %get3A_380 : i32 to index
      %get3A_383 = arith.constant 16 : index
      %get3A_384 = tpu.vector_load %arg4[%get3A_381, %get3A_382, %get3A_383] {strides = array<i32>} : memref<17x17x128xi32, #tpu.memory_space<vmem>>, vector<16xi32>,
      tpu.vector_store_idx %arg6[%add3A_11, %get3A_384], %broadcast_in_dim3A_3 {add = true} : memref<128x256xf32, #tpu.memory_space<vmem>>[vector<16xi32>, vector<16xi32>], vector<16xf32>,
      %get3A_385 = arith.constant 7 : i32
      %get3A_386 = arith.index_cast %scan3A_95 : i32 to index
      %get3A_387 = arith.index_cast %get3A_385 : i32 to index
      %get3A_388 = arith.constant 32 : index
      %get3A_389 = tpu.vector_load %arg4[%get3A_386, %get3A_387, %get3A_388] {strides = array<i32>} : memref<17x17x128xi32, #tpu.memory_space<vmem>>, vector<16xi32>,
      tpu.vector_store_idx %arg6[%add3A_14, %get3A_389], %broadcast_in_dim3A_3 {add = true} : memref<128x256xf32, #tpu.memory_space<vmem>>[vector<16xi32>, vector<16xi32>], vector<16xf32>,
      %get3A_390 = arith.constant 7 : i32
      %get3A_391 = arith.index_cast %scan3A_95 : i32 to index
      %get3A_392 = arith.index_cast %get3A_390 : i32 to index
      %get3A_393 = arith.constant 48 : index
      %get3A_394 = tpu.vector_load %arg4[%get3A_391, %get3A_392, %get3A_393] {strides = array<i32>} : memref<17x17x128xi32, #tpu.memory_space<vmem>>, vector<16xi32>,
      tpu.vector_store_idx %arg6[%add3A_17, %get3A_394], %broadcast_in_dim3A_3 {add = true} : memref<128x256xf32, #tpu.memory_space<vmem>>[vector<16xi32>, vector<16xi32>], vector<16xf32>,
      %get3A_395 = arith.constant 7 : i32
      %get3A_396 = arith.index_cast %scan3A_95 : i32 to index
      %get3A_397 = arith.index_cast %get3A_395 : i32 to index
      %get3A_398 = arith.constant 64 : index
      %get3A_399 = tpu.vector_load %arg4[%get3A_396, %get3A_397, %get3A_398] {strides = array<i32>} : memref<17x17x128xi32, #tpu.memory_space<vmem>>, vector<16xi32>,
      tpu.vector_store_idx %arg6[%add3A_20, %get3A_399], %broadcast_in_dim3A_3 {add = true} : memref<128x256xf32, #tpu.memory_space<vmem>>[vector<16xi32>, vector<16xi32>], vector<16xf32>,
      %get3A_400 = arith.constant 7 : i32
      %get3A_401 = arith.index_cast %scan3A_95 : i32 to index
      %get3A_402 = arith.index_cast %get3A_400 : i32 to index
      %get3A_403 = arith.constant 80 : index
      %get3A_404 = tpu.vector_load %arg4[%get3A_401, %get3A_402, %get3A_403] {strides = array<i32>} : memref<17x17x128xi32, #tpu.memory_space<vmem>>, vector<16xi32>,
      tpu.vector_store_idx %arg6[%add3A_23, %get3A_404], %broadcast_in_dim3A_3 {add = true} : memref<128x256xf32, #tpu.memory_space<vmem>>[vector<16xi32>, vector<16xi32>], vector<16xf32>,
      %get3A_405 = arith.constant 7 : i32
      %get3A_406 = arith.index_cast %scan3A_95 : i32 to index
      %get3A_407 = arith.index_cast %get3A_405 : i32 to index
      %get3A_408 = arith.constant 96 : index
      %get3A_409 = tpu.vector_load %arg4[%get3A_406, %get3A_407, %get3A_408] {strides = array<i32>} : memref<17x17x128xi32, #tpu.memory_space<vmem>>, vector<16xi32>,
      tpu.vector_store_idx %arg6[%add3A_26, %get3A_409], %broadcast_in_dim3A_3 {add = true} : memref<128x256xf32, #tpu.memory_space<vmem>>[vector<16xi32>, vector<16xi32>], vector<16xf32>,
      %get3A_410 = arith.constant 7 : i32
      %get3A_411 = arith.index_cast %scan3A_95 : i32 to index
      %get3A_412 = arith.index_cast %get3A_410 : i32 to index
      %get3A_413 = arith.constant 112 : index
      %get3A_414 = tpu.vector_load %arg4[%get3A_411, %get3A_412, %get3A_413] {strides = array<i32>} : memref<17x17x128xi32, #tpu.memory_space<vmem>>, vector<16xi32>,
      tpu.vector_store_idx %arg6[%add3A_29, %get3A_414], %broadcast_in_dim3A_3 {add = true} : memref<128x256xf32, #tpu.memory_space<vmem>>[vector<16xi32>, vector<16xi32>], vector<16xf32>,
      %get3A_415 = arith.constant 8 : i32
      %get3A_416 = arith.index_cast %scan3A_95 : i32 to index
      %get3A_417 = arith.index_cast %get3A_415 : i32 to index
      %get3A_418 = arith.constant 0 : index
      %get3A_419 = tpu.vector_load %arg4[%get3A_416, %get3A_417, %get3A_418] {strides = array<i32>} : memref<17x17x128xi32, #tpu.memory_space<vmem>>, vector<16xi32>,
      tpu.vector_store_idx %arg6[%add3A_8, %get3A_419], %broadcast_in_dim3A_3 {add = true} : memref<128x256xf32, #tpu.memory_space<vmem>>[vector<16xi32>, vector<16xi32>], vector<16xf32>,
      %get3A_420 = arith.constant 8 : i32
      %get3A_421 = arith.index_cast %scan3A_95 : i32 to index
      %get3A_422 = arith.index_cast %get3A_420 : i32 to index
      %get3A_423 = arith.constant 16 : index
      %get3A_424 = tpu.vector_load %arg4[%get3A_421, %get3A_422, %get3A_423] {strides = array<i32>} : memref<17x17x128xi32, #tpu.memory_space<vmem>>, vector<16xi32>,
      tpu.vector_store_idx %arg6[%add3A_11, %get3A_424], %broadcast_in_dim3A_3 {add = true} : memref<128x256xf32, #tpu.memory_space<vmem>>[vector<16xi32>, vector<16xi32>], vector<16xf32>,
      %get3A_425 = arith.constant 8 : i32
      %get3A_426 = arith.index_cast %scan3A_95 : i32 to index
      %get3A_427 = arith.index_cast %get3A_425 : i32 to index
      %get3A_428 = arith.constant 32 : index
      %get3A_429 = tpu.vector_load %arg4[%get3A_426, %get3A_427, %get3A_428] {strides = array<i32>} : memref<17x17x128xi32, #tpu.memory_space<vmem>>, vector<16xi32>,
      tpu.vector_store_idx %arg6[%add3A_14, %get3A_429], %broadcast_in_dim3A_3 {add = true} : memref<128x256xf32, #tpu.memory_space<vmem>>[vector<16xi32>, vector<16xi32>], vector<16xf32>,
      %get3A_430 = arith.constant 8 : i32
      %get3A_431 = arith.index_cast %scan3A_95 : i32 to index
      %get3A_432 = arith.index_cast %get3A_430 : i32 to index
      %get3A_433 = arith.constant 48 : index
      %get3A_434 = tpu.vector_load %arg4[%get3A_431, %get3A_432, %get3A_433] {strides = array<i32>} : memref<17x17x128xi32, #tpu.memory_space<vmem>>, vector<16xi32>,
      tpu.vector_store_idx %arg6[%add3A_17, %get3A_434], %broadcast_in_dim3A_3 {add = true} : memref<128x256xf32, #tpu.memory_space<vmem>>[vector<16xi32>, vector<16xi32>], vector<16xf32>,
      %get3A_435 = arith.constant 8 : i32
      %get3A_436 = arith.index_cast %scan3A_95 : i32 to index
      %get3A_437 = arith.index_cast %get3A_435 : i32 to index
      %get3A_438 = arith.constant 64 : index
      %get3A_439 = tpu.vector_load %arg4[%get3A_436, %get3A_437, %get3A_438] {strides = array<i32>} : memref<17x17x128xi32, #tpu.memory_space<vmem>>, vector<16xi32>,
      tpu.vector_store_idx %arg6[%add3A_20, %get3A_439], %broadcast_in_dim3A_3 {add = true} : memref<128x256xf32, #tpu.memory_space<vmem>>[vector<16xi32>, vector<16xi32>], vector<16xf32>,
      %get3A_440 = arith.constant 8 : i32
      %get3A_441 = arith.index_cast %scan3A_95 : i32 to index
      %get3A_442 = arith.index_cast %get3A_440 : i32 to index
      %get3A_443 = arith.constant 80 : index
      %get3A_444 = tpu.vector_load %arg4[%get3A_441, %get3A_442, %get3A_443] {strides = array<i32>} : memref<17x17x128xi32, #tpu.memory_space<vmem>>, vector<16xi32>,
      tpu.vector_store_idx %arg6[%add3A_23, %get3A_444], %broadcast_in_dim3A_3 {add = true} : memref<128x256xf32, #tpu.memory_space<vmem>>[vector<16xi32>, vector<16xi32>], vector<16xf32>,
      %get3A_445 = arith.constant 8 : i32
      %get3A_446 = arith.index_cast %scan3A_95 : i32 to index
      %get3A_447 = arith.index_cast %get3A_445 : i32 to index
      %get3A_448 = arith.constant 96 : index
      %get3A_449 = tpu.vector_load %arg4[%get3A_446, %get3A_447, %get3A_448] {strides = array<i32>} : memref<17x17x128xi32, #tpu.memory_space<vmem>>, vector<16xi32>,
      tpu.vector_store_idx %arg6[%add3A_26, %get3A_449], %broadcast_in_dim3A_3 {add = true} : memref<128x256xf32, #tpu.memory_space<vmem>>[vector<16xi32>, vector<16xi32>], vector<16xf32>,
      %get3A_450 = arith.constant 8 : i32
      %get3A_451 = arith.index_cast %scan3A_95 : i32 to index
      %get3A_452 = arith.index_cast %get3A_450 : i32 to index
      %get3A_453 = arith.constant 112 : index
      %get3A_454 = tpu.vector_load %arg4[%get3A_451, %get3A_452, %get3A_453] {strides = array<i32>} : memref<17x17x128xi32, #tpu.memory_space<vmem>>, vector<16xi32>,
      tpu.vector_store_idx %arg6[%add3A_29, %get3A_454], %broadcast_in_dim3A_3 {add = true} : memref<128x256xf32, #tpu.memory_space<vmem>>[vector<16xi32>, vector<16xi32>], vector<16xf32>,
      %get3A_455 = arith.constant 9 : i32
      %get3A_456 = arith.index_cast %scan3A_95 : i32 to index
      %get3A_457 = arith.index_cast %get3A_455 : i32 to index
      %get3A_458 = arith.constant 0 : index
      %get3A_459 = tpu.vector_load %arg4[%get3A_456, %get3A_457, %get3A_458] {strides = array<i32>} : memref<17x17x128xi32, #tpu.memory_space<vmem>>, vector<16xi32>,
      tpu.vector_store_idx %arg6[%add3A_8, %get3A_459], %broadcast_in_dim3A_3 {add = true} : memref<128x256xf32, #tpu.memory_space<vmem>>[vector<16xi32>, vector<16xi32>], vector<16xf32>,
      %get3A_460 = arith.constant 9 : i32
      %get3A_461 = arith.index_cast %scan3A_95 : i32 to index
      %get3A_462 = arith.index_cast %get3A_460 : i32 to index
      %get3A_463 = arith.constant 16 : index
      %get3A_464 = tpu.vector_load %arg4[%get3A_461, %get3A_462, %get3A_463] {strides = array<i32>} : memref<17x17x128xi32, #tpu.memory_space<vmem>>, vector<16xi32>,
      tpu.vector_store_idx %arg6[%add3A_11, %get3A_464], %broadcast_in_dim3A_3 {add = true} : memref<128x256xf32, #tpu.memory_space<vmem>>[vector<16xi32>, vector<16xi32>], vector<16xf32>,
      %get3A_465 = arith.constant 9 : i32
      %get3A_466 = arith.index_cast %scan3A_95 : i32 to index
      %get3A_467 = arith.index_cast %get3A_465 : i32 to index
      %get3A_468 = arith.constant 32 : index
      %get3A_469 = tpu.vector_load %arg4[%get3A_466, %get3A_467, %get3A_468] {strides = array<i32>} : memref<17x17x128xi32, #tpu.memory_space<vmem>>, vector<16xi32>,
      tpu.vector_store_idx %arg6[%add3A_14, %get3A_469], %broadcast_in_dim3A_3 {add = true} : memref<128x256xf32, #tpu.memory_space<vmem>>[vector<16xi32>, vector<16xi32>], vector<16xf32>,
      %get3A_470 = arith.constant 9 : i32
      %get3A_471 = arith.index_cast %scan3A_95 : i32 to index
      %get3A_472 = arith.index_cast %get3A_470 : i32 to index
      %get3A_473 = arith.constant 48 : index
      %get3A_474 = tpu.vector_load %arg4[%get3A_471, %get3A_472, %get3A_473] {strides = array<i32>} : memref<17x17x128xi32, #tpu.memory_space<vmem>>, vector<16xi32>,
      tpu.vector_store_idx %arg6[%add3A_17, %get3A_474], %broadcast_in_dim3A_3 {add = true} : memref<128x256xf32, #tpu.memory_space<vmem>>[vector<16xi32>, vector<16xi32>], vector<16xf32>,
      %get3A_475 = arith.constant 9 : i32
      %get3A_476 = arith.index_cast %scan3A_95 : i32 to index
      %get3A_477 = arith.index_cast %get3A_475 : i32 to index
      %get3A_478 = arith.constant 64 : index
      %get3A_479 = tpu.vector_load %arg4[%get3A_476, %get3A_477, %get3A_478] {strides = array<i32>} : memref<17x17x128xi32, #tpu.memory_space<vmem>>, vector<16xi32>,
      tpu.vector_store_idx %arg6[%add3A_20, %get3A_479], %broadcast_in_dim3A_3 {add = true} : memref<128x256xf32, #tpu.memory_space<vmem>>[vector<16xi32>, vector<16xi32>], vector<16xf32>,
      %get3A_480 = arith.constant 9 : i32
      %get3A_481 = arith.index_cast %scan3A_95 : i32 to index
      %get3A_482 = arith.index_cast %get3A_480 : i32 to index
      %get3A_483 = arith.constant 80 : index
      %get3A_484 = tpu.vector_load %arg4[%get3A_481, %get3A_482, %get3A_483] {strides = array<i32>} : memref<17x17x128xi32, #tpu.memory_space<vmem>>, vector<16xi32>,
      tpu.vector_store_idx %arg6[%add3A_23, %get3A_484], %broadcast_in_dim3A_3 {add = true} : memref<128x256xf32, #tpu.memory_space<vmem>>[vector<16xi32>, vector<16xi32>], vector<16xf32>,
      %get3A_485 = arith.constant 9 : i32
      %get3A_486 = arith.index_cast %scan3A_95 : i32 to index
      %get3A_487 = arith.index_cast %get3A_485 : i32 to index
      %get3A_488 = arith.constant 96 : index
      %get3A_489 = tpu.vector_load %arg4[%get3A_486, %get3A_487, %get3A_488] {strides = array<i32>} : memref<17x17x128xi32, #tpu.memory_space<vmem>>, vector<16xi32>,
      tpu.vector_store_idx %arg6[%add3A_26, %get3A_489], %broadcast_in_dim3A_3 {add = true} : memref<128x256xf32, #tpu.memory_space<vmem>>[vector<16xi32>, vector<16xi32>], vector<16xf32>,
      %get3A_490 = arith.constant 9 : i32
      %get3A_491 = arith.index_cast %scan3A_95 : i32 to index
      %get3A_492 = arith.index_cast %get3A_490 : i32 to index
      %get3A_493 = arith.constant 112 : index
      %get3A_494 = tpu.vector_load %arg4[%get3A_491, %get3A_492, %get3A_493] {strides = array<i32>} : memref<17x17x128xi32, #tpu.memory_space<vmem>>, vector<16xi32>,
      tpu.vector_store_idx %arg6[%add3A_29, %get3A_494], %broadcast_in_dim3A_3 {add = true} : memref<128x256xf32, #tpu.memory_space<vmem>>[vector<16xi32>, vector<16xi32>], vector<16xf32>,
      %get3A_495 = arith.constant 10 : i32
      %get3A_496 = arith.index_cast %scan3A_95 : i32 to index
      %get3A_497 = arith.index_cast %get3A_495 : i32 to index
      %get3A_498 = arith.constant 0 : index
      %get3A_499 = tpu.vector_load %arg4[%get3A_496, %get3A_497, %get3A_498] {strides = array<i32>} : memref<17x17x128xi32, #tpu.memory_space<vmem>>, vector<16xi32>,
      tpu.vector_store_idx %arg6[%add3A_8, %get3A_499], %broadcast_in_dim3A_3 {add = true} : memref<128x256xf32, #tpu.memory_space<vmem>>[vector<16xi32>, vector<16xi32>], vector<16xf32>,
      %get3A_500 = arith.constant 10 : i32
      %get3A_501 = arith.index_cast %scan3A_95 : i32 to index
      %get3A_502 = arith.index_cast %get3A_500 : i32 to index
      %get3A_503 = arith.constant 16 : index
      %get3A_504 = tpu.vector_load %arg4[%get3A_501, %get3A_502, %get3A_503] {strides = array<i32>} : memref<17x17x128xi32, #tpu.memory_space<vmem>>, vector<16xi32>,
      tpu.vector_store_idx %arg6[%add3A_11, %get3A_504], %broadcast_in_dim3A_3 {add = true} : memref<128x256xf32, #tpu.memory_space<vmem>>[vector<16xi32>, vector<16xi32>], vector<16xf32>,
      %get3A_505 = arith.constant 10 : i32
      %get3A_506 = arith.index_cast %scan3A_95 : i32 to index
      %get3A_507 = arith.index_cast %get3A_505 : i32 to index
      %get3A_508 = arith.constant 32 : index
      %get3A_509 = tpu.vector_load %arg4[%get3A_506, %get3A_507, %get3A_508] {strides = array<i32>} : memref<17x17x128xi32, #tpu.memory_space<vmem>>, vector<16xi32>,
      tpu.vector_store_idx %arg6[%add3A_14, %get3A_509], %broadcast_in_dim3A_3 {add = true} : memref<128x256xf32, #tpu.memory_space<vmem>>[vector<16xi32>, vector<16xi32>], vector<16xf32>,
      %get3A_510 = arith.constant 10 : i32
      %get3A_511 = arith.index_cast %scan3A_95 : i32 to index
      %get3A_512 = arith.index_cast %get3A_510 : i32 to index
      %get3A_513 = arith.constant 48 : index
      %get3A_514 = tpu.vector_load %arg4[%get3A_511, %get3A_512, %get3A_513] {strides = array<i32>} : memref<17x17x128xi32, #tpu.memory_space<vmem>>, vector<16xi32>,
      tpu.vector_store_idx %arg6[%add3A_17, %get3A_514], %broadcast_in_dim3A_3 {add = true} : memref<128x256xf32, #tpu.memory_space<vmem>>[vector<16xi32>, vector<16xi32>], vector<16xf32>,
      %get3A_515 = arith.constant 10 : i32
      %get3A_516 = arith.index_cast %scan3A_95 : i32 to index
      %get3A_517 = arith.index_cast %get3A_515 : i32 to index
      %get3A_518 = arith.constant 64 : index
      %get3A_519 = tpu.vector_load %arg4[%get3A_516, %get3A_517, %get3A_518] {strides = array<i32>} : memref<17x17x128xi32, #tpu.memory_space<vmem>>, vector<16xi32>,
      tpu.vector_store_idx %arg6[%add3A_20, %get3A_519], %broadcast_in_dim3A_3 {add = true} : memref<128x256xf32, #tpu.memory_space<vmem>>[vector<16xi32>, vector<16xi32>], vector<16xf32>,
      %get3A_520 = arith.constant 10 : i32
      %get3A_521 = arith.index_cast %scan3A_95 : i32 to index
      %get3A_522 = arith.index_cast %get3A_520 : i32 to index
      %get3A_523 = arith.constant 80 : index
      %get3A_524 = tpu.vector_load %arg4[%get3A_521, %get3A_522, %get3A_523] {strides = array<i32>} : memref<17x17x128xi32, #tpu.memory_space<vmem>>, vector<16xi32>,
      tpu.vector_store_idx %arg6[%add3A_23, %get3A_524], %broadcast_in_dim3A_3 {add = true} : memref<128x256xf32, #tpu.memory_space<vmem>>[vector<16xi32>, vector<16xi32>], vector<16xf32>,
      %get3A_525 = arith.constant 10 : i32
      %get3A_526 = arith.index_cast %scan3A_95 : i32 to index
      %get3A_527 = arith.index_cast %get3A_525 : i32 to index
      %get3A_528 = arith.constant 96 : index
      %get3A_529 = tpu.vector_load %arg4[%get3A_526, %get3A_527, %get3A_528] {strides = array<i32>} : memref<17x17x128xi32, #tpu.memory_space<vmem>>, vector<16xi32>,
      tpu.vector_store_idx %arg6[%add3A_26, %get3A_529], %broadcast_in_dim3A_3 {add = true} : memref<128x256xf32, #tpu.memory_space<vmem>>[vector<16xi32>, vector<16xi32>], vector<16xf32>,
      %get3A_530 = arith.constant 10 : i32
      %get3A_531 = arith.index_cast %scan3A_95 : i32 to index
      %get3A_532 = arith.index_cast %get3A_530 : i32 to index
      %get3A_533 = arith.constant 112 : index
      %get3A_534 = tpu.vector_load %arg4[%get3A_531, %get3A_532, %get3A_533] {strides = array<i32>} : memref<17x17x128xi32, #tpu.memory_space<vmem>>, vector<16xi32>,
      tpu.vector_store_idx %arg6[%add3A_29, %get3A_534], %broadcast_in_dim3A_3 {add = true} : memref<128x256xf32, #tpu.memory_space<vmem>>[vector<16xi32>, vector<16xi32>], vector<16xf32>,
      %get3A_535 = arith.constant 11 : i32
      %get3A_536 = arith.index_cast %scan3A_95 : i32 to index
      %get3A_537 = arith.index_cast %get3A_535 : i32 to index
      %get3A_538 = arith.constant 0 : index
      %get3A_539 = tpu.vector_load %arg4[%get3A_536, %get3A_537, %get3A_538] {strides = array<i32>} : memref<17x17x128xi32, #tpu.memory_space<vmem>>, vector<16xi32>,
      tpu.vector_store_idx %arg6[%add3A_8, %get3A_539], %broadcast_in_dim3A_3 {add = true} : memref<128x256xf32, #tpu.memory_space<vmem>>[vector<16xi32>, vector<16xi32>], vector<16xf32>,
      %get3A_540 = arith.constant 11 : i32
      %get3A_541 = arith.index_cast %scan3A_95 : i32 to index
      %get3A_542 = arith.index_cast %get3A_540 : i32 to index
      %get3A_543 = arith.constant 16 : index
      %get3A_544 = tpu.vector_load %arg4[%get3A_541, %get3A_542, %get3A_543] {strides = array<i32>} : memref<17x17x128xi32, #tpu.memory_space<vmem>>, vector<16xi32>,
      tpu.vector_store_idx %arg6[%add3A_11, %get3A_544], %broadcast_in_dim3A_3 {add = true} : memref<128x256xf32, #tpu.memory_space<vmem>>[vector<16xi32>, vector<16xi32>], vector<16xf32>,
      %get3A_545 = arith.constant 11 : i32
      %get3A_546 = arith.index_cast %scan3A_95 : i32 to index
      %get3A_547 = arith.index_cast %get3A_545 : i32 to index
      %get3A_548 = arith.constant 32 : index
      %get3A_549 = tpu.vector_load %arg4[%get3A_546, %get3A_547, %get3A_548] {strides = array<i32>} : memref<17x17x128xi32, #tpu.memory_space<vmem>>, vector<16xi32>,
      tpu.vector_store_idx %arg6[%add3A_14, %get3A_549], %broadcast_in_dim3A_3 {add = true} : memref<128x256xf32, #tpu.memory_space<vmem>>[vector<16xi32>, vector<16xi32>], vector<16xf32>,
      %get3A_550 = arith.constant 11 : i32
      %get3A_551 = arith.index_cast %scan3A_95 : i32 to index
      %get3A_552 = arith.index_cast %get3A_550 : i32 to index
      %get3A_553 = arith.constant 48 : index
      %get3A_554 = tpu.vector_load %arg4[%get3A_551, %get3A_552, %get3A_553] {strides = array<i32>} : memref<17x17x128xi32, #tpu.memory_space<vmem>>, vector<16xi32>,
      tpu.vector_store_idx %arg6[%add3A_17, %get3A_554], %broadcast_in_dim3A_3 {add = true} : memref<128x256xf32, #tpu.memory_space<vmem>>[vector<16xi32>, vector<16xi32>], vector<16xf32>,
      %get3A_555 = arith.constant 11 : i32
      %get3A_556 = arith.index_cast %scan3A_95 : i32 to index
      %get3A_557 = arith.index_cast %get3A_555 : i32 to index
      %get3A_558 = arith.constant 64 : index
      %get3A_559 = tpu.vector_load %arg4[%get3A_556, %get3A_557, %get3A_558] {strides = array<i32>} : memref<17x17x128xi32, #tpu.memory_space<vmem>>, vector<16xi32>,
      tpu.vector_store_idx %arg6[%add3A_20, %get3A_559], %broadcast_in_dim3A_3 {add = true} : memref<128x256xf32, #tpu.memory_space<vmem>>[vector<16xi32>, vector<16xi32>], vector<16xf32>,
      %get3A_560 = arith.constant 11 : i32
      %get3A_561 = arith.index_cast %scan3A_95 : i32 to index
      %get3A_562 = arith.index_cast %get3A_560 : i32 to index
      %get3A_563 = arith.constant 80 : index
      %get3A_564 = tpu.vector_load %arg4[%get3A_561, %get3A_562, %get3A_563] {strides = array<i32>} : memref<17x17x128xi32, #tpu.memory_space<vmem>>, vector<16xi32>,
      tpu.vector_store_idx %arg6[%add3A_23, %get3A_564], %broadcast_in_dim3A_3 {add = true} : memref<128x256xf32, #tpu.memory_space<vmem>>[vector<16xi32>, vector<16xi32>], vector<16xf32>,
      %get3A_565 = arith.constant 11 : i32
      %get3A_566 = arith.index_cast %scan3A_95 : i32 to index
      %get3A_567 = arith.index_cast %get3A_565 : i32 to index
      %get3A_568 = arith.constant 96 : index
      %get3A_569 = tpu.vector_load %arg4[%get3A_566, %get3A_567, %get3A_568] {strides = array<i32>} : memref<17x17x128xi32, #tpu.memory_space<vmem>>, vector<16xi32>,
      tpu.vector_store_idx %arg6[%add3A_26, %get3A_569], %broadcast_in_dim3A_3 {add = true} : memref<128x256xf32, #tpu.memory_space<vmem>>[vector<16xi32>, vector<16xi32>], vector<16xf32>,
      %get3A_570 = arith.constant 11 : i32
      %get3A_571 = arith.index_cast %scan3A_95 : i32 to index
      %get3A_572 = arith.index_cast %get3A_570 : i32 to index
      %get3A_573 = arith.constant 112 : index
      %get3A_574 = tpu.vector_load %arg4[%get3A_571, %get3A_572, %get3A_573] {strides = array<i32>} : memref<17x17x128xi32, #tpu.memory_space<vmem>>, vector<16xi32>,
      tpu.vector_store_idx %arg6[%add3A_29, %get3A_574], %broadcast_in_dim3A_3 {add = true} : memref<128x256xf32, #tpu.memory_space<vmem>>[vector<16xi32>, vector<16xi32>], vector<16xf32>,
      %get3A_575 = arith.constant 12 : i32
      %get3A_576 = arith.index_cast %scan3A_95 : i32 to index
      %get3A_577 = arith.index_cast %get3A_575 : i32 to index
      %get3A_578 = arith.constant 0 : index
      %get3A_579 = tpu.vector_load %arg4[%get3A_576, %get3A_577, %get3A_578] {strides = array<i32>} : memref<17x17x128xi32, #tpu.memory_space<vmem>>, vector<16xi32>,
      tpu.vector_store_idx %arg6[%add3A_8, %get3A_579], %broadcast_in_dim3A_3 {add = true} : memref<128x256xf32, #tpu.memory_space<vmem>>[vector<16xi32>, vector<16xi32>], vector<16xf32>,
      %get3A_580 = arith.constant 12 : i32
      %get3A_581 = arith.index_cast %scan3A_95 : i32 to index
      %get3A_582 = arith.index_cast %get3A_580 : i32 to index
      %get3A_583 = arith.constant 16 : index
      %get3A_584 = tpu.vector_load %arg4[%get3A_581, %get3A_582, %get3A_583] {strides = array<i32>} : memref<17x17x128xi32, #tpu.memory_space<vmem>>, vector<16xi32>,
      tpu.vector_store_idx %arg6[%add3A_11, %get3A_584], %broadcast_in_dim3A_3 {add = true} : memref<128x256xf32, #tpu.memory_space<vmem>>[vector<16xi32>, vector<16xi32>], vector<16xf32>,
      %get3A_585 = arith.constant 12 : i32
      %get3A_586 = arith.index_cast %scan3A_95 : i32 to index
      %get3A_587 = arith.index_cast %get3A_585 : i32 to index
      %get3A_588 = arith.constant 32 : index
      %get3A_589 = tpu.vector_load %arg4[%get3A_586, %get3A_587, %get3A_588] {strides = array<i32>} : memref<17x17x128xi32, #tpu.memory_space<vmem>>, vector<16xi32>,
      tpu.vector_store_idx %arg6[%add3A_14, %get3A_589], %broadcast_in_dim3A_3 {add = true} : memref<128x256xf32, #tpu.memory_space<vmem>>[vector<16xi32>, vector<16xi32>], vector<16xf32>,
      %get3A_590 = arith.constant 12 : i32
      %get3A_591 = arith.index_cast %scan3A_95 : i32 to index
      %get3A_592 = arith.index_cast %get3A_590 : i32 to index
      %get3A_593 = arith.constant 48 : index
      %get3A_594 = tpu.vector_load %arg4[%get3A_591, %get3A_592, %get3A_593] {strides = array<i32>} : memref<17x17x128xi32, #tpu.memory_space<vmem>>, vector<16xi32>,
      tpu.vector_store_idx %arg6[%add3A_17, %get3A_594], %broadcast_in_dim3A_3 {add = true} : memref<128x256xf32, #tpu.memory_space<vmem>>[vector<16xi32>, vector<16xi32>], vector<16xf32>,
      %get3A_595 = arith.constant 12 : i32
      %get3A_596 = arith.index_cast %scan3A_95 : i32 to index
      %get3A_597 = arith.index_cast %get3A_595 : i32 to index
      %get3A_598 = arith.constant 64 : index
      %get3A_599 = tpu.vector_load %arg4[%get3A_596, %get3A_597, %get3A_598] {strides = array<i32>} : memref<17x17x128xi32, #tpu.memory_space<vmem>>, vector<16xi32>,
      tpu.vector_store_idx %arg6[%add3A_20, %get3A_599], %broadcast_in_dim3A_3 {add = true} : memref<128x256xf32, #tpu.memory_space<vmem>>[vector<16xi32>, vector<16xi32>], vector<16xf32>,
      %get3A_600 = arith.constant 12 : i32
      %get3A_601 = arith.index_cast %scan3A_95 : i32 to index
      %get3A_602 = arith.index_cast %get3A_600 : i32 to index
      %get3A_603 = arith.constant 80 : index
      %get3A_604 = tpu.vector_load %arg4[%get3A_601, %get3A_602, %get3A_603] {strides = array<i32>} : memref<17x17x128xi32, #tpu.memory_space<vmem>>, vector<16xi32>,
      tpu.vector_store_idx %arg6[%add3A_23, %get3A_604], %broadcast_in_dim3A_3 {add = true} : memref<128x256xf32, #tpu.memory_space<vmem>>[vector<16xi32>, vector<16xi32>], vector<16xf32>,
      %get3A_605 = arith.constant 12 : i32
      %get3A_606 = arith.index_cast %scan3A_95 : i32 to index
      %get3A_607 = arith.index_cast %get3A_605 : i32 to index
      %get3A_608 = arith.constant 96 : index
      %get3A_609 = tpu.vector_load %arg4[%get3A_606, %get3A_607, %get3A_608] {strides = array<i32>} : memref<17x17x128xi32, #tpu.memory_space<vmem>>, vector<16xi32>,
      tpu.vector_store_idx %arg6[%add3A_26, %get3A_609], %broadcast_in_dim3A_3 {add = true} : memref<128x256xf32, #tpu.memory_space<vmem>>[vector<16xi32>, vector<16xi32>], vector<16xf32>,
      %get3A_610 = arith.constant 12 : i32
      %get3A_611 = arith.index_cast %scan3A_95 : i32 to index
      %get3A_612 = arith.index_cast %get3A_610 : i32 to index
      %get3A_613 = arith.constant 112 : index
      %get3A_614 = tpu.vector_load %arg4[%get3A_611, %get3A_612, %get3A_613] {strides = array<i32>} : memref<17x17x128xi32, #tpu.memory_space<vmem>>, vector<16xi32>,
      tpu.vector_store_idx %arg6[%add3A_29, %get3A_614], %broadcast_in_dim3A_3 {add = true} : memref<128x256xf32, #tpu.memory_space<vmem>>[vector<16xi32>, vector<16xi32>], vector<16xf32>,
      %get3A_615 = arith.constant 13 : i32
      %get3A_616 = arith.index_cast %scan3A_95 : i32 to index
      %get3A_617 = arith.index_cast %get3A_615 : i32 to index
      %get3A_618 = arith.constant 0 : index
      %get3A_619 = tpu.vector_load %arg4[%get3A_616, %get3A_617, %get3A_618] {strides = array<i32>} : memref<17x17x128xi32, #tpu.memory_space<vmem>>, vector<16xi32>,
      tpu.vector_store_idx %arg6[%add3A_8, %get3A_619], %broadcast_in_dim3A_3 {add = true} : memref<128x256xf32, #tpu.memory_space<vmem>>[vector<16xi32>, vector<16xi32>], vector<16xf32>,
      %get3A_620 = arith.constant 13 : i32
      %get3A_621 = arith.index_cast %scan3A_95 : i32 to index
      %get3A_622 = arith.index_cast %get3A_620 : i32 to index
      %get3A_623 = arith.constant 16 : index
      %get3A_624 = tpu.vector_load %arg4[%get3A_621, %get3A_622, %get3A_623] {strides = array<i32>} : memref<17x17x128xi32, #tpu.memory_space<vmem>>, vector<16xi32>,
      tpu.vector_store_idx %arg6[%add3A_11, %get3A_624], %broadcast_in_dim3A_3 {add = true} : memref<128x256xf32, #tpu.memory_space<vmem>>[vector<16xi32>, vector<16xi32>], vector<16xf32>,
      %get3A_625 = arith.constant 13 : i32
      %get3A_626 = arith.index_cast %scan3A_95 : i32 to index
      %get3A_627 = arith.index_cast %get3A_625 : i32 to index
      %get3A_628 = arith.constant 32 : index
      %get3A_629 = tpu.vector_load %arg4[%get3A_626, %get3A_627, %get3A_628] {strides = array<i32>} : memref<17x17x128xi32, #tpu.memory_space<vmem>>, vector<16xi32>,
      tpu.vector_store_idx %arg6[%add3A_14, %get3A_629], %broadcast_in_dim3A_3 {add = true} : memref<128x256xf32, #tpu.memory_space<vmem>>[vector<16xi32>, vector<16xi32>], vector<16xf32>,
      %get3A_630 = arith.constant 13 : i32
      %get3A_631 = arith.index_cast %scan3A_95 : i32 to index
      %get3A_632 = arith.index_cast %get3A_630 : i32 to index
      %get3A_633 = arith.constant 48 : index
      %get3A_634 = tpu.vector_load %arg4[%get3A_631, %get3A_632, %get3A_633] {strides = array<i32>} : memref<17x17x128xi32, #tpu.memory_space<vmem>>, vector<16xi32>,
      tpu.vector_store_idx %arg6[%add3A_17, %get3A_634], %broadcast_in_dim3A_3 {add = true} : memref<128x256xf32, #tpu.memory_space<vmem>>[vector<16xi32>, vector<16xi32>], vector<16xf32>,
      %get3A_635 = arith.constant 13 : i32
      %get3A_636 = arith.index_cast %scan3A_95 : i32 to index
      %get3A_637 = arith.index_cast %get3A_635 : i32 to index
      %get3A_638 = arith.constant 64 : index
      %get3A_639 = tpu.vector_load %arg4[%get3A_636, %get3A_637, %get3A_638] {strides = array<i32>} : memref<17x17x128xi32, #tpu.memory_space<vmem>>, vector<16xi32>,
      tpu.vector_store_idx %arg6[%add3A_20, %get3A_639], %broadcast_in_dim3A_3 {add = true} : memref<128x256xf32, #tpu.memory_space<vmem>>[vector<16xi32>, vector<16xi32>], vector<16xf32>,
      %get3A_640 = arith.constant 13 : i32
      %get3A_641 = arith.index_cast %scan3A_95 : i32 to index
      %get3A_642 = arith.index_cast %get3A_640 : i32 to index
      %get3A_643 = arith.constant 80 : index
      %get3A_644 = tpu.vector_load %arg4[%get3A_641, %get3A_642, %get3A_643] {strides = array<i32>} : memref<17x17x128xi32, #tpu.memory_space<vmem>>, vector<16xi32>,
      tpu.vector_store_idx %arg6[%add3A_23, %get3A_644], %broadcast_in_dim3A_3 {add = true} : memref<128x256xf32, #tpu.memory_space<vmem>>[vector<16xi32>, vector<16xi32>], vector<16xf32>,
      %get3A_645 = arith.constant 13 : i32
      %get3A_646 = arith.index_cast %scan3A_95 : i32 to index
      %get3A_647 = arith.index_cast %get3A_645 : i32 to index
      %get3A_648 = arith.constant 96 : index
      %get3A_649 = tpu.vector_load %arg4[%get3A_646, %get3A_647, %get3A_648] {strides = array<i32>} : memref<17x17x128xi32, #tpu.memory_space<vmem>>, vector<16xi32>,
      tpu.vector_store_idx %arg6[%add3A_26, %get3A_649], %broadcast_in_dim3A_3 {add = true} : memref<128x256xf32, #tpu.memory_space<vmem>>[vector<16xi32>, vector<16xi32>], vector<16xf32>,
      %get3A_650 = arith.constant 13 : i32
      %get3A_651 = arith.index_cast %scan3A_95 : i32 to index
      %get3A_652 = arith.index_cast %get3A_650 : i32 to index
      %get3A_653 = arith.constant 112 : index
      %get3A_654 = tpu.vector_load %arg4[%get3A_651, %get3A_652, %get3A_653] {strides = array<i32>} : memref<17x17x128xi32, #tpu.memory_space<vmem>>, vector<16xi32>,
      tpu.vector_store_idx %arg6[%add3A_29, %get3A_654], %broadcast_in_dim3A_3 {add = true} : memref<128x256xf32, #tpu.memory_space<vmem>>[vector<16xi32>, vector<16xi32>], vector<16xf32>,
      %get3A_655 = arith.constant 14 : i32
      %get3A_656 = arith.index_cast %scan3A_95 : i32 to index
      %get3A_657 = arith.index_cast %get3A_655 : i32 to index
      %get3A_658 = arith.constant 0 : index
      %get3A_659 = tpu.vector_load %arg4[%get3A_656, %get3A_657, %get3A_658] {strides = array<i32>} : memref<17x17x128xi32, #tpu.memory_space<vmem>>, vector<16xi32>,
      tpu.vector_store_idx %arg6[%add3A_8, %get3A_659], %broadcast_in_dim3A_3 {add = true} : memref<128x256xf32, #tpu.memory_space<vmem>>[vector<16xi32>, vector<16xi32>], vector<16xf32>,
      %get3A_660 = arith.constant 14 : i32
      %get3A_661 = arith.index_cast %scan3A_95 : i32 to index
      %get3A_662 = arith.index_cast %get3A_660 : i32 to index
      %get3A_663 = arith.constant 16 : index
      %get3A_664 = tpu.vector_load %arg4[%get3A_661, %get3A_662, %get3A_663] {strides = array<i32>} : memref<17x17x128xi32, #tpu.memory_space<vmem>>, vector<16xi32>,
      tpu.vector_store_idx %arg6[%add3A_11, %get3A_664], %broadcast_in_dim3A_3 {add = true} : memref<128x256xf32, #tpu.memory_space<vmem>>[vector<16xi32>, vector<16xi32>], vector<16xf32>,
      %get3A_665 = arith.constant 14 : i32
      %get3A_666 = arith.index_cast %scan3A_95 : i32 to index
      %get3A_667 = arith.index_cast %get3A_665 : i32 to index
      %get3A_668 = arith.constant 32 : index
      %get3A_669 = tpu.vector_load %arg4[%get3A_666, %get3A_667, %get3A_668] {strides = array<i32>} : memref<17x17x128xi32, #tpu.memory_space<vmem>>, vector<16xi32>,
      tpu.vector_store_idx %arg6[%add3A_14, %get3A_669], %broadcast_in_dim3A_3 {add = true} : memref<128x256xf32, #tpu.memory_space<vmem>>[vector<16xi32>, vector<16xi32>], vector<16xf32>,
      %get3A_670 = arith.constant 14 : i32
      %get3A_671 = arith.index_cast %scan3A_95 : i32 to index
      %get3A_672 = arith.index_cast %get3A_670 : i32 to index
      %get3A_673 = arith.constant 48 : index
      %get3A_674 = tpu.vector_load %arg4[%get3A_671, %get3A_672, %get3A_673] {strides = array<i32>} : memref<17x17x128xi32, #tpu.memory_space<vmem>>, vector<16xi32>,
      tpu.vector_store_idx %arg6[%add3A_17, %get3A_674], %broadcast_in_dim3A_3 {add = true} : memref<128x256xf32, #tpu.memory_space<vmem>>[vector<16xi32>, vector<16xi32>], vector<16xf32>,
      %get3A_675 = arith.constant 14 : i32
      %get3A_676 = arith.index_cast %scan3A_95 : i32 to index
      %get3A_677 = arith.index_cast %get3A_675 : i32 to index
      %get3A_678 = arith.constant 64 : index
      %get3A_679 = tpu.vector_load %arg4[%get3A_676, %get3A_677, %get3A_678] {strides = array<i32>} : memref<17x17x128xi32, #tpu.memory_space<vmem>>, vector<16xi32>,
      tpu.vector_store_idx %arg6[%add3A_20, %get3A_679], %broadcast_in_dim3A_3 {add = true} : memref<128x256xf32, #tpu.memory_space<vmem>>[vector<16xi32>, vector<16xi32>], vector<16xf32>,
      %get3A_680 = arith.constant 14 : i32
      %get3A_681 = arith.index_cast %scan3A_95 : i32 to index
      %get3A_682 = arith.index_cast %get3A_680 : i32 to index
      %get3A_683 = arith.constant 80 : index
      %get3A_684 = tpu.vector_load %arg4[%get3A_681, %get3A_682, %get3A_683] {strides = array<i32>} : memref<17x17x128xi32, #tpu.memory_space<vmem>>, vector<16xi32>,
      tpu.vector_store_idx %arg6[%add3A_23, %get3A_684], %broadcast_in_dim3A_3 {add = true} : memref<128x256xf32, #tpu.memory_space<vmem>>[vector<16xi32>, vector<16xi32>], vector<16xf32>,
      %get3A_685 = arith.constant 14 : i32
      %get3A_686 = arith.index_cast %scan3A_95 : i32 to index
      %get3A_687 = arith.index_cast %get3A_685 : i32 to index
      %get3A_688 = arith.constant 96 : index
      %get3A_689 = tpu.vector_load %arg4[%get3A_686, %get3A_687, %get3A_688] {strides = array<i32>} : memref<17x17x128xi32, #tpu.memory_space<vmem>>, vector<16xi32>,
      tpu.vector_store_idx %arg6[%add3A_26, %get3A_689], %broadcast_in_dim3A_3 {add = true} : memref<128x256xf32, #tpu.memory_space<vmem>>[vector<16xi32>, vector<16xi32>], vector<16xf32>,
      %get3A_690 = arith.constant 14 : i32
      %get3A_691 = arith.index_cast %scan3A_95 : i32 to index
      %get3A_692 = arith.index_cast %get3A_690 : i32 to index
      %get3A_693 = arith.constant 112 : index
      %get3A_694 = tpu.vector_load %arg4[%get3A_691, %get3A_692, %get3A_693] {strides = array<i32>} : memref<17x17x128xi32, #tpu.memory_space<vmem>>, vector<16xi32>,
      tpu.vector_store_idx %arg6[%add3A_29, %get3A_694], %broadcast_in_dim3A_3 {add = true} : memref<128x256xf32, #tpu.memory_space<vmem>>[vector<16xi32>, vector<16xi32>], vector<16xf32>,
      %get3A_695 = arith.constant 15 : i32
      %get3A_696 = arith.index_cast %scan3A_95 : i32 to index
      %get3A_697 = arith.index_cast %get3A_695 : i32 to index
      %get3A_698 = arith.constant 0 : index
      %get3A_699 = tpu.vector_load %arg4[%get3A_696, %get3A_697, %get3A_698] {strides = array<i32>} : memref<17x17x128xi32, #tpu.memory_space<vmem>>, vector<16xi32>,
      tpu.vector_store_idx %arg6[%add3A_8, %get3A_699], %broadcast_in_dim3A_3 {add = true} : memref<128x256xf32, #tpu.memory_space<vmem>>[vector<16xi32>, vector<16xi32>], vector<16xf32>,
      %get3A_700 = arith.constant 15 : i32
      %get3A_701 = arith.index_cast %scan3A_95 : i32 to index
      %get3A_702 = arith.index_cast %get3A_700 : i32 to index
      %get3A_703 = arith.constant 16 : index
      %get3A_704 = tpu.vector_load %arg4[%get3A_701, %get3A_702, %get3A_703] {strides = array<i32>} : memref<17x17x128xi32, #tpu.memory_space<vmem>>, vector<16xi32>,
      tpu.vector_store_idx %arg6[%add3A_11, %get3A_704], %broadcast_in_dim3A_3 {add = true} : memref<128x256xf32, #tpu.memory_space<vmem>>[vector<16xi32>, vector<16xi32>], vector<16xf32>,
      %get3A_705 = arith.constant 15 : i32
      %get3A_706 = arith.index_cast %scan3A_95 : i32 to index
      %get3A_707 = arith.index_cast %get3A_705 : i32 to index
      %get3A_708 = arith.constant 32 : index
      %get3A_709 = tpu.vector_load %arg4[%get3A_706, %get3A_707, %get3A_708] {strides = array<i32>} : memref<17x17x128xi32, #tpu.memory_space<vmem>>, vector<16xi32>,
      tpu.vector_store_idx %arg6[%add3A_14, %get3A_709], %broadcast_in_dim3A_3 {add = true} : memref<128x256xf32, #tpu.memory_space<vmem>>[vector<16xi32>, vector<16xi32>], vector<16xf32>,
      %get3A_710 = arith.constant 15 : i32
      %get3A_711 = arith.index_cast %scan3A_95 : i32 to index
      %get3A_712 = arith.index_cast %get3A_710 : i32 to index
      %get3A_713 = arith.constant 48 : index
      %get3A_714 = tpu.vector_load %arg4[%get3A_711, %get3A_712, %get3A_713] {strides = array<i32>} : memref<17x17x128xi32, #tpu.memory_space<vmem>>, vector<16xi32>,
      tpu.vector_store_idx %arg6[%add3A_17, %get3A_714], %broadcast_in_dim3A_3 {add = true} : memref<128x256xf32, #tpu.memory_space<vmem>>[vector<16xi32>, vector<16xi32>], vector<16xf32>,
      %get3A_715 = arith.constant 15 : i32
      %get3A_716 = arith.index_cast %scan3A_95 : i32 to index
      %get3A_717 = arith.index_cast %get3A_715 : i32 to index
      %get3A_718 = arith.constant 64 : index
      %get3A_719 = tpu.vector_load %arg4[%get3A_716, %get3A_717, %get3A_718] {strides = array<i32>} : memref<17x17x128xi32, #tpu.memory_space<vmem>>, vector<16xi32>,
      tpu.vector_store_idx %arg6[%add3A_20, %get3A_719], %broadcast_in_dim3A_3 {add = true} : memref<128x256xf32, #tpu.memory_space<vmem>>[vector<16xi32>, vector<16xi32>], vector<16xf32>,
      %get3A_720 = arith.constant 15 : i32
      %get3A_721 = arith.index_cast %scan3A_95 : i32 to index
      %get3A_722 = arith.index_cast %get3A_720 : i32 to index
      %get3A_723 = arith.constant 80 : index
      %get3A_724 = tpu.vector_load %arg4[%get3A_721, %get3A_722, %get3A_723] {strides = array<i32>} : memref<17x17x128xi32, #tpu.memory_space<vmem>>, vector<16xi32>,
      tpu.vector_store_idx %arg6[%add3A_23, %get3A_724], %broadcast_in_dim3A_3 {add = true} : memref<128x256xf32, #tpu.memory_space<vmem>>[vector<16xi32>, vector<16xi32>], vector<16xf32>,
      %get3A_725 = arith.constant 15 : i32
      %get3A_726 = arith.index_cast %scan3A_95 : i32 to index
      %get3A_727 = arith.index_cast %get3A_725 : i32 to index
      %get3A_728 = arith.constant 96 : index
      %get3A_729 = tpu.vector_load %arg4[%get3A_726, %get3A_727, %get3A_728] {strides = array<i32>} : memref<17x17x128xi32, #tpu.memory_space<vmem>>, vector<16xi32>,
      tpu.vector_store_idx %arg6[%add3A_26, %get3A_729], %broadcast_in_dim3A_3 {add = true} : memref<128x256xf32, #tpu.memory_space<vmem>>[vector<16xi32>, vector<16xi32>], vector<16xf32>,
      %get3A_730 = arith.constant 15 : i32
      %get3A_731 = arith.index_cast %scan3A_95 : i32 to index
      %get3A_732 = arith.index_cast %get3A_730 : i32 to index
      %get3A_733 = arith.constant 112 : index
      %get3A_734 = tpu.vector_load %arg4[%get3A_731, %get3A_732, %get3A_733] {strides = array<i32>} : memref<17x17x128xi32, #tpu.memory_space<vmem>>, vector<16xi32>,
      tpu.vector_store_idx %arg6[%add3A_29, %get3A_734], %broadcast_in_dim3A_3 {add = true} : memref<128x256xf32, #tpu.memory_space<vmem>>[vector<16xi32>, vector<16xi32>], vector<16xf32>,
      %get3A_735 = arith.constant 16 : i32
      %get3A_736 = arith.index_cast %scan3A_95 : i32 to index
      %get3A_737 = arith.index_cast %get3A_735 : i32 to index
      %get3A_738 = arith.constant 0 : index
      %get3A_739 = tpu.vector_load %arg4[%get3A_736, %get3A_737, %get3A_738] {strides = array<i32>} : memref<17x17x128xi32, #tpu.memory_space<vmem>>, vector<16xi32>,
      tpu.vector_store_idx %arg6[%add3A_8, %get3A_739], %broadcast_in_dim3A_3 {add = true} : memref<128x256xf32, #tpu.memory_space<vmem>>[vector<16xi32>, vector<16xi32>], vector<16xf32>,
      %get3A_740 = arith.constant 16 : i32
      %get3A_741 = arith.index_cast %scan3A_95 : i32 to index
      %get3A_742 = arith.index_cast %get3A_740 : i32 to index
      %get3A_743 = arith.constant 16 : index
      %get3A_744 = tpu.vector_load %arg4[%get3A_741, %get3A_742, %get3A_743] {strides = array<i32>} : memref<17x17x128xi32, #tpu.memory_space<vmem>>, vector<16xi32>,
      tpu.vector_store_idx %arg6[%add3A_11, %get3A_744], %broadcast_in_dim3A_3 {add = true} : memref<128x256xf32, #tpu.memory_space<vmem>>[vector<16xi32>, vector<16xi32>], vector<16xf32>,
      %get3A_745 = arith.constant 16 : i32
      %get3A_746 = arith.index_cast %scan3A_95 : i32 to index
      %get3A_747 = arith.index_cast %get3A_745 : i32 to index
      %get3A_748 = arith.constant 32 : index
      %get3A_749 = tpu.vector_load %arg4[%get3A_746, %get3A_747, %get3A_748] {strides = array<i32>} : memref<17x17x128xi32, #tpu.memory_space<vmem>>, vector<16xi32>,
      tpu.vector_store_idx %arg6[%add3A_14, %get3A_749], %broadcast_in_dim3A_3 {add = true} : memref<128x256xf32, #tpu.memory_space<vmem>>[vector<16xi32>, vector<16xi32>], vector<16xf32>,
      %get3A_750 = arith.constant 16 : i32
      %get3A_751 = arith.index_cast %scan3A_95 : i32 to index
      %get3A_752 = arith.index_cast %get3A_750 : i32 to index
      %get3A_753 = arith.constant 48 : index
      %get3A_754 = tpu.vector_load %arg4[%get3A_751, %get3A_752, %get3A_753] {strides = array<i32>} : memref<17x17x128xi32, #tpu.memory_space<vmem>>, vector<16xi32>,
      tpu.vector_store_idx %arg6[%add3A_17, %get3A_754], %broadcast_in_dim3A_3 {add = true} : memref<128x256xf32, #tpu.memory_space<vmem>>[vector<16xi32>, vector<16xi32>], vector<16xf32>,
      %get3A_755 = arith.constant 16 : i32
      %get3A_756 = arith.index_cast %scan3A_95 : i32 to index
      %get3A_757 = arith.index_cast %get3A_755 : i32 to index
      %get3A_758 = arith.constant 64 : index
      %get3A_759 = tpu.vector_load %arg4[%get3A_756, %get3A_757, %get3A_758] {strides = array<i32>} : memref<17x17x128xi32, #tpu.memory_space<vmem>>, vector<16xi32>,
      tpu.vector_store_idx %arg6[%add3A_20, %get3A_759], %broadcast_in_dim3A_3 {add = true} : memref<128x256xf32, #tpu.memory_space<vmem>>[vector<16xi32>, vector<16xi32>], vector<16xf32>,
      %get3A_760 = arith.constant 16 : i32
      %get3A_761 = arith.index_cast %scan3A_95 : i32 to index
      %get3A_762 = arith.index_cast %get3A_760 : i32 to index
      %get3A_763 = arith.constant 80 : index
      %get3A_764 = tpu.vector_load %arg4[%get3A_761, %get3A_762, %get3A_763] {strides = array<i32>} : memref<17x17x128xi32, #tpu.memory_space<vmem>>, vector<16xi32>,
      tpu.vector_store_idx %arg6[%add3A_23, %get3A_764], %broadcast_in_dim3A_3 {add = true} : memref<128x256xf32, #tpu.memory_space<vmem>>[vector<16xi32>, vector<16xi32>], vector<16xf32>,
      %get3A_765 = arith.constant 16 : i32
      %get3A_766 = arith.index_cast %scan3A_95 : i32 to index
      %get3A_767 = arith.index_cast %get3A_765 : i32 to index
      %get3A_768 = arith.constant 96 : index
      %get3A_769 = tpu.vector_load %arg4[%get3A_766, %get3A_767, %get3A_768] {strides = array<i32>} : memref<17x17x128xi32, #tpu.memory_space<vmem>>, vector<16xi32>,
      tpu.vector_store_idx %arg6[%add3A_26, %get3A_769], %broadcast_in_dim3A_3 {add = true} : memref<128x256xf32, #tpu.memory_space<vmem>>[vector<16xi32>, vector<16xi32>], vector<16xf32>,
      %get3A_770 = arith.constant 16 : i32
      %get3A_771 = arith.index_cast %scan3A_95 : i32 to index
      %get3A_772 = arith.index_cast %get3A_770 : i32 to index
      %get3A_773 = arith.constant 112 : index
      %get3A_774 = tpu.vector_load %arg4[%get3A_771, %get3A_772, %get3A_773] {strides = array<i32>} : memref<17x17x128xi32, #tpu.memory_space<vmem>>, vector<16xi32>,
      tpu.vector_store_idx %arg6[%add3A_29, %get3A_774], %broadcast_in_dim3A_3 {add = true} : memref<128x256xf32, #tpu.memory_space<vmem>>[vector<16xi32>, vector<16xi32>], vector<16xf32>,
    }
    %scan3A_86 = arith.constant 17 : i32
    %dma_start3A_87 = arith.constant 0 : i32
    %dma_start3A_88 = tpu.memref_slice %arg3[%mul3A_2, %dma_start3A_87] : memref<4096x256xf32, #tpu.memory_space<hbm>> -> memref<128x256xf32, #tpu.memory_space<hbm>>
    %dma_start3A_89 = arith.constant 0 : i32
    %dma_start3A_90 = tpu.memref_slice %arg3[%mul3A_2, %dma_start3A_89] : memref<4096x256xf32, #tpu.memory_space<hbm>> -> memref<128x256xf32, #tpu.memory_space<hbm>>
    tpu.enqueue_dma source(%arg6 : memref<128x256xf32, #tpu.memory_space<vmem>>) target(%dma_start3A_90 : memref<128x256xf32, #tpu.memory_space<hbm>>) target_semaphore(%arg9 : memref<!tpu.dma_semaphore, #tpu.memory_space<semaphore_mem>>)
    %dma_wait3A_91 = arith.constant 0 : i32
    %dma_wait3A_92 = tpu.memref_slice %arg3[%mul3A_2, %dma_wait3A_91] : memref<4096x256xf32, #tpu.memory_space<hbm>> -> memref<128x256xf32, #tpu.memory_space<hbm>>
    %dma_wait3A_93 = arith.constant 0 : i32
    %dma_wait3A_94 = tpu.memref_slice %arg3[%mul3A_2, %dma_wait3A_93] : memref<4096x256xf32, #tpu.memory_space<hbm>> -> memref<128x256xf32, #tpu.memory_space<hbm>>
    tpu.wait_dma2 semaphore(%arg9 : memref<!tpu.dma_semaphore, #tpu.memory_space<semaphore_mem>>) src(%arg6 : memref<128x256xf32, #tpu.memory_space<vmem>>) dst(%dma_wait3A_94 : memref<128x256xf32, #tpu.memory_space<hbm>>)
    return
  }
}

module attributes {stable_mosaic.version = 14 : i64} {
  func.func @_tbl_body(%arg0: i32, %arg1: memref<256x16xf32, #tpu.memory_space<vmem>>, %arg2: memref<16x128xf32, #tpu.memory_space<vmem>>, %arg3: memref<256x128xbf16, #tpu.memory_space<vmem>>) attributes {dimension_semantics = [#tpu.dimension_semantics<arbitrary>], iteration_bounds = array<i64: 125>, scalar_prefetch = 0 : i64, scratch_operands = 0 : i64, tpu.core_type = #tpu.core_type<tc>, window_params = [{pipeline_mode = #tpu.pipeline_mode<synchronous>, transform_indices = @transform_0, window_bounds = array<i64: 256, 16>}, {transform_indices = @transform_1, window_bounds = array<i64: 16, 128>}, {transform_indices = @transform_2, window_bounds = array<i64: 256, 128>}]} {
    %get3A = arith.constant 0 : index
    %get3A_0 = arith.constant 0 : index
    %get3A_1 = vector.load %arg1[%get3A, %get3A_0] : memref<256x16xf32, #tpu.memory_space<vmem>>, vector<256x16xf32>
    %get3A_2 = arith.constant 0 : index
    %get3A_3 = arith.constant 0 : index
    %get3A_4 = vector.load %arg2[%get3A_2, %get3A_3] : memref<16x128xf32, #tpu.memory_space<vmem>>, vector<16x128xf32>
    %dot_general3A = arith.constant dense<0.000000e+00> : vector<256x128xf32>
    %dot_general3A_5 = tpu.matmul %get3A_1, %get3A_4, %dot_general3A {dimension_numbers = #tpu.dot_dimension_numbers<[1], [0], [0], [1], [0, 0, 1, 1], [], []>, transpose_lhs_hint = false} : vector<256x16xf32>, vector<16x128xf32>, vector<256x128xf32> -> vector<256x128xf32>
    %convert_element_type3A = arith.truncf %dot_general3A_5 : vector<256x128xf32> to vector<256x128xbf16>
    %swap3A = arith.constant 0 : index
    %swap3A_6 = arith.constant 0 : index
    %swap3A_7 = vector.load %arg3[%swap3A, %swap3A_6] : memref<256x128xbf16, #tpu.memory_space<vmem>>, vector<256x128xbf16>
    tpu.vector_store %arg3[%swap3A, %swap3A_6], %convert_element_type3A {strides = array<i32>} : memref<256x128xbf16, #tpu.memory_space<vmem>>, vector<256x128xbf16>,
    return
  }
  func.func @transform_0(%arg0: i32) -> (i32, i32) {
    %c0_i32 = arith.constant 0 : i32
    %c0_i32_0 = arith.constant 0 : i32
    %c0_i32_1 = arith.constant 0 : i32
    return %c0_i32, %c0_i32_0 : i32, i32
  }
  func.func @transform_1(%arg0: i32) -> (i32, i32) {
    %c0_i32 = arith.constant 0 : i32
    %c0_i32_0 = arith.constant 0 : i32
    return %arg0, %c0_i32 : i32, i32
  }
  func.func @transform_2(%arg0: i32) -> (i32, i32) {
    %c0_i32 = arith.constant 0 : i32
    %c0_i32_0 = arith.constant 0 : i32
    return %arg0, %c0_i32 : i32, i32
  }
}

module attributes {stable_mosaic.version = 14 : i64} {
  func.func @_spatial_body(%arg0: i32, %arg1: memref<256x125xi32, #tpu.memory_space<vmem>>, %arg2: memref<256x729xi32, #tpu.memory_space<vmem>>, %arg3: memref<256x8xi32, #tpu.memory_space<vmem>>, %arg4: memref<32000x128xbf16, #tpu.memory_space<vmem>>, %arg5: memref<1x128xf32, #tpu.memory_space<vmem>>, %arg6: memref<3x32xf32, #tpu.memory_space<vmem>>, %arg7: memref<1x32xf32, #tpu.memory_space<vmem>>, %arg8: memref<160x256xf32, #tpu.memory_space<vmem>>, %arg9: memref<1x256xf32, #tpu.memory_space<vmem>>, %arg10: memref<256x256xf32, #tpu.memory_space<vmem>>, %arg11: memref<256x32000xbf16, #tpu.memory_space<vmem>>) attributes {dimension_semantics = [#tpu.dimension_semantics<arbitrary>], iteration_bounds = array<i64: 16>, scalar_prefetch = 0 : i64, scratch_operands = 1 : i64, tpu.core_type = #tpu.core_type<tc>, window_params = [{transform_indices = @transform_0, window_bounds = array<i64: 256, 125>}, {transform_indices = @transform_1, window_bounds = array<i64: 256, 729>}, {transform_indices = @transform_2, window_bounds = array<i64: 256, 8>}, {pipeline_mode = #tpu.pipeline_mode<synchronous>, transform_indices = @transform_3, window_bounds = array<i64: 32000, 128>}, {pipeline_mode = #tpu.pipeline_mode<synchronous>, transform_indices = @transform_4, window_bounds = array<i64: 1, 128>}, {pipeline_mode = #tpu.pipeline_mode<synchronous>, transform_indices = @transform_5, window_bounds = array<i64: 3, 32>}, {pipeline_mode = #tpu.pipeline_mode<synchronous>, transform_indices = @transform_6, window_bounds = array<i64: 1, 32>}, {pipeline_mode = #tpu.pipeline_mode<synchronous>, transform_indices = @transform_7, window_bounds = array<i64: 160, 256>}, {pipeline_mode = #tpu.pipeline_mode<synchronous>, transform_indices = @transform_8, window_bounds = array<i64: 1, 256>}, {transform_indices = @transform_9, window_bounds = array<i64: 256, 256>}]} {
    %get3A = arith.constant 0 : index
    %get3A_0 = arith.constant 0 : index
    %get3A_1 = vector.load %arg1[%get3A, %get3A_0] : memref<256x125xi32, #tpu.memory_space<vmem>>, vector<256x125xi32>
    %iota3A = tpu.iota {dimensions = array<i32: 1>} : vector<256x256xi32>
    %slice3A = vector.extract_strided_slice %get3A_1 {offsets = [0, 0], sizes = [256, 1], strides = [1, 1]} : vector<256x125xi32> to vector<256x1xi32>
    %eq3A = vector.broadcast %slice3A : vector<256x1xi32> to vector<256x256xi32>
    %eq3A_2 = arith.cmpi eq, %eq3A, %iota3A : vector<256x256xi32>
    %convert_element_type3A = arith.extui %eq3A_2 : vector<256x256xi1> to vector<256x256xi32>
    %convert_element_type3A_3 = arith.sitofp %convert_element_type3A : vector<256x256xi32> to vector<256x256xf32>
    %convert_element_type3A_4 = arith.truncf %convert_element_type3A_3 : vector<256x256xf32> to vector<256x256xbf16>
    %swap3A = arith.constant 0 : index
    %swap3A_5 = arith.constant 0 : index
    %swap3A_6 = vector.load %arg11[%swap3A, %swap3A_5] : memref<256x32000xbf16, #tpu.memory_space<vmem>>, vector<256x256xbf16>
    tpu.vector_store %arg11[%swap3A, %swap3A_5], %convert_element_type3A_4 {strides = array<i32>} : memref<256x32000xbf16, #tpu.memory_space<vmem>>, vector<256x256xbf16>,
    %slice3A_7 = vector.extract_strided_slice %get3A_1 {offsets = [0, 1], sizes = [256, 1], strides = [1, 1]} : vector<256x125xi32> to vector<256x1xi32>
    %eq3A_8 = vector.broadcast %slice3A_7 : vector<256x1xi32> to vector<256x256xi32>
    %eq3A_9 = arith.cmpi eq, %eq3A_8, %iota3A : vector<256x256xi32>
    %convert_element_type3A_10 = arith.extui %eq3A_9 : vector<256x256xi1> to vector<256x256xi32>
    %convert_element_type3A_11 = arith.sitofp %convert_element_type3A_10 : vector<256x256xi32> to vector<256x256xf32>
    %convert_element_type3A_12 = arith.truncf %convert_element_type3A_11 : vector<256x256xf32> to vector<256x256xbf16>
    %swap3A_13 = arith.constant 0 : index
    %swap3A_14 = arith.constant 256 : index
    %swap3A_15 = vector.load %arg11[%swap3A_13, %swap3A_14] : memref<256x32000xbf16, #tpu.memory_space<vmem>>, vector<256x256xbf16>
    tpu.vector_store %arg11[%swap3A_13, %swap3A_14], %convert_element_type3A_12 {strides = array<i32>} : memref<256x32000xbf16, #tpu.memory_space<vmem>>, vector<256x256xbf16>,
    %slice3A_16 = vector.extract_strided_slice %get3A_1 {offsets = [0, 2], sizes = [256, 1], strides = [1, 1]} : vector<256x125xi32> to vector<256x1xi32>
    %eq3A_17 = vector.broadcast %slice3A_16 : vector<256x1xi32> to vector<256x256xi32>
    %eq3A_18 = arith.cmpi eq, %eq3A_17, %iota3A : vector<256x256xi32>
    %convert_element_type3A_19 = arith.extui %eq3A_18 : vector<256x256xi1> to vector<256x256xi32>
    %convert_element_type3A_20 = arith.sitofp %convert_element_type3A_19 : vector<256x256xi32> to vector<256x256xf32>
    %convert_element_type3A_21 = arith.truncf %convert_element_type3A_20 : vector<256x256xf32> to vector<256x256xbf16>
    %swap3A_22 = arith.constant 0 : index
    %swap3A_23 = arith.constant 512 : index
    %swap3A_24 = vector.load %arg11[%swap3A_22, %swap3A_23] : memref<256x32000xbf16, #tpu.memory_space<vmem>>, vector<256x256xbf16>
    tpu.vector_store %arg11[%swap3A_22, %swap3A_23], %convert_element_type3A_21 {strides = array<i32>} : memref<256x32000xbf16, #tpu.memory_space<vmem>>, vector<256x256xbf16>,
    %slice3A_25 = vector.extract_strided_slice %get3A_1 {offsets = [0, 3], sizes = [256, 1], strides = [1, 1]} : vector<256x125xi32> to vector<256x1xi32>
    %eq3A_26 = vector.broadcast %slice3A_25 : vector<256x1xi32> to vector<256x256xi32>
    %eq3A_27 = arith.cmpi eq, %eq3A_26, %iota3A : vector<256x256xi32>
    %convert_element_type3A_28 = arith.extui %eq3A_27 : vector<256x256xi1> to vector<256x256xi32>
    %convert_element_type3A_29 = arith.sitofp %convert_element_type3A_28 : vector<256x256xi32> to vector<256x256xf32>
    %convert_element_type3A_30 = arith.truncf %convert_element_type3A_29 : vector<256x256xf32> to vector<256x256xbf16>
    %swap3A_31 = arith.constant 0 : index
    %swap3A_32 = arith.constant 768 : index
    %swap3A_33 = vector.load %arg11[%swap3A_31, %swap3A_32] : memref<256x32000xbf16, #tpu.memory_space<vmem>>, vector<256x256xbf16>
    tpu.vector_store %arg11[%swap3A_31, %swap3A_32], %convert_element_type3A_30 {strides = array<i32>} : memref<256x32000xbf16, #tpu.memory_space<vmem>>, vector<256x256xbf16>,
    %slice3A_34 = vector.extract_strided_slice %get3A_1 {offsets = [0, 4], sizes = [256, 1], strides = [1, 1]} : vector<256x125xi32> to vector<256x1xi32>
    %eq3A_35 = vector.broadcast %slice3A_34 : vector<256x1xi32> to vector<256x256xi32>
    %eq3A_36 = arith.cmpi eq, %eq3A_35, %iota3A : vector<256x256xi32>
    %convert_element_type3A_37 = arith.extui %eq3A_36 : vector<256x256xi1> to vector<256x256xi32>
    %convert_element_type3A_38 = arith.sitofp %convert_element_type3A_37 : vector<256x256xi32> to vector<256x256xf32>
    %convert_element_type3A_39 = arith.truncf %convert_element_type3A_38 : vector<256x256xf32> to vector<256x256xbf16>
    %swap3A_40 = arith.constant 0 : index
    %swap3A_41 = arith.constant 1024 : index
    %swap3A_42 = vector.load %arg11[%swap3A_40, %swap3A_41] : memref<256x32000xbf16, #tpu.memory_space<vmem>>, vector<256x256xbf16>
    tpu.vector_store %arg11[%swap3A_40, %swap3A_41], %convert_element_type3A_39 {strides = array<i32>} : memref<256x32000xbf16, #tpu.memory_space<vmem>>, vector<256x256xbf16>,
    %slice3A_43 = vector.extract_strided_slice %get3A_1 {offsets = [0, 5], sizes = [256, 1], strides = [1, 1]} : vector<256x125xi32> to vector<256x1xi32>
    %eq3A_44 = vector.broadcast %slice3A_43 : vector<256x1xi32> to vector<256x256xi32>
    %eq3A_45 = arith.cmpi eq, %eq3A_44, %iota3A : vector<256x256xi32>
    %convert_element_type3A_46 = arith.extui %eq3A_45 : vector<256x256xi1> to vector<256x256xi32>
    %convert_element_type3A_47 = arith.sitofp %convert_element_type3A_46 : vector<256x256xi32> to vector<256x256xf32>
    %convert_element_type3A_48 = arith.truncf %convert_element_type3A_47 : vector<256x256xf32> to vector<256x256xbf16>
    %swap3A_49 = arith.constant 0 : index
    %swap3A_50 = arith.constant 1280 : index
    %swap3A_51 = vector.load %arg11[%swap3A_49, %swap3A_50] : memref<256x32000xbf16, #tpu.memory_space<vmem>>, vector<256x256xbf16>
    tpu.vector_store %arg11[%swap3A_49, %swap3A_50], %convert_element_type3A_48 {strides = array<i32>} : memref<256x32000xbf16, #tpu.memory_space<vmem>>, vector<256x256xbf16>,
    %slice3A_52 = vector.extract_strided_slice %get3A_1 {offsets = [0, 6], sizes = [256, 1], strides = [1, 1]} : vector<256x125xi32> to vector<256x1xi32>
    %eq3A_53 = vector.broadcast %slice3A_52 : vector<256x1xi32> to vector<256x256xi32>
    %eq3A_54 = arith.cmpi eq, %eq3A_53, %iota3A : vector<256x256xi32>
    %convert_element_type3A_55 = arith.extui %eq3A_54 : vector<256x256xi1> to vector<256x256xi32>
    %convert_element_type3A_56 = arith.sitofp %convert_element_type3A_55 : vector<256x256xi32> to vector<256x256xf32>
    %convert_element_type3A_57 = arith.truncf %convert_element_type3A_56 : vector<256x256xf32> to vector<256x256xbf16>
    %swap3A_58 = arith.constant 0 : index
    %swap3A_59 = arith.constant 1536 : index
    %swap3A_60 = vector.load %arg11[%swap3A_58, %swap3A_59] : memref<256x32000xbf16, #tpu.memory_space<vmem>>, vector<256x256xbf16>
    tpu.vector_store %arg11[%swap3A_58, %swap3A_59], %convert_element_type3A_57 {strides = array<i32>} : memref<256x32000xbf16, #tpu.memory_space<vmem>>, vector<256x256xbf16>,
    %slice3A_61 = vector.extract_strided_slice %get3A_1 {offsets = [0, 7], sizes = [256, 1], strides = [1, 1]} : vector<256x125xi32> to vector<256x1xi32>
    %eq3A_62 = vector.broadcast %slice3A_61 : vector<256x1xi32> to vector<256x256xi32>
    %eq3A_63 = arith.cmpi eq, %eq3A_62, %iota3A : vector<256x256xi32>
    %convert_element_type3A_64 = arith.extui %eq3A_63 : vector<256x256xi1> to vector<256x256xi32>
    %convert_element_type3A_65 = arith.sitofp %convert_element_type3A_64 : vector<256x256xi32> to vector<256x256xf32>
    %convert_element_type3A_66 = arith.truncf %convert_element_type3A_65 : vector<256x256xf32> to vector<256x256xbf16>
    %swap3A_67 = arith.constant 0 : index
    %swap3A_68 = arith.constant 1792 : index
    %swap3A_69 = vector.load %arg11[%swap3A_67, %swap3A_68] : memref<256x32000xbf16, #tpu.memory_space<vmem>>, vector<256x256xbf16>
    tpu.vector_store %arg11[%swap3A_67, %swap3A_68], %convert_element_type3A_66 {strides = array<i32>} : memref<256x32000xbf16, #tpu.memory_space<vmem>>, vector<256x256xbf16>,
    %slice3A_70 = vector.extract_strided_slice %get3A_1 {offsets = [0, 8], sizes = [256, 1], strides = [1, 1]} : vector<256x125xi32> to vector<256x1xi32>
    %eq3A_71 = vector.broadcast %slice3A_70 : vector<256x1xi32> to vector<256x256xi32>
    %eq3A_72 = arith.cmpi eq, %eq3A_71, %iota3A : vector<256x256xi32>
    %convert_element_type3A_73 = arith.extui %eq3A_72 : vector<256x256xi1> to vector<256x256xi32>
    %convert_element_type3A_74 = arith.sitofp %convert_element_type3A_73 : vector<256x256xi32> to vector<256x256xf32>
    %convert_element_type3A_75 = arith.truncf %convert_element_type3A_74 : vector<256x256xf32> to vector<256x256xbf16>
    %swap3A_76 = arith.constant 0 : index
    %swap3A_77 = arith.constant 2048 : index
    %swap3A_78 = vector.load %arg11[%swap3A_76, %swap3A_77] : memref<256x32000xbf16, #tpu.memory_space<vmem>>, vector<256x256xbf16>
    tpu.vector_store %arg11[%swap3A_76, %swap3A_77], %convert_element_type3A_75 {strides = array<i32>} : memref<256x32000xbf16, #tpu.memory_space<vmem>>, vector<256x256xbf16>,
    %slice3A_79 = vector.extract_strided_slice %get3A_1 {offsets = [0, 9], sizes = [256, 1], strides = [1, 1]} : vector<256x125xi32> to vector<256x1xi32>
    %eq3A_80 = vector.broadcast %slice3A_79 : vector<256x1xi32> to vector<256x256xi32>
    %eq3A_81 = arith.cmpi eq, %eq3A_80, %iota3A : vector<256x256xi32>
    %convert_element_type3A_82 = arith.extui %eq3A_81 : vector<256x256xi1> to vector<256x256xi32>
    %convert_element_type3A_83 = arith.sitofp %convert_element_type3A_82 : vector<256x256xi32> to vector<256x256xf32>
    %convert_element_type3A_84 = arith.truncf %convert_element_type3A_83 : vector<256x256xf32> to vector<256x256xbf16>
    %swap3A_85 = arith.constant 0 : index
    %swap3A_86 = arith.constant 2304 : index
    %swap3A_87 = vector.load %arg11[%swap3A_85, %swap3A_86] : memref<256x32000xbf16, #tpu.memory_space<vmem>>, vector<256x256xbf16>
    tpu.vector_store %arg11[%swap3A_85, %swap3A_86], %convert_element_type3A_84 {strides = array<i32>} : memref<256x32000xbf16, #tpu.memory_space<vmem>>, vector<256x256xbf16>,
    %slice3A_88 = vector.extract_strided_slice %get3A_1 {offsets = [0, 10], sizes = [256, 1], strides = [1, 1]} : vector<256x125xi32> to vector<256x1xi32>
    %eq3A_89 = vector.broadcast %slice3A_88 : vector<256x1xi32> to vector<256x256xi32>
    %eq3A_90 = arith.cmpi eq, %eq3A_89, %iota3A : vector<256x256xi32>
    %convert_element_type3A_91 = arith.extui %eq3A_90 : vector<256x256xi1> to vector<256x256xi32>
    %convert_element_type3A_92 = arith.sitofp %convert_element_type3A_91 : vector<256x256xi32> to vector<256x256xf32>
    %convert_element_type3A_93 = arith.truncf %convert_element_type3A_92 : vector<256x256xf32> to vector<256x256xbf16>
    %swap3A_94 = arith.constant 0 : index
    %swap3A_95 = arith.constant 2560 : index
    %swap3A_96 = vector.load %arg11[%swap3A_94, %swap3A_95] : memref<256x32000xbf16, #tpu.memory_space<vmem>>, vector<256x256xbf16>
    tpu.vector_store %arg11[%swap3A_94, %swap3A_95], %convert_element_type3A_93 {strides = array<i32>} : memref<256x32000xbf16, #tpu.memory_space<vmem>>, vector<256x256xbf16>,
    %slice3A_97 = vector.extract_strided_slice %get3A_1 {offsets = [0, 11], sizes = [256, 1], strides = [1, 1]} : vector<256x125xi32> to vector<256x1xi32>
    %eq3A_98 = vector.broadcast %slice3A_97 : vector<256x1xi32> to vector<256x256xi32>
    %eq3A_99 = arith.cmpi eq, %eq3A_98, %iota3A : vector<256x256xi32>
    %convert_element_type3A_100 = arith.extui %eq3A_99 : vector<256x256xi1> to vector<256x256xi32>
    %convert_element_type3A_101 = arith.sitofp %convert_element_type3A_100 : vector<256x256xi32> to vector<256x256xf32>
    %convert_element_type3A_102 = arith.truncf %convert_element_type3A_101 : vector<256x256xf32> to vector<256x256xbf16>
    %swap3A_103 = arith.constant 0 : index
    %swap3A_104 = arith.constant 2816 : index
    %swap3A_105 = vector.load %arg11[%swap3A_103, %swap3A_104] : memref<256x32000xbf16, #tpu.memory_space<vmem>>, vector<256x256xbf16>
    tpu.vector_store %arg11[%swap3A_103, %swap3A_104], %convert_element_type3A_102 {strides = array<i32>} : memref<256x32000xbf16, #tpu.memory_space<vmem>>, vector<256x256xbf16>,
    %slice3A_106 = vector.extract_strided_slice %get3A_1 {offsets = [0, 12], sizes = [256, 1], strides = [1, 1]} : vector<256x125xi32> to vector<256x1xi32>
    %eq3A_107 = vector.broadcast %slice3A_106 : vector<256x1xi32> to vector<256x256xi32>
    %eq3A_108 = arith.cmpi eq, %eq3A_107, %iota3A : vector<256x256xi32>
    %convert_element_type3A_109 = arith.extui %eq3A_108 : vector<256x256xi1> to vector<256x256xi32>
    %convert_element_type3A_110 = arith.sitofp %convert_element_type3A_109 : vector<256x256xi32> to vector<256x256xf32>
    %convert_element_type3A_111 = arith.truncf %convert_element_type3A_110 : vector<256x256xf32> to vector<256x256xbf16>
    %swap3A_112 = arith.constant 0 : index
    %swap3A_113 = arith.constant 3072 : index
    %swap3A_114 = vector.load %arg11[%swap3A_112, %swap3A_113] : memref<256x32000xbf16, #tpu.memory_space<vmem>>, vector<256x256xbf16>
    tpu.vector_store %arg11[%swap3A_112, %swap3A_113], %convert_element_type3A_111 {strides = array<i32>} : memref<256x32000xbf16, #tpu.memory_space<vmem>>, vector<256x256xbf16>,
    %slice3A_115 = vector.extract_strided_slice %get3A_1 {offsets = [0, 13], sizes = [256, 1], strides = [1, 1]} : vector<256x125xi32> to vector<256x1xi32>
    %eq3A_116 = vector.broadcast %slice3A_115 : vector<256x1xi32> to vector<256x256xi32>
    %eq3A_117 = arith.cmpi eq, %eq3A_116, %iota3A : vector<256x256xi32>
    %convert_element_type3A_118 = arith.extui %eq3A_117 : vector<256x256xi1> to vector<256x256xi32>
    %convert_element_type3A_119 = arith.sitofp %convert_element_type3A_118 : vector<256x256xi32> to vector<256x256xf32>
    %convert_element_type3A_120 = arith.truncf %convert_element_type3A_119 : vector<256x256xf32> to vector<256x256xbf16>
    %swap3A_121 = arith.constant 0 : index
    %swap3A_122 = arith.constant 3328 : index
    %swap3A_123 = vector.load %arg11[%swap3A_121, %swap3A_122] : memref<256x32000xbf16, #tpu.memory_space<vmem>>, vector<256x256xbf16>
    tpu.vector_store %arg11[%swap3A_121, %swap3A_122], %convert_element_type3A_120 {strides = array<i32>} : memref<256x32000xbf16, #tpu.memory_space<vmem>>, vector<256x256xbf16>,
    %slice3A_124 = vector.extract_strided_slice %get3A_1 {offsets = [0, 14], sizes = [256, 1], strides = [1, 1]} : vector<256x125xi32> to vector<256x1xi32>
    %eq3A_125 = vector.broadcast %slice3A_124 : vector<256x1xi32> to vector<256x256xi32>
    %eq3A_126 = arith.cmpi eq, %eq3A_125, %iota3A : vector<256x256xi32>
    %convert_element_type3A_127 = arith.extui %eq3A_126 : vector<256x256xi1> to vector<256x256xi32>
    %convert_element_type3A_128 = arith.sitofp %convert_element_type3A_127 : vector<256x256xi32> to vector<256x256xf32>
    %convert_element_type3A_129 = arith.truncf %convert_element_type3A_128 : vector<256x256xf32> to vector<256x256xbf16>
    %swap3A_130 = arith.constant 0 : index
    %swap3A_131 = arith.constant 3584 : index
    %swap3A_132 = vector.load %arg11[%swap3A_130, %swap3A_131] : memref<256x32000xbf16, #tpu.memory_space<vmem>>, vector<256x256xbf16>
    tpu.vector_store %arg11[%swap3A_130, %swap3A_131], %convert_element_type3A_129 {strides = array<i32>} : memref<256x32000xbf16, #tpu.memory_space<vmem>>, vector<256x256xbf16>,
    %slice3A_133 = vector.extract_strided_slice %get3A_1 {offsets = [0, 15], sizes = [256, 1], strides = [1, 1]} : vector<256x125xi32> to vector<256x1xi32>
    %eq3A_134 = vector.broadcast %slice3A_133 : vector<256x1xi32> to vector<256x256xi32>
    %eq3A_135 = arith.cmpi eq, %eq3A_134, %iota3A : vector<256x256xi32>
    %convert_element_type3A_136 = arith.extui %eq3A_135 : vector<256x256xi1> to vector<256x256xi32>
    %convert_element_type3A_137 = arith.sitofp %convert_element_type3A_136 : vector<256x256xi32> to vector<256x256xf32>
    %convert_element_type3A_138 = arith.truncf %convert_element_type3A_137 : vector<256x256xf32> to vector<256x256xbf16>
    %swap3A_139 = arith.constant 0 : index
    %swap3A_140 = arith.constant 3840 : index
    %swap3A_141 = vector.load %arg11[%swap3A_139, %swap3A_140] : memref<256x32000xbf16, #tpu.memory_space<vmem>>, vector<256x256xbf16>
    tpu.vector_store %arg11[%swap3A_139, %swap3A_140], %convert_element_type3A_138 {strides = array<i32>} : memref<256x32000xbf16, #tpu.memory_space<vmem>>, vector<256x256xbf16>,
    %slice3A_142 = vector.extract_strided_slice %get3A_1 {offsets = [0, 16], sizes = [256, 1], strides = [1, 1]} : vector<256x125xi32> to vector<256x1xi32>
    %eq3A_143 = vector.broadcast %slice3A_142 : vector<256x1xi32> to vector<256x256xi32>
    %eq3A_144 = arith.cmpi eq, %eq3A_143, %iota3A : vector<256x256xi32>
    %convert_element_type3A_145 = arith.extui %eq3A_144 : vector<256x256xi1> to vector<256x256xi32>
    %convert_element_type3A_146 = arith.sitofp %convert_element_type3A_145 : vector<256x256xi32> to vector<256x256xf32>
    %convert_element_type3A_147 = arith.truncf %convert_element_type3A_146 : vector<256x256xf32> to vector<256x256xbf16>
    %swap3A_148 = arith.constant 0 : index
    %swap3A_149 = arith.constant 4096 : index
    %swap3A_150 = vector.load %arg11[%swap3A_148, %swap3A_149] : memref<256x32000xbf16, #tpu.memory_space<vmem>>, vector<256x256xbf16>
    tpu.vector_store %arg11[%swap3A_148, %swap3A_149], %convert_element_type3A_147 {strides = array<i32>} : memref<256x32000xbf16, #tpu.memory_space<vmem>>, vector<256x256xbf16>,
    %slice3A_151 = vector.extract_strided_slice %get3A_1 {offsets = [0, 17], sizes = [256, 1], strides = [1, 1]} : vector<256x125xi32> to vector<256x1xi32>
    %eq3A_152 = vector.broadcast %slice3A_151 : vector<256x1xi32> to vector<256x256xi32>
    %eq3A_153 = arith.cmpi eq, %eq3A_152, %iota3A : vector<256x256xi32>
    %convert_element_type3A_154 = arith.extui %eq3A_153 : vector<256x256xi1> to vector<256x256xi32>
    %convert_element_type3A_155 = arith.sitofp %convert_element_type3A_154 : vector<256x256xi32> to vector<256x256xf32>
    %convert_element_type3A_156 = arith.truncf %convert_element_type3A_155 : vector<256x256xf32> to vector<256x256xbf16>
    %swap3A_157 = arith.constant 0 : index
    %swap3A_158 = arith.constant 4352 : index
    %swap3A_159 = vector.load %arg11[%swap3A_157, %swap3A_158] : memref<256x32000xbf16, #tpu.memory_space<vmem>>, vector<256x256xbf16>
    tpu.vector_store %arg11[%swap3A_157, %swap3A_158], %convert_element_type3A_156 {strides = array<i32>} : memref<256x32000xbf16, #tpu.memory_space<vmem>>, vector<256x256xbf16>,
    %slice3A_160 = vector.extract_strided_slice %get3A_1 {offsets = [0, 18], sizes = [256, 1], strides = [1, 1]} : vector<256x125xi32> to vector<256x1xi32>
    %eq3A_161 = vector.broadcast %slice3A_160 : vector<256x1xi32> to vector<256x256xi32>
    %eq3A_162 = arith.cmpi eq, %eq3A_161, %iota3A : vector<256x256xi32>
    %convert_element_type3A_163 = arith.extui %eq3A_162 : vector<256x256xi1> to vector<256x256xi32>
    %convert_element_type3A_164 = arith.sitofp %convert_element_type3A_163 : vector<256x256xi32> to vector<256x256xf32>
    %convert_element_type3A_165 = arith.truncf %convert_element_type3A_164 : vector<256x256xf32> to vector<256x256xbf16>
    %swap3A_166 = arith.constant 0 : index
    %swap3A_167 = arith.constant 4608 : index
    %swap3A_168 = vector.load %arg11[%swap3A_166, %swap3A_167] : memref<256x32000xbf16, #tpu.memory_space<vmem>>, vector<256x256xbf16>
    tpu.vector_store %arg11[%swap3A_166, %swap3A_167], %convert_element_type3A_165 {strides = array<i32>} : memref<256x32000xbf16, #tpu.memory_space<vmem>>, vector<256x256xbf16>,
    %slice3A_169 = vector.extract_strided_slice %get3A_1 {offsets = [0, 19], sizes = [256, 1], strides = [1, 1]} : vector<256x125xi32> to vector<256x1xi32>
    %eq3A_170 = vector.broadcast %slice3A_169 : vector<256x1xi32> to vector<256x256xi32>
    %eq3A_171 = arith.cmpi eq, %eq3A_170, %iota3A : vector<256x256xi32>
    %convert_element_type3A_172 = arith.extui %eq3A_171 : vector<256x256xi1> to vector<256x256xi32>
    %convert_element_type3A_173 = arith.sitofp %convert_element_type3A_172 : vector<256x256xi32> to vector<256x256xf32>
    %convert_element_type3A_174 = arith.truncf %convert_element_type3A_173 : vector<256x256xf32> to vector<256x256xbf16>
    %swap3A_175 = arith.constant 0 : index
    %swap3A_176 = arith.constant 4864 : index
    %swap3A_177 = vector.load %arg11[%swap3A_175, %swap3A_176] : memref<256x32000xbf16, #tpu.memory_space<vmem>>, vector<256x256xbf16>
    tpu.vector_store %arg11[%swap3A_175, %swap3A_176], %convert_element_type3A_174 {strides = array<i32>} : memref<256x32000xbf16, #tpu.memory_space<vmem>>, vector<256x256xbf16>,
    %slice3A_178 = vector.extract_strided_slice %get3A_1 {offsets = [0, 20], sizes = [256, 1], strides = [1, 1]} : vector<256x125xi32> to vector<256x1xi32>
    %eq3A_179 = vector.broadcast %slice3A_178 : vector<256x1xi32> to vector<256x256xi32>
    %eq3A_180 = arith.cmpi eq, %eq3A_179, %iota3A : vector<256x256xi32>
    %convert_element_type3A_181 = arith.extui %eq3A_180 : vector<256x256xi1> to vector<256x256xi32>
    %convert_element_type3A_182 = arith.sitofp %convert_element_type3A_181 : vector<256x256xi32> to vector<256x256xf32>
    %convert_element_type3A_183 = arith.truncf %convert_element_type3A_182 : vector<256x256xf32> to vector<256x256xbf16>
    %swap3A_184 = arith.constant 0 : index
    %swap3A_185 = arith.constant 5120 : index
    %swap3A_186 = vector.load %arg11[%swap3A_184, %swap3A_185] : memref<256x32000xbf16, #tpu.memory_space<vmem>>, vector<256x256xbf16>
    tpu.vector_store %arg11[%swap3A_184, %swap3A_185], %convert_element_type3A_183 {strides = array<i32>} : memref<256x32000xbf16, #tpu.memory_space<vmem>>, vector<256x256xbf16>,
    %slice3A_187 = vector.extract_strided_slice %get3A_1 {offsets = [0, 21], sizes = [256, 1], strides = [1, 1]} : vector<256x125xi32> to vector<256x1xi32>
    %eq3A_188 = vector.broadcast %slice3A_187 : vector<256x1xi32> to vector<256x256xi32>
    %eq3A_189 = arith.cmpi eq, %eq3A_188, %iota3A : vector<256x256xi32>
    %convert_element_type3A_190 = arith.extui %eq3A_189 : vector<256x256xi1> to vector<256x256xi32>
    %convert_element_type3A_191 = arith.sitofp %convert_element_type3A_190 : vector<256x256xi32> to vector<256x256xf32>
    %convert_element_type3A_192 = arith.truncf %convert_element_type3A_191 : vector<256x256xf32> to vector<256x256xbf16>
    %swap3A_193 = arith.constant 0 : index
    %swap3A_194 = arith.constant 5376 : index
    %swap3A_195 = vector.load %arg11[%swap3A_193, %swap3A_194] : memref<256x32000xbf16, #tpu.memory_space<vmem>>, vector<256x256xbf16>
    tpu.vector_store %arg11[%swap3A_193, %swap3A_194], %convert_element_type3A_192 {strides = array<i32>} : memref<256x32000xbf16, #tpu.memory_space<vmem>>, vector<256x256xbf16>,
    %slice3A_196 = vector.extract_strided_slice %get3A_1 {offsets = [0, 22], sizes = [256, 1], strides = [1, 1]} : vector<256x125xi32> to vector<256x1xi32>
    %eq3A_197 = vector.broadcast %slice3A_196 : vector<256x1xi32> to vector<256x256xi32>
    %eq3A_198 = arith.cmpi eq, %eq3A_197, %iota3A : vector<256x256xi32>
    %convert_element_type3A_199 = arith.extui %eq3A_198 : vector<256x256xi1> to vector<256x256xi32>
    %convert_element_type3A_200 = arith.sitofp %convert_element_type3A_199 : vector<256x256xi32> to vector<256x256xf32>
    %convert_element_type3A_201 = arith.truncf %convert_element_type3A_200 : vector<256x256xf32> to vector<256x256xbf16>
    %swap3A_202 = arith.constant 0 : index
    %swap3A_203 = arith.constant 5632 : index
    %swap3A_204 = vector.load %arg11[%swap3A_202, %swap3A_203] : memref<256x32000xbf16, #tpu.memory_space<vmem>>, vector<256x256xbf16>
    tpu.vector_store %arg11[%swap3A_202, %swap3A_203], %convert_element_type3A_201 {strides = array<i32>} : memref<256x32000xbf16, #tpu.memory_space<vmem>>, vector<256x256xbf16>,
    %slice3A_205 = vector.extract_strided_slice %get3A_1 {offsets = [0, 23], sizes = [256, 1], strides = [1, 1]} : vector<256x125xi32> to vector<256x1xi32>
    %eq3A_206 = vector.broadcast %slice3A_205 : vector<256x1xi32> to vector<256x256xi32>
    %eq3A_207 = arith.cmpi eq, %eq3A_206, %iota3A : vector<256x256xi32>
    %convert_element_type3A_208 = arith.extui %eq3A_207 : vector<256x256xi1> to vector<256x256xi32>
    %convert_element_type3A_209 = arith.sitofp %convert_element_type3A_208 : vector<256x256xi32> to vector<256x256xf32>
    %convert_element_type3A_210 = arith.truncf %convert_element_type3A_209 : vector<256x256xf32> to vector<256x256xbf16>
    %swap3A_211 = arith.constant 0 : index
    %swap3A_212 = arith.constant 5888 : index
    %swap3A_213 = vector.load %arg11[%swap3A_211, %swap3A_212] : memref<256x32000xbf16, #tpu.memory_space<vmem>>, vector<256x256xbf16>
    tpu.vector_store %arg11[%swap3A_211, %swap3A_212], %convert_element_type3A_210 {strides = array<i32>} : memref<256x32000xbf16, #tpu.memory_space<vmem>>, vector<256x256xbf16>,
    %slice3A_214 = vector.extract_strided_slice %get3A_1 {offsets = [0, 24], sizes = [256, 1], strides = [1, 1]} : vector<256x125xi32> to vector<256x1xi32>
    %eq3A_215 = vector.broadcast %slice3A_214 : vector<256x1xi32> to vector<256x256xi32>
    %eq3A_216 = arith.cmpi eq, %eq3A_215, %iota3A : vector<256x256xi32>
    %convert_element_type3A_217 = arith.extui %eq3A_216 : vector<256x256xi1> to vector<256x256xi32>
    %convert_element_type3A_218 = arith.sitofp %convert_element_type3A_217 : vector<256x256xi32> to vector<256x256xf32>
    %convert_element_type3A_219 = arith.truncf %convert_element_type3A_218 : vector<256x256xf32> to vector<256x256xbf16>
    %swap3A_220 = arith.constant 0 : index
    %swap3A_221 = arith.constant 6144 : index
    %swap3A_222 = vector.load %arg11[%swap3A_220, %swap3A_221] : memref<256x32000xbf16, #tpu.memory_space<vmem>>, vector<256x256xbf16>
    tpu.vector_store %arg11[%swap3A_220, %swap3A_221], %convert_element_type3A_219 {strides = array<i32>} : memref<256x32000xbf16, #tpu.memory_space<vmem>>, vector<256x256xbf16>,
    %slice3A_223 = vector.extract_strided_slice %get3A_1 {offsets = [0, 25], sizes = [256, 1], strides = [1, 1]} : vector<256x125xi32> to vector<256x1xi32>
    %eq3A_224 = vector.broadcast %slice3A_223 : vector<256x1xi32> to vector<256x256xi32>
    %eq3A_225 = arith.cmpi eq, %eq3A_224, %iota3A : vector<256x256xi32>
    %convert_element_type3A_226 = arith.extui %eq3A_225 : vector<256x256xi1> to vector<256x256xi32>
    %convert_element_type3A_227 = arith.sitofp %convert_element_type3A_226 : vector<256x256xi32> to vector<256x256xf32>
    %convert_element_type3A_228 = arith.truncf %convert_element_type3A_227 : vector<256x256xf32> to vector<256x256xbf16>
    %swap3A_229 = arith.constant 0 : index
    %swap3A_230 = arith.constant 6400 : index
    %swap3A_231 = vector.load %arg11[%swap3A_229, %swap3A_230] : memref<256x32000xbf16, #tpu.memory_space<vmem>>, vector<256x256xbf16>
    tpu.vector_store %arg11[%swap3A_229, %swap3A_230], %convert_element_type3A_228 {strides = array<i32>} : memref<256x32000xbf16, #tpu.memory_space<vmem>>, vector<256x256xbf16>,
    %slice3A_232 = vector.extract_strided_slice %get3A_1 {offsets = [0, 26], sizes = [256, 1], strides = [1, 1]} : vector<256x125xi32> to vector<256x1xi32>
    %eq3A_233 = vector.broadcast %slice3A_232 : vector<256x1xi32> to vector<256x256xi32>
    %eq3A_234 = arith.cmpi eq, %eq3A_233, %iota3A : vector<256x256xi32>
    %convert_element_type3A_235 = arith.extui %eq3A_234 : vector<256x256xi1> to vector<256x256xi32>
    %convert_element_type3A_236 = arith.sitofp %convert_element_type3A_235 : vector<256x256xi32> to vector<256x256xf32>
    %convert_element_type3A_237 = arith.truncf %convert_element_type3A_236 : vector<256x256xf32> to vector<256x256xbf16>
    %swap3A_238 = arith.constant 0 : index
    %swap3A_239 = arith.constant 6656 : index
    %swap3A_240 = vector.load %arg11[%swap3A_238, %swap3A_239] : memref<256x32000xbf16, #tpu.memory_space<vmem>>, vector<256x256xbf16>
    tpu.vector_store %arg11[%swap3A_238, %swap3A_239], %convert_element_type3A_237 {strides = array<i32>} : memref<256x32000xbf16, #tpu.memory_space<vmem>>, vector<256x256xbf16>,
    %slice3A_241 = vector.extract_strided_slice %get3A_1 {offsets = [0, 27], sizes = [256, 1], strides = [1, 1]} : vector<256x125xi32> to vector<256x1xi32>
    %eq3A_242 = vector.broadcast %slice3A_241 : vector<256x1xi32> to vector<256x256xi32>
    %eq3A_243 = arith.cmpi eq, %eq3A_242, %iota3A : vector<256x256xi32>
    %convert_element_type3A_244 = arith.extui %eq3A_243 : vector<256x256xi1> to vector<256x256xi32>
    %convert_element_type3A_245 = arith.sitofp %convert_element_type3A_244 : vector<256x256xi32> to vector<256x256xf32>
    %convert_element_type3A_246 = arith.truncf %convert_element_type3A_245 : vector<256x256xf32> to vector<256x256xbf16>
    %swap3A_247 = arith.constant 0 : index
    %swap3A_248 = arith.constant 6912 : index
    %swap3A_249 = vector.load %arg11[%swap3A_247, %swap3A_248] : memref<256x32000xbf16, #tpu.memory_space<vmem>>, vector<256x256xbf16>
    tpu.vector_store %arg11[%swap3A_247, %swap3A_248], %convert_element_type3A_246 {strides = array<i32>} : memref<256x32000xbf16, #tpu.memory_space<vmem>>, vector<256x256xbf16>,
    %slice3A_250 = vector.extract_strided_slice %get3A_1 {offsets = [0, 28], sizes = [256, 1], strides = [1, 1]} : vector<256x125xi32> to vector<256x1xi32>
    %eq3A_251 = vector.broadcast %slice3A_250 : vector<256x1xi32> to vector<256x256xi32>
    %eq3A_252 = arith.cmpi eq, %eq3A_251, %iota3A : vector<256x256xi32>
    %convert_element_type3A_253 = arith.extui %eq3A_252 : vector<256x256xi1> to vector<256x256xi32>
    %convert_element_type3A_254 = arith.sitofp %convert_element_type3A_253 : vector<256x256xi32> to vector<256x256xf32>
    %convert_element_type3A_255 = arith.truncf %convert_element_type3A_254 : vector<256x256xf32> to vector<256x256xbf16>
    %swap3A_256 = arith.constant 0 : index
    %swap3A_257 = arith.constant 7168 : index
    %swap3A_258 = vector.load %arg11[%swap3A_256, %swap3A_257] : memref<256x32000xbf16, #tpu.memory_space<vmem>>, vector<256x256xbf16>
    tpu.vector_store %arg11[%swap3A_256, %swap3A_257], %convert_element_type3A_255 {strides = array<i32>} : memref<256x32000xbf16, #tpu.memory_space<vmem>>, vector<256x256xbf16>,
    %slice3A_259 = vector.extract_strided_slice %get3A_1 {offsets = [0, 29], sizes = [256, 1], strides = [1, 1]} : vector<256x125xi32> to vector<256x1xi32>
    %eq3A_260 = vector.broadcast %slice3A_259 : vector<256x1xi32> to vector<256x256xi32>
    %eq3A_261 = arith.cmpi eq, %eq3A_260, %iota3A : vector<256x256xi32>
    %convert_element_type3A_262 = arith.extui %eq3A_261 : vector<256x256xi1> to vector<256x256xi32>
    %convert_element_type3A_263 = arith.sitofp %convert_element_type3A_262 : vector<256x256xi32> to vector<256x256xf32>
    %convert_element_type3A_264 = arith.truncf %convert_element_type3A_263 : vector<256x256xf32> to vector<256x256xbf16>
    %swap3A_265 = arith.constant 0 : index
    %swap3A_266 = arith.constant 7424 : index
    %swap3A_267 = vector.load %arg11[%swap3A_265, %swap3A_266] : memref<256x32000xbf16, #tpu.memory_space<vmem>>, vector<256x256xbf16>
    tpu.vector_store %arg11[%swap3A_265, %swap3A_266], %convert_element_type3A_264 {strides = array<i32>} : memref<256x32000xbf16, #tpu.memory_space<vmem>>, vector<256x256xbf16>,
    %slice3A_268 = vector.extract_strided_slice %get3A_1 {offsets = [0, 30], sizes = [256, 1], strides = [1, 1]} : vector<256x125xi32> to vector<256x1xi32>
    %eq3A_269 = vector.broadcast %slice3A_268 : vector<256x1xi32> to vector<256x256xi32>
    %eq3A_270 = arith.cmpi eq, %eq3A_269, %iota3A : vector<256x256xi32>
    %convert_element_type3A_271 = arith.extui %eq3A_270 : vector<256x256xi1> to vector<256x256xi32>
    %convert_element_type3A_272 = arith.sitofp %convert_element_type3A_271 : vector<256x256xi32> to vector<256x256xf32>
    %convert_element_type3A_273 = arith.truncf %convert_element_type3A_272 : vector<256x256xf32> to vector<256x256xbf16>
    %swap3A_274 = arith.constant 0 : index
    %swap3A_275 = arith.constant 7680 : index
    %swap3A_276 = vector.load %arg11[%swap3A_274, %swap3A_275] : memref<256x32000xbf16, #tpu.memory_space<vmem>>, vector<256x256xbf16>
    tpu.vector_store %arg11[%swap3A_274, %swap3A_275], %convert_element_type3A_273 {strides = array<i32>} : memref<256x32000xbf16, #tpu.memory_space<vmem>>, vector<256x256xbf16>,
    %slice3A_277 = vector.extract_strided_slice %get3A_1 {offsets = [0, 31], sizes = [256, 1], strides = [1, 1]} : vector<256x125xi32> to vector<256x1xi32>
    %eq3A_278 = vector.broadcast %slice3A_277 : vector<256x1xi32> to vector<256x256xi32>
    %eq3A_279 = arith.cmpi eq, %eq3A_278, %iota3A : vector<256x256xi32>
    %convert_element_type3A_280 = arith.extui %eq3A_279 : vector<256x256xi1> to vector<256x256xi32>
    %convert_element_type3A_281 = arith.sitofp %convert_element_type3A_280 : vector<256x256xi32> to vector<256x256xf32>
    %convert_element_type3A_282 = arith.truncf %convert_element_type3A_281 : vector<256x256xf32> to vector<256x256xbf16>
    %swap3A_283 = arith.constant 0 : index
    %swap3A_284 = arith.constant 7936 : index
    %swap3A_285 = vector.load %arg11[%swap3A_283, %swap3A_284] : memref<256x32000xbf16, #tpu.memory_space<vmem>>, vector<256x256xbf16>
    tpu.vector_store %arg11[%swap3A_283, %swap3A_284], %convert_element_type3A_282 {strides = array<i32>} : memref<256x32000xbf16, #tpu.memory_space<vmem>>, vector<256x256xbf16>,
    %slice3A_286 = vector.extract_strided_slice %get3A_1 {offsets = [0, 32], sizes = [256, 1], strides = [1, 1]} : vector<256x125xi32> to vector<256x1xi32>
    %eq3A_287 = vector.broadcast %slice3A_286 : vector<256x1xi32> to vector<256x256xi32>
    %eq3A_288 = arith.cmpi eq, %eq3A_287, %iota3A : vector<256x256xi32>
    %convert_element_type3A_289 = arith.extui %eq3A_288 : vector<256x256xi1> to vector<256x256xi32>
    %convert_element_type3A_290 = arith.sitofp %convert_element_type3A_289 : vector<256x256xi32> to vector<256x256xf32>
    %convert_element_type3A_291 = arith.truncf %convert_element_type3A_290 : vector<256x256xf32> to vector<256x256xbf16>
    %swap3A_292 = arith.constant 0 : index
    %swap3A_293 = arith.constant 8192 : index
    %swap3A_294 = vector.load %arg11[%swap3A_292, %swap3A_293] : memref<256x32000xbf16, #tpu.memory_space<vmem>>, vector<256x256xbf16>
    tpu.vector_store %arg11[%swap3A_292, %swap3A_293], %convert_element_type3A_291 {strides = array<i32>} : memref<256x32000xbf16, #tpu.memory_space<vmem>>, vector<256x256xbf16>,
    %slice3A_295 = vector.extract_strided_slice %get3A_1 {offsets = [0, 33], sizes = [256, 1], strides = [1, 1]} : vector<256x125xi32> to vector<256x1xi32>
    %eq3A_296 = vector.broadcast %slice3A_295 : vector<256x1xi32> to vector<256x256xi32>
    %eq3A_297 = arith.cmpi eq, %eq3A_296, %iota3A : vector<256x256xi32>
    %convert_element_type3A_298 = arith.extui %eq3A_297 : vector<256x256xi1> to vector<256x256xi32>
    %convert_element_type3A_299 = arith.sitofp %convert_element_type3A_298 : vector<256x256xi32> to vector<256x256xf32>
    %convert_element_type3A_300 = arith.truncf %convert_element_type3A_299 : vector<256x256xf32> to vector<256x256xbf16>
    %swap3A_301 = arith.constant 0 : index
    %swap3A_302 = arith.constant 8448 : index
    %swap3A_303 = vector.load %arg11[%swap3A_301, %swap3A_302] : memref<256x32000xbf16, #tpu.memory_space<vmem>>, vector<256x256xbf16>
    tpu.vector_store %arg11[%swap3A_301, %swap3A_302], %convert_element_type3A_300 {strides = array<i32>} : memref<256x32000xbf16, #tpu.memory_space<vmem>>, vector<256x256xbf16>,
    %slice3A_304 = vector.extract_strided_slice %get3A_1 {offsets = [0, 34], sizes = [256, 1], strides = [1, 1]} : vector<256x125xi32> to vector<256x1xi32>
    %eq3A_305 = vector.broadcast %slice3A_304 : vector<256x1xi32> to vector<256x256xi32>
    %eq3A_306 = arith.cmpi eq, %eq3A_305, %iota3A : vector<256x256xi32>
    %convert_element_type3A_307 = arith.extui %eq3A_306 : vector<256x256xi1> to vector<256x256xi32>
    %convert_element_type3A_308 = arith.sitofp %convert_element_type3A_307 : vector<256x256xi32> to vector<256x256xf32>
    %convert_element_type3A_309 = arith.truncf %convert_element_type3A_308 : vector<256x256xf32> to vector<256x256xbf16>
    %swap3A_310 = arith.constant 0 : index
    %swap3A_311 = arith.constant 8704 : index
    %swap3A_312 = vector.load %arg11[%swap3A_310, %swap3A_311] : memref<256x32000xbf16, #tpu.memory_space<vmem>>, vector<256x256xbf16>
    tpu.vector_store %arg11[%swap3A_310, %swap3A_311], %convert_element_type3A_309 {strides = array<i32>} : memref<256x32000xbf16, #tpu.memory_space<vmem>>, vector<256x256xbf16>,
    %slice3A_313 = vector.extract_strided_slice %get3A_1 {offsets = [0, 35], sizes = [256, 1], strides = [1, 1]} : vector<256x125xi32> to vector<256x1xi32>
    %eq3A_314 = vector.broadcast %slice3A_313 : vector<256x1xi32> to vector<256x256xi32>
    %eq3A_315 = arith.cmpi eq, %eq3A_314, %iota3A : vector<256x256xi32>
    %convert_element_type3A_316 = arith.extui %eq3A_315 : vector<256x256xi1> to vector<256x256xi32>
    %convert_element_type3A_317 = arith.sitofp %convert_element_type3A_316 : vector<256x256xi32> to vector<256x256xf32>
    %convert_element_type3A_318 = arith.truncf %convert_element_type3A_317 : vector<256x256xf32> to vector<256x256xbf16>
    %swap3A_319 = arith.constant 0 : index
    %swap3A_320 = arith.constant 8960 : index
    %swap3A_321 = vector.load %arg11[%swap3A_319, %swap3A_320] : memref<256x32000xbf16, #tpu.memory_space<vmem>>, vector<256x256xbf16>
    tpu.vector_store %arg11[%swap3A_319, %swap3A_320], %convert_element_type3A_318 {strides = array<i32>} : memref<256x32000xbf16, #tpu.memory_space<vmem>>, vector<256x256xbf16>,
    %slice3A_322 = vector.extract_strided_slice %get3A_1 {offsets = [0, 36], sizes = [256, 1], strides = [1, 1]} : vector<256x125xi32> to vector<256x1xi32>
    %eq3A_323 = vector.broadcast %slice3A_322 : vector<256x1xi32> to vector<256x256xi32>
    %eq3A_324 = arith.cmpi eq, %eq3A_323, %iota3A : vector<256x256xi32>
    %convert_element_type3A_325 = arith.extui %eq3A_324 : vector<256x256xi1> to vector<256x256xi32>
    %convert_element_type3A_326 = arith.sitofp %convert_element_type3A_325 : vector<256x256xi32> to vector<256x256xf32>
    %convert_element_type3A_327 = arith.truncf %convert_element_type3A_326 : vector<256x256xf32> to vector<256x256xbf16>
    %swap3A_328 = arith.constant 0 : index
    %swap3A_329 = arith.constant 9216 : index
    %swap3A_330 = vector.load %arg11[%swap3A_328, %swap3A_329] : memref<256x32000xbf16, #tpu.memory_space<vmem>>, vector<256x256xbf16>
    tpu.vector_store %arg11[%swap3A_328, %swap3A_329], %convert_element_type3A_327 {strides = array<i32>} : memref<256x32000xbf16, #tpu.memory_space<vmem>>, vector<256x256xbf16>,
    %slice3A_331 = vector.extract_strided_slice %get3A_1 {offsets = [0, 37], sizes = [256, 1], strides = [1, 1]} : vector<256x125xi32> to vector<256x1xi32>
    %eq3A_332 = vector.broadcast %slice3A_331 : vector<256x1xi32> to vector<256x256xi32>
    %eq3A_333 = arith.cmpi eq, %eq3A_332, %iota3A : vector<256x256xi32>
    %convert_element_type3A_334 = arith.extui %eq3A_333 : vector<256x256xi1> to vector<256x256xi32>
    %convert_element_type3A_335 = arith.sitofp %convert_element_type3A_334 : vector<256x256xi32> to vector<256x256xf32>
    %convert_element_type3A_336 = arith.truncf %convert_element_type3A_335 : vector<256x256xf32> to vector<256x256xbf16>
    %swap3A_337 = arith.constant 0 : index
    %swap3A_338 = arith.constant 9472 : index
    %swap3A_339 = vector.load %arg11[%swap3A_337, %swap3A_338] : memref<256x32000xbf16, #tpu.memory_space<vmem>>, vector<256x256xbf16>
    tpu.vector_store %arg11[%swap3A_337, %swap3A_338], %convert_element_type3A_336 {strides = array<i32>} : memref<256x32000xbf16, #tpu.memory_space<vmem>>, vector<256x256xbf16>,
    %slice3A_340 = vector.extract_strided_slice %get3A_1 {offsets = [0, 38], sizes = [256, 1], strides = [1, 1]} : vector<256x125xi32> to vector<256x1xi32>
    %eq3A_341 = vector.broadcast %slice3A_340 : vector<256x1xi32> to vector<256x256xi32>
    %eq3A_342 = arith.cmpi eq, %eq3A_341, %iota3A : vector<256x256xi32>
    %convert_element_type3A_343 = arith.extui %eq3A_342 : vector<256x256xi1> to vector<256x256xi32>
    %convert_element_type3A_344 = arith.sitofp %convert_element_type3A_343 : vector<256x256xi32> to vector<256x256xf32>
    %convert_element_type3A_345 = arith.truncf %convert_element_type3A_344 : vector<256x256xf32> to vector<256x256xbf16>
    %swap3A_346 = arith.constant 0 : index
    %swap3A_347 = arith.constant 9728 : index
    %swap3A_348 = vector.load %arg11[%swap3A_346, %swap3A_347] : memref<256x32000xbf16, #tpu.memory_space<vmem>>, vector<256x256xbf16>
    tpu.vector_store %arg11[%swap3A_346, %swap3A_347], %convert_element_type3A_345 {strides = array<i32>} : memref<256x32000xbf16, #tpu.memory_space<vmem>>, vector<256x256xbf16>,
    %slice3A_349 = vector.extract_strided_slice %get3A_1 {offsets = [0, 39], sizes = [256, 1], strides = [1, 1]} : vector<256x125xi32> to vector<256x1xi32>
    %eq3A_350 = vector.broadcast %slice3A_349 : vector<256x1xi32> to vector<256x256xi32>
    %eq3A_351 = arith.cmpi eq, %eq3A_350, %iota3A : vector<256x256xi32>
    %convert_element_type3A_352 = arith.extui %eq3A_351 : vector<256x256xi1> to vector<256x256xi32>
    %convert_element_type3A_353 = arith.sitofp %convert_element_type3A_352 : vector<256x256xi32> to vector<256x256xf32>
    %convert_element_type3A_354 = arith.truncf %convert_element_type3A_353 : vector<256x256xf32> to vector<256x256xbf16>
    %swap3A_355 = arith.constant 0 : index
    %swap3A_356 = arith.constant 9984 : index
    %swap3A_357 = vector.load %arg11[%swap3A_355, %swap3A_356] : memref<256x32000xbf16, #tpu.memory_space<vmem>>, vector<256x256xbf16>
    tpu.vector_store %arg11[%swap3A_355, %swap3A_356], %convert_element_type3A_354 {strides = array<i32>} : memref<256x32000xbf16, #tpu.memory_space<vmem>>, vector<256x256xbf16>,
    %slice3A_358 = vector.extract_strided_slice %get3A_1 {offsets = [0, 40], sizes = [256, 1], strides = [1, 1]} : vector<256x125xi32> to vector<256x1xi32>
    %eq3A_359 = vector.broadcast %slice3A_358 : vector<256x1xi32> to vector<256x256xi32>
    %eq3A_360 = arith.cmpi eq, %eq3A_359, %iota3A : vector<256x256xi32>
    %convert_element_type3A_361 = arith.extui %eq3A_360 : vector<256x256xi1> to vector<256x256xi32>
    %convert_element_type3A_362 = arith.sitofp %convert_element_type3A_361 : vector<256x256xi32> to vector<256x256xf32>
    %convert_element_type3A_363 = arith.truncf %convert_element_type3A_362 : vector<256x256xf32> to vector<256x256xbf16>
    %swap3A_364 = arith.constant 0 : index
    %swap3A_365 = arith.constant 10240 : index
    %swap3A_366 = vector.load %arg11[%swap3A_364, %swap3A_365] : memref<256x32000xbf16, #tpu.memory_space<vmem>>, vector<256x256xbf16>
    tpu.vector_store %arg11[%swap3A_364, %swap3A_365], %convert_element_type3A_363 {strides = array<i32>} : memref<256x32000xbf16, #tpu.memory_space<vmem>>, vector<256x256xbf16>,
    %slice3A_367 = vector.extract_strided_slice %get3A_1 {offsets = [0, 41], sizes = [256, 1], strides = [1, 1]} : vector<256x125xi32> to vector<256x1xi32>
    %eq3A_368 = vector.broadcast %slice3A_367 : vector<256x1xi32> to vector<256x256xi32>
    %eq3A_369 = arith.cmpi eq, %eq3A_368, %iota3A : vector<256x256xi32>
    %convert_element_type3A_370 = arith.extui %eq3A_369 : vector<256x256xi1> to vector<256x256xi32>
    %convert_element_type3A_371 = arith.sitofp %convert_element_type3A_370 : vector<256x256xi32> to vector<256x256xf32>
    %convert_element_type3A_372 = arith.truncf %convert_element_type3A_371 : vector<256x256xf32> to vector<256x256xbf16>
    %swap3A_373 = arith.constant 0 : index
    %swap3A_374 = arith.constant 10496 : index
    %swap3A_375 = vector.load %arg11[%swap3A_373, %swap3A_374] : memref<256x32000xbf16, #tpu.memory_space<vmem>>, vector<256x256xbf16>
    tpu.vector_store %arg11[%swap3A_373, %swap3A_374], %convert_element_type3A_372 {strides = array<i32>} : memref<256x32000xbf16, #tpu.memory_space<vmem>>, vector<256x256xbf16>,
    %slice3A_376 = vector.extract_strided_slice %get3A_1 {offsets = [0, 42], sizes = [256, 1], strides = [1, 1]} : vector<256x125xi32> to vector<256x1xi32>
    %eq3A_377 = vector.broadcast %slice3A_376 : vector<256x1xi32> to vector<256x256xi32>
    %eq3A_378 = arith.cmpi eq, %eq3A_377, %iota3A : vector<256x256xi32>
    %convert_element_type3A_379 = arith.extui %eq3A_378 : vector<256x256xi1> to vector<256x256xi32>
    %convert_element_type3A_380 = arith.sitofp %convert_element_type3A_379 : vector<256x256xi32> to vector<256x256xf32>
    %convert_element_type3A_381 = arith.truncf %convert_element_type3A_380 : vector<256x256xf32> to vector<256x256xbf16>
    %swap3A_382 = arith.constant 0 : index
    %swap3A_383 = arith.constant 10752 : index
    %swap3A_384 = vector.load %arg11[%swap3A_382, %swap3A_383] : memref<256x32000xbf16, #tpu.memory_space<vmem>>, vector<256x256xbf16>
    tpu.vector_store %arg11[%swap3A_382, %swap3A_383], %convert_element_type3A_381 {strides = array<i32>} : memref<256x32000xbf16, #tpu.memory_space<vmem>>, vector<256x256xbf16>,
    %slice3A_385 = vector.extract_strided_slice %get3A_1 {offsets = [0, 43], sizes = [256, 1], strides = [1, 1]} : vector<256x125xi32> to vector<256x1xi32>
    %eq3A_386 = vector.broadcast %slice3A_385 : vector<256x1xi32> to vector<256x256xi32>
    %eq3A_387 = arith.cmpi eq, %eq3A_386, %iota3A : vector<256x256xi32>
    %convert_element_type3A_388 = arith.extui %eq3A_387 : vector<256x256xi1> to vector<256x256xi32>
    %convert_element_type3A_389 = arith.sitofp %convert_element_type3A_388 : vector<256x256xi32> to vector<256x256xf32>
    %convert_element_type3A_390 = arith.truncf %convert_element_type3A_389 : vector<256x256xf32> to vector<256x256xbf16>
    %swap3A_391 = arith.constant 0 : index
    %swap3A_392 = arith.constant 11008 : index
    %swap3A_393 = vector.load %arg11[%swap3A_391, %swap3A_392] : memref<256x32000xbf16, #tpu.memory_space<vmem>>, vector<256x256xbf16>
    tpu.vector_store %arg11[%swap3A_391, %swap3A_392], %convert_element_type3A_390 {strides = array<i32>} : memref<256x32000xbf16, #tpu.memory_space<vmem>>, vector<256x256xbf16>,
    %slice3A_394 = vector.extract_strided_slice %get3A_1 {offsets = [0, 44], sizes = [256, 1], strides = [1, 1]} : vector<256x125xi32> to vector<256x1xi32>
    %eq3A_395 = vector.broadcast %slice3A_394 : vector<256x1xi32> to vector<256x256xi32>
    %eq3A_396 = arith.cmpi eq, %eq3A_395, %iota3A : vector<256x256xi32>
    %convert_element_type3A_397 = arith.extui %eq3A_396 : vector<256x256xi1> to vector<256x256xi32>
    %convert_element_type3A_398 = arith.sitofp %convert_element_type3A_397 : vector<256x256xi32> to vector<256x256xf32>
    %convert_element_type3A_399 = arith.truncf %convert_element_type3A_398 : vector<256x256xf32> to vector<256x256xbf16>
    %swap3A_400 = arith.constant 0 : index
    %swap3A_401 = arith.constant 11264 : index
    %swap3A_402 = vector.load %arg11[%swap3A_400, %swap3A_401] : memref<256x32000xbf16, #tpu.memory_space<vmem>>, vector<256x256xbf16>
    tpu.vector_store %arg11[%swap3A_400, %swap3A_401], %convert_element_type3A_399 {strides = array<i32>} : memref<256x32000xbf16, #tpu.memory_space<vmem>>, vector<256x256xbf16>,
    %slice3A_403 = vector.extract_strided_slice %get3A_1 {offsets = [0, 45], sizes = [256, 1], strides = [1, 1]} : vector<256x125xi32> to vector<256x1xi32>
    %eq3A_404 = vector.broadcast %slice3A_403 : vector<256x1xi32> to vector<256x256xi32>
    %eq3A_405 = arith.cmpi eq, %eq3A_404, %iota3A : vector<256x256xi32>
    %convert_element_type3A_406 = arith.extui %eq3A_405 : vector<256x256xi1> to vector<256x256xi32>
    %convert_element_type3A_407 = arith.sitofp %convert_element_type3A_406 : vector<256x256xi32> to vector<256x256xf32>
    %convert_element_type3A_408 = arith.truncf %convert_element_type3A_407 : vector<256x256xf32> to vector<256x256xbf16>
    %swap3A_409 = arith.constant 0 : index
    %swap3A_410 = arith.constant 11520 : index
    %swap3A_411 = vector.load %arg11[%swap3A_409, %swap3A_410] : memref<256x32000xbf16, #tpu.memory_space<vmem>>, vector<256x256xbf16>
    tpu.vector_store %arg11[%swap3A_409, %swap3A_410], %convert_element_type3A_408 {strides = array<i32>} : memref<256x32000xbf16, #tpu.memory_space<vmem>>, vector<256x256xbf16>,
    %slice3A_412 = vector.extract_strided_slice %get3A_1 {offsets = [0, 46], sizes = [256, 1], strides = [1, 1]} : vector<256x125xi32> to vector<256x1xi32>
    %eq3A_413 = vector.broadcast %slice3A_412 : vector<256x1xi32> to vector<256x256xi32>
    %eq3A_414 = arith.cmpi eq, %eq3A_413, %iota3A : vector<256x256xi32>
    %convert_element_type3A_415 = arith.extui %eq3A_414 : vector<256x256xi1> to vector<256x256xi32>
    %convert_element_type3A_416 = arith.sitofp %convert_element_type3A_415 : vector<256x256xi32> to vector<256x256xf32>
    %convert_element_type3A_417 = arith.truncf %convert_element_type3A_416 : vector<256x256xf32> to vector<256x256xbf16>
    %swap3A_418 = arith.constant 0 : index
    %swap3A_419 = arith.constant 11776 : index
    %swap3A_420 = vector.load %arg11[%swap3A_418, %swap3A_419] : memref<256x32000xbf16, #tpu.memory_space<vmem>>, vector<256x256xbf16>
    tpu.vector_store %arg11[%swap3A_418, %swap3A_419], %convert_element_type3A_417 {strides = array<i32>} : memref<256x32000xbf16, #tpu.memory_space<vmem>>, vector<256x256xbf16>,
    %slice3A_421 = vector.extract_strided_slice %get3A_1 {offsets = [0, 47], sizes = [256, 1], strides = [1, 1]} : vector<256x125xi32> to vector<256x1xi32>
    %eq3A_422 = vector.broadcast %slice3A_421 : vector<256x1xi32> to vector<256x256xi32>
    %eq3A_423 = arith.cmpi eq, %eq3A_422, %iota3A : vector<256x256xi32>
    %convert_element_type3A_424 = arith.extui %eq3A_423 : vector<256x256xi1> to vector<256x256xi32>
    %convert_element_type3A_425 = arith.sitofp %convert_element_type3A_424 : vector<256x256xi32> to vector<256x256xf32>
    %convert_element_type3A_426 = arith.truncf %convert_element_type3A_425 : vector<256x256xf32> to vector<256x256xbf16>
    %swap3A_427 = arith.constant 0 : index
    %swap3A_428 = arith.constant 12032 : index
    %swap3A_429 = vector.load %arg11[%swap3A_427, %swap3A_428] : memref<256x32000xbf16, #tpu.memory_space<vmem>>, vector<256x256xbf16>
    tpu.vector_store %arg11[%swap3A_427, %swap3A_428], %convert_element_type3A_426 {strides = array<i32>} : memref<256x32000xbf16, #tpu.memory_space<vmem>>, vector<256x256xbf16>,
    %slice3A_430 = vector.extract_strided_slice %get3A_1 {offsets = [0, 48], sizes = [256, 1], strides = [1, 1]} : vector<256x125xi32> to vector<256x1xi32>
    %eq3A_431 = vector.broadcast %slice3A_430 : vector<256x1xi32> to vector<256x256xi32>
    %eq3A_432 = arith.cmpi eq, %eq3A_431, %iota3A : vector<256x256xi32>
    %convert_element_type3A_433 = arith.extui %eq3A_432 : vector<256x256xi1> to vector<256x256xi32>
    %convert_element_type3A_434 = arith.sitofp %convert_element_type3A_433 : vector<256x256xi32> to vector<256x256xf32>
    %convert_element_type3A_435 = arith.truncf %convert_element_type3A_434 : vector<256x256xf32> to vector<256x256xbf16>
    %swap3A_436 = arith.constant 0 : index
    %swap3A_437 = arith.constant 12288 : index
    %swap3A_438 = vector.load %arg11[%swap3A_436, %swap3A_437] : memref<256x32000xbf16, #tpu.memory_space<vmem>>, vector<256x256xbf16>
    tpu.vector_store %arg11[%swap3A_436, %swap3A_437], %convert_element_type3A_435 {strides = array<i32>} : memref<256x32000xbf16, #tpu.memory_space<vmem>>, vector<256x256xbf16>,
    %slice3A_439 = vector.extract_strided_slice %get3A_1 {offsets = [0, 49], sizes = [256, 1], strides = [1, 1]} : vector<256x125xi32> to vector<256x1xi32>
    %eq3A_440 = vector.broadcast %slice3A_439 : vector<256x1xi32> to vector<256x256xi32>
    %eq3A_441 = arith.cmpi eq, %eq3A_440, %iota3A : vector<256x256xi32>
    %convert_element_type3A_442 = arith.extui %eq3A_441 : vector<256x256xi1> to vector<256x256xi32>
    %convert_element_type3A_443 = arith.sitofp %convert_element_type3A_442 : vector<256x256xi32> to vector<256x256xf32>
    %convert_element_type3A_444 = arith.truncf %convert_element_type3A_443 : vector<256x256xf32> to vector<256x256xbf16>
    %swap3A_445 = arith.constant 0 : index
    %swap3A_446 = arith.constant 12544 : index
    %swap3A_447 = vector.load %arg11[%swap3A_445, %swap3A_446] : memref<256x32000xbf16, #tpu.memory_space<vmem>>, vector<256x256xbf16>
    tpu.vector_store %arg11[%swap3A_445, %swap3A_446], %convert_element_type3A_444 {strides = array<i32>} : memref<256x32000xbf16, #tpu.memory_space<vmem>>, vector<256x256xbf16>,
    %slice3A_448 = vector.extract_strided_slice %get3A_1 {offsets = [0, 50], sizes = [256, 1], strides = [1, 1]} : vector<256x125xi32> to vector<256x1xi32>
    %eq3A_449 = vector.broadcast %slice3A_448 : vector<256x1xi32> to vector<256x256xi32>
    %eq3A_450 = arith.cmpi eq, %eq3A_449, %iota3A : vector<256x256xi32>
    %convert_element_type3A_451 = arith.extui %eq3A_450 : vector<256x256xi1> to vector<256x256xi32>
    %convert_element_type3A_452 = arith.sitofp %convert_element_type3A_451 : vector<256x256xi32> to vector<256x256xf32>
    %convert_element_type3A_453 = arith.truncf %convert_element_type3A_452 : vector<256x256xf32> to vector<256x256xbf16>
    %swap3A_454 = arith.constant 0 : index
    %swap3A_455 = arith.constant 12800 : index
    %swap3A_456 = vector.load %arg11[%swap3A_454, %swap3A_455] : memref<256x32000xbf16, #tpu.memory_space<vmem>>, vector<256x256xbf16>
    tpu.vector_store %arg11[%swap3A_454, %swap3A_455], %convert_element_type3A_453 {strides = array<i32>} : memref<256x32000xbf16, #tpu.memory_space<vmem>>, vector<256x256xbf16>,
    %slice3A_457 = vector.extract_strided_slice %get3A_1 {offsets = [0, 51], sizes = [256, 1], strides = [1, 1]} : vector<256x125xi32> to vector<256x1xi32>
    %eq3A_458 = vector.broadcast %slice3A_457 : vector<256x1xi32> to vector<256x256xi32>
    %eq3A_459 = arith.cmpi eq, %eq3A_458, %iota3A : vector<256x256xi32>
    %convert_element_type3A_460 = arith.extui %eq3A_459 : vector<256x256xi1> to vector<256x256xi32>
    %convert_element_type3A_461 = arith.sitofp %convert_element_type3A_460 : vector<256x256xi32> to vector<256x256xf32>
    %convert_element_type3A_462 = arith.truncf %convert_element_type3A_461 : vector<256x256xf32> to vector<256x256xbf16>
    %swap3A_463 = arith.constant 0 : index
    %swap3A_464 = arith.constant 13056 : index
    %swap3A_465 = vector.load %arg11[%swap3A_463, %swap3A_464] : memref<256x32000xbf16, #tpu.memory_space<vmem>>, vector<256x256xbf16>
    tpu.vector_store %arg11[%swap3A_463, %swap3A_464], %convert_element_type3A_462 {strides = array<i32>} : memref<256x32000xbf16, #tpu.memory_space<vmem>>, vector<256x256xbf16>,
    %slice3A_466 = vector.extract_strided_slice %get3A_1 {offsets = [0, 52], sizes = [256, 1], strides = [1, 1]} : vector<256x125xi32> to vector<256x1xi32>
    %eq3A_467 = vector.broadcast %slice3A_466 : vector<256x1xi32> to vector<256x256xi32>
    %eq3A_468 = arith.cmpi eq, %eq3A_467, %iota3A : vector<256x256xi32>
    %convert_element_type3A_469 = arith.extui %eq3A_468 : vector<256x256xi1> to vector<256x256xi32>
    %convert_element_type3A_470 = arith.sitofp %convert_element_type3A_469 : vector<256x256xi32> to vector<256x256xf32>
    %convert_element_type3A_471 = arith.truncf %convert_element_type3A_470 : vector<256x256xf32> to vector<256x256xbf16>
    %swap3A_472 = arith.constant 0 : index
    %swap3A_473 = arith.constant 13312 : index
    %swap3A_474 = vector.load %arg11[%swap3A_472, %swap3A_473] : memref<256x32000xbf16, #tpu.memory_space<vmem>>, vector<256x256xbf16>
    tpu.vector_store %arg11[%swap3A_472, %swap3A_473], %convert_element_type3A_471 {strides = array<i32>} : memref<256x32000xbf16, #tpu.memory_space<vmem>>, vector<256x256xbf16>,
    %slice3A_475 = vector.extract_strided_slice %get3A_1 {offsets = [0, 53], sizes = [256, 1], strides = [1, 1]} : vector<256x125xi32> to vector<256x1xi32>
    %eq3A_476 = vector.broadcast %slice3A_475 : vector<256x1xi32> to vector<256x256xi32>
    %eq3A_477 = arith.cmpi eq, %eq3A_476, %iota3A : vector<256x256xi32>
    %convert_element_type3A_478 = arith.extui %eq3A_477 : vector<256x256xi1> to vector<256x256xi32>
    %convert_element_type3A_479 = arith.sitofp %convert_element_type3A_478 : vector<256x256xi32> to vector<256x256xf32>
    %convert_element_type3A_480 = arith.truncf %convert_element_type3A_479 : vector<256x256xf32> to vector<256x256xbf16>
    %swap3A_481 = arith.constant 0 : index
    %swap3A_482 = arith.constant 13568 : index
    %swap3A_483 = vector.load %arg11[%swap3A_481, %swap3A_482] : memref<256x32000xbf16, #tpu.memory_space<vmem>>, vector<256x256xbf16>
    tpu.vector_store %arg11[%swap3A_481, %swap3A_482], %convert_element_type3A_480 {strides = array<i32>} : memref<256x32000xbf16, #tpu.memory_space<vmem>>, vector<256x256xbf16>,
    %slice3A_484 = vector.extract_strided_slice %get3A_1 {offsets = [0, 54], sizes = [256, 1], strides = [1, 1]} : vector<256x125xi32> to vector<256x1xi32>
    %eq3A_485 = vector.broadcast %slice3A_484 : vector<256x1xi32> to vector<256x256xi32>
    %eq3A_486 = arith.cmpi eq, %eq3A_485, %iota3A : vector<256x256xi32>
    %convert_element_type3A_487 = arith.extui %eq3A_486 : vector<256x256xi1> to vector<256x256xi32>
    %convert_element_type3A_488 = arith.sitofp %convert_element_type3A_487 : vector<256x256xi32> to vector<256x256xf32>
    %convert_element_type3A_489 = arith.truncf %convert_element_type3A_488 : vector<256x256xf32> to vector<256x256xbf16>
    %swap3A_490 = arith.constant 0 : index
    %swap3A_491 = arith.constant 13824 : index
    %swap3A_492 = vector.load %arg11[%swap3A_490, %swap3A_491] : memref<256x32000xbf16, #tpu.memory_space<vmem>>, vector<256x256xbf16>
    tpu.vector_store %arg11[%swap3A_490, %swap3A_491], %convert_element_type3A_489 {strides = array<i32>} : memref<256x32000xbf16, #tpu.memory_space<vmem>>, vector<256x256xbf16>,
    %slice3A_493 = vector.extract_strided_slice %get3A_1 {offsets = [0, 55], sizes = [256, 1], strides = [1, 1]} : vector<256x125xi32> to vector<256x1xi32>
    %eq3A_494 = vector.broadcast %slice3A_493 : vector<256x1xi32> to vector<256x256xi32>
    %eq3A_495 = arith.cmpi eq, %eq3A_494, %iota3A : vector<256x256xi32>
    %convert_element_type3A_496 = arith.extui %eq3A_495 : vector<256x256xi1> to vector<256x256xi32>
    %convert_element_type3A_497 = arith.sitofp %convert_element_type3A_496 : vector<256x256xi32> to vector<256x256xf32>
    %convert_element_type3A_498 = arith.truncf %convert_element_type3A_497 : vector<256x256xf32> to vector<256x256xbf16>
    %swap3A_499 = arith.constant 0 : index
    %swap3A_500 = arith.constant 14080 : index
    %swap3A_501 = vector.load %arg11[%swap3A_499, %swap3A_500] : memref<256x32000xbf16, #tpu.memory_space<vmem>>, vector<256x256xbf16>
    tpu.vector_store %arg11[%swap3A_499, %swap3A_500], %convert_element_type3A_498 {strides = array<i32>} : memref<256x32000xbf16, #tpu.memory_space<vmem>>, vector<256x256xbf16>,
    %slice3A_502 = vector.extract_strided_slice %get3A_1 {offsets = [0, 56], sizes = [256, 1], strides = [1, 1]} : vector<256x125xi32> to vector<256x1xi32>
    %eq3A_503 = vector.broadcast %slice3A_502 : vector<256x1xi32> to vector<256x256xi32>
    %eq3A_504 = arith.cmpi eq, %eq3A_503, %iota3A : vector<256x256xi32>
    %convert_element_type3A_505 = arith.extui %eq3A_504 : vector<256x256xi1> to vector<256x256xi32>
    %convert_element_type3A_506 = arith.sitofp %convert_element_type3A_505 : vector<256x256xi32> to vector<256x256xf32>
    %convert_element_type3A_507 = arith.truncf %convert_element_type3A_506 : vector<256x256xf32> to vector<256x256xbf16>
    %swap3A_508 = arith.constant 0 : index
    %swap3A_509 = arith.constant 14336 : index
    %swap3A_510 = vector.load %arg11[%swap3A_508, %swap3A_509] : memref<256x32000xbf16, #tpu.memory_space<vmem>>, vector<256x256xbf16>
    tpu.vector_store %arg11[%swap3A_508, %swap3A_509], %convert_element_type3A_507 {strides = array<i32>} : memref<256x32000xbf16, #tpu.memory_space<vmem>>, vector<256x256xbf16>,
    %slice3A_511 = vector.extract_strided_slice %get3A_1 {offsets = [0, 57], sizes = [256, 1], strides = [1, 1]} : vector<256x125xi32> to vector<256x1xi32>
    %eq3A_512 = vector.broadcast %slice3A_511 : vector<256x1xi32> to vector<256x256xi32>
    %eq3A_513 = arith.cmpi eq, %eq3A_512, %iota3A : vector<256x256xi32>
    %convert_element_type3A_514 = arith.extui %eq3A_513 : vector<256x256xi1> to vector<256x256xi32>
    %convert_element_type3A_515 = arith.sitofp %convert_element_type3A_514 : vector<256x256xi32> to vector<256x256xf32>
    %convert_element_type3A_516 = arith.truncf %convert_element_type3A_515 : vector<256x256xf32> to vector<256x256xbf16>
    %swap3A_517 = arith.constant 0 : index
    %swap3A_518 = arith.constant 14592 : index
    %swap3A_519 = vector.load %arg11[%swap3A_517, %swap3A_518] : memref<256x32000xbf16, #tpu.memory_space<vmem>>, vector<256x256xbf16>
    tpu.vector_store %arg11[%swap3A_517, %swap3A_518], %convert_element_type3A_516 {strides = array<i32>} : memref<256x32000xbf16, #tpu.memory_space<vmem>>, vector<256x256xbf16>,
    %slice3A_520 = vector.extract_strided_slice %get3A_1 {offsets = [0, 58], sizes = [256, 1], strides = [1, 1]} : vector<256x125xi32> to vector<256x1xi32>
    %eq3A_521 = vector.broadcast %slice3A_520 : vector<256x1xi32> to vector<256x256xi32>
    %eq3A_522 = arith.cmpi eq, %eq3A_521, %iota3A : vector<256x256xi32>
    %convert_element_type3A_523 = arith.extui %eq3A_522 : vector<256x256xi1> to vector<256x256xi32>
    %convert_element_type3A_524 = arith.sitofp %convert_element_type3A_523 : vector<256x256xi32> to vector<256x256xf32>
    %convert_element_type3A_525 = arith.truncf %convert_element_type3A_524 : vector<256x256xf32> to vector<256x256xbf16>
    %swap3A_526 = arith.constant 0 : index
    %swap3A_527 = arith.constant 14848 : index
    %swap3A_528 = vector.load %arg11[%swap3A_526, %swap3A_527] : memref<256x32000xbf16, #tpu.memory_space<vmem>>, vector<256x256xbf16>
    tpu.vector_store %arg11[%swap3A_526, %swap3A_527], %convert_element_type3A_525 {strides = array<i32>} : memref<256x32000xbf16, #tpu.memory_space<vmem>>, vector<256x256xbf16>,
    %slice3A_529 = vector.extract_strided_slice %get3A_1 {offsets = [0, 59], sizes = [256, 1], strides = [1, 1]} : vector<256x125xi32> to vector<256x1xi32>
    %eq3A_530 = vector.broadcast %slice3A_529 : vector<256x1xi32> to vector<256x256xi32>
    %eq3A_531 = arith.cmpi eq, %eq3A_530, %iota3A : vector<256x256xi32>
    %convert_element_type3A_532 = arith.extui %eq3A_531 : vector<256x256xi1> to vector<256x256xi32>
    %convert_element_type3A_533 = arith.sitofp %convert_element_type3A_532 : vector<256x256xi32> to vector<256x256xf32>
    %convert_element_type3A_534 = arith.truncf %convert_element_type3A_533 : vector<256x256xf32> to vector<256x256xbf16>
    %swap3A_535 = arith.constant 0 : index
    %swap3A_536 = arith.constant 15104 : index
    %swap3A_537 = vector.load %arg11[%swap3A_535, %swap3A_536] : memref<256x32000xbf16, #tpu.memory_space<vmem>>, vector<256x256xbf16>
    tpu.vector_store %arg11[%swap3A_535, %swap3A_536], %convert_element_type3A_534 {strides = array<i32>} : memref<256x32000xbf16, #tpu.memory_space<vmem>>, vector<256x256xbf16>,
    %slice3A_538 = vector.extract_strided_slice %get3A_1 {offsets = [0, 60], sizes = [256, 1], strides = [1, 1]} : vector<256x125xi32> to vector<256x1xi32>
    %eq3A_539 = vector.broadcast %slice3A_538 : vector<256x1xi32> to vector<256x256xi32>
    %eq3A_540 = arith.cmpi eq, %eq3A_539, %iota3A : vector<256x256xi32>
    %convert_element_type3A_541 = arith.extui %eq3A_540 : vector<256x256xi1> to vector<256x256xi32>
    %convert_element_type3A_542 = arith.sitofp %convert_element_type3A_541 : vector<256x256xi32> to vector<256x256xf32>
    %convert_element_type3A_543 = arith.truncf %convert_element_type3A_542 : vector<256x256xf32> to vector<256x256xbf16>
    %swap3A_544 = arith.constant 0 : index
    %swap3A_545 = arith.constant 15360 : index
    %swap3A_546 = vector.load %arg11[%swap3A_544, %swap3A_545] : memref<256x32000xbf16, #tpu.memory_space<vmem>>, vector<256x256xbf16>
    tpu.vector_store %arg11[%swap3A_544, %swap3A_545], %convert_element_type3A_543 {strides = array<i32>} : memref<256x32000xbf16, #tpu.memory_space<vmem>>, vector<256x256xbf16>,
    %slice3A_547 = vector.extract_strided_slice %get3A_1 {offsets = [0, 61], sizes = [256, 1], strides = [1, 1]} : vector<256x125xi32> to vector<256x1xi32>
    %eq3A_548 = vector.broadcast %slice3A_547 : vector<256x1xi32> to vector<256x256xi32>
    %eq3A_549 = arith.cmpi eq, %eq3A_548, %iota3A : vector<256x256xi32>
    %convert_element_type3A_550 = arith.extui %eq3A_549 : vector<256x256xi1> to vector<256x256xi32>
    %convert_element_type3A_551 = arith.sitofp %convert_element_type3A_550 : vector<256x256xi32> to vector<256x256xf32>
    %convert_element_type3A_552 = arith.truncf %convert_element_type3A_551 : vector<256x256xf32> to vector<256x256xbf16>
    %swap3A_553 = arith.constant 0 : index
    %swap3A_554 = arith.constant 15616 : index
    %swap3A_555 = vector.load %arg11[%swap3A_553, %swap3A_554] : memref<256x32000xbf16, #tpu.memory_space<vmem>>, vector<256x256xbf16>
    tpu.vector_store %arg11[%swap3A_553, %swap3A_554], %convert_element_type3A_552 {strides = array<i32>} : memref<256x32000xbf16, #tpu.memory_space<vmem>>, vector<256x256xbf16>,
    %slice3A_556 = vector.extract_strided_slice %get3A_1 {offsets = [0, 62], sizes = [256, 1], strides = [1, 1]} : vector<256x125xi32> to vector<256x1xi32>
    %eq3A_557 = vector.broadcast %slice3A_556 : vector<256x1xi32> to vector<256x256xi32>
    %eq3A_558 = arith.cmpi eq, %eq3A_557, %iota3A : vector<256x256xi32>
    %convert_element_type3A_559 = arith.extui %eq3A_558 : vector<256x256xi1> to vector<256x256xi32>
    %convert_element_type3A_560 = arith.sitofp %convert_element_type3A_559 : vector<256x256xi32> to vector<256x256xf32>
    %convert_element_type3A_561 = arith.truncf %convert_element_type3A_560 : vector<256x256xf32> to vector<256x256xbf16>
    %swap3A_562 = arith.constant 0 : index
    %swap3A_563 = arith.constant 15872 : index
    %swap3A_564 = vector.load %arg11[%swap3A_562, %swap3A_563] : memref<256x32000xbf16, #tpu.memory_space<vmem>>, vector<256x256xbf16>
    tpu.vector_store %arg11[%swap3A_562, %swap3A_563], %convert_element_type3A_561 {strides = array<i32>} : memref<256x32000xbf16, #tpu.memory_space<vmem>>, vector<256x256xbf16>,
    %slice3A_565 = vector.extract_strided_slice %get3A_1 {offsets = [0, 63], sizes = [256, 1], strides = [1, 1]} : vector<256x125xi32> to vector<256x1xi32>
    %eq3A_566 = vector.broadcast %slice3A_565 : vector<256x1xi32> to vector<256x256xi32>
    %eq3A_567 = arith.cmpi eq, %eq3A_566, %iota3A : vector<256x256xi32>
    %convert_element_type3A_568 = arith.extui %eq3A_567 : vector<256x256xi1> to vector<256x256xi32>
    %convert_element_type3A_569 = arith.sitofp %convert_element_type3A_568 : vector<256x256xi32> to vector<256x256xf32>
    %convert_element_type3A_570 = arith.truncf %convert_element_type3A_569 : vector<256x256xf32> to vector<256x256xbf16>
    %swap3A_571 = arith.constant 0 : index
    %swap3A_572 = arith.constant 16128 : index
    %swap3A_573 = vector.load %arg11[%swap3A_571, %swap3A_572] : memref<256x32000xbf16, #tpu.memory_space<vmem>>, vector<256x256xbf16>
    tpu.vector_store %arg11[%swap3A_571, %swap3A_572], %convert_element_type3A_570 {strides = array<i32>} : memref<256x32000xbf16, #tpu.memory_space<vmem>>, vector<256x256xbf16>,
    %slice3A_574 = vector.extract_strided_slice %get3A_1 {offsets = [0, 64], sizes = [256, 1], strides = [1, 1]} : vector<256x125xi32> to vector<256x1xi32>
    %eq3A_575 = vector.broadcast %slice3A_574 : vector<256x1xi32> to vector<256x256xi32>
    %eq3A_576 = arith.cmpi eq, %eq3A_575, %iota3A : vector<256x256xi32>
    %convert_element_type3A_577 = arith.extui %eq3A_576 : vector<256x256xi1> to vector<256x256xi32>
    %convert_element_type3A_578 = arith.sitofp %convert_element_type3A_577 : vector<256x256xi32> to vector<256x256xf32>
    %convert_element_type3A_579 = arith.truncf %convert_element_type3A_578 : vector<256x256xf32> to vector<256x256xbf16>
    %swap3A_580 = arith.constant 0 : index
    %swap3A_581 = arith.constant 16384 : index
    %swap3A_582 = vector.load %arg11[%swap3A_580, %swap3A_581] : memref<256x32000xbf16, #tpu.memory_space<vmem>>, vector<256x256xbf16>
    tpu.vector_store %arg11[%swap3A_580, %swap3A_581], %convert_element_type3A_579 {strides = array<i32>} : memref<256x32000xbf16, #tpu.memory_space<vmem>>, vector<256x256xbf16>,
    %slice3A_583 = vector.extract_strided_slice %get3A_1 {offsets = [0, 65], sizes = [256, 1], strides = [1, 1]} : vector<256x125xi32> to vector<256x1xi32>
    %eq3A_584 = vector.broadcast %slice3A_583 : vector<256x1xi32> to vector<256x256xi32>
    %eq3A_585 = arith.cmpi eq, %eq3A_584, %iota3A : vector<256x256xi32>
    %convert_element_type3A_586 = arith.extui %eq3A_585 : vector<256x256xi1> to vector<256x256xi32>
    %convert_element_type3A_587 = arith.sitofp %convert_element_type3A_586 : vector<256x256xi32> to vector<256x256xf32>
    %convert_element_type3A_588 = arith.truncf %convert_element_type3A_587 : vector<256x256xf32> to vector<256x256xbf16>
    %swap3A_589 = arith.constant 0 : index
    %swap3A_590 = arith.constant 16640 : index
    %swap3A_591 = vector.load %arg11[%swap3A_589, %swap3A_590] : memref<256x32000xbf16, #tpu.memory_space<vmem>>, vector<256x256xbf16>
    tpu.vector_store %arg11[%swap3A_589, %swap3A_590], %convert_element_type3A_588 {strides = array<i32>} : memref<256x32000xbf16, #tpu.memory_space<vmem>>, vector<256x256xbf16>,
    %slice3A_592 = vector.extract_strided_slice %get3A_1 {offsets = [0, 66], sizes = [256, 1], strides = [1, 1]} : vector<256x125xi32> to vector<256x1xi32>
    %eq3A_593 = vector.broadcast %slice3A_592 : vector<256x1xi32> to vector<256x256xi32>
    %eq3A_594 = arith.cmpi eq, %eq3A_593, %iota3A : vector<256x256xi32>
    %convert_element_type3A_595 = arith.extui %eq3A_594 : vector<256x256xi1> to vector<256x256xi32>
    %convert_element_type3A_596 = arith.sitofp %convert_element_type3A_595 : vector<256x256xi32> to vector<256x256xf32>
    %convert_element_type3A_597 = arith.truncf %convert_element_type3A_596 : vector<256x256xf32> to vector<256x256xbf16>
    %swap3A_598 = arith.constant 0 : index
    %swap3A_599 = arith.constant 16896 : index
    %swap3A_600 = vector.load %arg11[%swap3A_598, %swap3A_599] : memref<256x32000xbf16, #tpu.memory_space<vmem>>, vector<256x256xbf16>
    tpu.vector_store %arg11[%swap3A_598, %swap3A_599], %convert_element_type3A_597 {strides = array<i32>} : memref<256x32000xbf16, #tpu.memory_space<vmem>>, vector<256x256xbf16>,
    %slice3A_601 = vector.extract_strided_slice %get3A_1 {offsets = [0, 67], sizes = [256, 1], strides = [1, 1]} : vector<256x125xi32> to vector<256x1xi32>
    %eq3A_602 = vector.broadcast %slice3A_601 : vector<256x1xi32> to vector<256x256xi32>
    %eq3A_603 = arith.cmpi eq, %eq3A_602, %iota3A : vector<256x256xi32>
    %convert_element_type3A_604 = arith.extui %eq3A_603 : vector<256x256xi1> to vector<256x256xi32>
    %convert_element_type3A_605 = arith.sitofp %convert_element_type3A_604 : vector<256x256xi32> to vector<256x256xf32>
    %convert_element_type3A_606 = arith.truncf %convert_element_type3A_605 : vector<256x256xf32> to vector<256x256xbf16>
    %swap3A_607 = arith.constant 0 : index
    %swap3A_608 = arith.constant 17152 : index
    %swap3A_609 = vector.load %arg11[%swap3A_607, %swap3A_608] : memref<256x32000xbf16, #tpu.memory_space<vmem>>, vector<256x256xbf16>
    tpu.vector_store %arg11[%swap3A_607, %swap3A_608], %convert_element_type3A_606 {strides = array<i32>} : memref<256x32000xbf16, #tpu.memory_space<vmem>>, vector<256x256xbf16>,
    %slice3A_610 = vector.extract_strided_slice %get3A_1 {offsets = [0, 68], sizes = [256, 1], strides = [1, 1]} : vector<256x125xi32> to vector<256x1xi32>
    %eq3A_611 = vector.broadcast %slice3A_610 : vector<256x1xi32> to vector<256x256xi32>
    %eq3A_612 = arith.cmpi eq, %eq3A_611, %iota3A : vector<256x256xi32>
    %convert_element_type3A_613 = arith.extui %eq3A_612 : vector<256x256xi1> to vector<256x256xi32>
    %convert_element_type3A_614 = arith.sitofp %convert_element_type3A_613 : vector<256x256xi32> to vector<256x256xf32>
    %convert_element_type3A_615 = arith.truncf %convert_element_type3A_614 : vector<256x256xf32> to vector<256x256xbf16>
    %swap3A_616 = arith.constant 0 : index
    %swap3A_617 = arith.constant 17408 : index
    %swap3A_618 = vector.load %arg11[%swap3A_616, %swap3A_617] : memref<256x32000xbf16, #tpu.memory_space<vmem>>, vector<256x256xbf16>
    tpu.vector_store %arg11[%swap3A_616, %swap3A_617], %convert_element_type3A_615 {strides = array<i32>} : memref<256x32000xbf16, #tpu.memory_space<vmem>>, vector<256x256xbf16>,
    %slice3A_619 = vector.extract_strided_slice %get3A_1 {offsets = [0, 69], sizes = [256, 1], strides = [1, 1]} : vector<256x125xi32> to vector<256x1xi32>
    %eq3A_620 = vector.broadcast %slice3A_619 : vector<256x1xi32> to vector<256x256xi32>
    %eq3A_621 = arith.cmpi eq, %eq3A_620, %iota3A : vector<256x256xi32>
    %convert_element_type3A_622 = arith.extui %eq3A_621 : vector<256x256xi1> to vector<256x256xi32>
    %convert_element_type3A_623 = arith.sitofp %convert_element_type3A_622 : vector<256x256xi32> to vector<256x256xf32>
    %convert_element_type3A_624 = arith.truncf %convert_element_type3A_623 : vector<256x256xf32> to vector<256x256xbf16>
    %swap3A_625 = arith.constant 0 : index
    %swap3A_626 = arith.constant 17664 : index
    %swap3A_627 = vector.load %arg11[%swap3A_625, %swap3A_626] : memref<256x32000xbf16, #tpu.memory_space<vmem>>, vector<256x256xbf16>
    tpu.vector_store %arg11[%swap3A_625, %swap3A_626], %convert_element_type3A_624 {strides = array<i32>} : memref<256x32000xbf16, #tpu.memory_space<vmem>>, vector<256x256xbf16>,
    %slice3A_628 = vector.extract_strided_slice %get3A_1 {offsets = [0, 70], sizes = [256, 1], strides = [1, 1]} : vector<256x125xi32> to vector<256x1xi32>
    %eq3A_629 = vector.broadcast %slice3A_628 : vector<256x1xi32> to vector<256x256xi32>
    %eq3A_630 = arith.cmpi eq, %eq3A_629, %iota3A : vector<256x256xi32>
    %convert_element_type3A_631 = arith.extui %eq3A_630 : vector<256x256xi1> to vector<256x256xi32>
    %convert_element_type3A_632 = arith.sitofp %convert_element_type3A_631 : vector<256x256xi32> to vector<256x256xf32>
    %convert_element_type3A_633 = arith.truncf %convert_element_type3A_632 : vector<256x256xf32> to vector<256x256xbf16>
    %swap3A_634 = arith.constant 0 : index
    %swap3A_635 = arith.constant 17920 : index
    %swap3A_636 = vector.load %arg11[%swap3A_634, %swap3A_635] : memref<256x32000xbf16, #tpu.memory_space<vmem>>, vector<256x256xbf16>
    tpu.vector_store %arg11[%swap3A_634, %swap3A_635], %convert_element_type3A_633 {strides = array<i32>} : memref<256x32000xbf16, #tpu.memory_space<vmem>>, vector<256x256xbf16>,
    %slice3A_637 = vector.extract_strided_slice %get3A_1 {offsets = [0, 71], sizes = [256, 1], strides = [1, 1]} : vector<256x125xi32> to vector<256x1xi32>
    %eq3A_638 = vector.broadcast %slice3A_637 : vector<256x1xi32> to vector<256x256xi32>
    %eq3A_639 = arith.cmpi eq, %eq3A_638, %iota3A : vector<256x256xi32>
    %convert_element_type3A_640 = arith.extui %eq3A_639 : vector<256x256xi1> to vector<256x256xi32>
    %convert_element_type3A_641 = arith.sitofp %convert_element_type3A_640 : vector<256x256xi32> to vector<256x256xf32>
    %convert_element_type3A_642 = arith.truncf %convert_element_type3A_641 : vector<256x256xf32> to vector<256x256xbf16>
    %swap3A_643 = arith.constant 0 : index
    %swap3A_644 = arith.constant 18176 : index
    %swap3A_645 = vector.load %arg11[%swap3A_643, %swap3A_644] : memref<256x32000xbf16, #tpu.memory_space<vmem>>, vector<256x256xbf16>
    tpu.vector_store %arg11[%swap3A_643, %swap3A_644], %convert_element_type3A_642 {strides = array<i32>} : memref<256x32000xbf16, #tpu.memory_space<vmem>>, vector<256x256xbf16>,
    %slice3A_646 = vector.extract_strided_slice %get3A_1 {offsets = [0, 72], sizes = [256, 1], strides = [1, 1]} : vector<256x125xi32> to vector<256x1xi32>
    %eq3A_647 = vector.broadcast %slice3A_646 : vector<256x1xi32> to vector<256x256xi32>
    %eq3A_648 = arith.cmpi eq, %eq3A_647, %iota3A : vector<256x256xi32>
    %convert_element_type3A_649 = arith.extui %eq3A_648 : vector<256x256xi1> to vector<256x256xi32>
    %convert_element_type3A_650 = arith.sitofp %convert_element_type3A_649 : vector<256x256xi32> to vector<256x256xf32>
    %convert_element_type3A_651 = arith.truncf %convert_element_type3A_650 : vector<256x256xf32> to vector<256x256xbf16>
    %swap3A_652 = arith.constant 0 : index
    %swap3A_653 = arith.constant 18432 : index
    %swap3A_654 = vector.load %arg11[%swap3A_652, %swap3A_653] : memref<256x32000xbf16, #tpu.memory_space<vmem>>, vector<256x256xbf16>
    tpu.vector_store %arg11[%swap3A_652, %swap3A_653], %convert_element_type3A_651 {strides = array<i32>} : memref<256x32000xbf16, #tpu.memory_space<vmem>>, vector<256x256xbf16>,
    %slice3A_655 = vector.extract_strided_slice %get3A_1 {offsets = [0, 73], sizes = [256, 1], strides = [1, 1]} : vector<256x125xi32> to vector<256x1xi32>
    %eq3A_656 = vector.broadcast %slice3A_655 : vector<256x1xi32> to vector<256x256xi32>
    %eq3A_657 = arith.cmpi eq, %eq3A_656, %iota3A : vector<256x256xi32>
    %convert_element_type3A_658 = arith.extui %eq3A_657 : vector<256x256xi1> to vector<256x256xi32>
    %convert_element_type3A_659 = arith.sitofp %convert_element_type3A_658 : vector<256x256xi32> to vector<256x256xf32>
    %convert_element_type3A_660 = arith.truncf %convert_element_type3A_659 : vector<256x256xf32> to vector<256x256xbf16>
    %swap3A_661 = arith.constant 0 : index
    %swap3A_662 = arith.constant 18688 : index
    %swap3A_663 = vector.load %arg11[%swap3A_661, %swap3A_662] : memref<256x32000xbf16, #tpu.memory_space<vmem>>, vector<256x256xbf16>
    tpu.vector_store %arg11[%swap3A_661, %swap3A_662], %convert_element_type3A_660 {strides = array<i32>} : memref<256x32000xbf16, #tpu.memory_space<vmem>>, vector<256x256xbf16>,
    %slice3A_664 = vector.extract_strided_slice %get3A_1 {offsets = [0, 74], sizes = [256, 1], strides = [1, 1]} : vector<256x125xi32> to vector<256x1xi32>
    %eq3A_665 = vector.broadcast %slice3A_664 : vector<256x1xi32> to vector<256x256xi32>
    %eq3A_666 = arith.cmpi eq, %eq3A_665, %iota3A : vector<256x256xi32>
    %convert_element_type3A_667 = arith.extui %eq3A_666 : vector<256x256xi1> to vector<256x256xi32>
    %convert_element_type3A_668 = arith.sitofp %convert_element_type3A_667 : vector<256x256xi32> to vector<256x256xf32>
    %convert_element_type3A_669 = arith.truncf %convert_element_type3A_668 : vector<256x256xf32> to vector<256x256xbf16>
    %swap3A_670 = arith.constant 0 : index
    %swap3A_671 = arith.constant 18944 : index
    %swap3A_672 = vector.load %arg11[%swap3A_670, %swap3A_671] : memref<256x32000xbf16, #tpu.memory_space<vmem>>, vector<256x256xbf16>
    tpu.vector_store %arg11[%swap3A_670, %swap3A_671], %convert_element_type3A_669 {strides = array<i32>} : memref<256x32000xbf16, #tpu.memory_space<vmem>>, vector<256x256xbf16>,
    %slice3A_673 = vector.extract_strided_slice %get3A_1 {offsets = [0, 75], sizes = [256, 1], strides = [1, 1]} : vector<256x125xi32> to vector<256x1xi32>
    %eq3A_674 = vector.broadcast %slice3A_673 : vector<256x1xi32> to vector<256x256xi32>
    %eq3A_675 = arith.cmpi eq, %eq3A_674, %iota3A : vector<256x256xi32>
    %convert_element_type3A_676 = arith.extui %eq3A_675 : vector<256x256xi1> to vector<256x256xi32>
    %convert_element_type3A_677 = arith.sitofp %convert_element_type3A_676 : vector<256x256xi32> to vector<256x256xf32>
    %convert_element_type3A_678 = arith.truncf %convert_element_type3A_677 : vector<256x256xf32> to vector<256x256xbf16>
    %swap3A_679 = arith.constant 0 : index
    %swap3A_680 = arith.constant 19200 : index
    %swap3A_681 = vector.load %arg11[%swap3A_679, %swap3A_680] : memref<256x32000xbf16, #tpu.memory_space<vmem>>, vector<256x256xbf16>
    tpu.vector_store %arg11[%swap3A_679, %swap3A_680], %convert_element_type3A_678 {strides = array<i32>} : memref<256x32000xbf16, #tpu.memory_space<vmem>>, vector<256x256xbf16>,
    %slice3A_682 = vector.extract_strided_slice %get3A_1 {offsets = [0, 76], sizes = [256, 1], strides = [1, 1]} : vector<256x125xi32> to vector<256x1xi32>
    %eq3A_683 = vector.broadcast %slice3A_682 : vector<256x1xi32> to vector<256x256xi32>
    %eq3A_684 = arith.cmpi eq, %eq3A_683, %iota3A : vector<256x256xi32>
    %convert_element_type3A_685 = arith.extui %eq3A_684 : vector<256x256xi1> to vector<256x256xi32>
    %convert_element_type3A_686 = arith.sitofp %convert_element_type3A_685 : vector<256x256xi32> to vector<256x256xf32>
    %convert_element_type3A_687 = arith.truncf %convert_element_type3A_686 : vector<256x256xf32> to vector<256x256xbf16>
    %swap3A_688 = arith.constant 0 : index
    %swap3A_689 = arith.constant 19456 : index
    %swap3A_690 = vector.load %arg11[%swap3A_688, %swap3A_689] : memref<256x32000xbf16, #tpu.memory_space<vmem>>, vector<256x256xbf16>
    tpu.vector_store %arg11[%swap3A_688, %swap3A_689], %convert_element_type3A_687 {strides = array<i32>} : memref<256x32000xbf16, #tpu.memory_space<vmem>>, vector<256x256xbf16>,
    %slice3A_691 = vector.extract_strided_slice %get3A_1 {offsets = [0, 77], sizes = [256, 1], strides = [1, 1]} : vector<256x125xi32> to vector<256x1xi32>
    %eq3A_692 = vector.broadcast %slice3A_691 : vector<256x1xi32> to vector<256x256xi32>
    %eq3A_693 = arith.cmpi eq, %eq3A_692, %iota3A : vector<256x256xi32>
    %convert_element_type3A_694 = arith.extui %eq3A_693 : vector<256x256xi1> to vector<256x256xi32>
    %convert_element_type3A_695 = arith.sitofp %convert_element_type3A_694 : vector<256x256xi32> to vector<256x256xf32>
    %convert_element_type3A_696 = arith.truncf %convert_element_type3A_695 : vector<256x256xf32> to vector<256x256xbf16>
    %swap3A_697 = arith.constant 0 : index
    %swap3A_698 = arith.constant 19712 : index
    %swap3A_699 = vector.load %arg11[%swap3A_697, %swap3A_698] : memref<256x32000xbf16, #tpu.memory_space<vmem>>, vector<256x256xbf16>
    tpu.vector_store %arg11[%swap3A_697, %swap3A_698], %convert_element_type3A_696 {strides = array<i32>} : memref<256x32000xbf16, #tpu.memory_space<vmem>>, vector<256x256xbf16>,
    %slice3A_700 = vector.extract_strided_slice %get3A_1 {offsets = [0, 78], sizes = [256, 1], strides = [1, 1]} : vector<256x125xi32> to vector<256x1xi32>
    %eq3A_701 = vector.broadcast %slice3A_700 : vector<256x1xi32> to vector<256x256xi32>
    %eq3A_702 = arith.cmpi eq, %eq3A_701, %iota3A : vector<256x256xi32>
    %convert_element_type3A_703 = arith.extui %eq3A_702 : vector<256x256xi1> to vector<256x256xi32>
    %convert_element_type3A_704 = arith.sitofp %convert_element_type3A_703 : vector<256x256xi32> to vector<256x256xf32>
    %convert_element_type3A_705 = arith.truncf %convert_element_type3A_704 : vector<256x256xf32> to vector<256x256xbf16>
    %swap3A_706 = arith.constant 0 : index
    %swap3A_707 = arith.constant 19968 : index
    %swap3A_708 = vector.load %arg11[%swap3A_706, %swap3A_707] : memref<256x32000xbf16, #tpu.memory_space<vmem>>, vector<256x256xbf16>
    tpu.vector_store %arg11[%swap3A_706, %swap3A_707], %convert_element_type3A_705 {strides = array<i32>} : memref<256x32000xbf16, #tpu.memory_space<vmem>>, vector<256x256xbf16>,
    %slice3A_709 = vector.extract_strided_slice %get3A_1 {offsets = [0, 79], sizes = [256, 1], strides = [1, 1]} : vector<256x125xi32> to vector<256x1xi32>
    %eq3A_710 = vector.broadcast %slice3A_709 : vector<256x1xi32> to vector<256x256xi32>
    %eq3A_711 = arith.cmpi eq, %eq3A_710, %iota3A : vector<256x256xi32>
    %convert_element_type3A_712 = arith.extui %eq3A_711 : vector<256x256xi1> to vector<256x256xi32>
    %convert_element_type3A_713 = arith.sitofp %convert_element_type3A_712 : vector<256x256xi32> to vector<256x256xf32>
    %convert_element_type3A_714 = arith.truncf %convert_element_type3A_713 : vector<256x256xf32> to vector<256x256xbf16>
    %swap3A_715 = arith.constant 0 : index
    %swap3A_716 = arith.constant 20224 : index
    %swap3A_717 = vector.load %arg11[%swap3A_715, %swap3A_716] : memref<256x32000xbf16, #tpu.memory_space<vmem>>, vector<256x256xbf16>
    tpu.vector_store %arg11[%swap3A_715, %swap3A_716], %convert_element_type3A_714 {strides = array<i32>} : memref<256x32000xbf16, #tpu.memory_space<vmem>>, vector<256x256xbf16>,
    %slice3A_718 = vector.extract_strided_slice %get3A_1 {offsets = [0, 80], sizes = [256, 1], strides = [1, 1]} : vector<256x125xi32> to vector<256x1xi32>
    %eq3A_719 = vector.broadcast %slice3A_718 : vector<256x1xi32> to vector<256x256xi32>
    %eq3A_720 = arith.cmpi eq, %eq3A_719, %iota3A : vector<256x256xi32>
    %convert_element_type3A_721 = arith.extui %eq3A_720 : vector<256x256xi1> to vector<256x256xi32>
    %convert_element_type3A_722 = arith.sitofp %convert_element_type3A_721 : vector<256x256xi32> to vector<256x256xf32>
    %convert_element_type3A_723 = arith.truncf %convert_element_type3A_722 : vector<256x256xf32> to vector<256x256xbf16>
    %swap3A_724 = arith.constant 0 : index
    %swap3A_725 = arith.constant 20480 : index
    %swap3A_726 = vector.load %arg11[%swap3A_724, %swap3A_725] : memref<256x32000xbf16, #tpu.memory_space<vmem>>, vector<256x256xbf16>
    tpu.vector_store %arg11[%swap3A_724, %swap3A_725], %convert_element_type3A_723 {strides = array<i32>} : memref<256x32000xbf16, #tpu.memory_space<vmem>>, vector<256x256xbf16>,
    %slice3A_727 = vector.extract_strided_slice %get3A_1 {offsets = [0, 81], sizes = [256, 1], strides = [1, 1]} : vector<256x125xi32> to vector<256x1xi32>
    %eq3A_728 = vector.broadcast %slice3A_727 : vector<256x1xi32> to vector<256x256xi32>
    %eq3A_729 = arith.cmpi eq, %eq3A_728, %iota3A : vector<256x256xi32>
    %convert_element_type3A_730 = arith.extui %eq3A_729 : vector<256x256xi1> to vector<256x256xi32>
    %convert_element_type3A_731 = arith.sitofp %convert_element_type3A_730 : vector<256x256xi32> to vector<256x256xf32>
    %convert_element_type3A_732 = arith.truncf %convert_element_type3A_731 : vector<256x256xf32> to vector<256x256xbf16>
    %swap3A_733 = arith.constant 0 : index
    %swap3A_734 = arith.constant 20736 : index
    %swap3A_735 = vector.load %arg11[%swap3A_733, %swap3A_734] : memref<256x32000xbf16, #tpu.memory_space<vmem>>, vector<256x256xbf16>
    tpu.vector_store %arg11[%swap3A_733, %swap3A_734], %convert_element_type3A_732 {strides = array<i32>} : memref<256x32000xbf16, #tpu.memory_space<vmem>>, vector<256x256xbf16>,
    %slice3A_736 = vector.extract_strided_slice %get3A_1 {offsets = [0, 82], sizes = [256, 1], strides = [1, 1]} : vector<256x125xi32> to vector<256x1xi32>
    %eq3A_737 = vector.broadcast %slice3A_736 : vector<256x1xi32> to vector<256x256xi32>
    %eq3A_738 = arith.cmpi eq, %eq3A_737, %iota3A : vector<256x256xi32>
    %convert_element_type3A_739 = arith.extui %eq3A_738 : vector<256x256xi1> to vector<256x256xi32>
    %convert_element_type3A_740 = arith.sitofp %convert_element_type3A_739 : vector<256x256xi32> to vector<256x256xf32>
    %convert_element_type3A_741 = arith.truncf %convert_element_type3A_740 : vector<256x256xf32> to vector<256x256xbf16>
    %swap3A_742 = arith.constant 0 : index
    %swap3A_743 = arith.constant 20992 : index
    %swap3A_744 = vector.load %arg11[%swap3A_742, %swap3A_743] : memref<256x32000xbf16, #tpu.memory_space<vmem>>, vector<256x256xbf16>
    tpu.vector_store %arg11[%swap3A_742, %swap3A_743], %convert_element_type3A_741 {strides = array<i32>} : memref<256x32000xbf16, #tpu.memory_space<vmem>>, vector<256x256xbf16>,
    %slice3A_745 = vector.extract_strided_slice %get3A_1 {offsets = [0, 83], sizes = [256, 1], strides = [1, 1]} : vector<256x125xi32> to vector<256x1xi32>
    %eq3A_746 = vector.broadcast %slice3A_745 : vector<256x1xi32> to vector<256x256xi32>
    %eq3A_747 = arith.cmpi eq, %eq3A_746, %iota3A : vector<256x256xi32>
    %convert_element_type3A_748 = arith.extui %eq3A_747 : vector<256x256xi1> to vector<256x256xi32>
    %convert_element_type3A_749 = arith.sitofp %convert_element_type3A_748 : vector<256x256xi32> to vector<256x256xf32>
    %convert_element_type3A_750 = arith.truncf %convert_element_type3A_749 : vector<256x256xf32> to vector<256x256xbf16>
    %swap3A_751 = arith.constant 0 : index
    %swap3A_752 = arith.constant 21248 : index
    %swap3A_753 = vector.load %arg11[%swap3A_751, %swap3A_752] : memref<256x32000xbf16, #tpu.memory_space<vmem>>, vector<256x256xbf16>
    tpu.vector_store %arg11[%swap3A_751, %swap3A_752], %convert_element_type3A_750 {strides = array<i32>} : memref<256x32000xbf16, #tpu.memory_space<vmem>>, vector<256x256xbf16>,
    %slice3A_754 = vector.extract_strided_slice %get3A_1 {offsets = [0, 84], sizes = [256, 1], strides = [1, 1]} : vector<256x125xi32> to vector<256x1xi32>
    %eq3A_755 = vector.broadcast %slice3A_754 : vector<256x1xi32> to vector<256x256xi32>
    %eq3A_756 = arith.cmpi eq, %eq3A_755, %iota3A : vector<256x256xi32>
    %convert_element_type3A_757 = arith.extui %eq3A_756 : vector<256x256xi1> to vector<256x256xi32>
    %convert_element_type3A_758 = arith.sitofp %convert_element_type3A_757 : vector<256x256xi32> to vector<256x256xf32>
    %convert_element_type3A_759 = arith.truncf %convert_element_type3A_758 : vector<256x256xf32> to vector<256x256xbf16>
    %swap3A_760 = arith.constant 0 : index
    %swap3A_761 = arith.constant 21504 : index
    %swap3A_762 = vector.load %arg11[%swap3A_760, %swap3A_761] : memref<256x32000xbf16, #tpu.memory_space<vmem>>, vector<256x256xbf16>
    tpu.vector_store %arg11[%swap3A_760, %swap3A_761], %convert_element_type3A_759 {strides = array<i32>} : memref<256x32000xbf16, #tpu.memory_space<vmem>>, vector<256x256xbf16>,
    %slice3A_763 = vector.extract_strided_slice %get3A_1 {offsets = [0, 85], sizes = [256, 1], strides = [1, 1]} : vector<256x125xi32> to vector<256x1xi32>
    %eq3A_764 = vector.broadcast %slice3A_763 : vector<256x1xi32> to vector<256x256xi32>
    %eq3A_765 = arith.cmpi eq, %eq3A_764, %iota3A : vector<256x256xi32>
    %convert_element_type3A_766 = arith.extui %eq3A_765 : vector<256x256xi1> to vector<256x256xi32>
    %convert_element_type3A_767 = arith.sitofp %convert_element_type3A_766 : vector<256x256xi32> to vector<256x256xf32>
    %convert_element_type3A_768 = arith.truncf %convert_element_type3A_767 : vector<256x256xf32> to vector<256x256xbf16>
    %swap3A_769 = arith.constant 0 : index
    %swap3A_770 = arith.constant 21760 : index
    %swap3A_771 = vector.load %arg11[%swap3A_769, %swap3A_770] : memref<256x32000xbf16, #tpu.memory_space<vmem>>, vector<256x256xbf16>
    tpu.vector_store %arg11[%swap3A_769, %swap3A_770], %convert_element_type3A_768 {strides = array<i32>} : memref<256x32000xbf16, #tpu.memory_space<vmem>>, vector<256x256xbf16>,
    %slice3A_772 = vector.extract_strided_slice %get3A_1 {offsets = [0, 86], sizes = [256, 1], strides = [1, 1]} : vector<256x125xi32> to vector<256x1xi32>
    %eq3A_773 = vector.broadcast %slice3A_772 : vector<256x1xi32> to vector<256x256xi32>
    %eq3A_774 = arith.cmpi eq, %eq3A_773, %iota3A : vector<256x256xi32>
    %convert_element_type3A_775 = arith.extui %eq3A_774 : vector<256x256xi1> to vector<256x256xi32>
    %convert_element_type3A_776 = arith.sitofp %convert_element_type3A_775 : vector<256x256xi32> to vector<256x256xf32>
    %convert_element_type3A_777 = arith.truncf %convert_element_type3A_776 : vector<256x256xf32> to vector<256x256xbf16>
    %swap3A_778 = arith.constant 0 : index
    %swap3A_779 = arith.constant 22016 : index
    %swap3A_780 = vector.load %arg11[%swap3A_778, %swap3A_779] : memref<256x32000xbf16, #tpu.memory_space<vmem>>, vector<256x256xbf16>
    tpu.vector_store %arg11[%swap3A_778, %swap3A_779], %convert_element_type3A_777 {strides = array<i32>} : memref<256x32000xbf16, #tpu.memory_space<vmem>>, vector<256x256xbf16>,
    %slice3A_781 = vector.extract_strided_slice %get3A_1 {offsets = [0, 87], sizes = [256, 1], strides = [1, 1]} : vector<256x125xi32> to vector<256x1xi32>
    %eq3A_782 = vector.broadcast %slice3A_781 : vector<256x1xi32> to vector<256x256xi32>
    %eq3A_783 = arith.cmpi eq, %eq3A_782, %iota3A : vector<256x256xi32>
    %convert_element_type3A_784 = arith.extui %eq3A_783 : vector<256x256xi1> to vector<256x256xi32>
    %convert_element_type3A_785 = arith.sitofp %convert_element_type3A_784 : vector<256x256xi32> to vector<256x256xf32>
    %convert_element_type3A_786 = arith.truncf %convert_element_type3A_785 : vector<256x256xf32> to vector<256x256xbf16>
    %swap3A_787 = arith.constant 0 : index
    %swap3A_788 = arith.constant 22272 : index
    %swap3A_789 = vector.load %arg11[%swap3A_787, %swap3A_788] : memref<256x32000xbf16, #tpu.memory_space<vmem>>, vector<256x256xbf16>
    tpu.vector_store %arg11[%swap3A_787, %swap3A_788], %convert_element_type3A_786 {strides = array<i32>} : memref<256x32000xbf16, #tpu.memory_space<vmem>>, vector<256x256xbf16>,
    %slice3A_790 = vector.extract_strided_slice %get3A_1 {offsets = [0, 88], sizes = [256, 1], strides = [1, 1]} : vector<256x125xi32> to vector<256x1xi32>
    %eq3A_791 = vector.broadcast %slice3A_790 : vector<256x1xi32> to vector<256x256xi32>
    %eq3A_792 = arith.cmpi eq, %eq3A_791, %iota3A : vector<256x256xi32>
    %convert_element_type3A_793 = arith.extui %eq3A_792 : vector<256x256xi1> to vector<256x256xi32>
    %convert_element_type3A_794 = arith.sitofp %convert_element_type3A_793 : vector<256x256xi32> to vector<256x256xf32>
    %convert_element_type3A_795 = arith.truncf %convert_element_type3A_794 : vector<256x256xf32> to vector<256x256xbf16>
    %swap3A_796 = arith.constant 0 : index
    %swap3A_797 = arith.constant 22528 : index
    %swap3A_798 = vector.load %arg11[%swap3A_796, %swap3A_797] : memref<256x32000xbf16, #tpu.memory_space<vmem>>, vector<256x256xbf16>
    tpu.vector_store %arg11[%swap3A_796, %swap3A_797], %convert_element_type3A_795 {strides = array<i32>} : memref<256x32000xbf16, #tpu.memory_space<vmem>>, vector<256x256xbf16>,
    %slice3A_799 = vector.extract_strided_slice %get3A_1 {offsets = [0, 89], sizes = [256, 1], strides = [1, 1]} : vector<256x125xi32> to vector<256x1xi32>
    %eq3A_800 = vector.broadcast %slice3A_799 : vector<256x1xi32> to vector<256x256xi32>
    %eq3A_801 = arith.cmpi eq, %eq3A_800, %iota3A : vector<256x256xi32>
    %convert_element_type3A_802 = arith.extui %eq3A_801 : vector<256x256xi1> to vector<256x256xi32>
    %convert_element_type3A_803 = arith.sitofp %convert_element_type3A_802 : vector<256x256xi32> to vector<256x256xf32>
    %convert_element_type3A_804 = arith.truncf %convert_element_type3A_803 : vector<256x256xf32> to vector<256x256xbf16>
    %swap3A_805 = arith.constant 0 : index
    %swap3A_806 = arith.constant 22784 : index
    %swap3A_807 = vector.load %arg11[%swap3A_805, %swap3A_806] : memref<256x32000xbf16, #tpu.memory_space<vmem>>, vector<256x256xbf16>
    tpu.vector_store %arg11[%swap3A_805, %swap3A_806], %convert_element_type3A_804 {strides = array<i32>} : memref<256x32000xbf16, #tpu.memory_space<vmem>>, vector<256x256xbf16>,
    %slice3A_808 = vector.extract_strided_slice %get3A_1 {offsets = [0, 90], sizes = [256, 1], strides = [1, 1]} : vector<256x125xi32> to vector<256x1xi32>
    %eq3A_809 = vector.broadcast %slice3A_808 : vector<256x1xi32> to vector<256x256xi32>
    %eq3A_810 = arith.cmpi eq, %eq3A_809, %iota3A : vector<256x256xi32>
    %convert_element_type3A_811 = arith.extui %eq3A_810 : vector<256x256xi1> to vector<256x256xi32>
    %convert_element_type3A_812 = arith.sitofp %convert_element_type3A_811 : vector<256x256xi32> to vector<256x256xf32>
    %convert_element_type3A_813 = arith.truncf %convert_element_type3A_812 : vector<256x256xf32> to vector<256x256xbf16>
    %swap3A_814 = arith.constant 0 : index
    %swap3A_815 = arith.constant 23040 : index
    %swap3A_816 = vector.load %arg11[%swap3A_814, %swap3A_815] : memref<256x32000xbf16, #tpu.memory_space<vmem>>, vector<256x256xbf16>
    tpu.vector_store %arg11[%swap3A_814, %swap3A_815], %convert_element_type3A_813 {strides = array<i32>} : memref<256x32000xbf16, #tpu.memory_space<vmem>>, vector<256x256xbf16>,
    %slice3A_817 = vector.extract_strided_slice %get3A_1 {offsets = [0, 91], sizes = [256, 1], strides = [1, 1]} : vector<256x125xi32> to vector<256x1xi32>
    %eq3A_818 = vector.broadcast %slice3A_817 : vector<256x1xi32> to vector<256x256xi32>
    %eq3A_819 = arith.cmpi eq, %eq3A_818, %iota3A : vector<256x256xi32>
    %convert_element_type3A_820 = arith.extui %eq3A_819 : vector<256x256xi1> to vector<256x256xi32>
    %convert_element_type3A_821 = arith.sitofp %convert_element_type3A_820 : vector<256x256xi32> to vector<256x256xf32>
    %convert_element_type3A_822 = arith.truncf %convert_element_type3A_821 : vector<256x256xf32> to vector<256x256xbf16>
    %swap3A_823 = arith.constant 0 : index
    %swap3A_824 = arith.constant 23296 : index
    %swap3A_825 = vector.load %arg11[%swap3A_823, %swap3A_824] : memref<256x32000xbf16, #tpu.memory_space<vmem>>, vector<256x256xbf16>
    tpu.vector_store %arg11[%swap3A_823, %swap3A_824], %convert_element_type3A_822 {strides = array<i32>} : memref<256x32000xbf16, #tpu.memory_space<vmem>>, vector<256x256xbf16>,
    %slice3A_826 = vector.extract_strided_slice %get3A_1 {offsets = [0, 92], sizes = [256, 1], strides = [1, 1]} : vector<256x125xi32> to vector<256x1xi32>
    %eq3A_827 = vector.broadcast %slice3A_826 : vector<256x1xi32> to vector<256x256xi32>
    %eq3A_828 = arith.cmpi eq, %eq3A_827, %iota3A : vector<256x256xi32>
    %convert_element_type3A_829 = arith.extui %eq3A_828 : vector<256x256xi1> to vector<256x256xi32>
    %convert_element_type3A_830 = arith.sitofp %convert_element_type3A_829 : vector<256x256xi32> to vector<256x256xf32>
    %convert_element_type3A_831 = arith.truncf %convert_element_type3A_830 : vector<256x256xf32> to vector<256x256xbf16>
    %swap3A_832 = arith.constant 0 : index
    %swap3A_833 = arith.constant 23552 : index
    %swap3A_834 = vector.load %arg11[%swap3A_832, %swap3A_833] : memref<256x32000xbf16, #tpu.memory_space<vmem>>, vector<256x256xbf16>
    tpu.vector_store %arg11[%swap3A_832, %swap3A_833], %convert_element_type3A_831 {strides = array<i32>} : memref<256x32000xbf16, #tpu.memory_space<vmem>>, vector<256x256xbf16>,
    %slice3A_835 = vector.extract_strided_slice %get3A_1 {offsets = [0, 93], sizes = [256, 1], strides = [1, 1]} : vector<256x125xi32> to vector<256x1xi32>
    %eq3A_836 = vector.broadcast %slice3A_835 : vector<256x1xi32> to vector<256x256xi32>
    %eq3A_837 = arith.cmpi eq, %eq3A_836, %iota3A : vector<256x256xi32>
    %convert_element_type3A_838 = arith.extui %eq3A_837 : vector<256x256xi1> to vector<256x256xi32>
    %convert_element_type3A_839 = arith.sitofp %convert_element_type3A_838 : vector<256x256xi32> to vector<256x256xf32>
    %convert_element_type3A_840 = arith.truncf %convert_element_type3A_839 : vector<256x256xf32> to vector<256x256xbf16>
    %swap3A_841 = arith.constant 0 : index
    %swap3A_842 = arith.constant 23808 : index
    %swap3A_843 = vector.load %arg11[%swap3A_841, %swap3A_842] : memref<256x32000xbf16, #tpu.memory_space<vmem>>, vector<256x256xbf16>
    tpu.vector_store %arg11[%swap3A_841, %swap3A_842], %convert_element_type3A_840 {strides = array<i32>} : memref<256x32000xbf16, #tpu.memory_space<vmem>>, vector<256x256xbf16>,
    %slice3A_844 = vector.extract_strided_slice %get3A_1 {offsets = [0, 94], sizes = [256, 1], strides = [1, 1]} : vector<256x125xi32> to vector<256x1xi32>
    %eq3A_845 = vector.broadcast %slice3A_844 : vector<256x1xi32> to vector<256x256xi32>
    %eq3A_846 = arith.cmpi eq, %eq3A_845, %iota3A : vector<256x256xi32>
    %convert_element_type3A_847 = arith.extui %eq3A_846 : vector<256x256xi1> to vector<256x256xi32>
    %convert_element_type3A_848 = arith.sitofp %convert_element_type3A_847 : vector<256x256xi32> to vector<256x256xf32>
    %convert_element_type3A_849 = arith.truncf %convert_element_type3A_848 : vector<256x256xf32> to vector<256x256xbf16>
    %swap3A_850 = arith.constant 0 : index
    %swap3A_851 = arith.constant 24064 : index
    %swap3A_852 = vector.load %arg11[%swap3A_850, %swap3A_851] : memref<256x32000xbf16, #tpu.memory_space<vmem>>, vector<256x256xbf16>
    tpu.vector_store %arg11[%swap3A_850, %swap3A_851], %convert_element_type3A_849 {strides = array<i32>} : memref<256x32000xbf16, #tpu.memory_space<vmem>>, vector<256x256xbf16>,
    %slice3A_853 = vector.extract_strided_slice %get3A_1 {offsets = [0, 95], sizes = [256, 1], strides = [1, 1]} : vector<256x125xi32> to vector<256x1xi32>
    %eq3A_854 = vector.broadcast %slice3A_853 : vector<256x1xi32> to vector<256x256xi32>
    %eq3A_855 = arith.cmpi eq, %eq3A_854, %iota3A : vector<256x256xi32>
    %convert_element_type3A_856 = arith.extui %eq3A_855 : vector<256x256xi1> to vector<256x256xi32>
    %convert_element_type3A_857 = arith.sitofp %convert_element_type3A_856 : vector<256x256xi32> to vector<256x256xf32>
    %convert_element_type3A_858 = arith.truncf %convert_element_type3A_857 : vector<256x256xf32> to vector<256x256xbf16>
    %swap3A_859 = arith.constant 0 : index
    %swap3A_860 = arith.constant 24320 : index
    %swap3A_861 = vector.load %arg11[%swap3A_859, %swap3A_860] : memref<256x32000xbf16, #tpu.memory_space<vmem>>, vector<256x256xbf16>
    tpu.vector_store %arg11[%swap3A_859, %swap3A_860], %convert_element_type3A_858 {strides = array<i32>} : memref<256x32000xbf16, #tpu.memory_space<vmem>>, vector<256x256xbf16>,
    %slice3A_862 = vector.extract_strided_slice %get3A_1 {offsets = [0, 96], sizes = [256, 1], strides = [1, 1]} : vector<256x125xi32> to vector<256x1xi32>
    %eq3A_863 = vector.broadcast %slice3A_862 : vector<256x1xi32> to vector<256x256xi32>
    %eq3A_864 = arith.cmpi eq, %eq3A_863, %iota3A : vector<256x256xi32>
    %convert_element_type3A_865 = arith.extui %eq3A_864 : vector<256x256xi1> to vector<256x256xi32>
    %convert_element_type3A_866 = arith.sitofp %convert_element_type3A_865 : vector<256x256xi32> to vector<256x256xf32>
    %convert_element_type3A_867 = arith.truncf %convert_element_type3A_866 : vector<256x256xf32> to vector<256x256xbf16>
    %swap3A_868 = arith.constant 0 : index
    %swap3A_869 = arith.constant 24576 : index
    %swap3A_870 = vector.load %arg11[%swap3A_868, %swap3A_869] : memref<256x32000xbf16, #tpu.memory_space<vmem>>, vector<256x256xbf16>
    tpu.vector_store %arg11[%swap3A_868, %swap3A_869], %convert_element_type3A_867 {strides = array<i32>} : memref<256x32000xbf16, #tpu.memory_space<vmem>>, vector<256x256xbf16>,
    %slice3A_871 = vector.extract_strided_slice %get3A_1 {offsets = [0, 97], sizes = [256, 1], strides = [1, 1]} : vector<256x125xi32> to vector<256x1xi32>
    %eq3A_872 = vector.broadcast %slice3A_871 : vector<256x1xi32> to vector<256x256xi32>
    %eq3A_873 = arith.cmpi eq, %eq3A_872, %iota3A : vector<256x256xi32>
    %convert_element_type3A_874 = arith.extui %eq3A_873 : vector<256x256xi1> to vector<256x256xi32>
    %convert_element_type3A_875 = arith.sitofp %convert_element_type3A_874 : vector<256x256xi32> to vector<256x256xf32>
    %convert_element_type3A_876 = arith.truncf %convert_element_type3A_875 : vector<256x256xf32> to vector<256x256xbf16>
    %swap3A_877 = arith.constant 0 : index
    %swap3A_878 = arith.constant 24832 : index
    %swap3A_879 = vector.load %arg11[%swap3A_877, %swap3A_878] : memref<256x32000xbf16, #tpu.memory_space<vmem>>, vector<256x256xbf16>
    tpu.vector_store %arg11[%swap3A_877, %swap3A_878], %convert_element_type3A_876 {strides = array<i32>} : memref<256x32000xbf16, #tpu.memory_space<vmem>>, vector<256x256xbf16>,
    %slice3A_880 = vector.extract_strided_slice %get3A_1 {offsets = [0, 98], sizes = [256, 1], strides = [1, 1]} : vector<256x125xi32> to vector<256x1xi32>
    %eq3A_881 = vector.broadcast %slice3A_880 : vector<256x1xi32> to vector<256x256xi32>
    %eq3A_882 = arith.cmpi eq, %eq3A_881, %iota3A : vector<256x256xi32>
    %convert_element_type3A_883 = arith.extui %eq3A_882 : vector<256x256xi1> to vector<256x256xi32>
    %convert_element_type3A_884 = arith.sitofp %convert_element_type3A_883 : vector<256x256xi32> to vector<256x256xf32>
    %convert_element_type3A_885 = arith.truncf %convert_element_type3A_884 : vector<256x256xf32> to vector<256x256xbf16>
    %swap3A_886 = arith.constant 0 : index
    %swap3A_887 = arith.constant 25088 : index
    %swap3A_888 = vector.load %arg11[%swap3A_886, %swap3A_887] : memref<256x32000xbf16, #tpu.memory_space<vmem>>, vector<256x256xbf16>
    tpu.vector_store %arg11[%swap3A_886, %swap3A_887], %convert_element_type3A_885 {strides = array<i32>} : memref<256x32000xbf16, #tpu.memory_space<vmem>>, vector<256x256xbf16>,
    %slice3A_889 = vector.extract_strided_slice %get3A_1 {offsets = [0, 99], sizes = [256, 1], strides = [1, 1]} : vector<256x125xi32> to vector<256x1xi32>
    %eq3A_890 = vector.broadcast %slice3A_889 : vector<256x1xi32> to vector<256x256xi32>
    %eq3A_891 = arith.cmpi eq, %eq3A_890, %iota3A : vector<256x256xi32>
    %convert_element_type3A_892 = arith.extui %eq3A_891 : vector<256x256xi1> to vector<256x256xi32>
    %convert_element_type3A_893 = arith.sitofp %convert_element_type3A_892 : vector<256x256xi32> to vector<256x256xf32>
    %convert_element_type3A_894 = arith.truncf %convert_element_type3A_893 : vector<256x256xf32> to vector<256x256xbf16>
    %swap3A_895 = arith.constant 0 : index
    %swap3A_896 = arith.constant 25344 : index
    %swap3A_897 = vector.load %arg11[%swap3A_895, %swap3A_896] : memref<256x32000xbf16, #tpu.memory_space<vmem>>, vector<256x256xbf16>
    tpu.vector_store %arg11[%swap3A_895, %swap3A_896], %convert_element_type3A_894 {strides = array<i32>} : memref<256x32000xbf16, #tpu.memory_space<vmem>>, vector<256x256xbf16>,
    %slice3A_898 = vector.extract_strided_slice %get3A_1 {offsets = [0, 100], sizes = [256, 1], strides = [1, 1]} : vector<256x125xi32> to vector<256x1xi32>
    %eq3A_899 = vector.broadcast %slice3A_898 : vector<256x1xi32> to vector<256x256xi32>
    %eq3A_900 = arith.cmpi eq, %eq3A_899, %iota3A : vector<256x256xi32>
    %convert_element_type3A_901 = arith.extui %eq3A_900 : vector<256x256xi1> to vector<256x256xi32>
    %convert_element_type3A_902 = arith.sitofp %convert_element_type3A_901 : vector<256x256xi32> to vector<256x256xf32>
    %convert_element_type3A_903 = arith.truncf %convert_element_type3A_902 : vector<256x256xf32> to vector<256x256xbf16>
    %swap3A_904 = arith.constant 0 : index
    %swap3A_905 = arith.constant 25600 : index
    %swap3A_906 = vector.load %arg11[%swap3A_904, %swap3A_905] : memref<256x32000xbf16, #tpu.memory_space<vmem>>, vector<256x256xbf16>
    tpu.vector_store %arg11[%swap3A_904, %swap3A_905], %convert_element_type3A_903 {strides = array<i32>} : memref<256x32000xbf16, #tpu.memory_space<vmem>>, vector<256x256xbf16>,
    %slice3A_907 = vector.extract_strided_slice %get3A_1 {offsets = [0, 101], sizes = [256, 1], strides = [1, 1]} : vector<256x125xi32> to vector<256x1xi32>
    %eq3A_908 = vector.broadcast %slice3A_907 : vector<256x1xi32> to vector<256x256xi32>
    %eq3A_909 = arith.cmpi eq, %eq3A_908, %iota3A : vector<256x256xi32>
    %convert_element_type3A_910 = arith.extui %eq3A_909 : vector<256x256xi1> to vector<256x256xi32>
    %convert_element_type3A_911 = arith.sitofp %convert_element_type3A_910 : vector<256x256xi32> to vector<256x256xf32>
    %convert_element_type3A_912 = arith.truncf %convert_element_type3A_911 : vector<256x256xf32> to vector<256x256xbf16>
    %swap3A_913 = arith.constant 0 : index
    %swap3A_914 = arith.constant 25856 : index
    %swap3A_915 = vector.load %arg11[%swap3A_913, %swap3A_914] : memref<256x32000xbf16, #tpu.memory_space<vmem>>, vector<256x256xbf16>
    tpu.vector_store %arg11[%swap3A_913, %swap3A_914], %convert_element_type3A_912 {strides = array<i32>} : memref<256x32000xbf16, #tpu.memory_space<vmem>>, vector<256x256xbf16>,
    %slice3A_916 = vector.extract_strided_slice %get3A_1 {offsets = [0, 102], sizes = [256, 1], strides = [1, 1]} : vector<256x125xi32> to vector<256x1xi32>
    %eq3A_917 = vector.broadcast %slice3A_916 : vector<256x1xi32> to vector<256x256xi32>
    %eq3A_918 = arith.cmpi eq, %eq3A_917, %iota3A : vector<256x256xi32>
    %convert_element_type3A_919 = arith.extui %eq3A_918 : vector<256x256xi1> to vector<256x256xi32>
    %convert_element_type3A_920 = arith.sitofp %convert_element_type3A_919 : vector<256x256xi32> to vector<256x256xf32>
    %convert_element_type3A_921 = arith.truncf %convert_element_type3A_920 : vector<256x256xf32> to vector<256x256xbf16>
    %swap3A_922 = arith.constant 0 : index
    %swap3A_923 = arith.constant 26112 : index
    %swap3A_924 = vector.load %arg11[%swap3A_922, %swap3A_923] : memref<256x32000xbf16, #tpu.memory_space<vmem>>, vector<256x256xbf16>
    tpu.vector_store %arg11[%swap3A_922, %swap3A_923], %convert_element_type3A_921 {strides = array<i32>} : memref<256x32000xbf16, #tpu.memory_space<vmem>>, vector<256x256xbf16>,
    %slice3A_925 = vector.extract_strided_slice %get3A_1 {offsets = [0, 103], sizes = [256, 1], strides = [1, 1]} : vector<256x125xi32> to vector<256x1xi32>
    %eq3A_926 = vector.broadcast %slice3A_925 : vector<256x1xi32> to vector<256x256xi32>
    %eq3A_927 = arith.cmpi eq, %eq3A_926, %iota3A : vector<256x256xi32>
    %convert_element_type3A_928 = arith.extui %eq3A_927 : vector<256x256xi1> to vector<256x256xi32>
    %convert_element_type3A_929 = arith.sitofp %convert_element_type3A_928 : vector<256x256xi32> to vector<256x256xf32>
    %convert_element_type3A_930 = arith.truncf %convert_element_type3A_929 : vector<256x256xf32> to vector<256x256xbf16>
    %swap3A_931 = arith.constant 0 : index
    %swap3A_932 = arith.constant 26368 : index
    %swap3A_933 = vector.load %arg11[%swap3A_931, %swap3A_932] : memref<256x32000xbf16, #tpu.memory_space<vmem>>, vector<256x256xbf16>
    tpu.vector_store %arg11[%swap3A_931, %swap3A_932], %convert_element_type3A_930 {strides = array<i32>} : memref<256x32000xbf16, #tpu.memory_space<vmem>>, vector<256x256xbf16>,
    %slice3A_934 = vector.extract_strided_slice %get3A_1 {offsets = [0, 104], sizes = [256, 1], strides = [1, 1]} : vector<256x125xi32> to vector<256x1xi32>
    %eq3A_935 = vector.broadcast %slice3A_934 : vector<256x1xi32> to vector<256x256xi32>
    %eq3A_936 = arith.cmpi eq, %eq3A_935, %iota3A : vector<256x256xi32>
    %convert_element_type3A_937 = arith.extui %eq3A_936 : vector<256x256xi1> to vector<256x256xi32>
    %convert_element_type3A_938 = arith.sitofp %convert_element_type3A_937 : vector<256x256xi32> to vector<256x256xf32>
    %convert_element_type3A_939 = arith.truncf %convert_element_type3A_938 : vector<256x256xf32> to vector<256x256xbf16>
    %swap3A_940 = arith.constant 0 : index
    %swap3A_941 = arith.constant 26624 : index
    %swap3A_942 = vector.load %arg11[%swap3A_940, %swap3A_941] : memref<256x32000xbf16, #tpu.memory_space<vmem>>, vector<256x256xbf16>
    tpu.vector_store %arg11[%swap3A_940, %swap3A_941], %convert_element_type3A_939 {strides = array<i32>} : memref<256x32000xbf16, #tpu.memory_space<vmem>>, vector<256x256xbf16>,
    %slice3A_943 = vector.extract_strided_slice %get3A_1 {offsets = [0, 105], sizes = [256, 1], strides = [1, 1]} : vector<256x125xi32> to vector<256x1xi32>
    %eq3A_944 = vector.broadcast %slice3A_943 : vector<256x1xi32> to vector<256x256xi32>
    %eq3A_945 = arith.cmpi eq, %eq3A_944, %iota3A : vector<256x256xi32>
    %convert_element_type3A_946 = arith.extui %eq3A_945 : vector<256x256xi1> to vector<256x256xi32>
    %convert_element_type3A_947 = arith.sitofp %convert_element_type3A_946 : vector<256x256xi32> to vector<256x256xf32>
    %convert_element_type3A_948 = arith.truncf %convert_element_type3A_947 : vector<256x256xf32> to vector<256x256xbf16>
    %swap3A_949 = arith.constant 0 : index
    %swap3A_950 = arith.constant 26880 : index
    %swap3A_951 = vector.load %arg11[%swap3A_949, %swap3A_950] : memref<256x32000xbf16, #tpu.memory_space<vmem>>, vector<256x256xbf16>
    tpu.vector_store %arg11[%swap3A_949, %swap3A_950], %convert_element_type3A_948 {strides = array<i32>} : memref<256x32000xbf16, #tpu.memory_space<vmem>>, vector<256x256xbf16>,
    %slice3A_952 = vector.extract_strided_slice %get3A_1 {offsets = [0, 106], sizes = [256, 1], strides = [1, 1]} : vector<256x125xi32> to vector<256x1xi32>
    %eq3A_953 = vector.broadcast %slice3A_952 : vector<256x1xi32> to vector<256x256xi32>
    %eq3A_954 = arith.cmpi eq, %eq3A_953, %iota3A : vector<256x256xi32>
    %convert_element_type3A_955 = arith.extui %eq3A_954 : vector<256x256xi1> to vector<256x256xi32>
    %convert_element_type3A_956 = arith.sitofp %convert_element_type3A_955 : vector<256x256xi32> to vector<256x256xf32>
    %convert_element_type3A_957 = arith.truncf %convert_element_type3A_956 : vector<256x256xf32> to vector<256x256xbf16>
    %swap3A_958 = arith.constant 0 : index
    %swap3A_959 = arith.constant 27136 : index
    %swap3A_960 = vector.load %arg11[%swap3A_958, %swap3A_959] : memref<256x32000xbf16, #tpu.memory_space<vmem>>, vector<256x256xbf16>
    tpu.vector_store %arg11[%swap3A_958, %swap3A_959], %convert_element_type3A_957 {strides = array<i32>} : memref<256x32000xbf16, #tpu.memory_space<vmem>>, vector<256x256xbf16>,
    %slice3A_961 = vector.extract_strided_slice %get3A_1 {offsets = [0, 107], sizes = [256, 1], strides = [1, 1]} : vector<256x125xi32> to vector<256x1xi32>
    %eq3A_962 = vector.broadcast %slice3A_961 : vector<256x1xi32> to vector<256x256xi32>
    %eq3A_963 = arith.cmpi eq, %eq3A_962, %iota3A : vector<256x256xi32>
    %convert_element_type3A_964 = arith.extui %eq3A_963 : vector<256x256xi1> to vector<256x256xi32>
    %convert_element_type3A_965 = arith.sitofp %convert_element_type3A_964 : vector<256x256xi32> to vector<256x256xf32>
    %convert_element_type3A_966 = arith.truncf %convert_element_type3A_965 : vector<256x256xf32> to vector<256x256xbf16>
    %swap3A_967 = arith.constant 0 : index
    %swap3A_968 = arith.constant 27392 : index
    %swap3A_969 = vector.load %arg11[%swap3A_967, %swap3A_968] : memref<256x32000xbf16, #tpu.memory_space<vmem>>, vector<256x256xbf16>
    tpu.vector_store %arg11[%swap3A_967, %swap3A_968], %convert_element_type3A_966 {strides = array<i32>} : memref<256x32000xbf16, #tpu.memory_space<vmem>>, vector<256x256xbf16>,
    %slice3A_970 = vector.extract_strided_slice %get3A_1 {offsets = [0, 108], sizes = [256, 1], strides = [1, 1]} : vector<256x125xi32> to vector<256x1xi32>
    %eq3A_971 = vector.broadcast %slice3A_970 : vector<256x1xi32> to vector<256x256xi32>
    %eq3A_972 = arith.cmpi eq, %eq3A_971, %iota3A : vector<256x256xi32>
    %convert_element_type3A_973 = arith.extui %eq3A_972 : vector<256x256xi1> to vector<256x256xi32>
    %convert_element_type3A_974 = arith.sitofp %convert_element_type3A_973 : vector<256x256xi32> to vector<256x256xf32>
    %convert_element_type3A_975 = arith.truncf %convert_element_type3A_974 : vector<256x256xf32> to vector<256x256xbf16>
    %swap3A_976 = arith.constant 0 : index
    %swap3A_977 = arith.constant 27648 : index
    %swap3A_978 = vector.load %arg11[%swap3A_976, %swap3A_977] : memref<256x32000xbf16, #tpu.memory_space<vmem>>, vector<256x256xbf16>
    tpu.vector_store %arg11[%swap3A_976, %swap3A_977], %convert_element_type3A_975 {strides = array<i32>} : memref<256x32000xbf16, #tpu.memory_space<vmem>>, vector<256x256xbf16>,
    %slice3A_979 = vector.extract_strided_slice %get3A_1 {offsets = [0, 109], sizes = [256, 1], strides = [1, 1]} : vector<256x125xi32> to vector<256x1xi32>
    %eq3A_980 = vector.broadcast %slice3A_979 : vector<256x1xi32> to vector<256x256xi32>
    %eq3A_981 = arith.cmpi eq, %eq3A_980, %iota3A : vector<256x256xi32>
    %convert_element_type3A_982 = arith.extui %eq3A_981 : vector<256x256xi1> to vector<256x256xi32>
    %convert_element_type3A_983 = arith.sitofp %convert_element_type3A_982 : vector<256x256xi32> to vector<256x256xf32>
    %convert_element_type3A_984 = arith.truncf %convert_element_type3A_983 : vector<256x256xf32> to vector<256x256xbf16>
    %swap3A_985 = arith.constant 0 : index
    %swap3A_986 = arith.constant 27904 : index
    %swap3A_987 = vector.load %arg11[%swap3A_985, %swap3A_986] : memref<256x32000xbf16, #tpu.memory_space<vmem>>, vector<256x256xbf16>
    tpu.vector_store %arg11[%swap3A_985, %swap3A_986], %convert_element_type3A_984 {strides = array<i32>} : memref<256x32000xbf16, #tpu.memory_space<vmem>>, vector<256x256xbf16>,
    %slice3A_988 = vector.extract_strided_slice %get3A_1 {offsets = [0, 110], sizes = [256, 1], strides = [1, 1]} : vector<256x125xi32> to vector<256x1xi32>
    %eq3A_989 = vector.broadcast %slice3A_988 : vector<256x1xi32> to vector<256x256xi32>
    %eq3A_990 = arith.cmpi eq, %eq3A_989, %iota3A : vector<256x256xi32>
    %convert_element_type3A_991 = arith.extui %eq3A_990 : vector<256x256xi1> to vector<256x256xi32>
    %convert_element_type3A_992 = arith.sitofp %convert_element_type3A_991 : vector<256x256xi32> to vector<256x256xf32>
    %convert_element_type3A_993 = arith.truncf %convert_element_type3A_992 : vector<256x256xf32> to vector<256x256xbf16>
    %swap3A_994 = arith.constant 0 : index
    %swap3A_995 = arith.constant 28160 : index
    %swap3A_996 = vector.load %arg11[%swap3A_994, %swap3A_995] : memref<256x32000xbf16, #tpu.memory_space<vmem>>, vector<256x256xbf16>
    tpu.vector_store %arg11[%swap3A_994, %swap3A_995], %convert_element_type3A_993 {strides = array<i32>} : memref<256x32000xbf16, #tpu.memory_space<vmem>>, vector<256x256xbf16>,
    %slice3A_997 = vector.extract_strided_slice %get3A_1 {offsets = [0, 111], sizes = [256, 1], strides = [1, 1]} : vector<256x125xi32> to vector<256x1xi32>
    %eq3A_998 = vector.broadcast %slice3A_997 : vector<256x1xi32> to vector<256x256xi32>
    %eq3A_999 = arith.cmpi eq, %eq3A_998, %iota3A : vector<256x256xi32>
    %convert_element_type3A_1000 = arith.extui %eq3A_999 : vector<256x256xi1> to vector<256x256xi32>
    %convert_element_type3A_1001 = arith.sitofp %convert_element_type3A_1000 : vector<256x256xi32> to vector<256x256xf32>
    %convert_element_type3A_1002 = arith.truncf %convert_element_type3A_1001 : vector<256x256xf32> to vector<256x256xbf16>
    %swap3A_1003 = arith.constant 0 : index
    %swap3A_1004 = arith.constant 28416 : index
    %swap3A_1005 = vector.load %arg11[%swap3A_1003, %swap3A_1004] : memref<256x32000xbf16, #tpu.memory_space<vmem>>, vector<256x256xbf16>
    tpu.vector_store %arg11[%swap3A_1003, %swap3A_1004], %convert_element_type3A_1002 {strides = array<i32>} : memref<256x32000xbf16, #tpu.memory_space<vmem>>, vector<256x256xbf16>,
    %slice3A_1006 = vector.extract_strided_slice %get3A_1 {offsets = [0, 112], sizes = [256, 1], strides = [1, 1]} : vector<256x125xi32> to vector<256x1xi32>
    %eq3A_1007 = vector.broadcast %slice3A_1006 : vector<256x1xi32> to vector<256x256xi32>
    %eq3A_1008 = arith.cmpi eq, %eq3A_1007, %iota3A : vector<256x256xi32>
    %convert_element_type3A_1009 = arith.extui %eq3A_1008 : vector<256x256xi1> to vector<256x256xi32>
    %convert_element_type3A_1010 = arith.sitofp %convert_element_type3A_1009 : vector<256x256xi32> to vector<256x256xf32>
    %convert_element_type3A_1011 = arith.truncf %convert_element_type3A_1010 : vector<256x256xf32> to vector<256x256xbf16>
    %swap3A_1012 = arith.constant 0 : index
    %swap3A_1013 = arith.constant 28672 : index
    %swap3A_1014 = vector.load %arg11[%swap3A_1012, %swap3A_1013] : memref<256x32000xbf16, #tpu.memory_space<vmem>>, vector<256x256xbf16>
    tpu.vector_store %arg11[%swap3A_1012, %swap3A_1013], %convert_element_type3A_1011 {strides = array<i32>} : memref<256x32000xbf16, #tpu.memory_space<vmem>>, vector<256x256xbf16>,
    %slice3A_1015 = vector.extract_strided_slice %get3A_1 {offsets = [0, 113], sizes = [256, 1], strides = [1, 1]} : vector<256x125xi32> to vector<256x1xi32>
    %eq3A_1016 = vector.broadcast %slice3A_1015 : vector<256x1xi32> to vector<256x256xi32>
    %eq3A_1017 = arith.cmpi eq, %eq3A_1016, %iota3A : vector<256x256xi32>
    %convert_element_type3A_1018 = arith.extui %eq3A_1017 : vector<256x256xi1> to vector<256x256xi32>
    %convert_element_type3A_1019 = arith.sitofp %convert_element_type3A_1018 : vector<256x256xi32> to vector<256x256xf32>
    %convert_element_type3A_1020 = arith.truncf %convert_element_type3A_1019 : vector<256x256xf32> to vector<256x256xbf16>
    %swap3A_1021 = arith.constant 0 : index
    %swap3A_1022 = arith.constant 28928 : index
    %swap3A_1023 = vector.load %arg11[%swap3A_1021, %swap3A_1022] : memref<256x32000xbf16, #tpu.memory_space<vmem>>, vector<256x256xbf16>
    tpu.vector_store %arg11[%swap3A_1021, %swap3A_1022], %convert_element_type3A_1020 {strides = array<i32>} : memref<256x32000xbf16, #tpu.memory_space<vmem>>, vector<256x256xbf16>,
    %slice3A_1024 = vector.extract_strided_slice %get3A_1 {offsets = [0, 114], sizes = [256, 1], strides = [1, 1]} : vector<256x125xi32> to vector<256x1xi32>
    %eq3A_1025 = vector.broadcast %slice3A_1024 : vector<256x1xi32> to vector<256x256xi32>
    %eq3A_1026 = arith.cmpi eq, %eq3A_1025, %iota3A : vector<256x256xi32>
    %convert_element_type3A_1027 = arith.extui %eq3A_1026 : vector<256x256xi1> to vector<256x256xi32>
    %convert_element_type3A_1028 = arith.sitofp %convert_element_type3A_1027 : vector<256x256xi32> to vector<256x256xf32>
    %convert_element_type3A_1029 = arith.truncf %convert_element_type3A_1028 : vector<256x256xf32> to vector<256x256xbf16>
    %swap3A_1030 = arith.constant 0 : index
    %swap3A_1031 = arith.constant 29184 : index
    %swap3A_1032 = vector.load %arg11[%swap3A_1030, %swap3A_1031] : memref<256x32000xbf16, #tpu.memory_space<vmem>>, vector<256x256xbf16>
    tpu.vector_store %arg11[%swap3A_1030, %swap3A_1031], %convert_element_type3A_1029 {strides = array<i32>} : memref<256x32000xbf16, #tpu.memory_space<vmem>>, vector<256x256xbf16>,
    %slice3A_1033 = vector.extract_strided_slice %get3A_1 {offsets = [0, 115], sizes = [256, 1], strides = [1, 1]} : vector<256x125xi32> to vector<256x1xi32>
    %eq3A_1034 = vector.broadcast %slice3A_1033 : vector<256x1xi32> to vector<256x256xi32>
    %eq3A_1035 = arith.cmpi eq, %eq3A_1034, %iota3A : vector<256x256xi32>
    %convert_element_type3A_1036 = arith.extui %eq3A_1035 : vector<256x256xi1> to vector<256x256xi32>
    %convert_element_type3A_1037 = arith.sitofp %convert_element_type3A_1036 : vector<256x256xi32> to vector<256x256xf32>
    %convert_element_type3A_1038 = arith.truncf %convert_element_type3A_1037 : vector<256x256xf32> to vector<256x256xbf16>
    %swap3A_1039 = arith.constant 0 : index
    %swap3A_1040 = arith.constant 29440 : index
    %swap3A_1041 = vector.load %arg11[%swap3A_1039, %swap3A_1040] : memref<256x32000xbf16, #tpu.memory_space<vmem>>, vector<256x256xbf16>
    tpu.vector_store %arg11[%swap3A_1039, %swap3A_1040], %convert_element_type3A_1038 {strides = array<i32>} : memref<256x32000xbf16, #tpu.memory_space<vmem>>, vector<256x256xbf16>,
    %slice3A_1042 = vector.extract_strided_slice %get3A_1 {offsets = [0, 116], sizes = [256, 1], strides = [1, 1]} : vector<256x125xi32> to vector<256x1xi32>
    %eq3A_1043 = vector.broadcast %slice3A_1042 : vector<256x1xi32> to vector<256x256xi32>
    %eq3A_1044 = arith.cmpi eq, %eq3A_1043, %iota3A : vector<256x256xi32>
    %convert_element_type3A_1045 = arith.extui %eq3A_1044 : vector<256x256xi1> to vector<256x256xi32>
    %convert_element_type3A_1046 = arith.sitofp %convert_element_type3A_1045 : vector<256x256xi32> to vector<256x256xf32>
    %convert_element_type3A_1047 = arith.truncf %convert_element_type3A_1046 : vector<256x256xf32> to vector<256x256xbf16>
    %swap3A_1048 = arith.constant 0 : index
    %swap3A_1049 = arith.constant 29696 : index
    %swap3A_1050 = vector.load %arg11[%swap3A_1048, %swap3A_1049] : memref<256x32000xbf16, #tpu.memory_space<vmem>>, vector<256x256xbf16>
    tpu.vector_store %arg11[%swap3A_1048, %swap3A_1049], %convert_element_type3A_1047 {strides = array<i32>} : memref<256x32000xbf16, #tpu.memory_space<vmem>>, vector<256x256xbf16>,
    %slice3A_1051 = vector.extract_strided_slice %get3A_1 {offsets = [0, 117], sizes = [256, 1], strides = [1, 1]} : vector<256x125xi32> to vector<256x1xi32>
    %eq3A_1052 = vector.broadcast %slice3A_1051 : vector<256x1xi32> to vector<256x256xi32>
    %eq3A_1053 = arith.cmpi eq, %eq3A_1052, %iota3A : vector<256x256xi32>
    %convert_element_type3A_1054 = arith.extui %eq3A_1053 : vector<256x256xi1> to vector<256x256xi32>
    %convert_element_type3A_1055 = arith.sitofp %convert_element_type3A_1054 : vector<256x256xi32> to vector<256x256xf32>
    %convert_element_type3A_1056 = arith.truncf %convert_element_type3A_1055 : vector<256x256xf32> to vector<256x256xbf16>
    %swap3A_1057 = arith.constant 0 : index
    %swap3A_1058 = arith.constant 29952 : index
    %swap3A_1059 = vector.load %arg11[%swap3A_1057, %swap3A_1058] : memref<256x32000xbf16, #tpu.memory_space<vmem>>, vector<256x256xbf16>
    tpu.vector_store %arg11[%swap3A_1057, %swap3A_1058], %convert_element_type3A_1056 {strides = array<i32>} : memref<256x32000xbf16, #tpu.memory_space<vmem>>, vector<256x256xbf16>,
    %slice3A_1060 = vector.extract_strided_slice %get3A_1 {offsets = [0, 118], sizes = [256, 1], strides = [1, 1]} : vector<256x125xi32> to vector<256x1xi32>
    %eq3A_1061 = vector.broadcast %slice3A_1060 : vector<256x1xi32> to vector<256x256xi32>
    %eq3A_1062 = arith.cmpi eq, %eq3A_1061, %iota3A : vector<256x256xi32>
    %convert_element_type3A_1063 = arith.extui %eq3A_1062 : vector<256x256xi1> to vector<256x256xi32>
    %convert_element_type3A_1064 = arith.sitofp %convert_element_type3A_1063 : vector<256x256xi32> to vector<256x256xf32>
    %convert_element_type3A_1065 = arith.truncf %convert_element_type3A_1064 : vector<256x256xf32> to vector<256x256xbf16>
    %swap3A_1066 = arith.constant 0 : index
    %swap3A_1067 = arith.constant 30208 : index
    %swap3A_1068 = vector.load %arg11[%swap3A_1066, %swap3A_1067] : memref<256x32000xbf16, #tpu.memory_space<vmem>>, vector<256x256xbf16>
    tpu.vector_store %arg11[%swap3A_1066, %swap3A_1067], %convert_element_type3A_1065 {strides = array<i32>} : memref<256x32000xbf16, #tpu.memory_space<vmem>>, vector<256x256xbf16>,
    %slice3A_1069 = vector.extract_strided_slice %get3A_1 {offsets = [0, 119], sizes = [256, 1], strides = [1, 1]} : vector<256x125xi32> to vector<256x1xi32>
    %eq3A_1070 = vector.broadcast %slice3A_1069 : vector<256x1xi32> to vector<256x256xi32>
    %eq3A_1071 = arith.cmpi eq, %eq3A_1070, %iota3A : vector<256x256xi32>
    %convert_element_type3A_1072 = arith.extui %eq3A_1071 : vector<256x256xi1> to vector<256x256xi32>
    %convert_element_type3A_1073 = arith.sitofp %convert_element_type3A_1072 : vector<256x256xi32> to vector<256x256xf32>
    %convert_element_type3A_1074 = arith.truncf %convert_element_type3A_1073 : vector<256x256xf32> to vector<256x256xbf16>
    %swap3A_1075 = arith.constant 0 : index
    %swap3A_1076 = arith.constant 30464 : index
    %swap3A_1077 = vector.load %arg11[%swap3A_1075, %swap3A_1076] : memref<256x32000xbf16, #tpu.memory_space<vmem>>, vector<256x256xbf16>
    tpu.vector_store %arg11[%swap3A_1075, %swap3A_1076], %convert_element_type3A_1074 {strides = array<i32>} : memref<256x32000xbf16, #tpu.memory_space<vmem>>, vector<256x256xbf16>,
    %slice3A_1078 = vector.extract_strided_slice %get3A_1 {offsets = [0, 120], sizes = [256, 1], strides = [1, 1]} : vector<256x125xi32> to vector<256x1xi32>
    %eq3A_1079 = vector.broadcast %slice3A_1078 : vector<256x1xi32> to vector<256x256xi32>
    %eq3A_1080 = arith.cmpi eq, %eq3A_1079, %iota3A : vector<256x256xi32>
    %convert_element_type3A_1081 = arith.extui %eq3A_1080 : vector<256x256xi1> to vector<256x256xi32>
    %convert_element_type3A_1082 = arith.sitofp %convert_element_type3A_1081 : vector<256x256xi32> to vector<256x256xf32>
    %convert_element_type3A_1083 = arith.truncf %convert_element_type3A_1082 : vector<256x256xf32> to vector<256x256xbf16>
    %swap3A_1084 = arith.constant 0 : index
    %swap3A_1085 = arith.constant 30720 : index
    %swap3A_1086 = vector.load %arg11[%swap3A_1084, %swap3A_1085] : memref<256x32000xbf16, #tpu.memory_space<vmem>>, vector<256x256xbf16>
    tpu.vector_store %arg11[%swap3A_1084, %swap3A_1085], %convert_element_type3A_1083 {strides = array<i32>} : memref<256x32000xbf16, #tpu.memory_space<vmem>>, vector<256x256xbf16>,
    %slice3A_1087 = vector.extract_strided_slice %get3A_1 {offsets = [0, 121], sizes = [256, 1], strides = [1, 1]} : vector<256x125xi32> to vector<256x1xi32>
    %eq3A_1088 = vector.broadcast %slice3A_1087 : vector<256x1xi32> to vector<256x256xi32>
    %eq3A_1089 = arith.cmpi eq, %eq3A_1088, %iota3A : vector<256x256xi32>
    %convert_element_type3A_1090 = arith.extui %eq3A_1089 : vector<256x256xi1> to vector<256x256xi32>
    %convert_element_type3A_1091 = arith.sitofp %convert_element_type3A_1090 : vector<256x256xi32> to vector<256x256xf32>
    %convert_element_type3A_1092 = arith.truncf %convert_element_type3A_1091 : vector<256x256xf32> to vector<256x256xbf16>
    %swap3A_1093 = arith.constant 0 : index
    %swap3A_1094 = arith.constant 30976 : index
    %swap3A_1095 = vector.load %arg11[%swap3A_1093, %swap3A_1094] : memref<256x32000xbf16, #tpu.memory_space<vmem>>, vector<256x256xbf16>
    tpu.vector_store %arg11[%swap3A_1093, %swap3A_1094], %convert_element_type3A_1092 {strides = array<i32>} : memref<256x32000xbf16, #tpu.memory_space<vmem>>, vector<256x256xbf16>,
    %slice3A_1096 = vector.extract_strided_slice %get3A_1 {offsets = [0, 122], sizes = [256, 1], strides = [1, 1]} : vector<256x125xi32> to vector<256x1xi32>
    %eq3A_1097 = vector.broadcast %slice3A_1096 : vector<256x1xi32> to vector<256x256xi32>
    %eq3A_1098 = arith.cmpi eq, %eq3A_1097, %iota3A : vector<256x256xi32>
    %convert_element_type3A_1099 = arith.extui %eq3A_1098 : vector<256x256xi1> to vector<256x256xi32>
    %convert_element_type3A_1100 = arith.sitofp %convert_element_type3A_1099 : vector<256x256xi32> to vector<256x256xf32>
    %convert_element_type3A_1101 = arith.truncf %convert_element_type3A_1100 : vector<256x256xf32> to vector<256x256xbf16>
    %swap3A_1102 = arith.constant 0 : index
    %swap3A_1103 = arith.constant 31232 : index
    %swap3A_1104 = vector.load %arg11[%swap3A_1102, %swap3A_1103] : memref<256x32000xbf16, #tpu.memory_space<vmem>>, vector<256x256xbf16>
    tpu.vector_store %arg11[%swap3A_1102, %swap3A_1103], %convert_element_type3A_1101 {strides = array<i32>} : memref<256x32000xbf16, #tpu.memory_space<vmem>>, vector<256x256xbf16>,
    %slice3A_1105 = vector.extract_strided_slice %get3A_1 {offsets = [0, 123], sizes = [256, 1], strides = [1, 1]} : vector<256x125xi32> to vector<256x1xi32>
    %eq3A_1106 = vector.broadcast %slice3A_1105 : vector<256x1xi32> to vector<256x256xi32>
    %eq3A_1107 = arith.cmpi eq, %eq3A_1106, %iota3A : vector<256x256xi32>
    %convert_element_type3A_1108 = arith.extui %eq3A_1107 : vector<256x256xi1> to vector<256x256xi32>
    %convert_element_type3A_1109 = arith.sitofp %convert_element_type3A_1108 : vector<256x256xi32> to vector<256x256xf32>
    %convert_element_type3A_1110 = arith.truncf %convert_element_type3A_1109 : vector<256x256xf32> to vector<256x256xbf16>
    %swap3A_1111 = arith.constant 0 : index
    %swap3A_1112 = arith.constant 31488 : index
    %swap3A_1113 = vector.load %arg11[%swap3A_1111, %swap3A_1112] : memref<256x32000xbf16, #tpu.memory_space<vmem>>, vector<256x256xbf16>
    tpu.vector_store %arg11[%swap3A_1111, %swap3A_1112], %convert_element_type3A_1110 {strides = array<i32>} : memref<256x32000xbf16, #tpu.memory_space<vmem>>, vector<256x256xbf16>,
    %slice3A_1114 = vector.extract_strided_slice %get3A_1 {offsets = [0, 124], sizes = [256, 1], strides = [1, 1]} : vector<256x125xi32> to vector<256x1xi32>
    %eq3A_1115 = vector.broadcast %slice3A_1114 : vector<256x1xi32> to vector<256x256xi32>
    %eq3A_1116 = arith.cmpi eq, %eq3A_1115, %iota3A : vector<256x256xi32>
    %convert_element_type3A_1117 = arith.extui %eq3A_1116 : vector<256x256xi1> to vector<256x256xi32>
    %convert_element_type3A_1118 = arith.sitofp %convert_element_type3A_1117 : vector<256x256xi32> to vector<256x256xf32>
    %convert_element_type3A_1119 = arith.truncf %convert_element_type3A_1118 : vector<256x256xf32> to vector<256x256xbf16>
    %swap3A_1120 = arith.constant 0 : index
    %swap3A_1121 = arith.constant 31744 : index
    %swap3A_1122 = vector.load %arg11[%swap3A_1120, %swap3A_1121] : memref<256x32000xbf16, #tpu.memory_space<vmem>>, vector<256x256xbf16>
    tpu.vector_store %arg11[%swap3A_1120, %swap3A_1121], %convert_element_type3A_1119 {strides = array<i32>} : memref<256x32000xbf16, #tpu.memory_space<vmem>>, vector<256x256xbf16>,
    %get3A_1123 = arith.constant 0 : index
    %get3A_1124 = arith.constant 0 : index
    %get3A_1125 = vector.load %arg11[%get3A_1123, %get3A_1124] : memref<256x32000xbf16, #tpu.memory_space<vmem>>, vector<256x32000xbf16>
    %get3A_1126 = arith.constant 0 : index
    %get3A_1127 = arith.constant 0 : index
    %get3A_1128 = vector.load %arg4[%get3A_1126, %get3A_1127] : memref<32000x128xbf16, #tpu.memory_space<vmem>>, vector<32000x128xbf16>
    %dot_general3A = arith.constant dense<0.000000e+00> : vector<256x128xf32>
    %dot_general3A_1129 = tpu.matmul %get3A_1125, %get3A_1128, %dot_general3A {dimension_numbers = #tpu.dot_dimension_numbers<[1], [0], [0], [1], [0, 0, 1, 1], [], []>, transpose_lhs_hint = false} : vector<256x32000xbf16>, vector<32000x128xbf16>, vector<256x128xf32> -> vector<256x128xf32>
    %get3A_1130 = arith.constant 0 : index
    %get3A_1131 = arith.constant 0 : index
    %get3A_1132 = vector.load %arg5[%get3A_1130, %get3A_1131] : memref<1x128xf32, #tpu.memory_space<vmem>>, vector<1x128xf32>
    %add3A = vector.broadcast %get3A_1132 : vector<1x128xf32> to vector<256x128xf32>
    %add3A_1133 = arith.addf %dot_general3A_1129, %add3A : vector<256x128xf32>
    %max3A = arith.constant 0.000000e+00 : f32
    %max3A_1134 = vector.broadcast %max3A : f32 to vector<256x128xf32>
    %max3A_1135 = arith.maximumf %add3A_1133, %max3A_1134 : vector<256x128xf32>
    %get3A_1136 = arith.constant 0 : index
    %get3A_1137 = arith.constant 0 : index
    %get3A_1138 = vector.load %arg2[%get3A_1136, %get3A_1137] : memref<256x729xi32, #tpu.memory_space<vmem>>, vector<256x729xi32>
    %ge3A = arith.constant 8 : i32
    %ge3A_1139 = vector.broadcast %ge3A : i32 to vector<256x729xi32>
    %ge3A_1140 = arith.cmpi sge, %get3A_1138, %ge3A_1139 : vector<256x729xi32>
    %le3A = arith.constant 10 : i32
    %le3A_1141 = vector.broadcast %le3A : i32 to vector<256x729xi32>
    %le3A_1142 = arith.cmpi sle, %get3A_1138, %le3A_1141 : vector<256x729xi32>
    %and3A = arith.andi %ge3A_1140, %le3A_1142 : vector<256x729xi1>
    %convert_element_type3A_1143 = arith.extui %and3A : vector<256x729xi1> to vector<256x729xi32>
    %convert_element_type3A_1144 = arith.sitofp %convert_element_type3A_1143 : vector<256x729xi32> to vector<256x729xf32>
    %reduce_sum3A = arith.constant dense<0.000000e+00> : vector<256xf32>
    %reduce_sum3A_1145 = vector.multi_reduction <add>, %convert_element_type3A_1144, %reduce_sum3A [1] : vector<256x729xf32> to vector<256xf32>
    %broadcast_in_dim3A = vector.shape_cast %reduce_sum3A_1145 : vector<256xf32> to vector<256x1xf32>
    %mul3A = arith.constant 8.000000e-03 : f32
    %mul3A_1146 = vector.broadcast %mul3A : f32 to vector<256x1xf32>
    %mul3A_1147 = arith.mulf %broadcast_in_dim3A, %mul3A_1146 : vector<256x1xf32>
    %ge3A_1148 = arith.constant 14 : i32
    %ge3A_1149 = vector.broadcast %ge3A_1148 : i32 to vector<256x729xi32>
    %ge3A_1150 = arith.cmpi sge, %get3A_1138, %ge3A_1149 : vector<256x729xi32>
    %le3A_1151 = arith.constant 19 : i32
    %le3A_1152 = vector.broadcast %le3A_1151 : i32 to vector<256x729xi32>
    %le3A_1153 = arith.cmpi sle, %get3A_1138, %le3A_1152 : vector<256x729xi32>
    %and3A_1154 = arith.andi %ge3A_1150, %le3A_1153 : vector<256x729xi1>
    %convert_element_type3A_1155 = arith.extui %and3A_1154 : vector<256x729xi1> to vector<256x729xi32>
    %convert_element_type3A_1156 = arith.sitofp %convert_element_type3A_1155 : vector<256x729xi32> to vector<256x729xf32>
    %reduce_sum3A_1157 = arith.constant dense<0.000000e+00> : vector<256xf32>
    %reduce_sum3A_1158 = vector.multi_reduction <add>, %convert_element_type3A_1156, %reduce_sum3A_1157 [1] : vector<256x729xf32> to vector<256xf32>
    %broadcast_in_dim3A_1159 = vector.shape_cast %reduce_sum3A_1158 : vector<256xf32> to vector<256x1xf32>
    %mul3A_1160 = arith.constant 8.000000e-03 : f32
    %mul3A_1161 = vector.broadcast %mul3A_1160 : f32 to vector<256x1xf32>
    %mul3A_1162 = arith.mulf %broadcast_in_dim3A_1159, %mul3A_1161 : vector<256x1xf32>
    %get3A_1163 = arith.constant 0 : index
    %get3A_1164 = arith.constant 0 : index
    %get3A_1165 = vector.load %arg3[%get3A_1163, %get3A_1164] : memref<256x8xi32, #tpu.memory_space<vmem>>, vector<256x8xi32>
    %gt3A = arith.constant 0 : i32
    %gt3A_1166 = vector.broadcast %gt3A : i32 to vector<256x8xi32>
    %gt3A_1167 = arith.cmpi sgt, %get3A_1165, %gt3A_1166 : vector<256x8xi32>
    %ne3A = arith.constant 255 : i32
    %ne3A_1168 = vector.broadcast %ne3A : i32 to vector<256x8xi32>
    %ne3A_1169 = arith.cmpi ne, %get3A_1165, %ne3A_1168 : vector<256x8xi32>
    %and3A_1170 = arith.andi %gt3A_1167, %ne3A_1169 : vector<256x8xi1>
    %convert_element_type3A_1171 = arith.extui %and3A_1170 : vector<256x8xi1> to vector<256x8xi32>
    %convert_element_type3A_1172 = arith.sitofp %convert_element_type3A_1171 : vector<256x8xi32> to vector<256x8xf32>
    %reduce_sum3A_1173 = arith.constant dense<0.000000e+00> : vector<256xf32>
    %reduce_sum3A_1174 = vector.multi_reduction <add>, %convert_element_type3A_1172, %reduce_sum3A_1173 [1] : vector<256x8xf32> to vector<256xf32>
    %broadcast_in_dim3A_1175 = vector.shape_cast %reduce_sum3A_1174 : vector<256xf32> to vector<256x1xf32>
    %mul3A_1176 = arith.constant 1.250000e-01 : f32
    %mul3A_1177 = vector.broadcast %mul3A_1176 : f32 to vector<256x1xf32>
    %mul3A_1178 = arith.mulf %broadcast_in_dim3A_1175, %mul3A_1177 : vector<256x1xf32>
    %get3A_1179 = arith.constant 0 : index
    %get3A_1180 = arith.constant 0 : index
    %get3A_1181 = vector.load %arg6[%get3A_1179, %get3A_1180] : memref<3x32xf32, #tpu.memory_space<vmem>>, vector<3x32xf32>
    %slice3A_1182 = vector.extract_strided_slice %get3A_1181 {offsets = [0, 0], sizes = [1, 32], strides = [1, 1]} : vector<3x32xf32> to vector<1x32xf32>
    %mul3A_1183 = vector.broadcast %mul3A_1147 : vector<256x1xf32> to vector<256x32xf32>
    %mul3A_1184 = vector.broadcast %slice3A_1182 : vector<1x32xf32> to vector<256x32xf32>
    %mul3A_1185 = arith.mulf %mul3A_1183, %mul3A_1184 : vector<256x32xf32>
    %slice3A_1186 = vector.extract_strided_slice %get3A_1181 {offsets = [1, 0], sizes = [1, 32], strides = [1, 1]} : vector<3x32xf32> to vector<1x32xf32>
    %mul3A_1187 = vector.broadcast %mul3A_1162 : vector<256x1xf32> to vector<256x32xf32>
    %mul3A_1188 = vector.broadcast %slice3A_1186 : vector<1x32xf32> to vector<256x32xf32>
    %mul3A_1189 = arith.mulf %mul3A_1187, %mul3A_1188 : vector<256x32xf32>
    %add3A_1190 = arith.addf %mul3A_1185, %mul3A_1189 : vector<256x32xf32>
    %slice3A_1191 = vector.extract_strided_slice %get3A_1181 {offsets = [2, 0], sizes = [1, 32], strides = [1, 1]} : vector<3x32xf32> to vector<1x32xf32>
    %mul3A_1192 = vector.broadcast %mul3A_1178 : vector<256x1xf32> to vector<256x32xf32>
    %mul3A_1193 = vector.broadcast %slice3A_1191 : vector<1x32xf32> to vector<256x32xf32>
    %mul3A_1194 = arith.mulf %mul3A_1192, %mul3A_1193 : vector<256x32xf32>
    %add3A_1195 = arith.addf %add3A_1190, %mul3A_1194 : vector<256x32xf32>
    %get3A_1196 = arith.constant 0 : index
    %get3A_1197 = arith.constant 0 : index
    %get3A_1198 = vector.load %arg7[%get3A_1196, %get3A_1197] : memref<1x32xf32, #tpu.memory_space<vmem>>, vector<1x32xf32>
    %add3A_1199 = vector.broadcast %get3A_1198 : vector<1x32xf32> to vector<256x32xf32>
    %add3A_1200 = arith.addf %add3A_1195, %add3A_1199 : vector<256x32xf32>
    %max3A_1201 = arith.constant 0.000000e+00 : f32
    %max3A_1202 = vector.broadcast %max3A_1201 : f32 to vector<256x32xf32>
    %max3A_1203 = arith.maximumf %add3A_1200, %max3A_1202 : vector<256x32xf32>
    %get3A_1204 = arith.constant 0 : index
    %get3A_1205 = arith.constant 0 : index
    %get3A_1206 = vector.load %arg8[%get3A_1204, %get3A_1205] : memref<160x256xf32, #tpu.memory_space<vmem>>, vector<160x256xf32>
    %slice3A_1207 = vector.extract_strided_slice %get3A_1206 {offsets = [0, 0], sizes = [128, 256], strides = [1, 1]} : vector<160x256xf32> to vector<128x256xf32>
    %dot_general3A_1208 = arith.constant dense<0.000000e+00> : vector<256x256xf32>
    %dot_general3A_1209 = tpu.matmul %max3A_1135, %slice3A_1207, %dot_general3A_1208 {dimension_numbers = #tpu.dot_dimension_numbers<[1], [0], [0], [1], [0, 0, 1, 1], [], []>, transpose_lhs_hint = false} : vector<256x128xf32>, vector<128x256xf32>, vector<256x256xf32> -> vector<256x256xf32>
    %slice3A_1210 = vector.extract_strided_slice %get3A_1206 {offsets = [128, 0], sizes = [32, 256], strides = [1, 1]} : vector<160x256xf32> to vector<32x256xf32>
    %dot_general3A_1211 = arith.constant dense<0.000000e+00> : vector<256x256xf32>
    %dot_general3A_1212 = tpu.matmul %max3A_1203, %slice3A_1210, %dot_general3A_1211 {dimension_numbers = #tpu.dot_dimension_numbers<[1], [0], [0], [1], [0, 0, 1, 1], [], []>, transpose_lhs_hint = false} : vector<256x32xf32>, vector<32x256xf32>, vector<256x256xf32> -> vector<256x256xf32>
    %add3A_1213 = arith.addf %dot_general3A_1209, %dot_general3A_1212 : vector<256x256xf32>
    %get3A_1214 = arith.constant 0 : index
    %get3A_1215 = arith.constant 0 : index
    %get3A_1216 = vector.load %arg9[%get3A_1214, %get3A_1215] : memref<1x256xf32, #tpu.memory_space<vmem>>, vector<1x256xf32>
    %add3A_1217 = vector.broadcast %get3A_1216 : vector<1x256xf32> to vector<256x256xf32>
    %add3A_1218 = arith.addf %add3A_1213, %add3A_1217 : vector<256x256xf32>
    %swap3A_1219 = arith.constant 0 : index
    %swap3A_1220 = arith.constant 0 : index
    %swap3A_1221 = vector.load %arg10[%swap3A_1219, %swap3A_1220] : memref<256x256xf32, #tpu.memory_space<vmem>>, vector<256x256xf32>
    tpu.vector_store %arg10[%swap3A_1219, %swap3A_1220], %add3A_1218 {strides = array<i32>} : memref<256x256xf32, #tpu.memory_space<vmem>>, vector<256x256xf32>,
    return
  }
  func.func @transform_0(%arg0: i32) -> (i32, i32) {
    %c0_i32 = arith.constant 0 : i32
    %c0_i32_0 = arith.constant 0 : i32
    return %arg0, %c0_i32 : i32, i32
  }
  func.func @transform_1(%arg0: i32) -> (i32, i32) {
    %c0_i32 = arith.constant 0 : i32
    %c0_i32_0 = arith.constant 0 : i32
    return %arg0, %c0_i32 : i32, i32
  }
  func.func @transform_2(%arg0: i32) -> (i32, i32) {
    %c0_i32 = arith.constant 0 : i32
    %c0_i32_0 = arith.constant 0 : i32
    return %arg0, %c0_i32 : i32, i32
  }
  func.func @transform_3(%arg0: i32) -> (i32, i32) {
    %c0_i32 = arith.constant 0 : i32
    %c0_i32_0 = arith.constant 0 : i32
    %c0_i32_1 = arith.constant 0 : i32
    return %c0_i32, %c0_i32_0 : i32, i32
  }
  func.func @transform_4(%arg0: i32) -> (i32, i32) {
    %c0_i32 = arith.constant 0 : i32
    %c0_i32_0 = arith.constant 0 : i32
    %c0_i32_1 = arith.constant 0 : i32
    return %c0_i32, %c0_i32_0 : i32, i32
  }
  func.func @transform_5(%arg0: i32) -> (i32, i32) {
    %c0_i32 = arith.constant 0 : i32
    %c0_i32_0 = arith.constant 0 : i32
    %c0_i32_1 = arith.constant 0 : i32
    return %c0_i32, %c0_i32_0 : i32, i32
  }
  func.func @transform_6(%arg0: i32) -> (i32, i32) {
    %c0_i32 = arith.constant 0 : i32
    %c0_i32_0 = arith.constant 0 : i32
    %c0_i32_1 = arith.constant 0 : i32
    return %c0_i32, %c0_i32_0 : i32, i32
  }
  func.func @transform_7(%arg0: i32) -> (i32, i32) {
    %c0_i32 = arith.constant 0 : i32
    %c0_i32_0 = arith.constant 0 : i32
    %c0_i32_1 = arith.constant 0 : i32
    return %c0_i32, %c0_i32_0 : i32, i32
  }
  func.func @transform_8(%arg0: i32) -> (i32, i32) {
    %c0_i32 = arith.constant 0 : i32
    %c0_i32_0 = arith.constant 0 : i32
    %c0_i32_1 = arith.constant 0 : i32
    return %c0_i32, %c0_i32_0 : i32, i32
  }
  func.func @transform_9(%arg0: i32) -> (i32, i32) {
    %c0_i32 = arith.constant 0 : i32
    %c0_i32_0 = arith.constant 0 : i32
    return %arg0, %c0_i32 : i32, i32
  }
}

module attributes {stable_mosaic.version = 14 : i64} {
  func.func @_final_body(%arg0: i32, %arg1: memref<256x256xf32, #tpu.memory_space<vmem>>, %arg2: memref<256x8xf32, #tpu.memory_space<vmem>>, %arg3: memref<8x64xf32, #tpu.memory_space<vmem>>, %arg4: memref<1x64xf32, #tpu.memory_space<vmem>>, %arg5: memref<64x256xf32, #tpu.memory_space<vmem>>, %arg6: memref<256x256xf32, #tpu.memory_space<vmem>>, %arg7: memref<256x256xf32, #tpu.memory_space<vmem>>) attributes {dimension_semantics = [#tpu.dimension_semantics<arbitrary>], iteration_bounds = array<i64: 16>, scalar_prefetch = 0 : i64, scratch_operands = 0 : i64, tpu.core_type = #tpu.core_type<tc>, window_params = [{transform_indices = @transform_0, window_bounds = array<i64: 256, 256>}, {pipeline_mode = #tpu.pipeline_mode<synchronous>, transform_indices = @transform_1, window_bounds = array<i64: 256, 8>}, {pipeline_mode = #tpu.pipeline_mode<synchronous>, transform_indices = @transform_2, window_bounds = array<i64: 8, 64>}, {pipeline_mode = #tpu.pipeline_mode<synchronous>, transform_indices = @transform_3, window_bounds = array<i64: 1, 64>}, {pipeline_mode = #tpu.pipeline_mode<synchronous>, transform_indices = @transform_4, window_bounds = array<i64: 64, 256>}, {transform_indices = @transform_5, window_bounds = array<i64: 256, 256>}, {transform_indices = @transform_6, window_bounds = array<i64: 256, 256>}]} {
    %get3A = arith.constant 0 : index
    %get3A_0 = arith.constant 0 : index
    %get3A_1 = vector.load %arg1[%get3A, %get3A_0] : memref<256x256xf32, #tpu.memory_space<vmem>>, vector<256x256xf32>
    %get3A_2 = arith.constant 0 : index
    %get3A_3 = arith.constant 0 : index
    %get3A_4 = vector.load %arg2[%get3A_2, %get3A_3] : memref<256x8xf32, #tpu.memory_space<vmem>>, vector<256x8xf32>
    %dot_general3A = arith.constant dense<0.000000e+00> : vector<256x8xf32>
    %dot_general3A_5 = tpu.matmul %get3A_1, %get3A_4, %dot_general3A {dimension_numbers = #tpu.dot_dimension_numbers<[1], [0], [0], [1], [0, 0, 1, 1], [], []>, transpose_lhs_hint = false} : vector<256x256xf32>, vector<256x8xf32>, vector<256x8xf32> -> vector<256x8xf32>
    %mul3A = arith.constant 2.03541626E-4 : f32
    %mul3A_6 = vector.broadcast %mul3A : f32 to vector<256x8xf32>
    %mul3A_7 = arith.mulf %dot_general3A_5, %mul3A_6 : vector<256x8xf32>
    %get3A_8 = arith.constant 0 : index
    %get3A_9 = arith.constant 0 : index
    %get3A_10 = vector.load %arg3[%get3A_8, %get3A_9] : memref<8x64xf32, #tpu.memory_space<vmem>>, vector<8x64xf32>
    %dot_general3A_11 = arith.constant dense<0.000000e+00> : vector<256x64xf32>
    %dot_general3A_12 = tpu.matmul %mul3A_7, %get3A_10, %dot_general3A_11 {dimension_numbers = #tpu.dot_dimension_numbers<[1], [0], [0], [1], [0, 0, 1, 1], [], []>, transpose_lhs_hint = false} : vector<256x8xf32>, vector<8x64xf32>, vector<256x64xf32> -> vector<256x64xf32>
    %get3A_13 = arith.constant 0 : index
    %get3A_14 = arith.constant 0 : index
    %get3A_15 = vector.load %arg4[%get3A_13, %get3A_14] : memref<1x64xf32, #tpu.memory_space<vmem>>, vector<1x64xf32>
    %add3A = vector.broadcast %get3A_15 : vector<1x64xf32> to vector<256x64xf32>
    %add3A_16 = arith.addf %dot_general3A_12, %add3A : vector<256x64xf32>
    %max3A = arith.constant 0.000000e+00 : f32
    %max3A_17 = vector.broadcast %max3A : f32 to vector<256x64xf32>
    %max3A_18 = arith.maximumf %add3A_16, %max3A_17 : vector<256x64xf32>
    %get3A_19 = arith.constant 0 : index
    %get3A_20 = arith.constant 0 : index
    %get3A_21 = vector.load %arg5[%get3A_19, %get3A_20] : memref<64x256xf32, #tpu.memory_space<vmem>>, vector<64x256xf32>
    %dot_general3A_22 = arith.constant dense<0.000000e+00> : vector<256x256xf32>
    %dot_general3A_23 = tpu.matmul %max3A_18, %get3A_21, %dot_general3A_22 {dimension_numbers = #tpu.dot_dimension_numbers<[1], [0], [0], [1], [0, 0, 1, 1], [], []>, transpose_lhs_hint = false} : vector<256x64xf32>, vector<64x256xf32>, vector<256x256xf32> -> vector<256x256xf32>
    %get3A_24 = arith.constant 0 : index
    %get3A_25 = arith.constant 0 : index
    %get3A_26 = vector.load %arg6[%get3A_24, %get3A_25] : memref<256x256xf32, #tpu.memory_space<vmem>>, vector<256x256xf32>
    %add3A_27 = arith.addf %dot_general3A_23, %get3A_26 : vector<256x256xf32>
    %max3A_28 = arith.constant 0.000000e+00 : f32
    %max3A_29 = vector.broadcast %max3A_28 : f32 to vector<256x256xf32>
    %max3A_30 = arith.maximumf %add3A_27, %max3A_29 : vector<256x256xf32>
    %swap3A = arith.constant 0 : index
    %swap3A_31 = arith.constant 0 : index
    %swap3A_32 = vector.load %arg7[%swap3A, %swap3A_31] : memref<256x256xf32, #tpu.memory_space<vmem>>, vector<256x256xf32>
    tpu.vector_store %arg7[%swap3A, %swap3A_31], %max3A_30 {strides = array<i32>} : memref<256x256xf32, #tpu.memory_space<vmem>>, vector<256x256xf32>,
    return
  }
  func.func @transform_0(%arg0: i32) -> (i32, i32) {
    %c0_i32 = arith.constant 0 : i32
    %c0_i32_0 = arith.constant 0 : i32
    return %arg0, %c0_i32 : i32, i32
  }
  func.func @transform_1(%arg0: i32) -> (i32, i32) {
    %c0_i32 = arith.constant 0 : i32
    %c0_i32_0 = arith.constant 0 : i32
    %c0_i32_1 = arith.constant 0 : i32
    return %c0_i32, %c0_i32_0 : i32, i32
  }
  func.func @transform_2(%arg0: i32) -> (i32, i32) {
    %c0_i32 = arith.constant 0 : i32
    %c0_i32_0 = arith.constant 0 : i32
    %c0_i32_1 = arith.constant 0 : i32
    return %c0_i32, %c0_i32_0 : i32, i32
  }
  func.func @transform_3(%arg0: i32) -> (i32, i32) {
    %c0_i32 = arith.constant 0 : i32
    %c0_i32_0 = arith.constant 0 : i32
    %c0_i32_1 = arith.constant 0 : i32
    return %c0_i32, %c0_i32_0 : i32, i32
  }
  func.func @transform_4(%arg0: i32) -> (i32, i32) {
    %c0_i32 = arith.constant 0 : i32
    %c0_i32_0 = arith.constant 0 : i32
    %c0_i32_1 = arith.constant 0 : i32
    return %c0_i32, %c0_i32_0 : i32, i32
  }
  func.func @transform_5(%arg0: i32) -> (i32, i32) {
    %c0_i32 = arith.constant 0 : i32
    %c0_i32_0 = arith.constant 0 : i32
    return %arg0, %c0_i32 : i32, i32
  }
  func.func @transform_6(%arg0: i32) -> (i32, i32) {
    %c0_i32 = arith.constant 0 : i32
    %c0_i32_0 = arith.constant 0 : i32
    return %arg0, %c0_i32 : i32, i32
  }
}

</mosaic_0001>

<sc_bundles>
// kernel: kernel.6.cloned.1.call-start
scs
__scs_entry_jumppad:
0x0: {  	(pc) =	sbr.rel $0x88, $3  }
0x1: {  	(tag) =	ssettag $0x0;
	lr =	simm.s32 $0x1  }
0x2: {  	[smem:$0x3F96] =	sst lr;
	_ =	strace $0xD0000000  }
0x3: {  	_ = 	snop  }
0x4: {  	_ = 	snop  }
0x5: {  	_ = 	snop  }
0x6: {  	_ = 	snop  }
0x7: {  	_ = 	snop  }
__scs_overlays_trampoline_lowered:
0x8: {  	[smem:$0x3FA5] =	sst s0  }
0x9: {  	[smem:$0x3FA6] =	sst s1  }
0xa: {  	[smem:$0x3FA7] =	sst s2  }
0xb: {  	[smem:$0x3FA8] =	sst s3  }
0xc: {  	[smem:$0x3FA9] =	sst s4  }
0xd: {  	[smem:$0x3FAA] =	sst s5  }
0xe: {  	[smem:$0x3FAB] =	sst s6  }
0xf: {  	[smem:$0x3FAC] =	sst s7  }
0x10: {  	[smem:$0x3FAD] =	sst s8  }
0x11: {  	[smem:$0x3FAE] =	sst s9;
	s0 =	simm.s32 @!p0 $0x0  }
0x12: {  	s1 =	sld [smem:$0x3F94];
	s0 =	simm.s32 @p0 $0x1  }
0x13: {  	[smem:$0x3FAF] =	sst s0;
	s0 =	simm.s32 @!p1 $0x0  }
0x14: {  	s2 =	sld [smem:$0x3F93];
	s0 =	simm.s32 @p1 $0x1  }
0x15: {  	[smem:$0x3FB0] =	sst s0;
	s0 =	simm.s32 @!p2 $0x0  }
0x16: {  	s3 =	sld [smem:$0x3FDB];
	s0 =	simm.s32 @p2 $0x1  }
0x17: {  	s4 =	simm.s32 $0x1BF5;
	[smem:$0x3FB2] =	sst s0  }
0x18: {  	s0 =	sld [smem:$0x3F95];
	_ =	swait.ge [sflag:s4], $0x0  }
0x19: {  	s7 =	sld [smem:$0x3F96]  }
0x1a: {  	s8 =	sadd.s32 $0xFFFFE003, lr  }
0x1b: {  	s9 =	sadd.s32 $0xFFFFFEF7, lr;
	s5 =	simm.s32 $0xFFFFFFFF;
	p2 =	slt.u32 s8, $0xFFFFF086  }
0x1c: {  	p1 =	slt.u32 s9, $0xF7A;
	s5 =	simm.s32 @!p2 $0x0  }
0x1d: {  	s5 =	simm.s32 @p1 $0x1;
	p0 =	seq.s32 s7, s2  }
0x1e: {  	s7 =	smul.u32 @!p0 $0xF7A, s2;
	p2 =	seq.s32 @!p0 s5, $0x0  }
0x1f: {  	s9 =	smul.u32 $0xF7A, s1;
	s8 =	simm.s32 @!p0 $0x1BF5;
	p2 =	por !p2, p0  }
0x20: {  	[sflag:s8] =	ssyncset.s32 @!p0 $0xFFFFF086;
	s6 =	sadd.s32 @!p0 s3, s7;
	s7 =	simm.s32 @!p0 $0x108  }
0x21: {  	s3 =	sadd.s32 s3, s9;
	s6 =	sadd.s32 @!p0 $0x88, s6;
	s7 =	simm.s32 @p2 $0x1082  }
0x22: {  	[simem:s7], [sflag:s8] =	dma.local @!p0 [hbm:s6], $0xF7A  }
0x23: {  	s9 =	sor.u32 $0xD0000000, s2;
	s6 =	simm.s32 $0x108;
	_ =	swait.ge @!p0 [sflag:s8], $0x0  }
0x24: {  	s3 =	sadd.s32 $0x88, s3;
	s6 =	simm.s32 @!p1 $0x1082;
	[sflag:s4] =	ssyncset.s32 $0xFFFFF086  }
0x25: {  	[simem:s6], [sflag:s4] =	dma.local [hbm:s3], $0xF7A  }
0x26: {  	[smem:$0x3F96] =	sst s1;
	(tag) =	ssettag s2;
	_ =	strace s9  }
0x27: {  	s1 =	sld [smem:$0x3FA6]  }
0x28: {  	s2 =	sld [smem:$0x3FA7]  }
0x29: {  	s4 =	sld [smem:$0x3FA9]  }
0x2a: {  	p0 =	seq.s32 s5, $0x0;
	s5 =	sld [smem:$0x3FAA]  }
0x2b: {  	s6 =	sld [smem:$0x3FAB]  }
0x2c: {  	s7 =	sld [smem:$0x3FAC]  }
0x2d: {  	s3 =	simm.s32 $0x108;
	s8 =	sld [smem:$0x3FAD]  }
0x2e: {  	s3 =	simm.s32 @!p0 $0x1082;
	s9 =	sld [smem:$0x3FAE]  }
0x2f: {  	lr =	sadd.s32 s0, s3;
	s0 =	sld [smem:$0x3FA5]  }
0x30: {  	s3 =	sld [smem:$0x3FA8]  }
0x31: {  	[smem:$0x3FB1] =	sst s10  }
0x32: {  	s10 =	sld [smem:$0x3FAF];
	_ =	sdelay $0x3  }
0x33: {  	p0 =	seq.s32 s10, $0x1;
	s10 =	sld [smem:$0x3FB1];
	_ =	sdelay $0x3  }
0x34: {  	[smem:$0x3FB1] =	sst s10  }
0x35: {  	s10 =	sld [smem:$0x3FB0];
	_ =	sdelay $0x3  }
0x36: {  	p1 =	seq.s32 s10, $0x1;
	s10 =	sld [smem:$0x3FB1];
	_ =	sdelay $0x3  }
0x37: {  	[smem:$0x3FB1] =	sst s10  }
0x38: {  	s10 =	sld [smem:$0x3FB2]  }
0x39: {  	_ = 	snop;
	(pc) =	sbr.ind lr, $3  }
0x3a: {  	_ = 	snop  }
0x3b: {  	_ = 	snop  }
0x3c: {  	p2 =	seq.s32 s10, $0x1;
	s10 =	sld [smem:$0x3FB1]  }
0x3d: {  	_ =	shalt  }
0x3e: {  	_ =	shalt  }
0x3f: {  	_ =	shalt  }
0x40: {  	_ =	shalt  }
0x41: {  	_ =	shalt  }
0x42: {  	_ =	shalt  }
0x43: {  	_ =	shalt  }
0x44: {  	_ =	shalt  }
0x45: {  	_ =	shalt  }
0x46: {  	_ =	shalt  }
0x47: {  	_ =	shalt  }
0x48: {  	_ =	shalt  }
0x49: {  	_ =	shalt  }
0x4a: {  	_ =	shalt  }
0x4b: {  	_ =	shalt  }
0x4c: {  	_ =	shalt  }
0x4d: {  	_ =	shalt  }
0x4e: {  	_ =	shalt  }
0x4f: {  	_ =	shalt  }
0x50: {  	_ =	shalt  }
0x51: {  	_ =	shalt  }
0x52: {  	_ =	shalt  }
0x53: {  	_ =	shalt  }
0x54: {  	_ =	shalt  }
0x55: {  	_ =	shalt  }
0x56: {  	_ =	shalt  }
0x57: {  	_ =	shalt  }
0x58: {  	_ =	shalt  }
0x59: {  	_ =	shalt  }
0x5a: {  	_ =	shalt  }
0x5b: {  	_ =	shalt  }
0x5c: {  	_ =	shalt  }
0x5d: {  	_ =	shalt  }
0x5e: {  	_ =	shalt  }
0x5f: {  	_ =	shalt  }
0x60: {  	_ =	shalt  }
0x61: {  	_ =	shalt  }
0x62: {  	_ =	shalt  }
0x63: {  	_ =	shalt  }
0x64: {  	_ =	shalt  }
0x65: {  	_ =	shalt  }
0x66: {  	_ =	shalt  }
0x67: {  	_ =	shalt  }
0x68: {  	_ =	shalt  }
0x69: {  	_ =	shalt  }
0x6a: {  	_ =	shalt  }
0x6b: {  	_ =	shalt  }
0x6c: {  	_ =	shalt  }
0x6d: {  	_ =	shalt  }
0x6e: {  	_ =	shalt  }
0x6f: {  	_ =	shalt  }
0x70: {  	_ =	shalt  }
0x71: {  	_ =	shalt  }
0x72: {  	_ =	shalt  }
0x73: {  	_ =	shalt  }
0x74: {  	_ =	shalt  }
0x75: {  	_ =	shalt  }
0x76: {  	_ =	shalt  }
0x77: {  	_ =	shalt  }
0x78: {  	_ =	shalt  }
0x79: {  	_ =	shalt  }
0x7a: {  	_ =	shalt  }
0x7b: {  	_ =	shalt  }
0x7c: {  	_ =	shalt  }
0x7d: {  	_ =	shalt  }
0x7e: {  	_ =	shalt  }
0x7f: {  	_ =	shalt  }
0x80: {  	_ =	shalt  }
0x81: {  	_ =	shalt  }
0x82: {  	_ =	shalt  }
0x83: {  	_ =	shalt  }
0x84: {  	_ =	shalt  }
0x85: {  	_ =	shalt  }
0x86: {  	_ =	shalt  }
0x87: {  	_ =	shalt  }
.Lfunc_end0:
.L_simem_size_0:
called_computation_lowered:
.L_overlay_start_0:
0x88: {  	s2 =	sld [smem:$0x3FD9]  }
0x89: {  	s3 =	sld [smem:$0x3FFE];
	_ =	sdelay $0x1  }
0x8a: {  	s1 =	srdreg.scid  }
0x8b: {  	s0 =	sand.u32 $0x1, s1  }
0x8c: {  	s17 =	sshll.u32 s0, $0xA;
	s2 =	sadd.s32 s3, s2  }
0x8d: {  	s2 =	sadd.s32 s2, s17  }
0x8e: {  	[smem:$0x3FBD] =	sst s2  }
0x8f: {  	_ = 	snop  }
0x90: {  	s2 =	sld [smem:$0x3FD0];
	(tm) =	ssettm $0x1  }
0x91: {  	s18 =	sld [smem:$0x3FFB];
	_ =	sdelay $0x3  }
0x92: {  	_ =	strace s18  }
0x93: {  	s3 =	sld [smem:$0x3FFC];
	_ =	sdelay $0x3  }
0x94: {  	_ =	strace s3  }
0x95: {  	s3 =	sld [smem:$0x3FFD];
	_ =	sdelay $0x3  }
0x96: {  	_ =	strace s3  }
0x97: {  	_ =	strace $0x8FFFFFFF  }
0x98: {  	s19 =	sld [smem:$0x3FDB];
	_ =	sdelay $0x1  }
0x99: {  	s4 =	simm.s32 $_scs_section_size  }
0x9a: {  	s5 =	simm.s32 $_size__tile_overlayer_lowered;
	s6 =	simm.s32 $_tile_overlayer_lowered  }
0x9b: {  	s22 =	simm.s32 $0x1BFF;
	s21 =	sshll.u32 s6, $0x1;
	s3 =	sadd.s32 s4, s19  }
0x9c: {  	s7 =	simm.s32 $0x0;
	s20 =	sshll.u32 s5, $0x1;
	s5 =	sadd.s32 s21, s3  }
0x9d: {  	[timem:s7], [sflag:s22] =	dma.local [hbm:s5], s20  }
0x9e: {  	_ =	swait.ge [sflag:s22], s20  }
0x9f: {  	s4 =	ssub.s32 $0x0, s20;
	[sflag:s22] =	ssyncset.done $0x0  }
0xa0: {  	[sflag:s22] =	ssyncadd.s32 s4;
	_ =	sdelay $0x1  }
0xa1: {  	s23 =	simm.s32 $0x1B8B  }
0xa2: {  	_ =	swait.ge [sflag:s23], $0x1  }
0xa3: {  	[sflag:s23] =	ssyncset.done $0x0  }
0xa4: {  	s25 =	simm.s32 $0x1B8E;
	s24 =	sld [smem:$0x3FFE];
	[sflag:s23] =	ssyncadd.s32 $0xFFFFFFFF  }
0xa5: {  	s26 =	simm.s32 $execute0_lowered;
	[smem:$0x3FD2] =	sst s25  }
0xa6: {  	s5 =	sshll.u32 s26, $0x1;
	_ =	strace $0x80000046;
	[dreg:$0x1] =	wrdreg $0xFFFFFFFF  }
0xa7: {  	s28 =	simm.s32 $_size_execute0_lowered;
	s3 =	sadd.s32 s3, s5;
	[dreg:$0x0] =	wrdreg $0x0  }
0xa8: {  	s5 =	sshll.u32 s28, $0x1;
	[dreg:$0x2] =	wrdreg s3  }
0xa9: {  	[dreg:$0x3] =	wrdreg s5  }
0xaa: {  	[dreg:$0x4] =	wrdreg $0xC0  }
0xab: {  	_ =	task [dreg:s7], $0x5FFFF  }
0xac: {  	[dreg:$0x1] =	wrdreg $0xFFFFFFFF  }
0xad: {  	[dreg:$0x0] =	wrdreg $0x60  }
0xae: {  	[dreg:$0x2] =	wrdreg s24  }
0xaf: {  	[dreg:$0x3] =	wrdreg s2  }
0xb0: {  	[dreg:$0x4] =	wrdreg $0x9  }
0xb1: {  	_ =	task.clear_ibuf [dreg:s7], $0x5FFFF;
	_ =	strace $0x90000046  }
0xb2: {  	s29 =	simm.s32 $0x9;
	_ =	strace $0x80000048  }
0xb3: {  	_ =	swait.ge [sflag:s29], $0x1  }
0xb4: {  	[sflag:s29] =	ssyncadd.s32 $0xFFFFFFFF  }
0xb5: {  	_ =	strace $0x90000048  }
0xb6: {  	_ =	sfence  }
0xb7: {  	s30 =	sld [smem:$0x0];
	_ =	sdelay $0x2  }
0xb8: {  	s31 =	sshll.u32 s1, $0xD;
	s1 =	sshrl.u32 s1, $0x2  }
0xb9: {  	s3 =	sand.u32 $0x4000, s31;
	s1 =	sadd.s32 s1, s30  }
0xba: {  	s0 =	sor.u32 s3, s0;
	s1 =	sshll.u32 s1, $0x11  }
0xbb: {  	s0 =	sor.u32 s1, s0  }
0xbc: {  	s0 =	sadd.s32 $0x8F2B, s0  }
0xbd: {  	[sflag:s0] =	ssyncadd.remote.s32 $0x1  }
0xbe: {  	_ =	sfence.sel $0xFFFF  }
0xbf: {  	[dreg:$0x0] =	wrdreg $0xFFFFFFFF;
	(pc) =	sbr.abs _section_cstart, $3  }
0xc0: {  	[dreg:$0x1] =	wrdreg $0xFFFFFFFF  }
0xc1: {  	_ =	task.clear_ibuf [dreg:s7], $0x2FFFF;
	_ =	strace $0x9FFFFFFF  }
0xc2: {  	(tm) =	ssettm $0x7FFFFFFF  }
0xc3: {  	_ =	shalt  }
tec
execute0_lowered:
.L_overlay_start_1:
0x0: {  	(tag) =	ssettag $0x1  }
0x1: {  	s3 =	rddreg [dreg:$0x0]  }
0x2: {  	s7 =	rddreg [dreg:$0x1]  }
0x3: {  	s0 =	rddreg [dreg:$0x2];
	s4 =	srdreg.scid  }
0x4: {  	s2 =	simm.s32 $0x0;
	s1 =	stileid.u32;
	s10 =	simm.s32 $0x1000  }
0x5: {  	s11 =	simm.s32 $0x9080;
	s12 =	simm.s32 $0x1;
	s13 =	simm.s32 $0x12100  }
0x6: {  	s14 =	simm.s32 $0x2;
	s15 =	simm.s32 $0x3;
	s16 =	simm.s32 $0x0  }
0x7: {  	v0 =	vlaneseq.u32;
	s4 =	sand.u32 $0x1, s4;
	[smem:$0x7FF] =	sst s2;
	s5 =	sshll.u32 s1, $0x8  }
0x8: {  	s3 =	sadd.s32 $0x1800, s3;
	v0 =	vmul.u32 $0x100, v0;
	s6 =	sshll.u32 s4, $0x7;
	s4 =	ssub.s32 $0x2, s4  }
0x9: {  	_ =	strace $0x80000047;
	s6 =	sor.u32 s6, s5;
	s30 =	sshrl.u32 s4, $0x1  }
0xa: {  	v1 =	vimm.f32 $0.0e+00;
	v2 =	vimm.f32 $1.000000000e+00;
	v3 =	vor.u32 $0x1000, v0;
	s8 =	sshrl.u32 s6, $0x3;
	s9 =	ssub.s32 s4, s30;
	s31 =	sshll.u32 s6, $0x5  }
0xb: {  	v4 =	vor.u32 $0x2000, v0;
	v5 =	vor.u32 $0x3000, v0;
	v6 =	vor.u32 $0x4000, v0;
	s5 =	sor.u32 $0x121000, s6;
	s6 =	sor.u32 $0x242000, s6;
	s4 =	sadd.s32 s3, s8  }
0xc: {  	v7 =	vor.u32 $0x5000, v0;
	v8 =	vor.u32 $0x6000, v0;
	v9 =	vor.u32 $0x7000, v0;
	s7 =	sadd.s32 s7, s31;
	s8 =	smax.u32 s9, $0x1;
	s9 =	simm.s32 $0x80  }
.LBB2_1:
0xd: {  	s17 =	simm.s32 $0x12300  }
0xe: {  	[tilespmem:s17+$0xFFFFFE00] =	vst v1  }
0xf: {  	[tilespmem:s17+$0x1F0] =	vst v1  }
0x10: {  	[tilespmem:s17+$0x1E0] =	vst v1  }
0x11: {  	[tilespmem:s17+$0x1D0] =	vst v1  }
0x12: {  	[tilespmem:s17+$0x1C0] =	vst v1  }
0x13: {  	[tilespmem:s17+$0x1B0] =	vst v1  }
0x14: {  	[tilespmem:s17+$0x1A0] =	vst v1  }
0x15: {  	[tilespmem:s17+$0x190] =	vst v1  }
0x16: {  	[tilespmem:s17+$0x180] =	vst v1  }
0x17: {  	[tilespmem:s17+$0x170] =	vst v1  }
0x18: {  	[tilespmem:s17+$0x160] =	vst v1  }
0x19: {  	[tilespmem:s17+$0x150] =	vst v1  }
0x1a: {  	[tilespmem:s17+$0x140] =	vst v1  }
0x1b: {  	[tilespmem:s17+$0x130] =	vst v1  }
0x1c: {  	[tilespmem:s17+$0x120] =	vst v1  }
0x1d: {  	[tilespmem:s17+$0x110] =	vst v1  }
0x1e: {  	[tilespmem:s17+$0x100] =	vst v1  }
0x1f: {  	[tilespmem:s17+$0xF0] =	vst v1  }
0x20: {  	[tilespmem:s17+$0xE0] =	vst v1  }
0x21: {  	[tilespmem:s17+$0xD0] =	vst v1  }
0x22: {  	[tilespmem:s17+$0xC0] =	vst v1  }
0x23: {  	[tilespmem:s17+$0xB0] =	vst v1  }
0x24: {  	[tilespmem:s17+$0xA0] =	vst v1  }
0x25: {  	[tilespmem:s17+$0x90] =	vst v1  }
0x26: {  	[tilespmem:s17+$0x80] =	vst v1  }
0x27: {  	[tilespmem:s17+$0x70] =	vst v1  }
0x28: {  	[tilespmem:s17+$0x60] =	vst v1  }
0x29: {  	[tilespmem:s17+$0x50] =	vst v1  }
0x2a: {  	[tilespmem:s17+$0x40] =	vst v1  }
0x2b: {  	[tilespmem:s17+$0x30] =	vst v1  }
0x2c: {  	[tilespmem:s17+$0x20] =	vst v1  }
0x2d: {  	[tilespmem:s17+$0x10] =	vst v1  }
0x2e: {  	[tilespmem:s17+$0x0] =	vst v1  }
0x2f: {  	[tilespmem:s17+$0xFFFFFFF0] =	vst v1  }
0x30: {  	[tilespmem:s17+$0xFFFFFFE0] =	vst v1  }
0x31: {  	[tilespmem:s17+$0xFFFFFFD0] =	vst v1  }
0x32: {  	[tilespmem:s17+$0xFFFFFFC0] =	vst v1  }
0x33: {  	[tilespmem:s17+$0xFFFFFFB0] =	vst v1  }
0x34: {  	[tilespmem:s17+$0xFFFFFFA0] =	vst v1  }
0x35: {  	[tilespmem:s17+$0xFFFFFF90] =	vst v1  }
0x36: {  	[tilespmem:s17+$0xFFFFFF80] =	vst v1  }
0x37: {  	[tilespmem:s17+$0xFFFFFF70] =	vst v1  }
0x38: {  	[tilespmem:s17+$0xFFFFFF60] =	vst v1  }
0x39: {  	[tilespmem:s17+$0xFFFFFF50] =	vst v1  }
0x3a: {  	[tilespmem:s17+$0xFFFFFF40] =	vst v1  }
0x3b: {  	[tilespmem:s17+$0xFFFFFF30] =	vst v1  }
0x3c: {  	[tilespmem:s17+$0xFFFFFF20] =	vst v1  }
0x3d: {  	[tilespmem:s17+$0xFFFFFF10] =	vst v1  }
0x3e: {  	[tilespmem:s17+$0xFFFFFF00] =	vst v1  }
0x3f: {  	[tilespmem:s17+$0xFFFFFEF0] =	vst v1  }
0x40: {  	[tilespmem:s17+$0xFFFFFEE0] =	vst v1  }
0x41: {  	[tilespmem:s17+$0xFFFFFED0] =	vst v1  }
0x42: {  	[tilespmem:s17+$0xFFFFFEC0] =	vst v1  }
0x43: {  	[tilespmem:s17+$0xFFFFFEB0] =	vst v1  }
0x44: {  	[tilespmem:s17+$0xFFFFFEA0] =	vst v1  }
0x45: {  	[tilespmem:s17+$0xFFFFFE90] =	vst v1  }
0x46: {  	[tilespmem:s17+$0xFFFFFE80] =	vst v1  }
0x47: {  	[tilespmem:s17+$0xFFFFFE70] =	vst v1  }
0x48: {  	[tilespmem:s17+$0xFFFFFE60] =	vst v1  }
0x49: {  	[tilespmem:s17+$0xFFFFFE50] =	vst v1  }
0x4a: {  	[tilespmem:s17+$0xFFFFFE40] =	vst v1  }
0x4b: {  	[tilespmem:s17+$0xFFFFFE30] =	vst v1  }
0x4c: {  	s18 =	simm.s32 $0x0;
	[tilespmem:s17+$0xFFFFFE20] =	vst v1  }
.LBB2_2:
0x4d: {  	s18 =	sadd.s32 $0x4, s18;
	[tilespmem:s17+$0xFFFFFE10] =	vst v1;
	s17 =	sadd.s32 $0x400, s17  }
0x4e: {  	[tilespmem:s17+$0xFFFFFE00] =	vst v1;
	p0 =	slt.u32 s18, $0x7C  }
0x4f: {  	[tilespmem:s17+$0x1F0] =	vst v1  }
0x50: {  	[tilespmem:s17+$0x1E0] =	vst v1  }
0x51: {  	[tilespmem:s17+$0x1D0] =	vst v1  }
0x52: {  	[tilespmem:s17+$0x1C0] =	vst v1  }
0x53: {  	[tilespmem:s17+$0x1B0] =	vst v1  }
0x54: {  	[tilespmem:s17+$0x1A0] =	vst v1  }
0x55: {  	[tilespmem:s17+$0x190] =	vst v1  }
0x56: {  	[tilespmem:s17+$0x180] =	vst v1  }
0x57: {  	[tilespmem:s17+$0x170] =	vst v1  }
0x58: {  	[tilespmem:s17+$0x160] =	vst v1  }
0x59: {  	[tilespmem:s17+$0x150] =	vst v1  }
0x5a: {  	[tilespmem:s17+$0x140] =	vst v1  }
0x5b: {  	[tilespmem:s17+$0x130] =	vst v1  }
0x5c: {  	[tilespmem:s17+$0x120] =	vst v1  }
0x5d: {  	[tilespmem:s17+$0x110] =	vst v1  }
0x5e: {  	[tilespmem:s17+$0x100] =	vst v1  }
0x5f: {  	[tilespmem:s17+$0xF0] =	vst v1  }
0x60: {  	[tilespmem:s17+$0xE0] =	vst v1  }
0x61: {  	[tilespmem:s17+$0xD0] =	vst v1  }
0x62: {  	[tilespmem:s17+$0xC0] =	vst v1  }
0x63: {  	[tilespmem:s17+$0xB0] =	vst v1  }
0x64: {  	[tilespmem:s17+$0xA0] =	vst v1  }
0x65: {  	[tilespmem:s17+$0x90] =	vst v1  }
0x66: {  	[tilespmem:s17+$0x80] =	vst v1  }
0x67: {  	[tilespmem:s17+$0x70] =	vst v1  }
0x68: {  	[tilespmem:s17+$0x60] =	vst v1  }
0x69: {  	[tilespmem:s17+$0x50] =	vst v1  }
0x6a: {  	[tilespmem:s17+$0x40] =	vst v1  }
0x6b: {  	[tilespmem:s17+$0x30] =	vst v1  }
0x6c: {  	[tilespmem:s17+$0x20] =	vst v1  }
0x6d: {  	[tilespmem:s17+$0x10] =	vst v1  }
0x6e: {  	[tilespmem:s17+$0x0] =	vst v1  }
0x6f: {  	[tilespmem:s17+$0xFFFFFFF0] =	vst v1  }
0x70: {  	[tilespmem:s17+$0xFFFFFFE0] =	vst v1  }
0x71: {  	[tilespmem:s17+$0xFFFFFFD0] =	vst v1  }
0x72: {  	[tilespmem:s17+$0xFFFFFFC0] =	vst v1  }
0x73: {  	[tilespmem:s17+$0xFFFFFFB0] =	vst v1  }
0x74: {  	[tilespmem:s17+$0xFFFFFFA0] =	vst v1  }
0x75: {  	[tilespmem:s17+$0xFFFFFF90] =	vst v1  }
0x76: {  	[tilespmem:s17+$0xFFFFFF80] =	vst v1  }
0x77: {  	[tilespmem:s17+$0xFFFFFF70] =	vst v1  }
0x78: {  	[tilespmem:s17+$0xFFFFFF60] =	vst v1  }
0x79: {  	[tilespmem:s17+$0xFFFFFF50] =	vst v1  }
0x7a: {  	[tilespmem:s17+$0xFFFFFF40] =	vst v1  }
0x7b: {  	[tilespmem:s17+$0xFFFFFF30] =	vst v1  }
0x7c: {  	[tilespmem:s17+$0xFFFFFF20] =	vst v1  }
0x7d: {  	[tilespmem:s17+$0xFFFFFF10] =	vst v1  }
0x7e: {  	[tilespmem:s17+$0xFFFFFF00] =	vst v1  }
0x7f: {  	[tilespmem:s17+$0xFFFFFEF0] =	vst v1  }
0x80: {  	[tilespmem:s17+$0xFFFFFEE0] =	vst v1  }
0x81: {  	[tilespmem:s17+$0xFFFFFED0] =	vst v1  }
0x82: {  	[tilespmem:s17+$0xFFFFFEC0] =	vst v1  }
0x83: {  	[tilespmem:s17+$0xFFFFFEB0] =	vst v1  }
0x84: {  	[tilespmem:s17+$0xFFFFFEA0] =	vst v1  }
0x85: {  	[tilespmem:s17+$0xFFFFFE90] =	vst v1  }
0x86: {  	[tilespmem:s17+$0xFFFFFE80] =	vst v1  }
0x87: {  	[tilespmem:s17+$0xFFFFFE70] =	vst v1  }
.Ltmp0:
0x88: {  	[tilespmem:s17+$0xFFFFFE60] =	vst v1;
	(pc) =	sbr.rel @p0 .LBB2_2-.Ltmp0, $4  }
0x89: {  	[tilespmem:s17+$0xFFFFFE50] =	vst v1  }
0x8a: {  	[tilespmem:s17+$0xFFFFFE40] =	vst v1  }
0x8b: {  	[tilespmem:s17+$0xFFFFFE30] =	vst v1  }
0x8c: {  	[tilespmem:s17+$0xFFFFFE20] =	vst v1  }
0x8d: {  	[tilespmem:s17+$0xFFFFFE10] =	vst v1;
	s17 =	simm.s32 $0x0  }
0x8e: {  	[tilespmem:s17], [sflag:$0x1] =	stream.strided.gather [hbm4b:s4+s9], $0x9080, s10, s9, $0x38;
	[tilespmem:$0x1A100] =	vst v63  }
.LBB2_4:
0x8f: {  	s18 =	smul.u32 $0x242000, s17;
	_ =	sdelay $0x1  }
0x90: {  	s19 =	sadd.s32 s5, s18  }
0x91: {  	s19 =	sshrl.u32 s19, $0x3  }
0x92: {  	s19 =	sadd.s32 s3, s19  }
0x93: {  	[tilespmem:s11], [sflag:$0x2] =	stream.strided.gather [hbm4b:s19+s9], $0x9080, s10, s9, $0x38;
	[tilespmem:$0x1A100] =	vst v63  }
0x94: {  	_ =	swait.ge [sflag:s12], $0x9080  }
0x95: {  	[sflag:s12] =	ssyncset.done $0x0  }
0x96: {  	s19 =	simm.s32 $0x0;
	[sflag:s12] =	ssyncadd.s32 $0xFFFF6F80  }
.LBB2_5:
0x97: {  	s20 =	sshra.s32 s19, $0x2  }
0x98: {  	v10 =	vld [tilespmem:s20+$0x0];
	_ =	sdelay $0x4  }
0x99: {  	v10 =	vadd.s32 v0, v10;
	_ =	sdelay $0x4  }
0x9a: {  	[tilespmem:v10+s13+$0x0] =	vst.idx.add.f32.msk $0xffff, v2  }
0x9b: {  	v10 =	vld [tilespmem:s20+$0x10];
	_ =	sdelay $0x4  }
0x9c: {  	v10 =	vadd.s32 v3, v10;
	_ =	sdelay $0x4  }
0x9d: {  	[tilespmem:v10+s13+$0x0] =	vst.idx.add.f32.msk $0xffff, v2  }
0x9e: {  	v10 =	vld [tilespmem:s20+$0x20];
	_ =	sdelay $0x4  }
0x9f: {  	v10 =	vadd.s32 v4, v10;
	_ =	sdelay $0x4  }
0xa0: {  	[tilespmem:v10+s13+$0x0] =	vst.idx.add.f32.msk $0xffff, v2  }
0xa1: {  	v10 =	vld [tilespmem:s20+$0x30];
	_ =	sdelay $0x4  }
0xa2: {  	v10 =	vadd.s32 v5, v10;
	_ =	sdelay $0x4  }
0xa3: {  	[tilespmem:v10+s13+$0x0] =	vst.idx.add.f32.msk $0xffff, v2  }
0xa4: {  	v10 =	vld [tilespmem:s20+$0x40];
	_ =	sdelay $0x4  }
0xa5: {  	v10 =	vadd.s32 v6, v10;
	_ =	sdelay $0x4  }
0xa6: {  	[tilespmem:v10+s13+$0x0] =	vst.idx.add.f32.msk $0xffff, v2  }
0xa7: {  	v10 =	vld [tilespmem:s20+$0x50];
	_ =	sdelay $0x4  }
0xa8: {  	v10 =	vadd.s32 v7, v10;
	_ =	sdelay $0x4  }
0xa9: {  	[tilespmem:v10+s13+$0x0] =	vst.idx.add.f32.msk $0xffff, v2  }
0xaa: {  	v10 =	vld [tilespmem:s20+$0x60];
	_ =	sdelay $0x4  }
0xab: {  	v10 =	vadd.s32 v8, v10;
	_ =	sdelay $0x4  }
0xac: {  	[tilespmem:v10+s13+$0x0] =	vst.idx.add.f32.msk $0xffff, v2  }
0xad: {  	v10 =	vld [tilespmem:s20+$0x70];
	_ =	sdelay $0x4  }
0xae: {  	v10 =	vadd.s32 v9, v10;
	_ =	sdelay $0x4  }
0xaf: {  	[tilespmem:v10+s13+$0x0] =	vst.idx.add.f32.msk $0xffff, v2  }
0xb0: {  	v10 =	vld [tilespmem:s20+$0x80];
	_ =	sdelay $0x4  }
0xb1: {  	v10 =	vadd.s32 v0, v10;
	_ =	sdelay $0x4  }
0xb2: {  	[tilespmem:v10+s13+$0x0] =	vst.idx.add.f32.msk $0xffff, v2  }
0xb3: {  	v10 =	vld [tilespmem:s20+$0x90];
	_ =	sdelay $0x4  }
0xb4: {  	v10 =	vadd.s32 v3, v10;
	_ =	sdelay $0x4  }
0xb5: {  	[tilespmem:v10+s13+$0x0] =	vst.idx.add.f32.msk $0xffff, v2  }
0xb6: {  	v10 =	vld [tilespmem:s20+$0xA0];
	_ =	sdelay $0x4  }
0xb7: {  	v10 =	vadd.s32 v4, v10;
	_ =	sdelay $0x4  }
0xb8: {  	[tilespmem:v10+s13+$0x0] =	vst.idx.add.f32.msk $0xffff, v2  }
0xb9: {  	v10 =	vld [tilespmem:s20+$0xB0];
	_ =	sdelay $0x4  }
0xba: {  	v10 =	vadd.s32 v5, v10;
	_ =	sdelay $0x4  }
0xbb: {  	[tilespmem:v10+s13+$0x0] =	vst.idx.add.f32.msk $0xffff, v2  }
0xbc: {  	v10 =	vld [tilespmem:s20+$0xC0];
	_ =	sdelay $0x4  }
0xbd: {  	v10 =	vadd.s32 v6, v10;
	_ =	sdelay $0x4  }
0xbe: {  	[tilespmem:v10+s13+$0x0] =	vst.idx.add.f32.msk $0xffff, v2  }
0xbf: {  	v10 =	vld [tilespmem:s20+$0xD0];
	_ =	sdelay $0x4  }
0xc0: {  	v10 =	vadd.s32 v7, v10;
	_ =	sdelay $0x4  }
0xc1: {  	[tilespmem:v10+s13+$0x0] =	vst.idx.add.f32.msk $0xffff, v2  }
0xc2: {  	v10 =	vld [tilespmem:s20+$0xE0];
	_ =	sdelay $0x4  }
0xc3: {  	v10 =	vadd.s32 v8, v10;
	_ =	sdelay $0x4  }
0xc4: {  	[tilespmem:v10+s13+$0x0] =	vst.idx.add.f32.msk $0xffff, v2  }
0xc5: {  	v10 =	vld [tilespmem:s20+$0xF0];
	_ =	sdelay $0x4  }
0xc6: {  	v10 =	vadd.s32 v9, v10;
	_ =	sdelay $0x4  }
0xc7: {  	[tilespmem:v10+s13+$0x0] =	vst.idx.add.f32.msk $0xffff, v2  }
0xc8: {  	v10 =	vld [tilespmem:s20+$0x100];
	_ =	sdelay $0x4  }
0xc9: {  	v10 =	vadd.s32 v0, v10;
	_ =	sdelay $0x4  }
0xca: {  	[tilespmem:v10+s13+$0x0] =	vst.idx.add.f32.msk $0xffff, v2  }
0xcb: {  	v10 =	vld [tilespmem:s20+$0x110];
	_ =	sdelay $0x4  }
0xcc: {  	v10 =	vadd.s32 v3, v10;
	_ =	sdelay $0x4  }
0xcd: {  	[tilespmem:v10+s13+$0x0] =	vst.idx.add.f32.msk $0xffff, v2  }
0xce: {  	v10 =	vld [tilespmem:s20+$0x120];
	_ =	sdelay $0x4  }
0xcf: {  	v10 =	vadd.s32 v4, v10;
	_ =	sdelay $0x4  }
0xd0: {  	[tilespmem:v10+s13+$0x0] =	vst.idx.add.f32.msk $0xffff, v2  }
0xd1: {  	v10 =	vld [tilespmem:s20+$0x130];
	_ =	sdelay $0x4  }
0xd2: {  	v10 =	vadd.s32 v5, v10;
	_ =	sdelay $0x4  }
0xd3: {  	[tilespmem:v10+s13+$0x0] =	vst.idx.add.f32.msk $0xffff, v2  }
0xd4: {  	v10 =	vld [tilespmem:s20+$0x140];
	_ =	sdelay $0x4  }
0xd5: {  	v10 =	vadd.s32 v6, v10;
	_ =	sdelay $0x4  }
0xd6: {  	[tilespmem:v10+s13+$0x0] =	vst.idx.add.f32.msk $0xffff, v2  }
0xd7: {  	v10 =	vld [tilespmem:s20+$0x150];
	_ =	sdelay $0x4  }
0xd8: {  	v10 =	vadd.s32 v7, v10;
	_ =	sdelay $0x4  }
0xd9: {  	[tilespmem:v10+s13+$0x0] =	vst.idx.add.f32.msk $0xffff, v2  }
0xda: {  	v10 =	vld [tilespmem:s20+$0x160];
	_ =	sdelay $0x4  }
0xdb: {  	v10 =	vadd.s32 v8, v10;
	_ =	sdelay $0x4  }
0xdc: {  	[tilespmem:v10+s13+$0x0] =	vst.idx.add.f32.msk $0xffff, v2  }
0xdd: {  	v10 =	vld [tilespmem:s20+$0x170];
	_ =	sdelay $0x4  }
0xde: {  	v10 =	vadd.s32 v9, v10;
	_ =	sdelay $0x4  }
0xdf: {  	[tilespmem:v10+s13+$0x0] =	vst.idx.add.f32.msk $0xffff, v2  }
0xe0: {  	v10 =	vld [tilespmem:s20+$0x180];
	_ =	sdelay $0x4  }
0xe1: {  	v10 =	vadd.s32 v0, v10;
	_ =	sdelay $0x4  }
0xe2: {  	[tilespmem:v10+s13+$0x0] =	vst.idx.add.f32.msk $0xffff, v2  }
0xe3: {  	v10 =	vld [tilespmem:s20+$0x190];
	_ =	sdelay $0x4  }
0xe4: {  	v10 =	vadd.s32 v3, v10;
	_ =	sdelay $0x4  }
0xe5: {  	[tilespmem:v10+s13+$0x0] =	vst.idx.add.f32.msk $0xffff, v2  }
0xe6: {  	v10 =	vld [tilespmem:s20+$0x1A0];
	_ =	sdelay $0x4  }
0xe7: {  	v10 =	vadd.s32 v4, v10;
	_ =	sdelay $0x4  }
0xe8: {  	[tilespmem:v10+s13+$0x0] =	vst.idx.add.f32.msk $0xffff, v2  }
0xe9: {  	v10 =	vld [tilespmem:s20+$0x1B0];
	_ =	sdelay $0x4  }
0xea: {  	v10 =	vadd.s32 v5, v10;
	_ =	sdelay $0x4  }
0xeb: {  	[tilespmem:v10+s13+$0x0] =	vst.idx.add.f32.msk $0xffff, v2  }
0xec: {  	v10 =	vld [tilespmem:s20+$0x1C0];
	_ =	sdelay $0x4  }
0xed: {  	v10 =	vadd.s32 v6, v10;
	_ =	sdelay $0x4  }
0xee: {  	[tilespmem:v10+s13+$0x0] =	vst.idx.add.f32.msk $0xffff, v2  }
0xef: {  	v10 =	vld [tilespmem:s20+$0x1D0];
	_ =	sdelay $0x4  }
0xf0: {  	v10 =	vadd.s32 v7, v10;
	_ =	sdelay $0x4  }
0xf1: {  	[tilespmem:v10+s13+$0x0] =	vst.idx.add.f32.msk $0xffff, v2  }
0xf2: {  	v10 =	vld [tilespmem:s20+$0x1E0];
	_ =	sdelay $0x4  }
0xf3: {  	v10 =	vadd.s32 v8, v10;
	_ =	sdelay $0x4  }
0xf4: {  	[tilespmem:v10+s13+$0x0] =	vst.idx.add.f32.msk $0xffff, v2  }
0xf5: {  	v10 =	vld [tilespmem:s20+$0x1F0];
	_ =	sdelay $0x4  }
0xf6: {  	v10 =	vadd.s32 v9, v10;
	_ =	sdelay $0x4  }
0xf7: {  	[tilespmem:v10+s13+$0x0] =	vst.idx.add.f32.msk $0xffff, v2  }
0xf8: {  	v10 =	vld [tilespmem:s20+$0x200];
	_ =	sdelay $0x4  }
0xf9: {  	v10 =	vadd.s32 v0, v10;
	_ =	sdelay $0x4  }
0xfa: {  	[tilespmem:v10+s13+$0x0] =	vst.idx.add.f32.msk $0xffff, v2  }
0xfb: {  	v10 =	vld [tilespmem:s20+$0x210];
	_ =	sdelay $0x4  }
0xfc: {  	v10 =	vadd.s32 v3, v10;
	_ =	sdelay $0x4  }
0xfd: {  	[tilespmem:v10+s13+$0x0] =	vst.idx.add.f32.msk $0xffff, v2  }
0xfe: {  	v10 =	vld [tilespmem:s20+$0x220];
	_ =	sdelay $0x4  }
0xff: {  	v10 =	vadd.s32 v4, v10;
	_ =	sdelay $0x4  }
0x100: {  	[tilespmem:v10+s13+$0x0] =	vst.idx.add.f32.msk $0xffff, v2  }
0x101: {  	v10 =	vld [tilespmem:s20+$0x230];
	_ =	sdelay $0x4  }
0x102: {  	v10 =	vadd.s32 v5, v10;
	_ =	sdelay $0x4  }
0x103: {  	[tilespmem:v10+s13+$0x0] =	vst.idx.add.f32.msk $0xffff, v2  }
0x104: {  	v10 =	vld [tilespmem:s20+$0x240];
	_ =	sdelay $0x4  }
0x105: {  	v10 =	vadd.s32 v6, v10;
	_ =	sdelay $0x4  }
0x106: {  	[tilespmem:v10+s13+$0x0] =	vst.idx.add.f32.msk $0xffff, v2  }
0x107: {  	v10 =	vld [tilespmem:s20+$0x250];
	_ =	sdelay $0x4  }
0x108: {  	v10 =	vadd.s32 v7, v10;
	_ =	sdelay $0x4  }
0x109: {  	[tilespmem:v10+s13+$0x0] =	vst.idx.add.f32.msk $0xffff, v2  }
0x10a: {  	v10 =	vld [tilespmem:s20+$0x260];
	_ =	sdelay $0x4  }
0x10b: {  	v10 =	vadd.s32 v8, v10;
	_ =	sdelay $0x4  }
0x10c: {  	[tilespmem:v10+s13+$0x0] =	vst.idx.add.f32.msk $0xffff, v2  }
0x10d: {  	v10 =	vld [tilespmem:s20+$0x270];
	_ =	sdelay $0x4  }
0x10e: {  	v10 =	vadd.s32 v9, v10;
	_ =	sdelay $0x4  }
0x10f: {  	[tilespmem:v10+s13+$0x0] =	vst.idx.add.f32.msk $0xffff, v2  }
0x110: {  	v10 =	vld [tilespmem:s20+$0x280];
	_ =	sdelay $0x4  }
0x111: {  	v10 =	vadd.s32 v0, v10;
	_ =	sdelay $0x4  }
0x112: {  	[tilespmem:v10+s13+$0x0] =	vst.idx.add.f32.msk $0xffff, v2  }
0x113: {  	v10 =	vld [tilespmem:s20+$0x290];
	_ =	sdelay $0x4  }
0x114: {  	v10 =	vadd.s32 v3, v10;
	_ =	sdelay $0x4  }
0x115: {  	[tilespmem:v10+s13+$0x0] =	vst.idx.add.f32.msk $0xffff, v2  }
0x116: {  	v10 =	vld [tilespmem:s20+$0x2A0];
	_ =	sdelay $0x4  }
0x117: {  	v10 =	vadd.s32 v4, v10;
	_ =	sdelay $0x4  }
0x118: {  	[tilespmem:v10+s13+$0x0] =	vst.idx.add.f32.msk $0xffff, v2  }
0x119: {  	v10 =	vld [tilespmem:s20+$0x2B0];
	_ =	sdelay $0x4  }
0x11a: {  	v10 =	vadd.s32 v5, v10;
	_ =	sdelay $0x4  }
0x11b: {  	[tilespmem:v10+s13+$0x0] =	vst.idx.add.f32.msk $0xffff, v2  }
0x11c: {  	v10 =	vld [tilespmem:s20+$0x2C0];
	_ =	sdelay $0x4  }
0x11d: {  	v10 =	vadd.s32 v6, v10;
	_ =	sdelay $0x4  }
0x11e: {  	[tilespmem:v10+s13+$0x0] =	vst.idx.add.f32.msk $0xffff, v2  }
0x11f: {  	v10 =	vld [tilespmem:s20+$0x2D0];
	_ =	sdelay $0x4  }
0x120: {  	v10 =	vadd.s32 v7, v10;
	_ =	sdelay $0x4  }
0x121: {  	[tilespmem:v10+s13+$0x0] =	vst.idx.add.f32.msk $0xffff, v2  }
0x122: {  	v10 =	vld [tilespmem:s20+$0x2E0];
	_ =	sdelay $0x4  }
0x123: {  	v10 =	vadd.s32 v8, v10;
	_ =	sdelay $0x4  }
0x124: {  	[tilespmem:v10+s13+$0x0] =	vst.idx.add.f32.msk $0xffff, v2  }
0x125: {  	v10 =	vld [tilespmem:s20+$0x2F0];
	_ =	sdelay $0x4  }
0x126: {  	v10 =	vadd.s32 v9, v10;
	_ =	sdelay $0x4  }
0x127: {  	[tilespmem:v10+s13+$0x0] =	vst.idx.add.f32.msk $0xffff, v2  }
0x128: {  	v10 =	vld [tilespmem:s20+$0x300];
	_ =	sdelay $0x4  }
0x129: {  	v10 =	vadd.s32 v0, v10;
	_ =	sdelay $0x4  }
0x12a: {  	[tilespmem:v10+s13+$0x0] =	vst.idx.add.f32.msk $0xffff, v2  }
0x12b: {  	v10 =	vld [tilespmem:s20+$0x310];
	_ =	sdelay $0x4  }
0x12c: {  	v10 =	vadd.s32 v3, v10;
	_ =	sdelay $0x4  }
0x12d: {  	[tilespmem:v10+s13+$0x0] =	vst.idx.add.f32.msk $0xffff, v2  }
0x12e: {  	v10 =	vld [tilespmem:s20+$0x320];
	_ =	sdelay $0x4  }
0x12f: {  	v10 =	vadd.s32 v4, v10;
	_ =	sdelay $0x4  }
0x130: {  	[tilespmem:v10+s13+$0x0] =	vst.idx.add.f32.msk $0xffff, v2  }
0x131: {  	v10 =	vld [tilespmem:s20+$0x330];
	_ =	sdelay $0x4  }
0x132: {  	v10 =	vadd.s32 v5, v10;
	_ =	sdelay $0x4  }
0x133: {  	[tilespmem:v10+s13+$0x0] =	vst.idx.add.f32.msk $0xffff, v2  }
0x134: {  	v10 =	vld [tilespmem:s20+$0x340];
	_ =	sdelay $0x4  }
0x135: {  	v10 =	vadd.s32 v6, v10;
	_ =	sdelay $0x4  }
0x136: {  	[tilespmem:v10+s13+$0x0] =	vst.idx.add.f32.msk $0xffff, v2  }
0x137: {  	v10 =	vld [tilespmem:s20+$0x350];
	_ =	sdelay $0x4  }
0x138: {  	v10 =	vadd.s32 v7, v10;
	_ =	sdelay $0x4  }
0x139: {  	[tilespmem:v10+s13+$0x0] =	vst.idx.add.f32.msk $0xffff, v2  }
0x13a: {  	v10 =	vld [tilespmem:s20+$0x360];
	_ =	sdelay $0x4  }
0x13b: {  	v10 =	vadd.s32 v8, v10;
	_ =	sdelay $0x4  }
0x13c: {  	[tilespmem:v10+s13+$0x0] =	vst.idx.add.f32.msk $0xffff, v2  }
0x13d: {  	v10 =	vld [tilespmem:s20+$0x370];
	_ =	sdelay $0x4  }
0x13e: {  	v10 =	vadd.s32 v9, v10;
	_ =	sdelay $0x4  }
0x13f: {  	[tilespmem:v10+s13+$0x0] =	vst.idx.add.f32.msk $0xffff, v2  }
0x140: {  	v10 =	vld [tilespmem:s20+$0x380];
	_ =	sdelay $0x4  }
0x141: {  	v10 =	vadd.s32 v0, v10;
	_ =	sdelay $0x4  }
0x142: {  	[tilespmem:v10+s13+$0x0] =	vst.idx.add.f32.msk $0xffff, v2  }
0x143: {  	v10 =	vld [tilespmem:s20+$0x390];
	_ =	sdelay $0x4  }
0x144: {  	v10 =	vadd.s32 v3, v10;
	_ =	sdelay $0x4  }
0x145: {  	[tilespmem:v10+s13+$0x0] =	vst.idx.add.f32.msk $0xffff, v2  }
0x146: {  	v10 =	vld [tilespmem:s20+$0x3A0];
	_ =	sdelay $0x4  }
0x147: {  	v10 =	vadd.s32 v4, v10;
	_ =	sdelay $0x4  }
0x148: {  	[tilespmem:v10+s13+$0x0] =	vst.idx.add.f32.msk $0xffff, v2  }
0x149: {  	v10 =	vld [tilespmem:s20+$0x3B0];
	_ =	sdelay $0x4  }
0x14a: {  	v10 =	vadd.s32 v5, v10;
	_ =	sdelay $0x4  }
0x14b: {  	[tilespmem:v10+s13+$0x0] =	vst.idx.add.f32.msk $0xffff, v2  }
0x14c: {  	v10 =	vld [tilespmem:s20+$0x3C0];
	_ =	sdelay $0x4  }
0x14d: {  	v10 =	vadd.s32 v6, v10;
	_ =	sdelay $0x4  }
0x14e: {  	[tilespmem:v10+s13+$0x0] =	vst.idx.add.f32.msk $0xffff, v2  }
0x14f: {  	v10 =	vld [tilespmem:s20+$0x3D0];
	_ =	sdelay $0x4  }
0x150: {  	v10 =	vadd.s32 v7, v10;
	_ =	sdelay $0x4  }
0x151: {  	[tilespmem:v10+s13+$0x0] =	vst.idx.add.f32.msk $0xffff, v2  }
0x152: {  	v10 =	vld [tilespmem:s20+$0x3E0];
	_ =	sdelay $0x4  }
0x153: {  	v10 =	vadd.s32 v8, v10;
	_ =	sdelay $0x4  }
0x154: {  	[tilespmem:v10+s13+$0x0] =	vst.idx.add.f32.msk $0xffff, v2  }
0x155: {  	v10 =	vld [tilespmem:s20+$0x3F0];
	_ =	sdelay $0x4  }
0x156: {  	v10 =	vadd.s32 v9, v10;
	_ =	sdelay $0x4  }
0x157: {  	[tilespmem:v10+s13+$0x0] =	vst.idx.add.f32.msk $0xffff, v2  }
0x158: {  	v10 =	vld [tilespmem:s20+$0x400];
	_ =	sdelay $0x4  }
0x159: {  	v10 =	vadd.s32 v0, v10;
	_ =	sdelay $0x4  }
0x15a: {  	[tilespmem:v10+s13+$0x0] =	vst.idx.add.f32.msk $0xffff, v2  }
0x15b: {  	v10 =	vld [tilespmem:s20+$0x410];
	_ =	sdelay $0x4  }
0x15c: {  	v10 =	vadd.s32 v3, v10;
	_ =	sdelay $0x4  }
0x15d: {  	[tilespmem:v10+s13+$0x0] =	vst.idx.add.f32.msk $0xffff, v2  }
0x15e: {  	v10 =	vld [tilespmem:s20+$0x420];
	_ =	sdelay $0x4  }
0x15f: {  	v10 =	vadd.s32 v4, v10;
	_ =	sdelay $0x4  }
0x160: {  	[tilespmem:v10+s13+$0x0] =	vst.idx.add.f32.msk $0xffff, v2  }
0x161: {  	v10 =	vld [tilespmem:s20+$0x430];
	_ =	sdelay $0x4  }
0x162: {  	v10 =	vadd.s32 v5, v10;
	_ =	sdelay $0x4  }
0x163: {  	[tilespmem:v10+s13+$0x0] =	vst.idx.add.f32.msk $0xffff, v2  }
0x164: {  	v10 =	vld [tilespmem:s20+$0x440];
	_ =	sdelay $0x4  }
0x165: {  	v10 =	vadd.s32 v6, v10;
	_ =	sdelay $0x4  }
0x166: {  	[tilespmem:v10+s13+$0x0] =	vst.idx.add.f32.msk $0xffff, v2  }
0x167: {  	v10 =	vld [tilespmem:s20+$0x450];
	_ =	sdelay $0x4  }
0x168: {  	v10 =	vadd.s32 v7, v10;
	_ =	sdelay $0x4  }
0x169: {  	[tilespmem:v10+s13+$0x0] =	vst.idx.add.f32.msk $0xffff, v2  }
0x16a: {  	v10 =	vld [tilespmem:s20+$0x460];
	_ =	sdelay $0x4  }
0x16b: {  	v10 =	vadd.s32 v8, v10;
	_ =	sdelay $0x4  }
0x16c: {  	[tilespmem:v10+s13+$0x0] =	vst.idx.add.f32.msk $0xffff, v2  }
0x16d: {  	v10 =	vld [tilespmem:s20+$0x470];
	_ =	sdelay $0x4  }
0x16e: {  	v10 =	vadd.s32 v9, v10;
	_ =	sdelay $0x4  }
0x16f: {  	[tilespmem:v10+s13+$0x0] =	vst.idx.add.f32.msk $0xffff, v2  }
0x170: {  	v10 =	vld [tilespmem:s20+$0x480];
	_ =	sdelay $0x4  }
0x171: {  	v10 =	vadd.s32 v0, v10;
	_ =	sdelay $0x4  }
0x172: {  	[tilespmem:v10+s13+$0x0] =	vst.idx.add.f32.msk $0xffff, v2  }
0x173: {  	v10 =	vld [tilespmem:s20+$0x490];
	_ =	sdelay $0x4  }
0x174: {  	v10 =	vadd.s32 v3, v10;
	_ =	sdelay $0x4  }
0x175: {  	[tilespmem:v10+s13+$0x0] =	vst.idx.add.f32.msk $0xffff, v2  }
0x176: {  	v10 =	vld [tilespmem:s20+$0x4A0];
	_ =	sdelay $0x4  }
0x177: {  	v10 =	vadd.s32 v4, v10;
	_ =	sdelay $0x4  }
0x178: {  	[tilespmem:v10+s13+$0x0] =	vst.idx.add.f32.msk $0xffff, v2  }
0x179: {  	v10 =	vld [tilespmem:s20+$0x4B0];
	_ =	sdelay $0x4  }
0x17a: {  	v10 =	vadd.s32 v5, v10;
	_ =	sdelay $0x4  }
0x17b: {  	[tilespmem:v10+s13+$0x0] =	vst.idx.add.f32.msk $0xffff, v2  }
0x17c: {  	v10 =	vld [tilespmem:s20+$0x4C0];
	_ =	sdelay $0x4  }
0x17d: {  	v10 =	vadd.s32 v6, v10;
	_ =	sdelay $0x4  }
0x17e: {  	[tilespmem:v10+s13+$0x0] =	vst.idx.add.f32.msk $0xffff, v2  }
0x17f: {  	v10 =	vld [tilespmem:s20+$0x4D0];
	_ =	sdelay $0x4  }
0x180: {  	v10 =	vadd.s32 v7, v10;
	_ =	sdelay $0x4  }
0x181: {  	[tilespmem:v10+s13+$0x0] =	vst.idx.add.f32.msk $0xffff, v2  }
0x182: {  	v10 =	vld [tilespmem:s20+$0x4E0];
	_ =	sdelay $0x4  }
0x183: {  	v10 =	vadd.s32 v8, v10;
	_ =	sdelay $0x4  }
0x184: {  	[tilespmem:v10+s13+$0x0] =	vst.idx.add.f32.msk $0xffff, v2  }
0x185: {  	v10 =	vld [tilespmem:s20+$0x4F0];
	_ =	sdelay $0x4  }
0x186: {  	v10 =	vadd.s32 v9, v10;
	_ =	sdelay $0x4  }
0x187: {  	[tilespmem:v10+s13+$0x0] =	vst.idx.add.f32.msk $0xffff, v2  }
0x188: {  	v10 =	vld [tilespmem:s20+$0x500];
	_ =	sdelay $0x4  }
0x189: {  	v10 =	vadd.s32 v0, v10;
	_ =	sdelay $0x4  }
0x18a: {  	[tilespmem:v10+s13+$0x0] =	vst.idx.add.f32.msk $0xffff, v2  }
0x18b: {  	v10 =	vld [tilespmem:s20+$0x510];
	_ =	sdelay $0x4  }
0x18c: {  	v10 =	vadd.s32 v3, v10;
	_ =	sdelay $0x4  }
0x18d: {  	[tilespmem:v10+s13+$0x0] =	vst.idx.add.f32.msk $0xffff, v2  }
0x18e: {  	v10 =	vld [tilespmem:s20+$0x520];
	_ =	sdelay $0x4  }
0x18f: {  	v10 =	vadd.s32 v4, v10;
	_ =	sdelay $0x4  }
0x190: {  	[tilespmem:v10+s13+$0x0] =	vst.idx.add.f32.msk $0xffff, v2  }
0x191: {  	v10 =	vld [tilespmem:s20+$0x530];
	_ =	sdelay $0x4  }
0x192: {  	v10 =	vadd.s32 v5, v10;
	_ =	sdelay $0x4  }
0x193: {  	[tilespmem:v10+s13+$0x0] =	vst.idx.add.f32.msk $0xffff, v2  }
0x194: {  	v10 =	vld [tilespmem:s20+$0x540];
	_ =	sdelay $0x4  }
0x195: {  	v10 =	vadd.s32 v6, v10;
	_ =	sdelay $0x4  }
0x196: {  	[tilespmem:v10+s13+$0x0] =	vst.idx.add.f32.msk $0xffff, v2  }
0x197: {  	v10 =	vld [tilespmem:s20+$0x550];
	_ =	sdelay $0x4  }
0x198: {  	v10 =	vadd.s32 v7, v10;
	_ =	sdelay $0x4  }
0x199: {  	[tilespmem:v10+s13+$0x0] =	vst.idx.add.f32.msk $0xffff, v2  }
0x19a: {  	v10 =	vld [tilespmem:s20+$0x560];
	_ =	sdelay $0x4  }
0x19b: {  	v10 =	vadd.s32 v8, v10;
	_ =	sdelay $0x4  }
0x19c: {  	[tilespmem:v10+s13+$0x0] =	vst.idx.add.f32.msk $0xffff, v2  }
0x19d: {  	v10 =	vld [tilespmem:s20+$0x570];
	_ =	sdelay $0x4  }
0x19e: {  	v10 =	vadd.s32 v9, v10;
	_ =	sdelay $0x4  }
0x19f: {  	[tilespmem:v10+s13+$0x0] =	vst.idx.add.f32.msk $0xffff, v2  }
0x1a0: {  	v10 =	vld [tilespmem:s20+$0x580];
	_ =	sdelay $0x4  }
0x1a1: {  	v10 =	vadd.s32 v0, v10;
	_ =	sdelay $0x4  }
0x1a2: {  	[tilespmem:v10+s13+$0x0] =	vst.idx.add.f32.msk $0xffff, v2  }
0x1a3: {  	v10 =	vld [tilespmem:s20+$0x590];
	_ =	sdelay $0x4  }
0x1a4: {  	v10 =	vadd.s32 v3, v10;
	_ =	sdelay $0x4  }
0x1a5: {  	[tilespmem:v10+s13+$0x0] =	vst.idx.add.f32.msk $0xffff, v2  }
0x1a6: {  	v10 =	vld [tilespmem:s20+$0x5A0];
	_ =	sdelay $0x4  }
0x1a7: {  	v10 =	vadd.s32 v4, v10;
	_ =	sdelay $0x4  }
0x1a8: {  	[tilespmem:v10+s13+$0x0] =	vst.idx.add.f32.msk $0xffff, v2  }
0x1a9: {  	v10 =	vld [tilespmem:s20+$0x5B0];
	_ =	sdelay $0x4  }
0x1aa: {  	v10 =	vadd.s32 v5, v10;
	_ =	sdelay $0x4  }
0x1ab: {  	[tilespmem:v10+s13+$0x0] =	vst.idx.add.f32.msk $0xffff, v2  }
0x1ac: {  	v10 =	vld [tilespmem:s20+$0x5C0];
	_ =	sdelay $0x4  }
0x1ad: {  	v10 =	vadd.s32 v6, v10;
	_ =	sdelay $0x4  }
0x1ae: {  	[tilespmem:v10+s13+$0x0] =	vst.idx.add.f32.msk $0xffff, v2  }
0x1af: {  	v10 =	vld [tilespmem:s20+$0x5D0];
	_ =	sdelay $0x4  }
0x1b0: {  	v10 =	vadd.s32 v7, v10;
	_ =	sdelay $0x4  }
0x1b1: {  	[tilespmem:v10+s13+$0x0] =	vst.idx.add.f32.msk $0xffff, v2  }
0x1b2: {  	v10 =	vld [tilespmem:s20+$0x5E0];
	_ =	sdelay $0x4  }
0x1b3: {  	v10 =	vadd.s32 v8, v10;
	_ =	sdelay $0x4  }
0x1b4: {  	[tilespmem:v10+s13+$0x0] =	vst.idx.add.f32.msk $0xffff, v2  }
0x1b5: {  	v10 =	vld [tilespmem:s20+$0x5F0];
	_ =	sdelay $0x4  }
0x1b6: {  	v10 =	vadd.s32 v9, v10;
	_ =	sdelay $0x4  }
0x1b7: {  	[tilespmem:v10+s13+$0x0] =	vst.idx.add.f32.msk $0xffff, v2  }
0x1b8: {  	v10 =	vld [tilespmem:s20+$0x600];
	_ =	sdelay $0x4  }
0x1b9: {  	v10 =	vadd.s32 v0, v10;
	_ =	sdelay $0x4  }
0x1ba: {  	[tilespmem:v10+s13+$0x0] =	vst.idx.add.f32.msk $0xffff, v2  }
0x1bb: {  	v10 =	vld [tilespmem:s20+$0x610];
	_ =	sdelay $0x4  }
0x1bc: {  	v10 =	vadd.s32 v3, v10;
	_ =	sdelay $0x4  }
0x1bd: {  	[tilespmem:v10+s13+$0x0] =	vst.idx.add.f32.msk $0xffff, v2  }
0x1be: {  	v10 =	vld [tilespmem:s20+$0x620];
	_ =	sdelay $0x4  }
0x1bf: {  	v10 =	vadd.s32 v4, v10;
	_ =	sdelay $0x4  }
0x1c0: {  	[tilespmem:v10+s13+$0x0] =	vst.idx.add.f32.msk $0xffff, v2  }
0x1c1: {  	v10 =	vld [tilespmem:s20+$0x630];
	_ =	sdelay $0x4  }
0x1c2: {  	v10 =	vadd.s32 v5, v10;
	_ =	sdelay $0x4  }
0x1c3: {  	[tilespmem:v10+s13+$0x0] =	vst.idx.add.f32.msk $0xffff, v2  }
0x1c4: {  	v10 =	vld [tilespmem:s20+$0x640];
	_ =	sdelay $0x4  }
0x1c5: {  	v10 =	vadd.s32 v6, v10;
	_ =	sdelay $0x4  }
0x1c6: {  	[tilespmem:v10+s13+$0x0] =	vst.idx.add.f32.msk $0xffff, v2  }
0x1c7: {  	v10 =	vld [tilespmem:s20+$0x650];
	_ =	sdelay $0x4  }
0x1c8: {  	v10 =	vadd.s32 v7, v10;
	_ =	sdelay $0x4  }
0x1c9: {  	[tilespmem:v10+s13+$0x0] =	vst.idx.add.f32.msk $0xffff, v2  }
0x1ca: {  	v10 =	vld [tilespmem:s20+$0x660];
	_ =	sdelay $0x4  }
0x1cb: {  	v10 =	vadd.s32 v8, v10;
	_ =	sdelay $0x4  }
0x1cc: {  	[tilespmem:v10+s13+$0x0] =	vst.idx.add.f32.msk $0xffff, v2  }
0x1cd: {  	v10 =	vld [tilespmem:s20+$0x670];
	_ =	sdelay $0x4  }
0x1ce: {  	v10 =	vadd.s32 v9, v10;
	_ =	sdelay $0x4  }
0x1cf: {  	[tilespmem:v10+s13+$0x0] =	vst.idx.add.f32.msk $0xffff, v2  }
0x1d0: {  	v10 =	vld [tilespmem:s20+$0x680];
	_ =	sdelay $0x4  }
0x1d1: {  	v10 =	vadd.s32 v0, v10;
	_ =	sdelay $0x4  }
0x1d2: {  	[tilespmem:v10+s13+$0x0] =	vst.idx.add.f32.msk $0xffff, v2  }
0x1d3: {  	v10 =	vld [tilespmem:s20+$0x690];
	_ =	sdelay $0x4  }
0x1d4: {  	v10 =	vadd.s32 v3, v10;
	_ =	sdelay $0x4  }
0x1d5: {  	[tilespmem:v10+s13+$0x0] =	vst.idx.add.f32.msk $0xffff, v2  }
0x1d6: {  	v10 =	vld [tilespmem:s20+$0x6A0];
	_ =	sdelay $0x4  }
0x1d7: {  	v10 =	vadd.s32 v4, v10;
	_ =	sdelay $0x4  }
0x1d8: {  	[tilespmem:v10+s13+$0x0] =	vst.idx.add.f32.msk $0xffff, v2  }
0x1d9: {  	v10 =	vld [tilespmem:s20+$0x6B0];
	_ =	sdelay $0x4  }
0x1da: {  	v10 =	vadd.s32 v5, v10;
	_ =	sdelay $0x4  }
0x1db: {  	[tilespmem:v10+s13+$0x0] =	vst.idx.add.f32.msk $0xffff, v2  }
0x1dc: {  	v10 =	vld [tilespmem:s20+$0x6C0];
	_ =	sdelay $0x4  }
0x1dd: {  	v10 =	vadd.s32 v6, v10;
	_ =	sdelay $0x4  }
0x1de: {  	[tilespmem:v10+s13+$0x0] =	vst.idx.add.f32.msk $0xffff, v2  }
0x1df: {  	v10 =	vld [tilespmem:s20+$0x6D0];
	_ =	sdelay $0x4  }
0x1e0: {  	v10 =	vadd.s32 v7, v10;
	_ =	sdelay $0x4  }
0x1e1: {  	[tilespmem:v10+s13+$0x0] =	vst.idx.add.f32.msk $0xffff, v2  }
0x1e2: {  	v10 =	vld [tilespmem:s20+$0x6E0];
	_ =	sdelay $0x4  }
0x1e3: {  	v10 =	vadd.s32 v8, v10;
	_ =	sdelay $0x4  }
0x1e4: {  	[tilespmem:v10+s13+$0x0] =	vst.idx.add.f32.msk $0xffff, v2  }
0x1e5: {  	v10 =	vld [tilespmem:s20+$0x6F0];
	_ =	sdelay $0x4  }
0x1e6: {  	v10 =	vadd.s32 v9, v10;
	_ =	sdelay $0x4  }
0x1e7: {  	[tilespmem:v10+s13+$0x0] =	vst.idx.add.f32.msk $0xffff, v2  }
0x1e8: {  	v10 =	vld [tilespmem:s20+$0x700];
	_ =	sdelay $0x4  }
0x1e9: {  	v10 =	vadd.s32 v0, v10;
	_ =	sdelay $0x4  }
0x1ea: {  	[tilespmem:v10+s13+$0x0] =	vst.idx.add.f32.msk $0xffff, v2  }
0x1eb: {  	v10 =	vld [tilespmem:s20+$0x710];
	_ =	sdelay $0x4  }
0x1ec: {  	v10 =	vadd.s32 v3, v10;
	_ =	sdelay $0x4  }
0x1ed: {  	[tilespmem:v10+s13+$0x0] =	vst.idx.add.f32.msk $0xffff, v2  }
0x1ee: {  	v10 =	vld [tilespmem:s20+$0x720];
	_ =	sdelay $0x4  }
0x1ef: {  	v10 =	vadd.s32 v4, v10;
	_ =	sdelay $0x4  }
0x1f0: {  	[tilespmem:v10+s13+$0x0] =	vst.idx.add.f32.msk $0xffff, v2  }
0x1f1: {  	v10 =	vld [tilespmem:s20+$0x730];
	_ =	sdelay $0x4  }
0x1f2: {  	v10 =	vadd.s32 v5, v10;
	_ =	sdelay $0x4  }
0x1f3: {  	[tilespmem:v10+s13+$0x0] =	vst.idx.add.f32.msk $0xffff, v2  }
0x1f4: {  	v10 =	vld [tilespmem:s20+$0x740];
	_ =	sdelay $0x4  }
0x1f5: {  	v10 =	vadd.s32 v6, v10;
	_ =	sdelay $0x4  }
0x1f6: {  	[tilespmem:v10+s13+$0x0] =	vst.idx.add.f32.msk $0xffff, v2  }
0x1f7: {  	v10 =	vld [tilespmem:s20+$0x750];
	_ =	sdelay $0x4  }
0x1f8: {  	v10 =	vadd.s32 v7, v10;
	_ =	sdelay $0x4  }
0x1f9: {  	[tilespmem:v10+s13+$0x0] =	vst.idx.add.f32.msk $0xffff, v2  }
0x1fa: {  	v10 =	vld [tilespmem:s20+$0x760];
	_ =	sdelay $0x4  }
0x1fb: {  	v10 =	vadd.s32 v8, v10;
	_ =	sdelay $0x4  }
0x1fc: {  	[tilespmem:v10+s13+$0x0] =	vst.idx.add.f32.msk $0xffff, v2  }
0x1fd: {  	v10 =	vld [tilespmem:s20+$0x770];
	_ =	sdelay $0x4  }
0x1fe: {  	v10 =	vadd.s32 v9, v10;
	_ =	sdelay $0x4  }
0x1ff: {  	[tilespmem:v10+s13+$0x0] =	vst.idx.add.f32.msk $0xffff, v2  }
0x200: {  	v10 =	vld [tilespmem:s20+$0x780];
	_ =	sdelay $0x4  }
0x201: {  	v10 =	vadd.s32 v0, v10;
	_ =	sdelay $0x4  }
0x202: {  	[tilespmem:v10+s13+$0x0] =	vst.idx.add.f32.msk $0xffff, v2  }
0x203: {  	v10 =	vld [tilespmem:s20+$0x790];
	_ =	sdelay $0x4  }
0x204: {  	v10 =	vadd.s32 v3, v10;
	_ =	sdelay $0x4  }
0x205: {  	[tilespmem:v10+s13+$0x0] =	vst.idx.add.f32.msk $0xffff, v2  }
0x206: {  	v10 =	vld [tilespmem:s20+$0x7A0];
	_ =	sdelay $0x4  }
0x207: {  	v10 =	vadd.s32 v4, v10;
	_ =	sdelay $0x4  }
0x208: {  	[tilespmem:v10+s13+$0x0] =	vst.idx.add.f32.msk $0xffff, v2  }
0x209: {  	v10 =	vld [tilespmem:s20+$0x7B0];
	_ =	sdelay $0x4  }
0x20a: {  	v10 =	vadd.s32 v5, v10;
	_ =	sdelay $0x4  }
0x20b: {  	[tilespmem:v10+s13+$0x0] =	vst.idx.add.f32.msk $0xffff, v2  }
0x20c: {  	v10 =	vld [tilespmem:s20+$0x7C0];
	_ =	sdelay $0x4  }
0x20d: {  	v10 =	vadd.s32 v6, v10;
	_ =	sdelay $0x4  }
0x20e: {  	[tilespmem:v10+s13+$0x0] =	vst.idx.add.f32.msk $0xffff, v2  }
0x20f: {  	v10 =	vld [tilespmem:s20+$0x7D0];
	_ =	sdelay $0x4  }
0x210: {  	v10 =	vadd.s32 v7, v10;
	_ =	sdelay $0x4  }
0x211: {  	[tilespmem:v10+s13+$0x0] =	vst.idx.add.f32.msk $0xffff, v2  }
0x212: {  	v10 =	vld [tilespmem:s20+$0x7E0];
	_ =	sdelay $0x4  }
0x213: {  	v10 =	vadd.s32 v8, v10;
	_ =	sdelay $0x4  }
0x214: {  	[tilespmem:v10+s13+$0x0] =	vst.idx.add.f32.msk $0xffff, v2  }
0x215: {  	v10 =	vld [tilespmem:s20+$0x7F0];
	_ =	sdelay $0x4  }
0x216: {  	v10 =	vadd.s32 v9, v10;
	_ =	sdelay $0x4  }
0x217: {  	[tilespmem:v10+s13+$0x0] =	vst.idx.add.f32.msk $0xffff, v2  }
0x218: {  	v10 =	vld [tilespmem:s20+$0x800];
	_ =	sdelay $0x4  }
0x219: {  	v10 =	vadd.s32 v0, v10;
	_ =	sdelay $0x4  }
0x21a: {  	[tilespmem:v10+s13+$0x0] =	vst.idx.add.f32.msk $0xffff, v2  }
0x21b: {  	v10 =	vld [tilespmem:s20+$0x810];
	_ =	sdelay $0x4  }
0x21c: {  	v10 =	vadd.s32 v3, v10;
	_ =	sdelay $0x4  }
0x21d: {  	[tilespmem:v10+s13+$0x0] =	vst.idx.add.f32.msk $0xffff, v2  }
0x21e: {  	v10 =	vld [tilespmem:s20+$0x820];
	_ =	sdelay $0x4  }
0x21f: {  	v10 =	vadd.s32 v4, v10;
	_ =	sdelay $0x4  }
0x220: {  	[tilespmem:v10+s13+$0x0] =	vst.idx.add.f32.msk $0xffff, v2  }
0x221: {  	v10 =	vld [tilespmem:s20+$0x830];
	_ =	sdelay $0x4  }
0x222: {  	v10 =	vadd.s32 v5, v10;
	_ =	sdelay $0x4  }
0x223: {  	[tilespmem:v10+s13+$0x0] =	vst.idx.add.f32.msk $0xffff, v2  }
0x224: {  	v10 =	vld [tilespmem:s20+$0x840];
	_ =	sdelay $0x4  }
0x225: {  	v10 =	vadd.s32 v6, v10;
	_ =	sdelay $0x4  }
0x226: {  	[tilespmem:v10+s13+$0x0] =	vst.idx.add.f32.msk $0xffff, v2  }
0x227: {  	v10 =	vld [tilespmem:s20+$0x850];
	_ =	sdelay $0x4  }
0x228: {  	v10 =	vadd.s32 v7, v10;
	_ =	sdelay $0x4  }
0x229: {  	[tilespmem:v10+s13+$0x0] =	vst.idx.add.f32.msk $0xffff, v2  }
0x22a: {  	v10 =	vld [tilespmem:s20+$0x860];
	_ =	sdelay $0x4  }
0x22b: {  	v10 =	vadd.s32 v8, v10;
	_ =	sdelay $0x4  }
0x22c: {  	[tilespmem:v10+s13+$0x0] =	vst.idx.add.f32.msk $0xffff, v2  }
0x22d: {  	v10 =	vld [tilespmem:s20+$0x870];
	_ =	sdelay $0x4  }
0x22e: {  	p0 =	sne.s32 s19, $0x22000;
	v10 =	vadd.s32 v9, v10  }
.Ltmp1:
0x22f: {  	_ = 	snop;
	(pc) =	sbr.rel @p0 .LBB2_5-.Ltmp1, $2  }
0x230: {  	_ =	sdelay $0x2  }
0x231: {  	s19 =	sadd.s32 $0x2200, s19;
	[tilespmem:v10+s13+$0x0] =	vst.idx.add.f32.msk $0xffff, v2  }
0x232: {  	s18 =	sadd.s32 s6, s18  }
0x233: {  	s18 =	sshrl.u32 s18, $0x3  }
0x234: {  	s19 =	sadd.s32 s3, s18;
	s18 =	simm.s32 $0x0  }
0x235: {  	[tilespmem:s18], [sflag:$0x1] =	stream.strided.gather [hbm4b:s19+s9], $0x9080, s10, s9, $0x38;
	[tilespmem:$0x1A100] =	vst v63  }
0x236: {  	_ =	swait.ge [sflag:s14], $0x9080  }
0x237: {  	[sflag:s14] =	ssyncset.done $0x0  }
0x238: {  	[sflag:s14] =	ssyncadd.s32 $0xFFFF6F80  }
.LBB2_7:
0x239: {  	s19 =	sshra.s32 s18, $0x2  }
0x23a: {  	v10 =	vld [tilespmem:s19+$0x9080];
	_ =	sdelay $0x4  }
0x23b: {  	v10 =	vadd.s32 v0, v10;
	_ =	sdelay $0x4  }
0x23c: {  	[tilespmem:v10+s13+$0x0] =	vst.idx.add.f32.msk $0xffff, v2  }
0x23d: {  	v10 =	vld [tilespmem:s19+$0x9090];
	_ =	sdelay $0x4  }
0x23e: {  	v10 =	vadd.s32 v3, v10;
	_ =	sdelay $0x4  }
0x23f: {  	[tilespmem:v10+s13+$0x0] =	vst.idx.add.f32.msk $0xffff, v2  }
0x240: {  	v10 =	vld [tilespmem:s19+$0x90A0];
	_ =	sdelay $0x4  }
0x241: {  	v10 =	vadd.s32 v4, v10;
	_ =	sdelay $0x4  }
0x242: {  	[tilespmem:v10+s13+$0x0] =	vst.idx.add.f32.msk $0xffff, v2  }
0x243: {  	v10 =	vld [tilespmem:s19+$0x90B0];
	_ =	sdelay $0x4  }
0x244: {  	v10 =	vadd.s32 v5, v10;
	_ =	sdelay $0x4  }
0x245: {  	[tilespmem:v10+s13+$0x0] =	vst.idx.add.f32.msk $0xffff, v2  }
0x246: {  	v10 =	vld [tilespmem:s19+$0x90C0];
	_ =	sdelay $0x4  }
0x247: {  	v10 =	vadd.s32 v6, v10;
	_ =	sdelay $0x4  }
0x248: {  	[tilespmem:v10+s13+$0x0] =	vst.idx.add.f32.msk $0xffff, v2  }
0x249: {  	v10 =	vld [tilespmem:s19+$0x90D0];
	_ =	sdelay $0x4  }
0x24a: {  	v10 =	vadd.s32 v7, v10;
	_ =	sdelay $0x4  }
0x24b: {  	[tilespmem:v10+s13+$0x0] =	vst.idx.add.f32.msk $0xffff, v2  }
0x24c: {  	v10 =	vld [tilespmem:s19+$0x90E0];
	_ =	sdelay $0x4  }
0x24d: {  	v10 =	vadd.s32 v8, v10;
	_ =	sdelay $0x4  }
0x24e: {  	[tilespmem:v10+s13+$0x0] =	vst.idx.add.f32.msk $0xffff, v2  }
0x24f: {  	v10 =	vld [tilespmem:s19+$0x90F0];
	_ =	sdelay $0x4  }
0x250: {  	v10 =	vadd.s32 v9, v10;
	_ =	sdelay $0x4  }
0x251: {  	[tilespmem:v10+s13+$0x0] =	vst.idx.add.f32.msk $0xffff, v2  }
0x252: {  	v10 =	vld [tilespmem:s19+$0x9100];
	_ =	sdelay $0x4  }
0x253: {  	v10 =	vadd.s32 v0, v10;
	_ =	sdelay $0x4  }
0x254: {  	[tilespmem:v10+s13+$0x0] =	vst.idx.add.f32.msk $0xffff, v2  }
0x255: {  	v10 =	vld [tilespmem:s19+$0x9110];
	_ =	sdelay $0x4  }
0x256: {  	v10 =	vadd.s32 v3, v10;
	_ =	sdelay $0x4  }
0x257: {  	[tilespmem:v10+s13+$0x0] =	vst.idx.add.f32.msk $0xffff, v2  }
0x258: {  	v10 =	vld [tilespmem:s19+$0x9120];
	_ =	sdelay $0x4  }
0x259: {  	v10 =	vadd.s32 v4, v10;
	_ =	sdelay $0x4  }
0x25a: {  	[tilespmem:v10+s13+$0x0] =	vst.idx.add.f32.msk $0xffff, v2  }
0x25b: {  	v10 =	vld [tilespmem:s19+$0x9130];
	_ =	sdelay $0x4  }
0x25c: {  	v10 =	vadd.s32 v5, v10;
	_ =	sdelay $0x4  }
0x25d: {  	[tilespmem:v10+s13+$0x0] =	vst.idx.add.f32.msk $0xffff, v2  }
0x25e: {  	v10 =	vld [tilespmem:s19+$0x9140];
	_ =	sdelay $0x4  }
0x25f: {  	v10 =	vadd.s32 v6, v10;
	_ =	sdelay $0x4  }
0x260: {  	[tilespmem:v10+s13+$0x0] =	vst.idx.add.f32.msk $0xffff, v2  }
0x261: {  	v10 =	vld [tilespmem:s19+$0x9150];
	_ =	sdelay $0x4  }
0x262: {  	v10 =	vadd.s32 v7, v10;
	_ =	sdelay $0x4  }
0x263: {  	[tilespmem:v10+s13+$0x0] =	vst.idx.add.f32.msk $0xffff, v2  }
0x264: {  	v10 =	vld [tilespmem:s19+$0x9160];
	_ =	sdelay $0x4  }
0x265: {  	v10 =	vadd.s32 v8, v10;
	_ =	sdelay $0x4  }
0x266: {  	[tilespmem:v10+s13+$0x0] =	vst.idx.add.f32.msk $0xffff, v2  }
0x267: {  	v10 =	vld [tilespmem:s19+$0x9170];
	_ =	sdelay $0x4  }
0x268: {  	v10 =	vadd.s32 v9, v10;
	_ =	sdelay $0x4  }
0x269: {  	[tilespmem:v10+s13+$0x0] =	vst.idx.add.f32.msk $0xffff, v2  }
0x26a: {  	v10 =	vld [tilespmem:s19+$0x9180];
	_ =	sdelay $0x4  }
0x26b: {  	v10 =	vadd.s32 v0, v10;
	_ =	sdelay $0x4  }
0x26c: {  	[tilespmem:v10+s13+$0x0] =	vst.idx.add.f32.msk $0xffff, v2  }
0x26d: {  	v10 =	vld [tilespmem:s19+$0x9190];
	_ =	sdelay $0x4  }
0x26e: {  	v10 =	vadd.s32 v3, v10;
	_ =	sdelay $0x4  }
0x26f: {  	[tilespmem:v10+s13+$0x0] =	vst.idx.add.f32.msk $0xffff, v2  }
0x270: {  	v10 =	vld [tilespmem:s19+$0x91A0];
	_ =	sdelay $0x4  }
0x271: {  	v10 =	vadd.s32 v4, v10;
	_ =	sdelay $0x4  }
0x272: {  	[tilespmem:v10+s13+$0x0] =	vst.idx.add.f32.msk $0xffff, v2  }
0x273: {  	v10 =	vld [tilespmem:s19+$0x91B0];
	_ =	sdelay $0x4  }
0x274: {  	v10 =	vadd.s32 v5, v10;
	_ =	sdelay $0x4  }
0x275: {  	[tilespmem:v10+s13+$0x0] =	vst.idx.add.f32.msk $0xffff, v2  }
0x276: {  	v10 =	vld [tilespmem:s19+$0x91C0];
	_ =	sdelay $0x4  }
0x277: {  	v10 =	vadd.s32 v6, v10;
	_ =	sdelay $0x4  }
0x278: {  	[tilespmem:v10+s13+$0x0] =	vst.idx.add.f32.msk $0xffff, v2  }
0x279: {  	v10 =	vld [tilespmem:s19+$0x91D0];
	_ =	sdelay $0x4  }
0x27a: {  	v10 =	vadd.s32 v7, v10;
	_ =	sdelay $0x4  }
0x27b: {  	[tilespmem:v10+s13+$0x0] =	vst.idx.add.f32.msk $0xffff, v2  }
0x27c: {  	v10 =	vld [tilespmem:s19+$0x91E0];
	_ =	sdelay $0x4  }
0x27d: {  	v10 =	vadd.s32 v8, v10;
	_ =	sdelay $0x4  }
0x27e: {  	[tilespmem:v10+s13+$0x0] =	vst.idx.add.f32.msk $0xffff, v2  }
0x27f: {  	v10 =	vld [tilespmem:s19+$0x91F0];
	_ =	sdelay $0x4  }
0x280: {  	v10 =	vadd.s32 v9, v10;
	_ =	sdelay $0x4  }
0x281: {  	[tilespmem:v10+s13+$0x0] =	vst.idx.add.f32.msk $0xffff, v2  }
0x282: {  	v10 =	vld [tilespmem:s19+$0x9200];
	_ =	sdelay $0x4  }
0x283: {  	v10 =	vadd.s32 v0, v10;
	_ =	sdelay $0x4  }
0x284: {  	[tilespmem:v10+s13+$0x0] =	vst.idx.add.f32.msk $0xffff, v2  }
0x285: {  	v10 =	vld [tilespmem:s19+$0x9210];
	_ =	sdelay $0x4  }
0x286: {  	v10 =	vadd.s32 v3, v10;
	_ =	sdelay $0x4  }
0x287: {  	[tilespmem:v10+s13+$0x0] =	vst.idx.add.f32.msk $0xffff, v2  }
0x288: {  	v10 =	vld [tilespmem:s19+$0x9220];
	_ =	sdelay $0x4  }
0x289: {  	v10 =	vadd.s32 v4, v10;
	_ =	sdelay $0x4  }
0x28a: {  	[tilespmem:v10+s13+$0x0] =	vst.idx.add.f32.msk $0xffff, v2  }
0x28b: {  	v10 =	vld [tilespmem:s19+$0x9230];
	_ =	sdelay $0x4  }
0x28c: {  	v10 =	vadd.s32 v5, v10;
	_ =	sdelay $0x4  }
0x28d: {  	[tilespmem:v10+s13+$0x0] =	vst.idx.add.f32.msk $0xffff, v2  }
0x28e: {  	v10 =	vld [tilespmem:s19+$0x9240];
	_ =	sdelay $0x4  }
0x28f: {  	v10 =	vadd.s32 v6, v10;
	_ =	sdelay $0x4  }
0x290: {  	[tilespmem:v10+s13+$0x0] =	vst.idx.add.f32.msk $0xffff, v2  }
0x291: {  	v10 =	vld [tilespmem:s19+$0x9250];
	_ =	sdelay $0x4  }
0x292: {  	v10 =	vadd.s32 v7, v10;
	_ =	sdelay $0x4  }
0x293: {  	[tilespmem:v10+s13+$0x0] =	vst.idx.add.f32.msk $0xffff, v2  }
0x294: {  	v10 =	vld [tilespmem:s19+$0x9260];
	_ =	sdelay $0x4  }
0x295: {  	v10 =	vadd.s32 v8, v10;
	_ =	sdelay $0x4  }
0x296: {  	[tilespmem:v10+s13+$0x0] =	vst.idx.add.f32.msk $0xffff, v2  }
0x297: {  	v10 =	vld [tilespmem:s19+$0x9270];
	_ =	sdelay $0x4  }
0x298: {  	v10 =	vadd.s32 v9, v10;
	_ =	sdelay $0x4  }
0x299: {  	[tilespmem:v10+s13+$0x0] =	vst.idx.add.f32.msk $0xffff, v2  }
0x29a: {  	v10 =	vld [tilespmem:s19+$0x9280];
	_ =	sdelay $0x4  }
0x29b: {  	v10 =	vadd.s32 v0, v10;
	_ =	sdelay $0x4  }
0x29c: {  	[tilespmem:v10+s13+$0x0] =	vst.idx.add.f32.msk $0xffff, v2  }
0x29d: {  	v10 =	vld [tilespmem:s19+$0x9290];
	_ =	sdelay $0x4  }
0x29e: {  	v10 =	vadd.s32 v3, v10;
	_ =	sdelay $0x4  }
0x29f: {  	[tilespmem:v10+s13+$0x0] =	vst.idx.add.f32.msk $0xffff, v2  }
0x2a0: {  	v10 =	vld [tilespmem:s19+$0x92A0];
	_ =	sdelay $0x4  }
0x2a1: {  	v10 =	vadd.s32 v4, v10;
	_ =	sdelay $0x4  }
0x2a2: {  	[tilespmem:v10+s13+$0x0] =	vst.idx.add.f32.msk $0xffff, v2  }
0x2a3: {  	v10 =	vld [tilespmem:s19+$0x92B0];
	_ =	sdelay $0x4  }
0x2a4: {  	v10 =	vadd.s32 v5, v10;
	_ =	sdelay $0x4  }
0x2a5: {  	[tilespmem:v10+s13+$0x0] =	vst.idx.add.f32.msk $0xffff, v2  }
0x2a6: {  	v10 =	vld [tilespmem:s19+$0x92C0];
	_ =	sdelay $0x4  }
0x2a7: {  	v10 =	vadd.s32 v6, v10;
	_ =	sdelay $0x4  }
0x2a8: {  	[tilespmem:v10+s13+$0x0] =	vst.idx.add.f32.msk $0xffff, v2  }
0x2a9: {  	v10 =	vld [tilespmem:s19+$0x92D0];
	_ =	sdelay $0x4  }
0x2aa: {  	v10 =	vadd.s32 v7, v10;
	_ =	sdelay $0x4  }
0x2ab: {  	[tilespmem:v10+s13+$0x0] =	vst.idx.add.f32.msk $0xffff, v2  }
0x2ac: {  	v10 =	vld [tilespmem:s19+$0x92E0];
	_ =	sdelay $0x4  }
0x2ad: {  	v10 =	vadd.s32 v8, v10;
	_ =	sdelay $0x4  }
0x2ae: {  	[tilespmem:v10+s13+$0x0] =	vst.idx.add.f32.msk $0xffff, v2  }
0x2af: {  	v10 =	vld [tilespmem:s19+$0x92F0];
	_ =	sdelay $0x4  }
0x2b0: {  	v10 =	vadd.s32 v9, v10;
	_ =	sdelay $0x4  }
0x2b1: {  	[tilespmem:v10+s13+$0x0] =	vst.idx.add.f32.msk $0xffff, v2  }
0x2b2: {  	v10 =	vld [tilespmem:s19+$0x9300];
	_ =	sdelay $0x4  }
0x2b3: {  	v10 =	vadd.s32 v0, v10;
	_ =	sdelay $0x4  }
0x2b4: {  	[tilespmem:v10+s13+$0x0] =	vst.idx.add.f32.msk $0xffff, v2  }
0x2b5: {  	v10 =	vld [tilespmem:s19+$0x9310];
	_ =	sdelay $0x4  }
0x2b6: {  	v10 =	vadd.s32 v3, v10;
	_ =	sdelay $0x4  }
0x2b7: {  	[tilespmem:v10+s13+$0x0] =	vst.idx.add.f32.msk $0xffff, v2  }
0x2b8: {  	v10 =	vld [tilespmem:s19+$0x9320];
	_ =	sdelay $0x4  }
0x2b9: {  	v10 =	vadd.s32 v4, v10;
	_ =	sdelay $0x4  }
0x2ba: {  	[tilespmem:v10+s13+$0x0] =	vst.idx.add.f32.msk $0xffff, v2  }
0x2bb: {  	v10 =	vld [tilespmem:s19+$0x9330];
	_ =	sdelay $0x4  }
0x2bc: {  	v10 =	vadd.s32 v5, v10;
	_ =	sdelay $0x4  }
0x2bd: {  	[tilespmem:v10+s13+$0x0] =	vst.idx.add.f32.msk $0xffff, v2  }
0x2be: {  	v10 =	vld [tilespmem:s19+$0x9340];
	_ =	sdelay $0x4  }
0x2bf: {  	v10 =	vadd.s32 v6, v10;
	_ =	sdelay $0x4  }
0x2c0: {  	[tilespmem:v10+s13+$0x0] =	vst.idx.add.f32.msk $0xffff, v2  }
0x2c1: {  	v10 =	vld [tilespmem:s19+$0x9350];
	_ =	sdelay $0x4  }
0x2c2: {  	v10 =	vadd.s32 v7, v10;
	_ =	sdelay $0x4  }
0x2c3: {  	[tilespmem:v10+s13+$0x0] =	vst.idx.add.f32.msk $0xffff, v2  }
0x2c4: {  	v10 =	vld [tilespmem:s19+$0x9360];
	_ =	sdelay $0x4  }
0x2c5: {  	v10 =	vadd.s32 v8, v10;
	_ =	sdelay $0x4  }
0x2c6: {  	[tilespmem:v10+s13+$0x0] =	vst.idx.add.f32.msk $0xffff, v2  }
0x2c7: {  	v10 =	vld [tilespmem:s19+$0x9370];
	_ =	sdelay $0x4  }
0x2c8: {  	v10 =	vadd.s32 v9, v10;
	_ =	sdelay $0x4  }
0x2c9: {  	[tilespmem:v10+s13+$0x0] =	vst.idx.add.f32.msk $0xffff, v2  }
0x2ca: {  	v10 =	vld [tilespmem:s19+$0x9380];
	_ =	sdelay $0x4  }
0x2cb: {  	v10 =	vadd.s32 v0, v10;
	_ =	sdelay $0x4  }
0x2cc: {  	[tilespmem:v10+s13+$0x0] =	vst.idx.add.f32.msk $0xffff, v2  }
0x2cd: {  	v10 =	vld [tilespmem:s19+$0x9390];
	_ =	sdelay $0x4  }
0x2ce: {  	v10 =	vadd.s32 v3, v10;
	_ =	sdelay $0x4  }
0x2cf: {  	[tilespmem:v10+s13+$0x0] =	vst.idx.add.f32.msk $0xffff, v2  }
0x2d0: {  	v10 =	vld [tilespmem:s19+$0x93A0];
	_ =	sdelay $0x4  }
0x2d1: {  	v10 =	vadd.s32 v4, v10;
	_ =	sdelay $0x4  }
0x2d2: {  	[tilespmem:v10+s13+$0x0] =	vst.idx.add.f32.msk $0xffff, v2  }
0x2d3: {  	v10 =	vld [tilespmem:s19+$0x93B0];
	_ =	sdelay $0x4  }
0x2d4: {  	v10 =	vadd.s32 v5, v10;
	_ =	sdelay $0x4  }
0x2d5: {  	[tilespmem:v10+s13+$0x0] =	vst.idx.add.f32.msk $0xffff, v2  }
0x2d6: {  	v10 =	vld [tilespmem:s19+$0x93C0];
	_ =	sdelay $0x4  }
0x2d7: {  	v10 =	vadd.s32 v6, v10;
	_ =	sdelay $0x4  }
0x2d8: {  	[tilespmem:v10+s13+$0x0] =	vst.idx.add.f32.msk $0xffff, v2  }
0x2d9: {  	v10 =	vld [tilespmem:s19+$0x93D0];
	_ =	sdelay $0x4  }
0x2da: {  	v10 =	vadd.s32 v7, v10;
	_ =	sdelay $0x4  }
0x2db: {  	[tilespmem:v10+s13+$0x0] =	vst.idx.add.f32.msk $0xffff, v2  }
0x2dc: {  	v10 =	vld [tilespmem:s19+$0x93E0];
	_ =	sdelay $0x4  }
0x2dd: {  	v10 =	vadd.s32 v8, v10;
	_ =	sdelay $0x4  }
0x2de: {  	[tilespmem:v10+s13+$0x0] =	vst.idx.add.f32.msk $0xffff, v2  }
0x2df: {  	v10 =	vld [tilespmem:s19+$0x93F0];
	_ =	sdelay $0x4  }
0x2e0: {  	v10 =	vadd.s32 v9, v10;
	_ =	sdelay $0x4  }
0x2e1: {  	[tilespmem:v10+s13+$0x0] =	vst.idx.add.f32.msk $0xffff, v2  }
0x2e2: {  	v10 =	vld [tilespmem:s19+$0x9400];
	_ =	sdelay $0x4  }
0x2e3: {  	v10 =	vadd.s32 v0, v10;
	_ =	sdelay $0x4  }
0x2e4: {  	[tilespmem:v10+s13+$0x0] =	vst.idx.add.f32.msk $0xffff, v2  }
0x2e5: {  	v10 =	vld [tilespmem:s19+$0x9410];
	_ =	sdelay $0x4  }
0x2e6: {  	v10 =	vadd.s32 v3, v10;
	_ =	sdelay $0x4  }
0x2e7: {  	[tilespmem:v10+s13+$0x0] =	vst.idx.add.f32.msk $0xffff, v2  }
0x2e8: {  	v10 =	vld [tilespmem:s19+$0x9420];
	_ =	sdelay $0x4  }
0x2e9: {  	v10 =	vadd.s32 v4, v10;
	_ =	sdelay $0x4  }
0x2ea: {  	[tilespmem:v10+s13+$0x0] =	vst.idx.add.f32.msk $0xffff, v2  }
0x2eb: {  	v10 =	vld [tilespmem:s19+$0x9430];
	_ =	sdelay $0x4  }
0x2ec: {  	v10 =	vadd.s32 v5, v10;
	_ =	sdelay $0x4  }
0x2ed: {  	[tilespmem:v10+s13+$0x0] =	vst.idx.add.f32.msk $0xffff, v2  }
0x2ee: {  	v10 =	vld [tilespmem:s19+$0x9440];
	_ =	sdelay $0x4  }
0x2ef: {  	v10 =	vadd.s32 v6, v10;
	_ =	sdelay $0x4  }
0x2f0: {  	[tilespmem:v10+s13+$0x0] =	vst.idx.add.f32.msk $0xffff, v2  }
0x2f1: {  	v10 =	vld [tilespmem:s19+$0x9450];
	_ =	sdelay $0x4  }
0x2f2: {  	v10 =	vadd.s32 v7, v10;
	_ =	sdelay $0x4  }
0x2f3: {  	[tilespmem:v10+s13+$0x0] =	vst.idx.add.f32.msk $0xffff, v2  }
0x2f4: {  	v10 =	vld [tilespmem:s19+$0x9460];
	_ =	sdelay $0x4  }
0x2f5: {  	v10 =	vadd.s32 v8, v10;
	_ =	sdelay $0x4  }
0x2f6: {  	[tilespmem:v10+s13+$0x0] =	vst.idx.add.f32.msk $0xffff, v2  }
0x2f7: {  	v10 =	vld [tilespmem:s19+$0x9470];
	_ =	sdelay $0x4  }
0x2f8: {  	v10 =	vadd.s32 v9, v10;
	_ =	sdelay $0x4  }
0x2f9: {  	[tilespmem:v10+s13+$0x0] =	vst.idx.add.f32.msk $0xffff, v2  }
0x2fa: {  	v10 =	vld [tilespmem:s19+$0x9480];
	_ =	sdelay $0x4  }
0x2fb: {  	v10 =	vadd.s32 v0, v10;
	_ =	sdelay $0x4  }
0x2fc: {  	[tilespmem:v10+s13+$0x0] =	vst.idx.add.f32.msk $0xffff, v2  }
0x2fd: {  	v10 =	vld [tilespmem:s19+$0x9490];
	_ =	sdelay $0x4  }
0x2fe: {  	v10 =	vadd.s32 v3, v10;
	_ =	sdelay $0x4  }
0x2ff: {  	[tilespmem:v10+s13+$0x0] =	vst.idx.add.f32.msk $0xffff, v2  }
0x300: {  	v10 =	vld [tilespmem:s19+$0x94A0];
	_ =	sdelay $0x4  }
0x301: {  	v10 =	vadd.s32 v4, v10;
	_ =	sdelay $0x4  }
0x302: {  	[tilespmem:v10+s13+$0x0] =	vst.idx.add.f32.msk $0xffff, v2  }
0x303: {  	v10 =	vld [tilespmem:s19+$0x94B0];
	_ =	sdelay $0x4  }
0x304: {  	v10 =	vadd.s32 v5, v10;
	_ =	sdelay $0x4  }
0x305: {  	[tilespmem:v10+s13+$0x0] =	vst.idx.add.f32.msk $0xffff, v2  }
0x306: {  	v10 =	vld [tilespmem:s19+$0x94C0];
	_ =	sdelay $0x4  }
0x307: {  	v10 =	vadd.s32 v6, v10;
	_ =	sdelay $0x4  }
0x308: {  	[tilespmem:v10+s13+$0x0] =	vst.idx.add.f32.msk $0xffff, v2  }
0x309: {  	v10 =	vld [tilespmem:s19+$0x94D0];
	_ =	sdelay $0x4  }
0x30a: {  	v10 =	vadd.s32 v7, v10;
	_ =	sdelay $0x4  }
0x30b: {  	[tilespmem:v10+s13+$0x0] =	vst.idx.add.f32.msk $0xffff, v2  }
0x30c: {  	v10 =	vld [tilespmem:s19+$0x94E0];
	_ =	sdelay $0x4  }
0x30d: {  	v10 =	vadd.s32 v8, v10;
	_ =	sdelay $0x4  }
0x30e: {  	[tilespmem:v10+s13+$0x0] =	vst.idx.add.f32.msk $0xffff, v2  }
0x30f: {  	v10 =	vld [tilespmem:s19+$0x94F0];
	_ =	sdelay $0x4  }
0x310: {  	v10 =	vadd.s32 v9, v10;
	_ =	sdelay $0x4  }
0x311: {  	[tilespmem:v10+s13+$0x0] =	vst.idx.add.f32.msk $0xffff, v2  }
0x312: {  	v10 =	vld [tilespmem:s19+$0x9500];
	_ =	sdelay $0x4  }
0x313: {  	v10 =	vadd.s32 v0, v10;
	_ =	sdelay $0x4  }
0x314: {  	[tilespmem:v10+s13+$0x0] =	vst.idx.add.f32.msk $0xffff, v2  }
0x315: {  	v10 =	vld [tilespmem:s19+$0x9510];
	_ =	sdelay $0x4  }
0x316: {  	v10 =	vadd.s32 v3, v10;
	_ =	sdelay $0x4  }
0x317: {  	[tilespmem:v10+s13+$0x0] =	vst.idx.add.f32.msk $0xffff, v2  }
0x318: {  	v10 =	vld [tilespmem:s19+$0x9520];
	_ =	sdelay $0x4  }
0x319: {  	v10 =	vadd.s32 v4, v10;
	_ =	sdelay $0x4  }
0x31a: {  	[tilespmem:v10+s13+$0x0] =	vst.idx.add.f32.msk $0xffff, v2  }
0x31b: {  	v10 =	vld [tilespmem:s19+$0x9530];
	_ =	sdelay $0x4  }
0x31c: {  	v10 =	vadd.s32 v5, v10;
	_ =	sdelay $0x4  }
0x31d: {  	[tilespmem:v10+s13+$0x0] =	vst.idx.add.f32.msk $0xffff, v2  }
0x31e: {  	v10 =	vld [tilespmem:s19+$0x9540];
	_ =	sdelay $0x4  }
0x31f: {  	v10 =	vadd.s32 v6, v10;
	_ =	sdelay $0x4  }
0x320: {  	[tilespmem:v10+s13+$0x0] =	vst.idx.add.f32.msk $0xffff, v2  }
0x321: {  	v10 =	vld [tilespmem:s19+$0x9550];
	_ =	sdelay $0x4  }
0x322: {  	v10 =	vadd.s32 v7, v10;
	_ =	sdelay $0x4  }
0x323: {  	[tilespmem:v10+s13+$0x0] =	vst.idx.add.f32.msk $0xffff, v2  }
0x324: {  	v10 =	vld [tilespmem:s19+$0x9560];
	_ =	sdelay $0x4  }
0x325: {  	v10 =	vadd.s32 v8, v10;
	_ =	sdelay $0x4  }
0x326: {  	[tilespmem:v10+s13+$0x0] =	vst.idx.add.f32.msk $0xffff, v2  }
0x327: {  	v10 =	vld [tilespmem:s19+$0x9570];
	_ =	sdelay $0x4  }
0x328: {  	v10 =	vadd.s32 v9, v10;
	_ =	sdelay $0x4  }
0x329: {  	[tilespmem:v10+s13+$0x0] =	vst.idx.add.f32.msk $0xffff, v2  }
0x32a: {  	v10 =	vld [tilespmem:s19+$0x9580];
	_ =	sdelay $0x4  }
0x32b: {  	v10 =	vadd.s32 v0, v10;
	_ =	sdelay $0x4  }
0x32c: {  	[tilespmem:v10+s13+$0x0] =	vst.idx.add.f32.msk $0xffff, v2  }
0x32d: {  	v10 =	vld [tilespmem:s19+$0x9590];
	_ =	sdelay $0x4  }
0x32e: {  	v10 =	vadd.s32 v3, v10;
	_ =	sdelay $0x4  }
0x32f: {  	[tilespmem:v10+s13+$0x0] =	vst.idx.add.f32.msk $0xffff, v2  }
0x330: {  	v10 =	vld [tilespmem:s19+$0x95A0];
	_ =	sdelay $0x4  }
0x331: {  	v10 =	vadd.s32 v4, v10;
	_ =	sdelay $0x4  }
0x332: {  	[tilespmem:v10+s13+$0x0] =	vst.idx.add.f32.msk $0xffff, v2  }
0x333: {  	v10 =	vld [tilespmem:s19+$0x95B0];
	_ =	sdelay $0x4  }
0x334: {  	v10 =	vadd.s32 v5, v10;
	_ =	sdelay $0x4  }
0x335: {  	[tilespmem:v10+s13+$0x0] =	vst.idx.add.f32.msk $0xffff, v2  }
0x336: {  	v10 =	vld [tilespmem:s19+$0x95C0];
	_ =	sdelay $0x4  }
0x337: {  	v10 =	vadd.s32 v6, v10;
	_ =	sdelay $0x4  }
0x338: {  	[tilespmem:v10+s13+$0x0] =	vst.idx.add.f32.msk $0xffff, v2  }
0x339: {  	v10 =	vld [tilespmem:s19+$0x95D0];
	_ =	sdelay $0x4  }
0x33a: {  	v10 =	vadd.s32 v7, v10;
	_ =	sdelay $0x4  }
0x33b: {  	[tilespmem:v10+s13+$0x0] =	vst.idx.add.f32.msk $0xffff, v2  }
0x33c: {  	v10 =	vld [tilespmem:s19+$0x95E0];
	_ =	sdelay $0x4  }
0x33d: {  	v10 =	vadd.s32 v8, v10;
	_ =	sdelay $0x4  }
0x33e: {  	[tilespmem:v10+s13+$0x0] =	vst.idx.add.f32.msk $0xffff, v2  }
0x33f: {  	v10 =	vld [tilespmem:s19+$0x95F0];
	_ =	sdelay $0x4  }
0x340: {  	v10 =	vadd.s32 v9, v10;
	_ =	sdelay $0x4  }
0x341: {  	[tilespmem:v10+s13+$0x0] =	vst.idx.add.f32.msk $0xffff, v2  }
0x342: {  	v10 =	vld [tilespmem:s19+$0x9600];
	_ =	sdelay $0x4  }
0x343: {  	v10 =	vadd.s32 v0, v10;
	_ =	sdelay $0x4  }
0x344: {  	[tilespmem:v10+s13+$0x0] =	vst.idx.add.f32.msk $0xffff, v2  }
0x345: {  	v10 =	vld [tilespmem:s19+$0x9610];
	_ =	sdelay $0x4  }
0x346: {  	v10 =	vadd.s32 v3, v10;
	_ =	sdelay $0x4  }
0x347: {  	[tilespmem:v10+s13+$0x0] =	vst.idx.add.f32.msk $0xffff, v2  }
0x348: {  	v10 =	vld [tilespmem:s19+$0x9620];
	_ =	sdelay $0x4  }
0x349: {  	v10 =	vadd.s32 v4, v10;
	_ =	sdelay $0x4  }
0x34a: {  	[tilespmem:v10+s13+$0x0] =	vst.idx.add.f32.msk $0xffff, v2  }
0x34b: {  	v10 =	vld [tilespmem:s19+$0x9630];
	_ =	sdelay $0x4  }
0x34c: {  	v10 =	vadd.s32 v5, v10;
	_ =	sdelay $0x4  }
0x34d: {  	[tilespmem:v10+s13+$0x0] =	vst.idx.add.f32.msk $0xffff, v2  }
0x34e: {  	v10 =	vld [tilespmem:s19+$0x9640];
	_ =	sdelay $0x4  }
0x34f: {  	v10 =	vadd.s32 v6, v10;
	_ =	sdelay $0x4  }
0x350: {  	[tilespmem:v10+s13+$0x0] =	vst.idx.add.f32.msk $0xffff, v2  }
0x351: {  	v10 =	vld [tilespmem:s19+$0x9650];
	_ =	sdelay $0x4  }
0x352: {  	v10 =	vadd.s32 v7, v10;
	_ =	sdelay $0x4  }
0x353: {  	[tilespmem:v10+s13+$0x0] =	vst.idx.add.f32.msk $0xffff, v2  }
0x354: {  	v10 =	vld [tilespmem:s19+$0x9660];
	_ =	sdelay $0x4  }
0x355: {  	v10 =	vadd.s32 v8, v10;
	_ =	sdelay $0x4  }
0x356: {  	[tilespmem:v10+s13+$0x0] =	vst.idx.add.f32.msk $0xffff, v2  }
0x357: {  	v10 =	vld [tilespmem:s19+$0x9670];
	_ =	sdelay $0x4  }
0x358: {  	v10 =	vadd.s32 v9, v10;
	_ =	sdelay $0x4  }
0x359: {  	[tilespmem:v10+s13+$0x0] =	vst.idx.add.f32.msk $0xffff, v2  }
0x35a: {  	v10 =	vld [tilespmem:s19+$0x9680];
	_ =	sdelay $0x4  }
0x35b: {  	v10 =	vadd.s32 v0, v10;
	_ =	sdelay $0x4  }
0x35c: {  	[tilespmem:v10+s13+$0x0] =	vst.idx.add.f32.msk $0xffff, v2  }
0x35d: {  	v10 =	vld [tilespmem:s19+$0x9690];
	_ =	sdelay $0x4  }
0x35e: {  	v10 =	vadd.s32 v3, v10;
	_ =	sdelay $0x4  }
0x35f: {  	[tilespmem:v10+s13+$0x0] =	vst.idx.add.f32.msk $0xffff, v2  }
0x360: {  	v10 =	vld [tilespmem:s19+$0x96A0];
	_ =	sdelay $0x4  }
0x361: {  	v10 =	vadd.s32 v4, v10;
	_ =	sdelay $0x4  }
0x362: {  	[tilespmem:v10+s13+$0x0] =	vst.idx.add.f32.msk $0xffff, v2  }
0x363: {  	v10 =	vld [tilespmem:s19+$0x96B0];
	_ =	sdelay $0x4  }
0x364: {  	v10 =	vadd.s32 v5, v10;
	_ =	sdelay $0x4  }
0x365: {  	[tilespmem:v10+s13+$0x0] =	vst.idx.add.f32.msk $0xffff, v2  }
0x366: {  	v10 =	vld [tilespmem:s19+$0x96C0];
	_ =	sdelay $0x4  }
0x367: {  	v10 =	vadd.s32 v6, v10;
	_ =	sdelay $0x4  }
0x368: {  	[tilespmem:v10+s13+$0x0] =	vst.idx.add.f32.msk $0xffff, v2  }
0x369: {  	v10 =	vld [tilespmem:s19+$0x96D0];
	_ =	sdelay $0x4  }
0x36a: {  	v10 =	vadd.s32 v7, v10;
	_ =	sdelay $0x4  }
0x36b: {  	[tilespmem:v10+s13+$0x0] =	vst.idx.add.f32.msk $0xffff, v2  }
0x36c: {  	v10 =	vld [tilespmem:s19+$0x96E0];
	_ =	sdelay $0x4  }
0x36d: {  	v10 =	vadd.s32 v8, v10;
	_ =	sdelay $0x4  }
0x36e: {  	[tilespmem:v10+s13+$0x0] =	vst.idx.add.f32.msk $0xffff, v2  }
0x36f: {  	v10 =	vld [tilespmem:s19+$0x96F0];
	_ =	sdelay $0x4  }
0x370: {  	v10 =	vadd.s32 v9, v10;
	_ =	sdelay $0x4  }
0x371: {  	[tilespmem:v10+s13+$0x0] =	vst.idx.add.f32.msk $0xffff, v2  }
0x372: {  	v10 =	vld [tilespmem:s19+$0x9700];
	_ =	sdelay $0x4  }
0x373: {  	v10 =	vadd.s32 v0, v10;
	_ =	sdelay $0x4  }
0x374: {  	[tilespmem:v10+s13+$0x0] =	vst.idx.add.f32.msk $0xffff, v2  }
0x375: {  	v10 =	vld [tilespmem:s19+$0x9710];
	_ =	sdelay $0x4  }
0x376: {  	v10 =	vadd.s32 v3, v10;
	_ =	sdelay $0x4  }
0x377: {  	[tilespmem:v10+s13+$0x0] =	vst.idx.add.f32.msk $0xffff, v2  }
0x378: {  	v10 =	vld [tilespmem:s19+$0x9720];
	_ =	sdelay $0x4  }
0x379: {  	v10 =	vadd.s32 v4, v10;
	_ =	sdelay $0x4  }
0x37a: {  	[tilespmem:v10+s13+$0x0] =	vst.idx.add.f32.msk $0xffff, v2  }
0x37b: {  	v10 =	vld [tilespmem:s19+$0x9730];
	_ =	sdelay $0x4  }
0x37c: {  	v10 =	vadd.s32 v5, v10;
	_ =	sdelay $0x4  }
0x37d: {  	[tilespmem:v10+s13+$0x0] =	vst.idx.add.f32.msk $0xffff, v2  }
0x37e: {  	v10 =	vld [tilespmem:s19+$0x9740];
	_ =	sdelay $0x4  }
0x37f: {  	v10 =	vadd.s32 v6, v10;
	_ =	sdelay $0x4  }
0x380: {  	[tilespmem:v10+s13+$0x0] =	vst.idx.add.f32.msk $0xffff, v2  }
0x381: {  	v10 =	vld [tilespmem:s19+$0x9750];
	_ =	sdelay $0x4  }
0x382: {  	v10 =	vadd.s32 v7, v10;
	_ =	sdelay $0x4  }
0x383: {  	[tilespmem:v10+s13+$0x0] =	vst.idx.add.f32.msk $0xffff, v2  }
0x384: {  	v10 =	vld [tilespmem:s19+$0x9760];
	_ =	sdelay $0x4  }
0x385: {  	v10 =	vadd.s32 v8, v10;
	_ =	sdelay $0x4  }
0x386: {  	[tilespmem:v10+s13+$0x0] =	vst.idx.add.f32.msk $0xffff, v2  }
0x387: {  	v10 =	vld [tilespmem:s19+$0x9770];
	_ =	sdelay $0x4  }
0x388: {  	v10 =	vadd.s32 v9, v10;
	_ =	sdelay $0x4  }
0x389: {  	[tilespmem:v10+s13+$0x0] =	vst.idx.add.f32.msk $0xffff, v2  }
0x38a: {  	v10 =	vld [tilespmem:s19+$0x9780];
	_ =	sdelay $0x4  }
0x38b: {  	v10 =	vadd.s32 v0, v10;
	_ =	sdelay $0x4  }
0x38c: {  	[tilespmem:v10+s13+$0x0] =	vst.idx.add.f32.msk $0xffff, v2  }
0x38d: {  	v10 =	vld [tilespmem:s19+$0x9790];
	_ =	sdelay $0x4  }
0x38e: {  	v10 =	vadd.s32 v3, v10;
	_ =	sdelay $0x4  }
0x38f: {  	[tilespmem:v10+s13+$0x0] =	vst.idx.add.f32.msk $0xffff, v2  }
0x390: {  	v10 =	vld [tilespmem:s19+$0x97A0];
	_ =	sdelay $0x4  }
0x391: {  	v10 =	vadd.s32 v4, v10;
	_ =	sdelay $0x4  }
0x392: {  	[tilespmem:v10+s13+$0x0] =	vst.idx.add.f32.msk $0xffff, v2  }
0x393: {  	v10 =	vld [tilespmem:s19+$0x97B0];
	_ =	sdelay $0x4  }
0x394: {  	v10 =	vadd.s32 v5, v10;
	_ =	sdelay $0x4  }
0x395: {  	[tilespmem:v10+s13+$0x0] =	vst.idx.add.f32.msk $0xffff, v2  }
0x396: {  	v10 =	vld [tilespmem:s19+$0x97C0];
	_ =	sdelay $0x4  }
0x397: {  	v10 =	vadd.s32 v6, v10;
	_ =	sdelay $0x4  }
0x398: {  	[tilespmem:v10+s13+$0x0] =	vst.idx.add.f32.msk $0xffff, v2  }
0x399: {  	v10 =	vld [tilespmem:s19+$0x97D0];
	_ =	sdelay $0x4  }
0x39a: {  	v10 =	vadd.s32 v7, v10;
	_ =	sdelay $0x4  }
0x39b: {  	[tilespmem:v10+s13+$0x0] =	vst.idx.add.f32.msk $0xffff, v2  }
0x39c: {  	v10 =	vld [tilespmem:s19+$0x97E0];
	_ =	sdelay $0x4  }
0x39d: {  	v10 =	vadd.s32 v8, v10;
	_ =	sdelay $0x4  }
0x39e: {  	[tilespmem:v10+s13+$0x0] =	vst.idx.add.f32.msk $0xffff, v2  }
0x39f: {  	v10 =	vld [tilespmem:s19+$0x97F0];
	_ =	sdelay $0x4  }
0x3a0: {  	v10 =	vadd.s32 v9, v10;
	_ =	sdelay $0x4  }
0x3a1: {  	[tilespmem:v10+s13+$0x0] =	vst.idx.add.f32.msk $0xffff, v2  }
0x3a2: {  	v10 =	vld [tilespmem:s19+$0x9800];
	_ =	sdelay $0x4  }
0x3a3: {  	v10 =	vadd.s32 v0, v10;
	_ =	sdelay $0x4  }
0x3a4: {  	[tilespmem:v10+s13+$0x0] =	vst.idx.add.f32.msk $0xffff, v2  }
0x3a5: {  	v10 =	vld [tilespmem:s19+$0x9810];
	_ =	sdelay $0x4  }
0x3a6: {  	v10 =	vadd.s32 v3, v10;
	_ =	sdelay $0x4  }
0x3a7: {  	[tilespmem:v10+s13+$0x0] =	vst.idx.add.f32.msk $0xffff, v2  }
0x3a8: {  	v10 =	vld [tilespmem:s19+$0x9820];
	_ =	sdelay $0x4  }
0x3a9: {  	v10 =	vadd.s32 v4, v10;
	_ =	sdelay $0x4  }
0x3aa: {  	[tilespmem:v10+s13+$0x0] =	vst.idx.add.f32.msk $0xffff, v2  }
0x3ab: {  	v10 =	vld [tilespmem:s19+$0x9830];
	_ =	sdelay $0x4  }
0x3ac: {  	v10 =	vadd.s32 v5, v10;
	_ =	sdelay $0x4  }
0x3ad: {  	[tilespmem:v10+s13+$0x0] =	vst.idx.add.f32.msk $0xffff, v2  }
0x3ae: {  	v10 =	vld [tilespmem:s19+$0x9840];
	_ =	sdelay $0x4  }
0x3af: {  	v10 =	vadd.s32 v6, v10;
	_ =	sdelay $0x4  }
0x3b0: {  	[tilespmem:v10+s13+$0x0] =	vst.idx.add.f32.msk $0xffff, v2  }
0x3b1: {  	v10 =	vld [tilespmem:s19+$0x9850];
	_ =	sdelay $0x4  }
0x3b2: {  	v10 =	vadd.s32 v7, v10;
	_ =	sdelay $0x4  }
0x3b3: {  	[tilespmem:v10+s13+$0x0] =	vst.idx.add.f32.msk $0xffff, v2  }
0x3b4: {  	v10 =	vld [tilespmem:s19+$0x9860];
	_ =	sdelay $0x4  }
0x3b5: {  	v10 =	vadd.s32 v8, v10;
	_ =	sdelay $0x4  }
0x3b6: {  	[tilespmem:v10+s13+$0x0] =	vst.idx.add.f32.msk $0xffff, v2  }
0x3b7: {  	v10 =	vld [tilespmem:s19+$0x9870];
	_ =	sdelay $0x4  }
0x3b8: {  	v10 =	vadd.s32 v9, v10;
	_ =	sdelay $0x4  }
0x3b9: {  	[tilespmem:v10+s13+$0x0] =	vst.idx.add.f32.msk $0xffff, v2  }
0x3ba: {  	v10 =	vld [tilespmem:s19+$0x9880];
	_ =	sdelay $0x4  }
0x3bb: {  	v10 =	vadd.s32 v0, v10;
	_ =	sdelay $0x4  }
0x3bc: {  	[tilespmem:v10+s13+$0x0] =	vst.idx.add.f32.msk $0xffff, v2  }
0x3bd: {  	v10 =	vld [tilespmem:s19+$0x9890];
	_ =	sdelay $0x4  }
0x3be: {  	v10 =	vadd.s32 v3, v10;
	_ =	sdelay $0x4  }
0x3bf: {  	[tilespmem:v10+s13+$0x0] =	vst.idx.add.f32.msk $0xffff, v2  }
0x3c0: {  	v10 =	vld [tilespmem:s19+$0x98A0];
	_ =	sdelay $0x4  }
0x3c1: {  	v10 =	vadd.s32 v4, v10;
	_ =	sdelay $0x4  }
0x3c2: {  	[tilespmem:v10+s13+$0x0] =	vst.idx.add.f32.msk $0xffff, v2  }
0x3c3: {  	v10 =	vld [tilespmem:s19+$0x98B0];
	_ =	sdelay $0x4  }
0x3c4: {  	v10 =	vadd.s32 v5, v10;
	_ =	sdelay $0x4  }
0x3c5: {  	[tilespmem:v10+s13+$0x0] =	vst.idx.add.f32.msk $0xffff, v2  }
0x3c6: {  	v10 =	vld [tilespmem:s19+$0x98C0];
	_ =	sdelay $0x4  }
0x3c7: {  	v10 =	vadd.s32 v6, v10;
	_ =	sdelay $0x4  }
0x3c8: {  	[tilespmem:v10+s13+$0x0] =	vst.idx.add.f32.msk $0xffff, v2  }
0x3c9: {  	v10 =	vld [tilespmem:s19+$0x98D0];
	_ =	sdelay $0x4  }
0x3ca: {  	v10 =	vadd.s32 v7, v10;
	_ =	sdelay $0x4  }
0x3cb: {  	[tilespmem:v10+s13+$0x0] =	vst.idx.add.f32.msk $0xffff, v2  }
0x3cc: {  	v10 =	vld [tilespmem:s19+$0x98E0];
	_ =	sdelay $0x4  }
0x3cd: {  	v10 =	vadd.s32 v8, v10;
	_ =	sdelay $0x4  }
0x3ce: {  	[tilespmem:v10+s13+$0x0] =	vst.idx.add.f32.msk $0xffff, v2  }
0x3cf: {  	v10 =	vld [tilespmem:s19+$0x98F0];
	_ =	sdelay $0x4  }
0x3d0: {  	p0 =	sne.s32 s18, $0x22000;
	v10 =	vadd.s32 v9, v10  }
.Ltmp2:
0x3d1: {  	_ = 	snop;
	(pc) =	sbr.rel @p0 .LBB2_7-.Ltmp2, $2  }
0x3d2: {  	_ =	sdelay $0x2  }
0x3d3: {  	s18 =	sadd.s32 $0x2200, s18;
	[tilespmem:v10+s13+$0x0] =	vst.idx.add.f32.msk $0xffff, v2  }
0x3d4: {  	s17 =	sadd.s32 $0x1, s17  }
0x3d5: {  	p0 =	sne.s32 s17, $0x8  }
.Ltmp3:
0x3d6: {  	_ = 	snop;
	(pc) =	sbr.rel @p0 .LBB2_4-.Ltmp3, $1  }
0x3d7: {  	_ =	sdelay $0x3  }
0x3d8: {  	_ =	swait.ge [sflag:s12], $0x9080  }
0x3d9: {  	[sflag:s12] =	ssyncset.done $0x0  }
0x3da: {  	s17 =	simm.s32 $0x0;
	[sflag:s12] =	ssyncadd.s32 $0xFFFF6F80  }
.LBB2_10:
0x3db: {  	s18 =	sshra.s32 s17, $0x2  }
0x3dc: {  	v10 =	vld [tilespmem:s18+$0x0];
	_ =	sdelay $0x4  }
0x3dd: {  	v10 =	vadd.s32 v0, v10;
	_ =	sdelay $0x4  }
0x3de: {  	[tilespmem:v10+s13+$0x0] =	vst.idx.add.f32.msk $0xffff, v2  }
0x3df: {  	v10 =	vld [tilespmem:s18+$0x10];
	_ =	sdelay $0x4  }
0x3e0: {  	v10 =	vadd.s32 v3, v10;
	_ =	sdelay $0x4  }
0x3e1: {  	[tilespmem:v10+s13+$0x0] =	vst.idx.add.f32.msk $0xffff, v2  }
0x3e2: {  	v10 =	vld [tilespmem:s18+$0x20];
	_ =	sdelay $0x4  }
0x3e3: {  	v10 =	vadd.s32 v4, v10;
	_ =	sdelay $0x4  }
0x3e4: {  	[tilespmem:v10+s13+$0x0] =	vst.idx.add.f32.msk $0xffff, v2  }
0x3e5: {  	v10 =	vld [tilespmem:s18+$0x30];
	_ =	sdelay $0x4  }
0x3e6: {  	v10 =	vadd.s32 v5, v10;
	_ =	sdelay $0x4  }
0x3e7: {  	[tilespmem:v10+s13+$0x0] =	vst.idx.add.f32.msk $0xffff, v2  }
0x3e8: {  	v10 =	vld [tilespmem:s18+$0x40];
	_ =	sdelay $0x4  }
0x3e9: {  	v10 =	vadd.s32 v6, v10;
	_ =	sdelay $0x4  }
0x3ea: {  	[tilespmem:v10+s13+$0x0] =	vst.idx.add.f32.msk $0xffff, v2  }
0x3eb: {  	v10 =	vld [tilespmem:s18+$0x50];
	_ =	sdelay $0x4  }
0x3ec: {  	v10 =	vadd.s32 v7, v10;
	_ =	sdelay $0x4  }
0x3ed: {  	[tilespmem:v10+s13+$0x0] =	vst.idx.add.f32.msk $0xffff, v2  }
0x3ee: {  	v10 =	vld [tilespmem:s18+$0x60];
	_ =	sdelay $0x4  }
0x3ef: {  	v10 =	vadd.s32 v8, v10;
	_ =	sdelay $0x4  }
0x3f0: {  	[tilespmem:v10+s13+$0x0] =	vst.idx.add.f32.msk $0xffff, v2  }
0x3f1: {  	v10 =	vld [tilespmem:s18+$0x70];
	_ =	sdelay $0x4  }
0x3f2: {  	v10 =	vadd.s32 v9, v10;
	_ =	sdelay $0x4  }
0x3f3: {  	[tilespmem:v10+s13+$0x0] =	vst.idx.add.f32.msk $0xffff, v2  }
0x3f4: {  	v10 =	vld [tilespmem:s18+$0x80];
	_ =	sdelay $0x4  }
0x3f5: {  	v10 =	vadd.s32 v0, v10;
	_ =	sdelay $0x4  }
0x3f6: {  	[tilespmem:v10+s13+$0x0] =	vst.idx.add.f32.msk $0xffff, v2  }
0x3f7: {  	v10 =	vld [tilespmem:s18+$0x90];
	_ =	sdelay $0x4  }
0x3f8: {  	v10 =	vadd.s32 v3, v10;
	_ =	sdelay $0x4  }
0x3f9: {  	[tilespmem:v10+s13+$0x0] =	vst.idx.add.f32.msk $0xffff, v2  }
0x3fa: {  	v10 =	vld [tilespmem:s18+$0xA0];
	_ =	sdelay $0x4  }
0x3fb: {  	v10 =	vadd.s32 v4, v10;
	_ =	sdelay $0x4  }
0x3fc: {  	[tilespmem:v10+s13+$0x0] =	vst.idx.add.f32.msk $0xffff, v2  }
0x3fd: {  	v10 =	vld [tilespmem:s18+$0xB0];
	_ =	sdelay $0x4  }
0x3fe: {  	v10 =	vadd.s32 v5, v10;
	_ =	sdelay $0x4  }
0x3ff: {  	[tilespmem:v10+s13+$0x0] =	vst.idx.add.f32.msk $0xffff, v2  }
0x400: {  	v10 =	vld [tilespmem:s18+$0xC0];
	_ =	sdelay $0x4  }
0x401: {  	v10 =	vadd.s32 v6, v10;
	_ =	sdelay $0x4  }
0x402: {  	[tilespmem:v10+s13+$0x0] =	vst.idx.add.f32.msk $0xffff, v2  }
0x403: {  	v10 =	vld [tilespmem:s18+$0xD0];
	_ =	sdelay $0x4  }
0x404: {  	v10 =	vadd.s32 v7, v10;
	_ =	sdelay $0x4  }
0x405: {  	[tilespmem:v10+s13+$0x0] =	vst.idx.add.f32.msk $0xffff, v2  }
0x406: {  	v10 =	vld [tilespmem:s18+$0xE0];
	_ =	sdelay $0x4  }
0x407: {  	v10 =	vadd.s32 v8, v10;
	_ =	sdelay $0x4  }
0x408: {  	[tilespmem:v10+s13+$0x0] =	vst.idx.add.f32.msk $0xffff, v2  }
0x409: {  	v10 =	vld [tilespmem:s18+$0xF0];
	_ =	sdelay $0x4  }
0x40a: {  	v10 =	vadd.s32 v9, v10;
	_ =	sdelay $0x4  }
0x40b: {  	[tilespmem:v10+s13+$0x0] =	vst.idx.add.f32.msk $0xffff, v2  }
0x40c: {  	v10 =	vld [tilespmem:s18+$0x100];
	_ =	sdelay $0x4  }
0x40d: {  	v10 =	vadd.s32 v0, v10;
	_ =	sdelay $0x4  }
0x40e: {  	[tilespmem:v10+s13+$0x0] =	vst.idx.add.f32.msk $0xffff, v2  }
0x40f: {  	v10 =	vld [tilespmem:s18+$0x110];
	_ =	sdelay $0x4  }
0x410: {  	v10 =	vadd.s32 v3, v10;
	_ =	sdelay $0x4  }
0x411: {  	[tilespmem:v10+s13+$0x0] =	vst.idx.add.f32.msk $0xffff, v2  }
0x412: {  	v10 =	vld [tilespmem:s18+$0x120];
	_ =	sdelay $0x4  }
0x413: {  	v10 =	vadd.s32 v4, v10;
	_ =	sdelay $0x4  }
0x414: {  	[tilespmem:v10+s13+$0x0] =	vst.idx.add.f32.msk $0xffff, v2  }
0x415: {  	v10 =	vld [tilespmem:s18+$0x130];
	_ =	sdelay $0x4  }
0x416: {  	v10 =	vadd.s32 v5, v10;
	_ =	sdelay $0x4  }
0x417: {  	[tilespmem:v10+s13+$0x0] =	vst.idx.add.f32.msk $0xffff, v2  }
0x418: {  	v10 =	vld [tilespmem:s18+$0x140];
	_ =	sdelay $0x4  }
0x419: {  	v10 =	vadd.s32 v6, v10;
	_ =	sdelay $0x4  }
0x41a: {  	[tilespmem:v10+s13+$0x0] =	vst.idx.add.f32.msk $0xffff, v2  }
0x41b: {  	v10 =	vld [tilespmem:s18+$0x150];
	_ =	sdelay $0x4  }
0x41c: {  	v10 =	vadd.s32 v7, v10;
	_ =	sdelay $0x4  }
0x41d: {  	[tilespmem:v10+s13+$0x0] =	vst.idx.add.f32.msk $0xffff, v2  }
0x41e: {  	v10 =	vld [tilespmem:s18+$0x160];
	_ =	sdelay $0x4  }
0x41f: {  	v10 =	vadd.s32 v8, v10;
	_ =	sdelay $0x4  }
0x420: {  	[tilespmem:v10+s13+$0x0] =	vst.idx.add.f32.msk $0xffff, v2  }
0x421: {  	v10 =	vld [tilespmem:s18+$0x170];
	_ =	sdelay $0x4  }
0x422: {  	v10 =	vadd.s32 v9, v10;
	_ =	sdelay $0x4  }
0x423: {  	[tilespmem:v10+s13+$0x0] =	vst.idx.add.f32.msk $0xffff, v2  }
0x424: {  	v10 =	vld [tilespmem:s18+$0x180];
	_ =	sdelay $0x4  }
0x425: {  	v10 =	vadd.s32 v0, v10;
	_ =	sdelay $0x4  }
0x426: {  	[tilespmem:v10+s13+$0x0] =	vst.idx.add.f32.msk $0xffff, v2  }
0x427: {  	v10 =	vld [tilespmem:s18+$0x190];
	_ =	sdelay $0x4  }
0x428: {  	v10 =	vadd.s32 v3, v10;
	_ =	sdelay $0x4  }
0x429: {  	[tilespmem:v10+s13+$0x0] =	vst.idx.add.f32.msk $0xffff, v2  }
0x42a: {  	v10 =	vld [tilespmem:s18+$0x1A0];
	_ =	sdelay $0x4  }
0x42b: {  	v10 =	vadd.s32 v4, v10;
	_ =	sdelay $0x4  }
0x42c: {  	[tilespmem:v10+s13+$0x0] =	vst.idx.add.f32.msk $0xffff, v2  }
0x42d: {  	v10 =	vld [tilespmem:s18+$0x1B0];
	_ =	sdelay $0x4  }
0x42e: {  	v10 =	vadd.s32 v5, v10;
	_ =	sdelay $0x4  }
0x42f: {  	[tilespmem:v10+s13+$0x0] =	vst.idx.add.f32.msk $0xffff, v2  }
0x430: {  	v10 =	vld [tilespmem:s18+$0x1C0];
	_ =	sdelay $0x4  }
0x431: {  	v10 =	vadd.s32 v6, v10;
	_ =	sdelay $0x4  }
0x432: {  	[tilespmem:v10+s13+$0x0] =	vst.idx.add.f32.msk $0xffff, v2  }
0x433: {  	v10 =	vld [tilespmem:s18+$0x1D0];
	_ =	sdelay $0x4  }
0x434: {  	v10 =	vadd.s32 v7, v10;
	_ =	sdelay $0x4  }
0x435: {  	[tilespmem:v10+s13+$0x0] =	vst.idx.add.f32.msk $0xffff, v2  }
0x436: {  	v10 =	vld [tilespmem:s18+$0x1E0];
	_ =	sdelay $0x4  }
0x437: {  	v10 =	vadd.s32 v8, v10;
	_ =	sdelay $0x4  }
0x438: {  	[tilespmem:v10+s13+$0x0] =	vst.idx.add.f32.msk $0xffff, v2  }
0x439: {  	v10 =	vld [tilespmem:s18+$0x1F0];
	_ =	sdelay $0x4  }
0x43a: {  	v10 =	vadd.s32 v9, v10;
	_ =	sdelay $0x4  }
0x43b: {  	[tilespmem:v10+s13+$0x0] =	vst.idx.add.f32.msk $0xffff, v2  }
0x43c: {  	v10 =	vld [tilespmem:s18+$0x200];
	_ =	sdelay $0x4  }
0x43d: {  	v10 =	vadd.s32 v0, v10;
	_ =	sdelay $0x4  }
0x43e: {  	[tilespmem:v10+s13+$0x0] =	vst.idx.add.f32.msk $0xffff, v2  }
0x43f: {  	v10 =	vld [tilespmem:s18+$0x210];
	_ =	sdelay $0x4  }
0x440: {  	v10 =	vadd.s32 v3, v10;
	_ =	sdelay $0x4  }
0x441: {  	[tilespmem:v10+s13+$0x0] =	vst.idx.add.f32.msk $0xffff, v2  }
0x442: {  	v10 =	vld [tilespmem:s18+$0x220];
	_ =	sdelay $0x4  }
0x443: {  	v10 =	vadd.s32 v4, v10;
	_ =	sdelay $0x4  }
0x444: {  	[tilespmem:v10+s13+$0x0] =	vst.idx.add.f32.msk $0xffff, v2  }
0x445: {  	v10 =	vld [tilespmem:s18+$0x230];
	_ =	sdelay $0x4  }
0x446: {  	v10 =	vadd.s32 v5, v10;
	_ =	sdelay $0x4  }
0x447: {  	[tilespmem:v10+s13+$0x0] =	vst.idx.add.f32.msk $0xffff, v2  }
0x448: {  	v10 =	vld [tilespmem:s18+$0x240];
	_ =	sdelay $0x4  }
0x449: {  	v10 =	vadd.s32 v6, v10;
	_ =	sdelay $0x4  }
0x44a: {  	[tilespmem:v10+s13+$0x0] =	vst.idx.add.f32.msk $0xffff, v2  }
0x44b: {  	v10 =	vld [tilespmem:s18+$0x250];
	_ =	sdelay $0x4  }
0x44c: {  	v10 =	vadd.s32 v7, v10;
	_ =	sdelay $0x4  }
0x44d: {  	[tilespmem:v10+s13+$0x0] =	vst.idx.add.f32.msk $0xffff, v2  }
0x44e: {  	v10 =	vld [tilespmem:s18+$0x260];
	_ =	sdelay $0x4  }
0x44f: {  	v10 =	vadd.s32 v8, v10;
	_ =	sdelay $0x4  }
0x450: {  	[tilespmem:v10+s13+$0x0] =	vst.idx.add.f32.msk $0xffff, v2  }
0x451: {  	v10 =	vld [tilespmem:s18+$0x270];
	_ =	sdelay $0x4  }
0x452: {  	v10 =	vadd.s32 v9, v10;
	_ =	sdelay $0x4  }
0x453: {  	[tilespmem:v10+s13+$0x0] =	vst.idx.add.f32.msk $0xffff, v2  }
0x454: {  	v10 =	vld [tilespmem:s18+$0x280];
	_ =	sdelay $0x4  }
0x455: {  	v10 =	vadd.s32 v0, v10;
	_ =	sdelay $0x4  }
0x456: {  	[tilespmem:v10+s13+$0x0] =	vst.idx.add.f32.msk $0xffff, v2  }
0x457: {  	v10 =	vld [tilespmem:s18+$0x290];
	_ =	sdelay $0x4  }
0x458: {  	v10 =	vadd.s32 v3, v10;
	_ =	sdelay $0x4  }
0x459: {  	[tilespmem:v10+s13+$0x0] =	vst.idx.add.f32.msk $0xffff, v2  }
0x45a: {  	v10 =	vld [tilespmem:s18+$0x2A0];
	_ =	sdelay $0x4  }
0x45b: {  	v10 =	vadd.s32 v4, v10;
	_ =	sdelay $0x4  }
0x45c: {  	[tilespmem:v10+s13+$0x0] =	vst.idx.add.f32.msk $0xffff, v2  }
0x45d: {  	v10 =	vld [tilespmem:s18+$0x2B0];
	_ =	sdelay $0x4  }
0x45e: {  	v10 =	vadd.s32 v5, v10;
	_ =	sdelay $0x4  }
0x45f: {  	[tilespmem:v10+s13+$0x0] =	vst.idx.add.f32.msk $0xffff, v2  }
0x460: {  	v10 =	vld [tilespmem:s18+$0x2C0];
	_ =	sdelay $0x4  }
0x461: {  	v10 =	vadd.s32 v6, v10;
	_ =	sdelay $0x4  }
0x462: {  	[tilespmem:v10+s13+$0x0] =	vst.idx.add.f32.msk $0xffff, v2  }
0x463: {  	v10 =	vld [tilespmem:s18+$0x2D0];
	_ =	sdelay $0x4  }
0x464: {  	v10 =	vadd.s32 v7, v10;
	_ =	sdelay $0x4  }
0x465: {  	[tilespmem:v10+s13+$0x0] =	vst.idx.add.f32.msk $0xffff, v2  }
0x466: {  	v10 =	vld [tilespmem:s18+$0x2E0];
	_ =	sdelay $0x4  }
0x467: {  	v10 =	vadd.s32 v8, v10;
	_ =	sdelay $0x4  }
0x468: {  	[tilespmem:v10+s13+$0x0] =	vst.idx.add.f32.msk $0xffff, v2  }
0x469: {  	v10 =	vld [tilespmem:s18+$0x2F0];
	_ =	sdelay $0x4  }
0x46a: {  	v10 =	vadd.s32 v9, v10;
	_ =	sdelay $0x4  }
0x46b: {  	[tilespmem:v10+s13+$0x0] =	vst.idx.add.f32.msk $0xffff, v2  }
0x46c: {  	v10 =	vld [tilespmem:s18+$0x300];
	_ =	sdelay $0x4  }
0x46d: {  	v10 =	vadd.s32 v0, v10;
	_ =	sdelay $0x4  }
0x46e: {  	[tilespmem:v10+s13+$0x0] =	vst.idx.add.f32.msk $0xffff, v2  }
0x46f: {  	v10 =	vld [tilespmem:s18+$0x310];
	_ =	sdelay $0x4  }
0x470: {  	v10 =	vadd.s32 v3, v10;
	_ =	sdelay $0x4  }
0x471: {  	[tilespmem:v10+s13+$0x0] =	vst.idx.add.f32.msk $0xffff, v2  }
0x472: {  	v10 =	vld [tilespmem:s18+$0x320];
	_ =	sdelay $0x4  }
0x473: {  	v10 =	vadd.s32 v4, v10;
	_ =	sdelay $0x4  }
0x474: {  	[tilespmem:v10+s13+$0x0] =	vst.idx.add.f32.msk $0xffff, v2  }
0x475: {  	v10 =	vld [tilespmem:s18+$0x330];
	_ =	sdelay $0x4  }
0x476: {  	v10 =	vadd.s32 v5, v10;
	_ =	sdelay $0x4  }
0x477: {  	[tilespmem:v10+s13+$0x0] =	vst.idx.add.f32.msk $0xffff, v2  }
0x478: {  	v10 =	vld [tilespmem:s18+$0x340];
	_ =	sdelay $0x4  }
0x479: {  	v10 =	vadd.s32 v6, v10;
	_ =	sdelay $0x4  }
0x47a: {  	[tilespmem:v10+s13+$0x0] =	vst.idx.add.f32.msk $0xffff, v2  }
0x47b: {  	v10 =	vld [tilespmem:s18+$0x350];
	_ =	sdelay $0x4  }
0x47c: {  	v10 =	vadd.s32 v7, v10;
	_ =	sdelay $0x4  }
0x47d: {  	[tilespmem:v10+s13+$0x0] =	vst.idx.add.f32.msk $0xffff, v2  }
0x47e: {  	v10 =	vld [tilespmem:s18+$0x360];
	_ =	sdelay $0x4  }
0x47f: {  	v10 =	vadd.s32 v8, v10;
	_ =	sdelay $0x4  }
0x480: {  	[tilespmem:v10+s13+$0x0] =	vst.idx.add.f32.msk $0xffff, v2  }
0x481: {  	v10 =	vld [tilespmem:s18+$0x370];
	_ =	sdelay $0x4  }
0x482: {  	v10 =	vadd.s32 v9, v10;
	_ =	sdelay $0x4  }
0x483: {  	[tilespmem:v10+s13+$0x0] =	vst.idx.add.f32.msk $0xffff, v2  }
0x484: {  	v10 =	vld [tilespmem:s18+$0x380];
	_ =	sdelay $0x4  }
0x485: {  	v10 =	vadd.s32 v0, v10;
	_ =	sdelay $0x4  }
0x486: {  	[tilespmem:v10+s13+$0x0] =	vst.idx.add.f32.msk $0xffff, v2  }
0x487: {  	v10 =	vld [tilespmem:s18+$0x390];
	_ =	sdelay $0x4  }
0x488: {  	v10 =	vadd.s32 v3, v10;
	_ =	sdelay $0x4  }
0x489: {  	[tilespmem:v10+s13+$0x0] =	vst.idx.add.f32.msk $0xffff, v2  }
0x48a: {  	v10 =	vld [tilespmem:s18+$0x3A0];
	_ =	sdelay $0x4  }
0x48b: {  	v10 =	vadd.s32 v4, v10;
	_ =	sdelay $0x4  }
0x48c: {  	[tilespmem:v10+s13+$0x0] =	vst.idx.add.f32.msk $0xffff, v2  }
0x48d: {  	v10 =	vld [tilespmem:s18+$0x3B0];
	_ =	sdelay $0x4  }
0x48e: {  	v10 =	vadd.s32 v5, v10;
	_ =	sdelay $0x4  }
0x48f: {  	[tilespmem:v10+s13+$0x0] =	vst.idx.add.f32.msk $0xffff, v2  }
0x490: {  	v10 =	vld [tilespmem:s18+$0x3C0];
	_ =	sdelay $0x4  }
0x491: {  	v10 =	vadd.s32 v6, v10;
	_ =	sdelay $0x4  }
0x492: {  	[tilespmem:v10+s13+$0x0] =	vst.idx.add.f32.msk $0xffff, v2  }
0x493: {  	v10 =	vld [tilespmem:s18+$0x3D0];
	_ =	sdelay $0x4  }
0x494: {  	v10 =	vadd.s32 v7, v10;
	_ =	sdelay $0x4  }
0x495: {  	[tilespmem:v10+s13+$0x0] =	vst.idx.add.f32.msk $0xffff, v2  }
0x496: {  	v10 =	vld [tilespmem:s18+$0x3E0];
	_ =	sdelay $0x4  }
0x497: {  	v10 =	vadd.s32 v8, v10;
	_ =	sdelay $0x4  }
0x498: {  	[tilespmem:v10+s13+$0x0] =	vst.idx.add.f32.msk $0xffff, v2  }
0x499: {  	v10 =	vld [tilespmem:s18+$0x3F0];
	_ =	sdelay $0x4  }
0x49a: {  	v10 =	vadd.s32 v9, v10;
	_ =	sdelay $0x4  }
0x49b: {  	[tilespmem:v10+s13+$0x0] =	vst.idx.add.f32.msk $0xffff, v2  }
0x49c: {  	v10 =	vld [tilespmem:s18+$0x400];
	_ =	sdelay $0x4  }
0x49d: {  	v10 =	vadd.s32 v0, v10;
	_ =	sdelay $0x4  }
0x49e: {  	[tilespmem:v10+s13+$0x0] =	vst.idx.add.f32.msk $0xffff, v2  }
0x49f: {  	v10 =	vld [tilespmem:s18+$0x410];
	_ =	sdelay $0x4  }
0x4a0: {  	v10 =	vadd.s32 v3, v10;
	_ =	sdelay $0x4  }
0x4a1: {  	[tilespmem:v10+s13+$0x0] =	vst.idx.add.f32.msk $0xffff, v2  }
0x4a2: {  	v10 =	vld [tilespmem:s18+$0x420];
	_ =	sdelay $0x4  }
0x4a3: {  	v10 =	vadd.s32 v4, v10;
	_ =	sdelay $0x4  }
0x4a4: {  	[tilespmem:v10+s13+$0x0] =	vst.idx.add.f32.msk $0xffff, v2  }
0x4a5: {  	v10 =	vld [tilespmem:s18+$0x430];
	_ =	sdelay $0x4  }
0x4a6: {  	v10 =	vadd.s32 v5, v10;
	_ =	sdelay $0x4  }
0x4a7: {  	[tilespmem:v10+s13+$0x0] =	vst.idx.add.f32.msk $0xffff, v2  }
0x4a8: {  	v10 =	vld [tilespmem:s18+$0x440];
	_ =	sdelay $0x4  }
0x4a9: {  	v10 =	vadd.s32 v6, v10;
	_ =	sdelay $0x4  }
0x4aa: {  	[tilespmem:v10+s13+$0x0] =	vst.idx.add.f32.msk $0xffff, v2  }
0x4ab: {  	v10 =	vld [tilespmem:s18+$0x450];
	_ =	sdelay $0x4  }
0x4ac: {  	v10 =	vadd.s32 v7, v10;
	_ =	sdelay $0x4  }
0x4ad: {  	[tilespmem:v10+s13+$0x0] =	vst.idx.add.f32.msk $0xffff, v2  }
0x4ae: {  	v10 =	vld [tilespmem:s18+$0x460];
	_ =	sdelay $0x4  }
0x4af: {  	v10 =	vadd.s32 v8, v10;
	_ =	sdelay $0x4  }
0x4b0: {  	[tilespmem:v10+s13+$0x0] =	vst.idx.add.f32.msk $0xffff, v2  }
0x4b1: {  	v10 =	vld [tilespmem:s18+$0x470];
	_ =	sdelay $0x4  }
0x4b2: {  	v10 =	vadd.s32 v9, v10;
	_ =	sdelay $0x4  }
0x4b3: {  	[tilespmem:v10+s13+$0x0] =	vst.idx.add.f32.msk $0xffff, v2  }
0x4b4: {  	v10 =	vld [tilespmem:s18+$0x480];
	_ =	sdelay $0x4  }
0x4b5: {  	v10 =	vadd.s32 v0, v10;
	_ =	sdelay $0x4  }
0x4b6: {  	[tilespmem:v10+s13+$0x0] =	vst.idx.add.f32.msk $0xffff, v2  }
0x4b7: {  	v10 =	vld [tilespmem:s18+$0x490];
	_ =	sdelay $0x4  }
0x4b8: {  	v10 =	vadd.s32 v3, v10;
	_ =	sdelay $0x4  }
0x4b9: {  	[tilespmem:v10+s13+$0x0] =	vst.idx.add.f32.msk $0xffff, v2  }
0x4ba: {  	v10 =	vld [tilespmem:s18+$0x4A0];
	_ =	sdelay $0x4  }
0x4bb: {  	v10 =	vadd.s32 v4, v10;
	_ =	sdelay $0x4  }
0x4bc: {  	[tilespmem:v10+s13+$0x0] =	vst.idx.add.f32.msk $0xffff, v2  }
0x4bd: {  	v10 =	vld [tilespmem:s18+$0x4B0];
	_ =	sdelay $0x4  }
0x4be: {  	v10 =	vadd.s32 v5, v10;
	_ =	sdelay $0x4  }
0x4bf: {  	[tilespmem:v10+s13+$0x0] =	vst.idx.add.f32.msk $0xffff, v2  }
0x4c0: {  	v10 =	vld [tilespmem:s18+$0x4C0];
	_ =	sdelay $0x4  }
0x4c1: {  	v10 =	vadd.s32 v6, v10;
	_ =	sdelay $0x4  }
0x4c2: {  	[tilespmem:v10+s13+$0x0] =	vst.idx.add.f32.msk $0xffff, v2  }
0x4c3: {  	v10 =	vld [tilespmem:s18+$0x4D0];
	_ =	sdelay $0x4  }
0x4c4: {  	v10 =	vadd.s32 v7, v10;
	_ =	sdelay $0x4  }
0x4c5: {  	[tilespmem:v10+s13+$0x0] =	vst.idx.add.f32.msk $0xffff, v2  }
0x4c6: {  	v10 =	vld [tilespmem:s18+$0x4E0];
	_ =	sdelay $0x4  }
0x4c7: {  	v10 =	vadd.s32 v8, v10;
	_ =	sdelay $0x4  }
0x4c8: {  	[tilespmem:v10+s13+$0x0] =	vst.idx.add.f32.msk $0xffff, v2  }
0x4c9: {  	v10 =	vld [tilespmem:s18+$0x4F0];
	_ =	sdelay $0x4  }
0x4ca: {  	v10 =	vadd.s32 v9, v10;
	_ =	sdelay $0x4  }
0x4cb: {  	[tilespmem:v10+s13+$0x0] =	vst.idx.add.f32.msk $0xffff, v2  }
0x4cc: {  	v10 =	vld [tilespmem:s18+$0x500];
	_ =	sdelay $0x4  }
0x4cd: {  	v10 =	vadd.s32 v0, v10;
	_ =	sdelay $0x4  }
0x4ce: {  	[tilespmem:v10+s13+$0x0] =	vst.idx.add.f32.msk $0xffff, v2  }
0x4cf: {  	v10 =	vld [tilespmem:s18+$0x510];
	_ =	sdelay $0x4  }
0x4d0: {  	v10 =	vadd.s32 v3, v10;
	_ =	sdelay $0x4  }
0x4d1: {  	[tilespmem:v10+s13+$0x0] =	vst.idx.add.f32.msk $0xffff, v2  }
0x4d2: {  	v10 =	vld [tilespmem:s18+$0x520];
	_ =	sdelay $0x4  }
0x4d3: {  	v10 =	vadd.s32 v4, v10;
	_ =	sdelay $0x4  }
0x4d4: {  	[tilespmem:v10+s13+$0x0] =	vst.idx.add.f32.msk $0xffff, v2  }
0x4d5: {  	v10 =	vld [tilespmem:s18+$0x530];
	_ =	sdelay $0x4  }
0x4d6: {  	v10 =	vadd.s32 v5, v10;
	_ =	sdelay $0x4  }
0x4d7: {  	[tilespmem:v10+s13+$0x0] =	vst.idx.add.f32.msk $0xffff, v2  }
0x4d8: {  	v10 =	vld [tilespmem:s18+$0x540];
	_ =	sdelay $0x4  }
0x4d9: {  	v10 =	vadd.s32 v6, v10;
	_ =	sdelay $0x4  }
0x4da: {  	[tilespmem:v10+s13+$0x0] =	vst.idx.add.f32.msk $0xffff, v2  }
0x4db: {  	v10 =	vld [tilespmem:s18+$0x550];
	_ =	sdelay $0x4  }
0x4dc: {  	v10 =	vadd.s32 v7, v10;
	_ =	sdelay $0x4  }
0x4dd: {  	[tilespmem:v10+s13+$0x0] =	vst.idx.add.f32.msk $0xffff, v2  }
0x4de: {  	v10 =	vld [tilespmem:s18+$0x560];
	_ =	sdelay $0x4  }
0x4df: {  	v10 =	vadd.s32 v8, v10;
	_ =	sdelay $0x4  }
0x4e0: {  	[tilespmem:v10+s13+$0x0] =	vst.idx.add.f32.msk $0xffff, v2  }
0x4e1: {  	v10 =	vld [tilespmem:s18+$0x570];
	_ =	sdelay $0x4  }
0x4e2: {  	v10 =	vadd.s32 v9, v10;
	_ =	sdelay $0x4  }
0x4e3: {  	[tilespmem:v10+s13+$0x0] =	vst.idx.add.f32.msk $0xffff, v2  }
0x4e4: {  	v10 =	vld [tilespmem:s18+$0x580];
	_ =	sdelay $0x4  }
0x4e5: {  	v10 =	vadd.s32 v0, v10;
	_ =	sdelay $0x4  }
0x4e6: {  	[tilespmem:v10+s13+$0x0] =	vst.idx.add.f32.msk $0xffff, v2  }
0x4e7: {  	v10 =	vld [tilespmem:s18+$0x590];
	_ =	sdelay $0x4  }
0x4e8: {  	v10 =	vadd.s32 v3, v10;
	_ =	sdelay $0x4  }
0x4e9: {  	[tilespmem:v10+s13+$0x0] =	vst.idx.add.f32.msk $0xffff, v2  }
0x4ea: {  	v10 =	vld [tilespmem:s18+$0x5A0];
	_ =	sdelay $0x4  }
0x4eb: {  	v10 =	vadd.s32 v4, v10;
	_ =	sdelay $0x4  }
0x4ec: {  	[tilespmem:v10+s13+$0x0] =	vst.idx.add.f32.msk $0xffff, v2  }
0x4ed: {  	v10 =	vld [tilespmem:s18+$0x5B0];
	_ =	sdelay $0x4  }
0x4ee: {  	v10 =	vadd.s32 v5, v10;
	_ =	sdelay $0x4  }
0x4ef: {  	[tilespmem:v10+s13+$0x0] =	vst.idx.add.f32.msk $0xffff, v2  }
0x4f0: {  	v10 =	vld [tilespmem:s18+$0x5C0];
	_ =	sdelay $0x4  }
0x4f1: {  	v10 =	vadd.s32 v6, v10;
	_ =	sdelay $0x4  }
0x4f2: {  	[tilespmem:v10+s13+$0x0] =	vst.idx.add.f32.msk $0xffff, v2  }
0x4f3: {  	v10 =	vld [tilespmem:s18+$0x5D0];
	_ =	sdelay $0x4  }
0x4f4: {  	v10 =	vadd.s32 v7, v10;
	_ =	sdelay $0x4  }
0x4f5: {  	[tilespmem:v10+s13+$0x0] =	vst.idx.add.f32.msk $0xffff, v2  }
0x4f6: {  	v10 =	vld [tilespmem:s18+$0x5E0];
	_ =	sdelay $0x4  }
0x4f7: {  	v10 =	vadd.s32 v8, v10;
	_ =	sdelay $0x4  }
0x4f8: {  	[tilespmem:v10+s13+$0x0] =	vst.idx.add.f32.msk $0xffff, v2  }
0x4f9: {  	v10 =	vld [tilespmem:s18+$0x5F0];
	_ =	sdelay $0x4  }
0x4fa: {  	v10 =	vadd.s32 v9, v10;
	_ =	sdelay $0x4  }
0x4fb: {  	[tilespmem:v10+s13+$0x0] =	vst.idx.add.f32.msk $0xffff, v2  }
0x4fc: {  	v10 =	vld [tilespmem:s18+$0x600];
	_ =	sdelay $0x4  }
0x4fd: {  	v10 =	vadd.s32 v0, v10;
	_ =	sdelay $0x4  }
0x4fe: {  	[tilespmem:v10+s13+$0x0] =	vst.idx.add.f32.msk $0xffff, v2  }
0x4ff: {  	v10 =	vld [tilespmem:s18+$0x610];
	_ =	sdelay $0x4  }
0x500: {  	v10 =	vadd.s32 v3, v10;
	_ =	sdelay $0x4  }
0x501: {  	[tilespmem:v10+s13+$0x0] =	vst.idx.add.f32.msk $0xffff, v2  }
0x502: {  	v10 =	vld [tilespmem:s18+$0x620];
	_ =	sdelay $0x4  }
0x503: {  	v10 =	vadd.s32 v4, v10;
	_ =	sdelay $0x4  }
0x504: {  	[tilespmem:v10+s13+$0x0] =	vst.idx.add.f32.msk $0xffff, v2  }
0x505: {  	v10 =	vld [tilespmem:s18+$0x630];
	_ =	sdelay $0x4  }
0x506: {  	v10 =	vadd.s32 v5, v10;
	_ =	sdelay $0x4  }
0x507: {  	[tilespmem:v10+s13+$0x0] =	vst.idx.add.f32.msk $0xffff, v2  }
0x508: {  	v10 =	vld [tilespmem:s18+$0x640];
	_ =	sdelay $0x4  }
0x509: {  	v10 =	vadd.s32 v6, v10;
	_ =	sdelay $0x4  }
0x50a: {  	[tilespmem:v10+s13+$0x0] =	vst.idx.add.f32.msk $0xffff, v2  }
0x50b: {  	v10 =	vld [tilespmem:s18+$0x650];
	_ =	sdelay $0x4  }
0x50c: {  	v10 =	vadd.s32 v7, v10;
	_ =	sdelay $0x4  }
0x50d: {  	[tilespmem:v10+s13+$0x0] =	vst.idx.add.f32.msk $0xffff, v2  }
0x50e: {  	v10 =	vld [tilespmem:s18+$0x660];
	_ =	sdelay $0x4  }
0x50f: {  	v10 =	vadd.s32 v8, v10;
	_ =	sdelay $0x4  }
0x510: {  	[tilespmem:v10+s13+$0x0] =	vst.idx.add.f32.msk $0xffff, v2  }
0x511: {  	v10 =	vld [tilespmem:s18+$0x670];
	_ =	sdelay $0x4  }
0x512: {  	v10 =	vadd.s32 v9, v10;
	_ =	sdelay $0x4  }
0x513: {  	[tilespmem:v10+s13+$0x0] =	vst.idx.add.f32.msk $0xffff, v2  }
0x514: {  	v10 =	vld [tilespmem:s18+$0x680];
	_ =	sdelay $0x4  }
0x515: {  	v10 =	vadd.s32 v0, v10;
	_ =	sdelay $0x4  }
0x516: {  	[tilespmem:v10+s13+$0x0] =	vst.idx.add.f32.msk $0xffff, v2  }
0x517: {  	v10 =	vld [tilespmem:s18+$0x690];
	_ =	sdelay $0x4  }
0x518: {  	v10 =	vadd.s32 v3, v10;
	_ =	sdelay $0x4  }
0x519: {  	[tilespmem:v10+s13+$0x0] =	vst.idx.add.f32.msk $0xffff, v2  }
0x51a: {  	v10 =	vld [tilespmem:s18+$0x6A0];
	_ =	sdelay $0x4  }
0x51b: {  	v10 =	vadd.s32 v4, v10;
	_ =	sdelay $0x4  }
0x51c: {  	[tilespmem:v10+s13+$0x0] =	vst.idx.add.f32.msk $0xffff, v2  }
0x51d: {  	v10 =	vld [tilespmem:s18+$0x6B0];
	_ =	sdelay $0x4  }
0x51e: {  	v10 =	vadd.s32 v5, v10;
	_ =	sdelay $0x4  }
0x51f: {  	[tilespmem:v10+s13+$0x0] =	vst.idx.add.f32.msk $0xffff, v2  }
0x520: {  	v10 =	vld [tilespmem:s18+$0x6C0];
	_ =	sdelay $0x4  }
0x521: {  	v10 =	vadd.s32 v6, v10;
	_ =	sdelay $0x4  }
0x522: {  	[tilespmem:v10+s13+$0x0] =	vst.idx.add.f32.msk $0xffff, v2  }
0x523: {  	v10 =	vld [tilespmem:s18+$0x6D0];
	_ =	sdelay $0x4  }
0x524: {  	v10 =	vadd.s32 v7, v10;
	_ =	sdelay $0x4  }
0x525: {  	[tilespmem:v10+s13+$0x0] =	vst.idx.add.f32.msk $0xffff, v2  }
0x526: {  	v10 =	vld [tilespmem:s18+$0x6E0];
	_ =	sdelay $0x4  }
0x527: {  	v10 =	vadd.s32 v8, v10;
	_ =	sdelay $0x4  }
0x528: {  	[tilespmem:v10+s13+$0x0] =	vst.idx.add.f32.msk $0xffff, v2  }
0x529: {  	v10 =	vld [tilespmem:s18+$0x6F0];
	_ =	sdelay $0x4  }
0x52a: {  	v10 =	vadd.s32 v9, v10;
	_ =	sdelay $0x4  }
0x52b: {  	[tilespmem:v10+s13+$0x0] =	vst.idx.add.f32.msk $0xffff, v2  }
0x52c: {  	v10 =	vld [tilespmem:s18+$0x700];
	_ =	sdelay $0x4  }
0x52d: {  	v10 =	vadd.s32 v0, v10;
	_ =	sdelay $0x4  }
0x52e: {  	[tilespmem:v10+s13+$0x0] =	vst.idx.add.f32.msk $0xffff, v2  }
0x52f: {  	v10 =	vld [tilespmem:s18+$0x710];
	_ =	sdelay $0x4  }
0x530: {  	v10 =	vadd.s32 v3, v10;
	_ =	sdelay $0x4  }
0x531: {  	[tilespmem:v10+s13+$0x0] =	vst.idx.add.f32.msk $0xffff, v2  }
0x532: {  	v10 =	vld [tilespmem:s18+$0x720];
	_ =	sdelay $0x4  }
0x533: {  	v10 =	vadd.s32 v4, v10;
	_ =	sdelay $0x4  }
0x534: {  	[tilespmem:v10+s13+$0x0] =	vst.idx.add.f32.msk $0xffff, v2  }
0x535: {  	v10 =	vld [tilespmem:s18+$0x730];
	_ =	sdelay $0x4  }
0x536: {  	v10 =	vadd.s32 v5, v10;
	_ =	sdelay $0x4  }
0x537: {  	[tilespmem:v10+s13+$0x0] =	vst.idx.add.f32.msk $0xffff, v2  }
0x538: {  	v10 =	vld [tilespmem:s18+$0x740];
	_ =	sdelay $0x4  }
0x539: {  	v10 =	vadd.s32 v6, v10;
	_ =	sdelay $0x4  }
0x53a: {  	[tilespmem:v10+s13+$0x0] =	vst.idx.add.f32.msk $0xffff, v2  }
0x53b: {  	v10 =	vld [tilespmem:s18+$0x750];
	_ =	sdelay $0x4  }
0x53c: {  	v10 =	vadd.s32 v7, v10;
	_ =	sdelay $0x4  }
0x53d: {  	[tilespmem:v10+s13+$0x0] =	vst.idx.add.f32.msk $0xffff, v2  }
0x53e: {  	v10 =	vld [tilespmem:s18+$0x760];
	_ =	sdelay $0x4  }
0x53f: {  	v10 =	vadd.s32 v8, v10;
	_ =	sdelay $0x4  }
0x540: {  	[tilespmem:v10+s13+$0x0] =	vst.idx.add.f32.msk $0xffff, v2  }
0x541: {  	v10 =	vld [tilespmem:s18+$0x770];
	_ =	sdelay $0x4  }
0x542: {  	v10 =	vadd.s32 v9, v10;
	_ =	sdelay $0x4  }
0x543: {  	[tilespmem:v10+s13+$0x0] =	vst.idx.add.f32.msk $0xffff, v2  }
0x544: {  	v10 =	vld [tilespmem:s18+$0x780];
	_ =	sdelay $0x4  }
0x545: {  	v10 =	vadd.s32 v0, v10;
	_ =	sdelay $0x4  }
0x546: {  	[tilespmem:v10+s13+$0x0] =	vst.idx.add.f32.msk $0xffff, v2  }
0x547: {  	v10 =	vld [tilespmem:s18+$0x790];
	_ =	sdelay $0x4  }
0x548: {  	v10 =	vadd.s32 v3, v10;
	_ =	sdelay $0x4  }
0x549: {  	[tilespmem:v10+s13+$0x0] =	vst.idx.add.f32.msk $0xffff, v2  }
0x54a: {  	v10 =	vld [tilespmem:s18+$0x7A0];
	_ =	sdelay $0x4  }
0x54b: {  	v10 =	vadd.s32 v4, v10;
	_ =	sdelay $0x4  }
0x54c: {  	[tilespmem:v10+s13+$0x0] =	vst.idx.add.f32.msk $0xffff, v2  }
0x54d: {  	v10 =	vld [tilespmem:s18+$0x7B0];
	_ =	sdelay $0x4  }
0x54e: {  	v10 =	vadd.s32 v5, v10;
	_ =	sdelay $0x4  }
0x54f: {  	[tilespmem:v10+s13+$0x0] =	vst.idx.add.f32.msk $0xffff, v2  }
0x550: {  	v10 =	vld [tilespmem:s18+$0x7C0];
	_ =	sdelay $0x4  }
0x551: {  	v10 =	vadd.s32 v6, v10;
	_ =	sdelay $0x4  }
0x552: {  	[tilespmem:v10+s13+$0x0] =	vst.idx.add.f32.msk $0xffff, v2  }
0x553: {  	v10 =	vld [tilespmem:s18+$0x7D0];
	_ =	sdelay $0x4  }
0x554: {  	v10 =	vadd.s32 v7, v10;
	_ =	sdelay $0x4  }
0x555: {  	[tilespmem:v10+s13+$0x0] =	vst.idx.add.f32.msk $0xffff, v2  }
0x556: {  	v10 =	vld [tilespmem:s18+$0x7E0];
	_ =	sdelay $0x4  }
0x557: {  	v10 =	vadd.s32 v8, v10;
	_ =	sdelay $0x4  }
0x558: {  	[tilespmem:v10+s13+$0x0] =	vst.idx.add.f32.msk $0xffff, v2  }
0x559: {  	v10 =	vld [tilespmem:s18+$0x7F0];
	_ =	sdelay $0x4  }
0x55a: {  	v10 =	vadd.s32 v9, v10;
	_ =	sdelay $0x4  }
0x55b: {  	[tilespmem:v10+s13+$0x0] =	vst.idx.add.f32.msk $0xffff, v2  }
0x55c: {  	v10 =	vld [tilespmem:s18+$0x800];
	_ =	sdelay $0x4  }
0x55d: {  	v10 =	vadd.s32 v0, v10;
	_ =	sdelay $0x4  }
0x55e: {  	[tilespmem:v10+s13+$0x0] =	vst.idx.add.f32.msk $0xffff, v2  }
0x55f: {  	v10 =	vld [tilespmem:s18+$0x810];
	_ =	sdelay $0x4  }
0x560: {  	v10 =	vadd.s32 v3, v10;
	_ =	sdelay $0x4  }
0x561: {  	[tilespmem:v10+s13+$0x0] =	vst.idx.add.f32.msk $0xffff, v2  }
0x562: {  	v10 =	vld [tilespmem:s18+$0x820];
	_ =	sdelay $0x4  }
0x563: {  	v10 =	vadd.s32 v4, v10;
	_ =	sdelay $0x4  }
0x564: {  	[tilespmem:v10+s13+$0x0] =	vst.idx.add.f32.msk $0xffff, v2  }
0x565: {  	v10 =	vld [tilespmem:s18+$0x830];
	_ =	sdelay $0x4  }
0x566: {  	v10 =	vadd.s32 v5, v10;
	_ =	sdelay $0x4  }
0x567: {  	[tilespmem:v10+s13+$0x0] =	vst.idx.add.f32.msk $0xffff, v2  }
0x568: {  	v10 =	vld [tilespmem:s18+$0x840];
	_ =	sdelay $0x4  }
0x569: {  	v10 =	vadd.s32 v6, v10;
	_ =	sdelay $0x4  }
0x56a: {  	[tilespmem:v10+s13+$0x0] =	vst.idx.add.f32.msk $0xffff, v2  }
0x56b: {  	v10 =	vld [tilespmem:s18+$0x850];
	_ =	sdelay $0x4  }
0x56c: {  	v10 =	vadd.s32 v7, v10;
	_ =	sdelay $0x4  }
0x56d: {  	[tilespmem:v10+s13+$0x0] =	vst.idx.add.f32.msk $0xffff, v2  }
0x56e: {  	v10 =	vld [tilespmem:s18+$0x860];
	_ =	sdelay $0x4  }
0x56f: {  	v10 =	vadd.s32 v8, v10;
	_ =	sdelay $0x4  }
0x570: {  	[tilespmem:v10+s13+$0x0] =	vst.idx.add.f32.msk $0xffff, v2  }
0x571: {  	v10 =	vld [tilespmem:s18+$0x870];
	_ =	sdelay $0x4  }
0x572: {  	p0 =	sne.s32 s17, $0x22000;
	v10 =	vadd.s32 v9, v10  }
.Ltmp4:
0x573: {  	_ = 	snop;
	(pc) =	sbr.rel @p0 .LBB2_10-.Ltmp4, $2  }
0x574: {  	_ =	sdelay $0x2  }
0x575: {  	s17 =	sadd.s32 $0x2200, s17;
	[tilespmem:v10+s13+$0x0] =	vst.idx.add.f32.msk $0xffff, v2  }
0x576: {  	s16 =	sadd.s32 $0x1, s16  }
0x577: {  	p0 =	sne.s32 s16, s8  }
.Ltmp5:
0x578: {  	_ = 	snop;
	(pc) =	sbr.rel @p0 .LBB2_1-.Ltmp5, $4  }
0x579: {  	[hbm4b:s7+s2] =	stream.linear.scatter [tilespmem:s13], [sflag:$0x3], $0x8000, $0x38;
	[tilespmem:$0x1A100] =	vst v63  }
0x57a: {  	_ =	swait.ge [sflag:s15], $0x8000  }
0x57b: {  	[sflag:s15] =	ssyncset.done $0x0  }
0x57c: {  	[sflag:s15] =	ssyncadd.s32 $0xFFFF8000  }
0x57d: {  	_ =	sfence.sel $0x180000  }
0x57e: {  	[bflag:$0x0] =	sbarrier.arrive $0xFFFF  }
0x57f: {  	p0 =	sne.s32 s1, $0x0;
	_ =	strace $0x90000047  }
0x580: {  	s0 =	sadd.s32 @!p0 $0x100000, s0;
	[bflag:$0x2] =	sbarrier.arrive $0xFFFF  }
0x581: {  	[sflag:s0] =	ssyncadd.tile.s32 @!p0 $0x1;
	_ =	shalt  }
.Lfunc_end2:
_tile_overlayer_lowered:
.L_overlay_start_2:
0x582: {  	(tag) =	ssettag $0x2  }
0x583: {  	s0 =	rddreg [dreg:$0x0];
	s2 =	stileid.u32  }
0x584: {  	s1 =	rddreg [dreg:$0x1];
	p0 =	sne.s32 s2, $0x0  }
0x585: {  	s3 =	rddreg [dreg:$0x2];
	[bflag:$0x3] =	sbarrier.arrive $0xFFFF;
	s2 =	simm.s32 @!p0 $0x1C04  }
0x586: {  	[timem:s3], [sflag:s2] =	dma.local @!p0 [hbm:s0], s1  }
0x587: {  	s0 =	simm.s32 @!p0 $0x4  }
0x588: {  	_ =	swait.ge @!p0 [sflag:s0], s1  }
0x589: {  	s1 =	ssub.s32 @!p0 $0x0, s1;
	[sflag:s0] =	ssyncset.done @!p0 $0x0  }
0x58a: {  	[sflag:s0] =	ssyncadd.s32 @!p0 s1  }
0x58b: {  	[bflag:$0x3] =	sbarrier.arrive $0xFFFF  }
0x58c: {  	_ =	shalt  }

</sc_bundles>
